<compile_context>
chip_gen: v7x
topology: tpu7x:2x2x1
jax: 0.10.2.dev20260603
libtpu: 0.0.44.dev20260713+nightly
codegen_flags: <defaults>
</compile_context>

<pallas_src>
import functools

import jax
import jax.numpy as jnp
from jax import lax
from jax.experimental import pallas as pl
from jax.experimental.pallas import tpu as pltpu
from jax.experimental.pallas import tpu_sc as plsc

N_NODES = 10000
N_EDGES = 320000
N_EMBEDDING = 128
N_DISTANCE = 100
N_HIDDEN = 128

NC = 2
NS = 16
NW = NC * NS

EDGE_BLK = 2560
CHUNK_BLKS = (32, 52, 41)
CHUNK_ROWS = (20, 34, 26)
NCH = len(CHUNK_BLKS)

N_ACC = 10240
DUMMY_ROW = N_ACC - 1

NODE_BLK = 2000


def _afh_body(a_ref, w_ref, b_ref, o_ref):
    o_ref[...] = (
        jnp.dot(a_ref[...], w_ref[...], preferred_element_type=jnp.float32)
        + b_ref[...]
    )


def _afh(atom_features, W_cf, b_cf2):
    return pl.pallas_call(
        _afh_body,
        grid=(N_NODES // NODE_BLK,),
        in_specs=[
            pl.BlockSpec((NODE_BLK, N_EMBEDDING), lambda i: (i, 0)),
            pl.BlockSpec((N_EMBEDDING, N_HIDDEN), lambda i: (0, 0)),
            pl.BlockSpec((1, N_HIDDEN), lambda i: (0, 0)),
        ],
        out_specs=pl.BlockSpec((NODE_BLK, N_HIDDEN), lambda i: (i, 0)),
        out_shape=jax.ShapeDtypeStruct((N_ACC, N_HIDDEN), jnp.float32),
    )(atom_features, W_cf, b_cf2)


NBUF = 2


@functools.cache
def _gather(rows):
    def body_fn(table_hbm, idx_hbm, out_hbm, idx_v,
                b0, b1, g0, g1, o0, o1, tab_sh):
        wid = lax.axis_index("s") * NC + lax.axis_index("c")
        s = lax.axis_index("s")
        e0 = wid * rows * 128
        bufs = (b0, b1)
        gsems = (g0, g1)
        osems = (o0, o1)

        tr = N_ACC // NS
        pltpu.sync_copy(table_hbm.at[pl.ds(s * tr, tr)],
                        tab_sh.at[pl.ds(s * tr, tr)])
        pltpu.sync_copy(idx_hbm.at[wid], idx_v)
        plsc.subcore_barrier()

        def g_copy(t, i):
            return pltpu.make_async_copy(tab_sh.at[idx_v.at[t]], bufs[i], gsems[i])

        def o_copy(t, i):
            return pltpu.make_async_copy(
                bufs[i], out_hbm.at[pl.ds(e0 + t * 128, 128)], osems[i])

        for i in range(NBUF):
            g_copy(i, i).start()
        g_copy(0, 0).wait()
        o_copy(0, 0).start()

        def body(k, carry):
            for i in range(NBUF):
                t = k * NBUF + i
                j = (i + 1) % NBUF
                o_copy(t - NBUF, i).wait()
                g_copy(t, i).start()
                g_copy(t - (NBUF - 1), j).wait()
                o_copy(t - (NBUF - 1), j).start()
            return carry

        lax.fori_loop(1, rows // NBUF, body, 0)

        for t in range(rows - (NBUF - 1), rows):
            i = t % NBUF
            g_copy(t, i).wait()
            o_copy(t, i).start()
        for t in range(rows - NBUF, rows):
            o_copy(t, t % NBUF).wait()

    return functools.partial(
        pl.kernel,
        mesh=plsc.VectorSubcoreMesh(
            core_axis_name="c", subcore_axis_name="s",
            num_cores=NC, num_subcores=NS),
        out_type=jax.ShapeDtypeStruct((NW * rows * 128, N_HIDDEN), jnp.float32),
        scratch_types=(
            [pltpu.VMEM((rows, 128), jnp.int32)]
            + [pltpu.VMEM((128, N_HIDDEN), jnp.float32)] * NBUF
            + [pltpu.SemaphoreType.DMA] * (2 * NBUF)
            + [pltpu.VMEM_SHARED((N_ACC, N_HIDDEN), jnp.float32)]
        ),
    )(body_fn)


def _msg_body(dt_ref, g_ref, wdf_ref, bdf_ref, wfc_ref, o_ref):
    dh = (
        lax.dot_general(dt_ref[...], wdf_ref[...],
                        dimension_numbers=(((0,), (0,)), ((), ())),
                        preferred_element_type=jnp.float32)
        + bdf_ref[...]
    )
    o_ref[...] = jnp.tanh(
        jnp.dot(dh * g_ref[...], wfc_ref[...],
                preferred_element_type=jnp.float32)
    )


def _msg(dist_t, g, W_df, b_df2, W_fc, ch):
    blk0 = sum(CHUNK_BLKS[:ch])
    pad_c = NW * CHUNK_ROWS[ch] * 128
    return pl.pallas_call(
        _msg_body,
        grid=(CHUNK_BLKS[ch],),
        in_specs=[
            pl.BlockSpec((N_DISTANCE, EDGE_BLK), lambda i, blk0=blk0: (0, i + blk0)),
            pl.BlockSpec((EDGE_BLK, N_HIDDEN), lambda i: (i, 0)),
            pl.BlockSpec((N_DISTANCE, N_HIDDEN), lambda i: (0, 0)),
            pl.BlockSpec((1, N_HIDDEN), lambda i: (0, 0)),
            pl.BlockSpec((N_HIDDEN, N_EMBEDDING), lambda i: (0, 0)),
        ],
        out_specs=pl.BlockSpec((EDGE_BLK, N_EMBEDDING), lambda i: (i, 0)),
        out_shape=jax.ShapeDtypeStruct((pad_c, N_EMBEDDING), jnp.float32),
    )(dist_t, g, W_df, b_df2, W_fc)


NBUF_S = 2


@functools.cache
def _scatter(rows):
    def body_fn(msg_hbm, idx_hbm, p0_hbm, p1_hbm, idx_v,
                b0, b1, g0, g1, o0, o1, acc_sh):
        c = lax.axis_index("c")
        s = lax.axis_index("s")
        wid = s * NC + c
        e0 = wid * rows * 128
        bufs = (b0, b1)
        csems = (g0, g1)
        ssems = (o0, o1)

        def zbody(r, carry):
            for l in range(N_HIDDEN // 16):
                b0[r, pl.ds(l * 16, 16)] = jnp.zeros((16,), jnp.float32)
            return carry

        lax.fori_loop(0, 128, zbody, 0)
        for k in range(N_ACC // NS // 128):
            pltpu.sync_copy(b0, acc_sh.at[pl.ds(s * (N_ACC // NS) + k * 128, 128)])
        plsc.subcore_barrier()

        pltpu.sync_copy(idx_hbm.at[wid], idx_v)

        def c_copy(t, i):
            return pltpu.make_async_copy(
                msg_hbm.at[pl.ds(e0 + t * 128, 128)], bufs[i], csems[i])

        def s_copy(t, i):
            return pltpu.make_async_copy(bufs[i], acc_sh.at[idx_v.at[t]], ssems[i])

        for i in range(NBUF_S):
            c_copy(i, i).start()
        c_copy(0, 0).wait()
        s_copy(0, 0).start(add=True)

        def body(k, carry):
            for i in range(NBUF_S):
                t = k * NBUF_S + i
                j = (i + 1) % NBUF_S
                s_copy(t - NBUF_S, i).wait()
                c_copy(t, i).start()
                c_copy(t - (NBUF_S - 1), j).wait()
                s_copy(t - (NBUF_S - 1), j).start(add=True)
            return carry

        lax.fori_loop(1, rows // NBUF_S, body, 0)

        for t in range(rows - (NBUF_S - 1), rows):
            i = t % NBUF_S
            c_copy(t, i).wait()
            s_copy(t, i).start(add=True)
        for t in range(rows - NBUF_S, rows):
            s_copy(t, t % NBUF_S).wait()
        plsc.subcore_barrier()

        orows = N_ACC // NS
        r0 = s * orows

        @pl.when(c == 0)
        def _():
            pltpu.sync_copy(acc_sh.at[pl.ds(r0, orows)], p0_hbm.at[pl.ds(r0, orows)])

        @pl.when(c == 1)
        def _():
            pltpu.sync_copy(acc_sh.at[pl.ds(r0, orows)], p1_hbm.at[pl.ds(r0, orows)])

    return functools.partial(
        pl.kernel,
        mesh=plsc.VectorSubcoreMesh(
            core_axis_name="c", subcore_axis_name="s",
            num_cores=NC, num_subcores=NS),
        out_type=(
            jax.ShapeDtypeStruct((N_ACC, N_EMBEDDING), jnp.float32),
            jax.ShapeDtypeStruct((N_ACC, N_EMBEDDING), jnp.float32),
        ),
        scratch_types=(
            [pltpu.VMEM((rows, 128), jnp.int32)]
            + [pltpu.VMEM((128, N_EMBEDDING), jnp.float32)] * NBUF_S
            + [pltpu.SemaphoreType.DMA] * (2 * NBUF_S)
            + [pltpu.VMEM_SHARED((N_ACC, N_EMBEDDING), jnp.float32)]
        ),
    )(body_fn)


def _final_body(*refs):
    parts = refs[: 2 * NCH]
    a_ref, afh_ref, bdf_ref, wfc_ref, o_ref = refs[2 * NCH:]
    oii = jnp.tanh(
        jnp.dot(
            bdf_ref[...] * afh_ref[...],
            wfc_ref[...],
            preferred_element_type=jnp.float32,
        )
    )
    acc = a_ref[...] - oii
    for p in parts:
        acc = acc + p[...]
    o_ref[...] = acc


def _final(parts, atom_features, afh, b_df2, W_fc):
    blk = pl.BlockSpec((NODE_BLK, N_EMBEDDING), lambda i: (i, 0))
    return pl.pallas_call(
        _final_body,
        grid=(N_NODES // NODE_BLK,),
        in_specs=(
            [blk] * (2 * NCH)
            + [
                blk,
                pl.BlockSpec((NODE_BLK, N_HIDDEN), lambda i: (i, 0)),
                pl.BlockSpec((1, N_HIDDEN), lambda i: (0, 0)),
                pl.BlockSpec((N_HIDDEN, N_EMBEDDING), lambda i: (0, 0)),
            ]
        ),
        out_specs=pl.BlockSpec((NODE_BLK, N_EMBEDDING), lambda i: (i, 0)),
        out_shape=jax.ShapeDtypeStruct((N_NODES, N_EMBEDDING), jnp.float32),
    )(*parts, atom_features, afh, b_df2, W_fc)


def kernel(atom_features, distance, distance_membership_i, distance_membership_j,
           W_cf, W_df, W_fc, b_cf, b_df):
    mi = distance_membership_i.astype(jnp.int32)
    mj = distance_membership_j.astype(jnp.int32)
    mj_pad, mi_pad = [], []
    off = 0
    for ch in range(NCH):
        real = CHUNK_BLKS[ch] * EDGE_BLK
        rows = CHUNK_ROWS[ch]
        pad_c = NW * rows * 128
        mj_pad.append(jnp.concatenate(
            [mj[off:off + real], jnp.zeros((pad_c - real,), jnp.int32)]
        ).reshape(NW, rows, 128))
        mi_pad.append(jnp.concatenate(
            [mi[off:off + real], jnp.full((pad_c - real,), DUMMY_ROW, jnp.int32)]
        ).reshape(NW, rows, 128))
        off += real
    b_cf2 = b_cf.reshape(1, N_HIDDEN)
    b_df2 = b_df.reshape(1, N_HIDDEN)
    dist_t = distance.T

    afh = _afh(atom_features, W_cf, b_cf2)
    parts = []
    for ch in range(NCH):
        rows = CHUNK_ROWS[ch]
        g = _gather(rows)(afh, mj_pad[ch])
        msg = _msg(dist_t, g, W_df, b_df2, W_fc, ch)
        p0, p1 = _scatter(rows)(msg, mi_pad[ch])
        parts += [p0, p1]
    return _final(parts, atom_features, afh, b_df2, W_fc)

# --- scband reference (transcript-rebuilt; emitter-appended) ---
"""Pipeline reference for scband-dtnnstep-37280316129532 (READ-ONLY COPY).

The authoritative reference and input builder live on the scoring server;
editing this copy changes nothing except your own understanding.
"""

import jax, jax.numpy as jnp
import numpy as np

N_NODES = 10000
N_EDGES = 320000
N_EMBEDDING = 128
N_DISTANCE = 100
N_HIDDEN = 128


def setup_inputs(seed: int = 0) -> dict:
    key = jax.random.key(seed)
    ks = jax.random.split(key, 10)
    atom_features = jax.random.normal(ks[0], (N_NODES, N_EMBEDDING), dtype=jnp.float32)
    distance = jax.random.uniform(ks[1], (N_EDGES, N_DISTANCE), dtype=jnp.float32)
    distance_membership_i = jnp.sort(jax.random.randint(ks[2], (N_EDGES,), 0, N_NODES, dtype=jnp.int64))
    distance_membership_j = jax.random.randint(ks[3], (N_EDGES,), 0, N_NODES, dtype=jnp.int64)
    # learned parameters (glorot-style scale approximated with small randn)
    W_cf = jax.random.normal(ks[4], (N_EMBEDDING, N_HIDDEN), dtype=jnp.float32) * 0.05
    W_df = jax.random.normal(ks[5], (N_DISTANCE, N_HIDDEN), dtype=jnp.float32) * 0.05
    W_fc = jax.random.normal(ks[6], (N_HIDDEN, N_EMBEDDING), dtype=jnp.float32) * 0.05
    b_cf = jax.random.normal(ks[7], (N_HIDDEN,), dtype=jnp.float32) * 0.05
    b_df = jax.random.normal(ks[8], (N_HIDDEN,), dtype=jnp.float32) * 0.05
    return {
        "atom_features": atom_features,
        "distance": distance,
        "distance_membership_i": distance_membership_i,
        "distance_membership_j": distance_membership_j,
        "W_cf": W_cf,
        "W_df": W_df,
        "W_fc": W_fc,
        "b_cf": b_cf,
        "b_df": b_df,
    }


def reference(atom_features, distance, distance_membership_i, distance_membership_j,
              W_cf, W_df, W_fc, b_cf, b_df):
    # distance_hidden = distance @ W_df + b_df    -> [E, n_hidden]
    distance_hidden = jnp.matmul(distance, W_df) + b_df
    # atom_features_hidden = atom_features @ W_cf + b_cf  -> [N, n_hidden]
    atom_features_hidden = jnp.matmul(atom_features, W_cf) + b_cf
    # gather per-edge source-atom hidden features and modulate by distance filter
    gathered = jnp.take(atom_features_hidden, distance_membership_j, axis=0)  # [E, n_hidden]
    outputs = distance_hidden * gathered
    outputs = jnp.tanh(jnp.matmul(outputs, W_fc))  # [E, n_embedding]
    # self-interaction correction term
    output_ii = b_df * atom_features_hidden  # [N, n_hidden]
    output_ii = jnp.tanh(jnp.matmul(output_ii, W_fc))  # [N, n_embedding]
    # segment-sum edge messages back to nodes (membership_i is sorted)
    agg = jax.ops.segment_sum(outputs, distance_membership_i, num_segments=atom_features.shape[0])
    return agg - output_ii + atom_features

if __name__ == "__main__":
    import jax
    _d = setup_inputs()
    print(jax.jit(kernel)(*tuple(_d.values())))

</pallas_src>

<mosaic_0001>
#map = affine_map<(d0, d1) -> (0, 0)>
#map1 = affine_map<(d0, d1) -> (0, 0, 0)>
module attributes {stable_mosaic.version = 14 : i64} {
  func.func @body_fn(%arg0: i32, %arg1: i32, %arg2: memref<10240x128xf32, #tpu.memory_space<hbm>>, %arg3: memref<32x20x128xi32, #tpu.memory_space<hbm>>, %arg4: memref<81920x128xf32, #tpu.memory_space<hbm>>, %arg5: memref<20x128xi32, #tpu.memory_space<vmem>>, %arg6: memref<128x128xf32, #tpu.memory_space<vmem>>, %arg7: memref<128x128xf32, #tpu.memory_space<vmem>>, %arg8: memref<!tpu.dma_semaphore, #tpu.memory_space<semaphore_mem>>, %arg9: memref<!tpu.dma_semaphore, #tpu.memory_space<semaphore_mem>>, %arg10: memref<!tpu.dma_semaphore, #tpu.memory_space<semaphore_mem>>, %arg11: memref<!tpu.dma_semaphore, #tpu.memory_space<semaphore_mem>>, %arg12: memref<10240x128xf32, #tpu.memory_space<vmem_shared>>) attributes {dimension_semantics = [#tpu.dimension_semantics<core_parallel>, #tpu.dimension_semantics<subcore_parallel>], iteration_bounds = array<i64: 2, 16>, scalar_prefetch = 0 : i64, scratch_operands = 8 : i64, tpu.core_type = #tpu.core_type<sc_vector_subcore>, window_params = [{transform_indices = #map}, {transform_indices = #map1}, {transform_indices = #map}]} {
    %mul3A = arith.constant 2 : i32
    %mul3A_0 = arith.muli %arg1, %mul3A : i32
    %add3A = arith.addi %mul3A_0, %arg0 : i32
    %mul3A_1 = arith.constant 20 : i32
    %mul3A_2 = arith.muli %add3A, %mul3A_1 : i32
    %mul3A_3 = arith.constant 128 : i32
    %mul3A_4 = arith.muli %mul3A_2, %mul3A_3 : i32
    %mul3A_5 = arith.constant 640 : i32
    %mul3A_6 = arith.muli %arg1, %mul3A_5 : i32
    %mul3A_7 = arith.constant 640 : i32
    %mul3A_8 = arith.muli %arg1, %mul3A_7 : i32
    "tpu.region"() ({
      %run_scoped3A = tpu.sem_alloc : memref<!tpu.dma_semaphore, #tpu.memory_space<semaphore_mem>>
      %dma_start3A_64 = arith.constant 0 : i32
      %dma_start3A_65 = tpu.memref_slice %arg12[%mul3A_8, %dma_start3A_64] : memref<10240x128xf32, #tpu.memory_space<vmem_shared>> -> memref<640x128xf32, #tpu.memory_space<vmem_shared>>
      %dma_start3A_66 = arith.constant 0 : i32
      %dma_start3A_67 = tpu.memref_slice %arg2[%mul3A_6, %dma_start3A_66] : memref<10240x128xf32, #tpu.memory_space<hbm>> -> memref<640x128xf32, #tpu.memory_space<hbm>>
      tpu.enqueue_dma source(%dma_start3A_67 : memref<640x128xf32, #tpu.memory_space<hbm>>) target(%dma_start3A_65 : memref<640x128xf32, #tpu.memory_space<vmem_shared>>) target_semaphore(%run_scoped3A : memref<!tpu.dma_semaphore, #tpu.memory_space<semaphore_mem>>)
      %dma_wait3A_68 = arith.constant 0 : i32
      %dma_wait3A_69 = tpu.memref_slice %arg12[%mul3A_8, %dma_wait3A_68] : memref<10240x128xf32, #tpu.memory_space<vmem_shared>> -> memref<640x128xf32, #tpu.memory_space<vmem_shared>>
      %dma_wait3A_70 = arith.constant 0 : i32
      %dma_wait3A_71 = tpu.memref_slice %arg2[%mul3A_6, %dma_wait3A_70] : memref<10240x128xf32, #tpu.memory_space<hbm>> -> memref<640x128xf32, #tpu.memory_space<hbm>>
      tpu.wait_dma2 semaphore(%run_scoped3A : memref<!tpu.dma_semaphore, #tpu.memory_space<semaphore_mem>>) src(%dma_wait3A_71 : memref<640x128xf32, #tpu.memory_space<hbm>>) dst(%dma_wait3A_69 : memref<640x128xf32, #tpu.memory_space<vmem_shared>>)
      tpu.yield
    }) : () -> ()
    "tpu.region"() ({
      %run_scoped3A = tpu.sem_alloc : memref<!tpu.dma_semaphore, #tpu.memory_space<semaphore_mem>>
      %dma_start3A_64 = arith.constant 0 : i32
      %dma_start3A_65 = arith.constant 0 : i32
      %dma_start3A_66 = tpu.memref_slice %arg3[%add3A, %dma_start3A_64, %dma_start3A_65] : memref<32x20x128xi32, #tpu.memory_space<hbm>> -> memref<1x20x128xi32, #tpu.memory_space<hbm>>
      %dma_start3A_67 = tpu.memref_squeeze %dma_start3A_66 : memref<1x20x128xi32, #tpu.memory_space<hbm>> -> memref<20x128xi32, #tpu.memory_space<hbm>>
      %dma_start3A_68 = arith.constant 0 : i32
      %dma_start3A_69 = arith.constant 0 : i32
      %dma_start3A_70 = tpu.memref_slice %arg3[%add3A, %dma_start3A_68, %dma_start3A_69] : memref<32x20x128xi32, #tpu.memory_space<hbm>> -> memref<1x20x128xi32, #tpu.memory_space<hbm>>
      %dma_start3A_71 = tpu.memref_squeeze %dma_start3A_70 : memref<1x20x128xi32, #tpu.memory_space<hbm>> -> memref<20x128xi32, #tpu.memory_space<hbm>>
      tpu.enqueue_dma source(%dma_start3A_71 : memref<20x128xi32, #tpu.memory_space<hbm>>) target(%arg5 : memref<20x128xi32, #tpu.memory_space<vmem>>) target_semaphore(%run_scoped3A : memref<!tpu.dma_semaphore, #tpu.memory_space<semaphore_mem>>)
      %dma_wait3A_72 = arith.constant 0 : i32
      %dma_wait3A_73 = arith.constant 0 : i32
      %dma_wait3A_74 = tpu.memref_slice %arg3[%add3A, %dma_wait3A_72, %dma_wait3A_73] : memref<32x20x128xi32, #tpu.memory_space<hbm>> -> memref<1x20x128xi32, #tpu.memory_space<hbm>>
      %dma_wait3A_75 = tpu.memref_squeeze %dma_wait3A_74 : memref<1x20x128xi32, #tpu.memory_space<hbm>> -> memref<20x128xi32, #tpu.memory_space<hbm>>
      %dma_wait3A_76 = arith.constant 0 : i32
      %dma_wait3A_77 = arith.constant 0 : i32
      %dma_wait3A_78 = tpu.memref_slice %arg3[%add3A, %dma_wait3A_76, %dma_wait3A_77] : memref<32x20x128xi32, #tpu.memory_space<hbm>> -> memref<1x20x128xi32, #tpu.memory_space<hbm>>
      %dma_wait3A_79 = tpu.memref_squeeze %dma_wait3A_78 : memref<1x20x128xi32, #tpu.memory_space<hbm>> -> memref<20x128xi32, #tpu.memory_space<hbm>>
      tpu.wait_dma2 semaphore(%run_scoped3A : memref<!tpu.dma_semaphore, #tpu.memory_space<semaphore_mem>>) src(%dma_wait3A_79 : memref<20x128xi32, #tpu.memory_space<hbm>>) dst(%arg5 : memref<20x128xi32, #tpu.memory_space<vmem>>)
      tpu.yield
    }) : () -> ()
    %barrier3A = arith.constant 0 : index
    tpu.barrier barrier_id(%barrier3A)
    %dma_start3A = arith.constant 0 : i32
    %dma_start3A_9 = arith.constant 0 : i32
    %dma_start3A_10 = tpu.memref_slice %arg5[%dma_start3A, %dma_start3A_9] : memref<20x128xi32, #tpu.memory_space<vmem>> -> memref<1x128xi32, #tpu.memory_space<vmem>>
    %dma_start3A_11 = tpu.memref_squeeze %dma_start3A_10 : memref<1x128xi32, #tpu.memory_space<vmem>> -> memref<128xi32, #tpu.memory_space<vmem>>
    %dma_start3A_12 = arith.constant 0 : i32
    %dma_start3A_13 = arith.constant 0 : i32
    %dma_start3A_14 = tpu.memref_slice %arg12[%dma_start3A_12, %dma_start3A_13] : memref<10240x128xf32, #tpu.memory_space<vmem_shared>> -> memref<10240x128xf32, #tpu.memory_space<vmem_shared>>
    tpu.enqueue_indirect_dma source(%dma_start3A_14 : memref<10240x128xf32, #tpu.memory_space<vmem_shared>>) target(%arg6 : memref<128x128xf32, #tpu.memory_space<vmem>>) offsets(%dma_start3A_11 : memref<128xi32, #tpu.memory_space<vmem>>) semaphore(%arg8 : memref<!tpu.dma_semaphore, #tpu.memory_space<semaphore_mem>>)
    %dma_start3A_15 = arith.constant 1 : i32
    %dma_start3A_16 = arith.constant 0 : i32
    %dma_start3A_17 = tpu.memref_slice %arg5[%dma_start3A_15, %dma_start3A_16] : memref<20x128xi32, #tpu.memory_space<vmem>> -> memref<1x128xi32, #tpu.memory_space<vmem>>
    %dma_start3A_18 = tpu.memref_squeeze %dma_start3A_17 : memref<1x128xi32, #tpu.memory_space<vmem>> -> memref<128xi32, #tpu.memory_space<vmem>>
    %dma_start3A_19 = arith.constant 0 : i32
    %dma_start3A_20 = arith.constant 0 : i32
    %dma_start3A_21 = tpu.memref_slice %arg12[%dma_start3A_19, %dma_start3A_20] : memref<10240x128xf32, #tpu.memory_space<vmem_shared>> -> memref<10240x128xf32, #tpu.memory_space<vmem_shared>>
    tpu.enqueue_indirect_dma source(%dma_start3A_21 : memref<10240x128xf32, #tpu.memory_space<vmem_shared>>) target(%arg7 : memref<128x128xf32, #tpu.memory_space<vmem>>) offsets(%dma_start3A_18 : memref<128xi32, #tpu.memory_space<vmem>>) semaphore(%arg9 : memref<!tpu.dma_semaphore, #tpu.memory_space<semaphore_mem>>)
    %dma_wait3A = arith.constant 0 : i32
    %dma_wait3A_22 = arith.constant 0 : i32
    %dma_wait3A_23 = tpu.memref_slice %arg5[%dma_wait3A, %dma_wait3A_22] : memref<20x128xi32, #tpu.memory_space<vmem>> -> memref<1x128xi32, #tpu.memory_space<vmem>>
    %dma_wait3A_24 = tpu.memref_squeeze %dma_wait3A_23 : memref<1x128xi32, #tpu.memory_space<vmem>> -> memref<128xi32, #tpu.memory_space<vmem>>
    %dma_wait3A_25 = arith.constant 0 : i32
    %dma_wait3A_26 = arith.constant 0 : i32
    %dma_wait3A_27 = tpu.memref_slice %arg12[%dma_wait3A_25, %dma_wait3A_26] : memref<10240x128xf32, #tpu.memory_space<vmem_shared>> -> memref<10240x128xf32, #tpu.memory_space<vmem_shared>>
    tpu.wait_indirect_dma semaphore(%arg8 : memref<!tpu.dma_semaphore, #tpu.memory_space<semaphore_mem>>) src(%dma_wait3A_27 : memref<10240x128xf32, #tpu.memory_space<vmem_shared>>) dst(%arg6 : memref<128x128xf32, #tpu.memory_space<vmem>>)
    %add3A_28 = arith.constant 0 : i32
    %add3A_29 = arith.addi %mul3A_4, %add3A_28 : i32
    %dma_start3A_30 = arith.constant 0 : i32
    %dma_start3A_31 = tpu.memref_slice %arg4[%add3A_29, %dma_start3A_30] : memref<81920x128xf32, #tpu.memory_space<hbm>> -> memref<128x128xf32, #tpu.memory_space<hbm>>
    %dma_start3A_32 = arith.constant 0 : i32
    %dma_start3A_33 = tpu.memref_slice %arg4[%add3A_29, %dma_start3A_32] : memref<81920x128xf32, #tpu.memory_space<hbm>> -> memref<128x128xf32, #tpu.memory_space<hbm>>
    tpu.enqueue_dma source(%arg6 : memref<128x128xf32, #tpu.memory_space<vmem>>) target(%dma_start3A_33 : memref<128x128xf32, #tpu.memory_space<hbm>>) target_semaphore(%arg10 : memref<!tpu.dma_semaphore, #tpu.memory_space<semaphore_mem>>)
    %scan3A = arith.constant 0 : i32
    %scan3A_34 = arith.constant 1 : i32
    %scan3A_35 = arith.constant 9 : i32
    %scan3A_36 = arith.addi %scan3A_34, %scan3A_35 : i32
    %scan3A_37 = arith.constant 1 : i32
    scf.for %scan3A_64 = %scan3A_34 to %scan3A_36 step %scan3A_37  : i32 {
      %mul3A_65 = arith.constant 2 : i32
      %mul3A_66 = arith.muli %scan3A_64, %mul3A_65 : i32
      %add3A_67 = arith.constant 0 : i32
      %add3A_68 = arith.addi %mul3A_66, %add3A_67 : i32
      %sub3A = arith.constant 2 : i32
      %sub3A_69 = arith.subi %add3A_68, %sub3A : i32
      %mul3A_70 = arith.constant 128 : i32
      %mul3A_71 = arith.muli %sub3A_69, %mul3A_70 : i32
      %add3A_72 = arith.addi %mul3A_4, %mul3A_71 : i32
      %dma_wait3A_73 = arith.constant 0 : i32
      %dma_wait3A_74 = tpu.memref_slice %arg4[%add3A_72, %dma_wait3A_73] : memref<81920x128xf32, #tpu.memory_space<hbm>> -> memref<128x128xf32, #tpu.memory_space<hbm>>
      %dma_wait3A_75 = arith.constant 0 : i32
      %dma_wait3A_76 = tpu.memref_slice %arg4[%add3A_72, %dma_wait3A_75] : memref<81920x128xf32, #tpu.memory_space<hbm>> -> memref<128x128xf32, #tpu.memory_space<hbm>>
      tpu.wait_dma2 semaphore(%arg10 : memref<!tpu.dma_semaphore, #tpu.memory_space<semaphore_mem>>) src(%arg6 : memref<128x128xf32, #tpu.memory_space<vmem>>) dst(%dma_wait3A_76 : memref<128x128xf32, #tpu.memory_space<hbm>>)
      %dma_start3A_77 = arith.constant 0 : i32
      %dma_start3A_78 = tpu.memref_slice %arg5[%add3A_68, %dma_start3A_77] : memref<20x128xi32, #tpu.memory_space<vmem>> -> memref<1x128xi32, #tpu.memory_space<vmem>>
      %dma_start3A_79 = tpu.memref_squeeze %dma_start3A_78 : memref<1x128xi32, #tpu.memory_space<vmem>> -> memref<128xi32, #tpu.memory_space<vmem>>
      %dma_start3A_80 = arith.constant 0 : i32
      %dma_start3A_81 = arith.constant 0 : i32
      %dma_start3A_82 = tpu.memref_slice %arg12[%dma_start3A_80, %dma_start3A_81] : memref<10240x128xf32, #tpu.memory_space<vmem_shared>> -> memref<10240x128xf32, #tpu.memory_space<vmem_shared>>
      tpu.enqueue_indirect_dma source(%dma_start3A_82 : memref<10240x128xf32, #tpu.memory_space<vmem_shared>>) target(%arg6 : memref<128x128xf32, #tpu.memory_space<vmem>>) offsets(%dma_start3A_79 : memref<128xi32, #tpu.memory_space<vmem>>) semaphore(%arg8 : memref<!tpu.dma_semaphore, #tpu.memory_space<semaphore_mem>>)
      %sub3A_83 = arith.constant 1 : i32
      %sub3A_84 = arith.subi %add3A_68, %sub3A_83 : i32
      %dma_wait3A_85 = arith.constant 0 : i32
      %dma_wait3A_86 = tpu.memref_slice %arg5[%sub3A_84, %dma_wait3A_85] : memref<20x128xi32, #tpu.memory_space<vmem>> -> memref<1x128xi32, #tpu.memory_space<vmem>>
      %dma_wait3A_87 = tpu.memref_squeeze %dma_wait3A_86 : memref<1x128xi32, #tpu.memory_space<vmem>> -> memref<128xi32, #tpu.memory_space<vmem>>
      %dma_wait3A_88 = arith.constant 0 : i32
      %dma_wait3A_89 = arith.constant 0 : i32
      %dma_wait3A_90 = tpu.memref_slice %arg12[%dma_wait3A_88, %dma_wait3A_89] : memref<10240x128xf32, #tpu.memory_space<vmem_shared>> -> memref<10240x128xf32, #tpu.memory_space<vmem_shared>>
      tpu.wait_indirect_dma semaphore(%arg9 : memref<!tpu.dma_semaphore, #tpu.memory_space<semaphore_mem>>) src(%dma_wait3A_90 : memref<10240x128xf32, #tpu.memory_space<vmem_shared>>) dst(%arg7 : memref<128x128xf32, #tpu.memory_space<vmem>>)
      %sub3A_91 = arith.constant 1 : i32
      %sub3A_92 = arith.subi %add3A_68, %sub3A_91 : i32
      %mul3A_93 = arith.constant 128 : i32
      %mul3A_94 = arith.muli %sub3A_92, %mul3A_93 : i32
      %add3A_95 = arith.addi %mul3A_4, %mul3A_94 : i32
      %dma_start3A_96 = arith.constant 0 : i32
      %dma_start3A_97 = tpu.memref_slice %arg4[%add3A_95, %dma_start3A_96] : memref<81920x128xf32, #tpu.memory_space<hbm>> -> memref<128x128xf32, #tpu.memory_space<hbm>>
      %dma_start3A_98 = arith.constant 0 : i32
      %dma_start3A_99 = tpu.memref_slice %arg4[%add3A_95, %dma_start3A_98] : memref<81920x128xf32, #tpu.memory_space<hbm>> -> memref<128x128xf32, #tpu.memory_space<hbm>>
      tpu.enqueue_dma source(%arg7 : memref<128x128xf32, #tpu.memory_space<vmem>>) target(%dma_start3A_99 : memref<128x128xf32, #tpu.memory_space<hbm>>) target_semaphore(%arg11 : memref<!tpu.dma_semaphore, #tpu.memory_space<semaphore_mem>>)
      %mul3A_100 = arith.constant 2 : i32
      %mul3A_101 = arith.muli %scan3A_64, %mul3A_100 : i32
      %add3A_102 = arith.constant 1 : i32
      %add3A_103 = arith.addi %mul3A_101, %add3A_102 : i32
      %sub3A_104 = arith.constant 2 : i32
      %sub3A_105 = arith.subi %add3A_103, %sub3A_104 : i32
      %mul3A_106 = arith.constant 128 : i32
      %mul3A_107 = arith.muli %sub3A_105, %mul3A_106 : i32
      %add3A_108 = arith.addi %mul3A_4, %mul3A_107 : i32
      %dma_wait3A_109 = arith.constant 0 : i32
      %dma_wait3A_110 = tpu.memref_slice %arg4[%add3A_108, %dma_wait3A_109] : memref<81920x128xf32, #tpu.memory_space<hbm>> -> memref<128x128xf32, #tpu.memory_space<hbm>>
      %dma_wait3A_111 = arith.constant 0 : i32
      %dma_wait3A_112 = tpu.memref_slice %arg4[%add3A_108, %dma_wait3A_111] : memref<81920x128xf32, #tpu.memory_space<hbm>> -> memref<128x128xf32, #tpu.memory_space<hbm>>
      tpu.wait_dma2 semaphore(%arg11 : memref<!tpu.dma_semaphore, #tpu.memory_space<semaphore_mem>>) src(%arg7 : memref<128x128xf32, #tpu.memory_space<vmem>>) dst(%dma_wait3A_112 : memref<128x128xf32, #tpu.memory_space<hbm>>)
      %dma_start3A_113 = arith.constant 0 : i32
      %dma_start3A_114 = tpu.memref_slice %arg5[%add3A_103, %dma_start3A_113] : memref<20x128xi32, #tpu.memory_space<vmem>> -> memref<1x128xi32, #tpu.memory_space<vmem>>
      %dma_start3A_115 = tpu.memref_squeeze %dma_start3A_114 : memref<1x128xi32, #tpu.memory_space<vmem>> -> memref<128xi32, #tpu.memory_space<vmem>>
      %dma_start3A_116 = arith.constant 0 : i32
      %dma_start3A_117 = arith.constant 0 : i32
      %dma_start3A_118 = tpu.memref_slice %arg12[%dma_start3A_116, %dma_start3A_117] : memref<10240x128xf32, #tpu.memory_space<vmem_shared>> -> memref<10240x128xf32, #tpu.memory_space<vmem_shared>>
      tpu.enqueue_indirect_dma source(%dma_start3A_118 : memref<10240x128xf32, #tpu.memory_space<vmem_shared>>) target(%arg7 : memref<128x128xf32, #tpu.memory_space<vmem>>) offsets(%dma_start3A_115 : memref<128xi32, #tpu.memory_space<vmem>>) semaphore(%arg9 : memref<!tpu.dma_semaphore, #tpu.memory_space<semaphore_mem>>)
      %sub3A_119 = arith.constant 1 : i32
      %sub3A_120 = arith.subi %add3A_103, %sub3A_119 : i32
      %dma_wait3A_121 = arith.constant 0 : i32
      %dma_wait3A_122 = tpu.memref_slice %arg5[%sub3A_120, %dma_wait3A_121] : memref<20x128xi32, #tpu.memory_space<vmem>> -> memref<1x128xi32, #tpu.memory_space<vmem>>
      %dma_wait3A_123 = tpu.memref_squeeze %dma_wait3A_122 : memref<1x128xi32, #tpu.memory_space<vmem>> -> memref<128xi32, #tpu.memory_space<vmem>>
      %dma_wait3A_124 = arith.constant 0 : i32
      %dma_wait3A_125 = arith.constant 0 : i32
      %dma_wait3A_126 = tpu.memref_slice %arg12[%dma_wait3A_124, %dma_wait3A_125] : memref<10240x128xf32, #tpu.memory_space<vmem_shared>> -> memref<10240x128xf32, #tpu.memory_space<vmem_shared>>
      tpu.wait_indirect_dma semaphore(%arg8 : memref<!tpu.dma_semaphore, #tpu.memory_space<semaphore_mem>>) src(%dma_wait3A_126 : memref<10240x128xf32, #tpu.memory_space<vmem_shared>>) dst(%arg6 : memref<128x128xf32, #tpu.memory_space<vmem>>)
      %sub3A_127 = arith.constant 1 : i32
      %sub3A_128 = arith.subi %add3A_103, %sub3A_127 : i32
      %mul3A_129 = arith.constant 128 : i32
      %mul3A_130 = arith.muli %sub3A_128, %mul3A_129 : i32
      %add3A_131 = arith.addi %mul3A_4, %mul3A_130 : i32
      %dma_start3A_132 = arith.constant 0 : i32
      %dma_start3A_133 = tpu.memref_slice %arg4[%add3A_131, %dma_start3A_132] : memref<81920x128xf32, #tpu.memory_space<hbm>> -> memref<128x128xf32, #tpu.memory_space<hbm>>
      %dma_start3A_134 = arith.constant 0 : i32
      %dma_start3A_135 = tpu.memref_slice %arg4[%add3A_131, %dma_start3A_134] : memref<81920x128xf32, #tpu.memory_space<hbm>> -> memref<128x128xf32, #tpu.memory_space<hbm>>
      tpu.enqueue_dma source(%arg6 : memref<128x128xf32, #tpu.memory_space<vmem>>) target(%dma_start3A_135 : memref<128x128xf32, #tpu.memory_space<hbm>>) target_semaphore(%arg10 : memref<!tpu.dma_semaphore, #tpu.memory_space<semaphore_mem>>)
    }
    %scan3A_38 = arith.constant 9 : i32
    %dma_wait3A_39 = arith.constant 19 : i32
    %dma_wait3A_40 = arith.constant 0 : i32
    %dma_wait3A_41 = tpu.memref_slice %arg5[%dma_wait3A_39, %dma_wait3A_40] : memref<20x128xi32, #tpu.memory_space<vmem>> -> memref<1x128xi32, #tpu.memory_space<vmem>>
    %dma_wait3A_42 = tpu.memref_squeeze %dma_wait3A_41 : memref<1x128xi32, #tpu.memory_space<vmem>> -> memref<128xi32, #tpu.memory_space<vmem>>
    %dma_wait3A_43 = arith.constant 0 : i32
    %dma_wait3A_44 = arith.constant 0 : i32
    %dma_wait3A_45 = tpu.memref_slice %arg12[%dma_wait3A_43, %dma_wait3A_44] : memref<10240x128xf32, #tpu.memory_space<vmem_shared>> -> memref<10240x128xf32, #tpu.memory_space<vmem_shared>>
    tpu.wait_indirect_dma semaphore(%arg9 : memref<!tpu.dma_semaphore, #tpu.memory_space<semaphore_mem>>) src(%dma_wait3A_45 : memref<10240x128xf32, #tpu.memory_space<vmem_shared>>) dst(%arg7 : memref<128x128xf32, #tpu.memory_space<vmem>>)
    %add3A_46 = arith.constant 2432 : i32
    %add3A_47 = arith.addi %mul3A_4, %add3A_46 : i32
    %dma_start3A_48 = arith.constant 0 : i32
    %dma_start3A_49 = tpu.memref_slice %arg4[%add3A_47, %dma_start3A_48] : memref<81920x128xf32, #tpu.memory_space<hbm>> -> memref<128x128xf32, #tpu.memory_space<hbm>>
    %dma_start3A_50 = arith.constant 0 : i32
    %dma_start3A_51 = tpu.memref_slice %arg4[%add3A_47, %dma_start3A_50] : memref<81920x128xf32, #tpu.memory_space<hbm>> -> memref<128x128xf32, #tpu.memory_space<hbm>>
    tpu.enqueue_dma source(%arg7 : memref<128x128xf32, #tpu.memory_space<vmem>>) target(%dma_start3A_51 : memref<128x128xf32, #tpu.memory_space<hbm>>) target_semaphore(%arg11 : memref<!tpu.dma_semaphore, #tpu.memory_space<semaphore_mem>>)
    %add3A_52 = arith.constant 2304 : i32
    %add3A_53 = arith.addi %mul3A_4, %add3A_52 : i32
    %dma_wait3A_54 = arith.constant 0 : i32
    %dma_wait3A_55 = tpu.memref_slice %arg4[%add3A_53, %dma_wait3A_54] : memref<81920x128xf32, #tpu.memory_space<hbm>> -> memref<128x128xf32, #tpu.memory_space<hbm>>
    %dma_wait3A_56 = arith.constant 0 : i32
    %dma_wait3A_57 = tpu.memref_slice %arg4[%add3A_53, %dma_wait3A_56] : memref<81920x128xf32, #tpu.memory_space<hbm>> -> memref<128x128xf32, #tpu.memory_space<hbm>>
    tpu.wait_dma2 semaphore(%arg10 : memref<!tpu.dma_semaphore, #tpu.memory_space<semaphore_mem>>) src(%arg6 : memref<128x128xf32, #tpu.memory_space<vmem>>) dst(%dma_wait3A_57 : memref<128x128xf32, #tpu.memory_space<hbm>>)
    %add3A_58 = arith.constant 2432 : i32
    %add3A_59 = arith.addi %mul3A_4, %add3A_58 : i32
    %dma_wait3A_60 = arith.constant 0 : i32
    %dma_wait3A_61 = tpu.memref_slice %arg4[%add3A_59, %dma_wait3A_60] : memref<81920x128xf32, #tpu.memory_space<hbm>> -> memref<128x128xf32, #tpu.memory_space<hbm>>
    %dma_wait3A_62 = arith.constant 0 : i32
    %dma_wait3A_63 = tpu.memref_slice %arg4[%add3A_59, %dma_wait3A_62] : memref<81920x128xf32, #tpu.memory_space<hbm>> -> memref<128x128xf32, #tpu.memory_space<hbm>>
    tpu.wait_dma2 semaphore(%arg11 : memref<!tpu.dma_semaphore, #tpu.memory_space<semaphore_mem>>) src(%arg7 : memref<128x128xf32, #tpu.memory_space<vmem>>) dst(%dma_wait3A_63 : memref<128x128xf32, #tpu.memory_space<hbm>>)
    return
  }
}

#map = affine_map<(d0, d1) -> (0, 0)>
#map1 = affine_map<(d0, d1) -> (0, 0, 0)>
module attributes {stable_mosaic.version = 14 : i64} {
  func.func @body_fn(%arg0: i32, %arg1: i32, %arg2: memref<139264x128xf32, #tpu.memory_space<hbm>>, %arg3: memref<32x34x128xi32, #tpu.memory_space<hbm>>, %arg4: memref<10240x128xf32, #tpu.memory_space<hbm>>, %arg5: memref<10240x128xf32, #tpu.memory_space<hbm>>, %arg6: memref<34x128xi32, #tpu.memory_space<vmem>>, %arg7: memref<128x128xf32, #tpu.memory_space<vmem>>, %arg8: memref<128x128xf32, #tpu.memory_space<vmem>>, %arg9: memref<!tpu.dma_semaphore, #tpu.memory_space<semaphore_mem>>, %arg10: memref<!tpu.dma_semaphore, #tpu.memory_space<semaphore_mem>>, %arg11: memref<!tpu.dma_semaphore, #tpu.memory_space<semaphore_mem>>, %arg12: memref<!tpu.dma_semaphore, #tpu.memory_space<semaphore_mem>>, %arg13: memref<10240x128xf32, #tpu.memory_space<vmem_shared>>) attributes {dimension_semantics = [#tpu.dimension_semantics<core_parallel>, #tpu.dimension_semantics<subcore_parallel>], iteration_bounds = array<i64: 2, 16>, scalar_prefetch = 0 : i64, scratch_operands = 8 : i64, tpu.core_type = #tpu.core_type<sc_vector_subcore>, window_params = [{transform_indices = #map}, {transform_indices = #map1}, {transform_indices = #map}, {transform_indices = #map}]} {
    %mul3A = arith.constant 2 : i32
    %mul3A_0 = arith.muli %arg1, %mul3A : i32
    %add3A = arith.addi %mul3A_0, %arg0 : i32
    %mul3A_1 = arith.constant 34 : i32
    %mul3A_2 = arith.muli %add3A, %mul3A_1 : i32
    %mul3A_3 = arith.constant 128 : i32
    %mul3A_4 = arith.muli %mul3A_2, %mul3A_3 : i32
    %scan3A = arith.constant 0 : i32
    %scan3A_5 = arith.constant 0 : i32
    %scan3A_6 = arith.constant 128 : i32
    %scan3A_7 = arith.addi %scan3A_5, %scan3A_6 : i32
    %scan3A_8 = arith.constant 1 : i32
    scf.for %scan3A_96 = %scan3A_5 to %scan3A_7 step %scan3A_8  : i32 {
      %broadcast_in_dim3A = arith.constant 0.000000e+00 : f32
      %broadcast_in_dim3A_97 = vector.broadcast %broadcast_in_dim3A : f32 to vector<16xf32>
      %swap3A = arith.index_cast %scan3A_96 : i32 to index
      %swap3A_98 = arith.constant 0 : index
      %swap3A_99 = tpu.vector_load %arg7[%swap3A, %swap3A_98] {strides = array<i32>} : memref<128x128xf32, #tpu.memory_space<vmem>>, vector<1x16xf32>,
      %swap3A_100 = vector.shape_cast %swap3A_99 : vector<1x16xf32> to vector<16xf32>
      %swap3A_101 = vector.shape_cast %broadcast_in_dim3A_97 : vector<16xf32> to vector<1x16xf32>
      tpu.vector_store %arg7[%swap3A, %swap3A_98], %swap3A_101 {strides = array<i32>} : memref<128x128xf32, #tpu.memory_space<vmem>>, vector<1x16xf32>,
      %broadcast_in_dim3A_102 = arith.constant 0.000000e+00 : f32
      %broadcast_in_dim3A_103 = vector.broadcast %broadcast_in_dim3A_102 : f32 to vector<16xf32>
      %swap3A_104 = arith.index_cast %scan3A_96 : i32 to index
      %swap3A_105 = arith.constant 16 : index
      %swap3A_106 = tpu.vector_load %arg7[%swap3A_104, %swap3A_105] {strides = array<i32>} : memref<128x128xf32, #tpu.memory_space<vmem>>, vector<1x16xf32>,
      %swap3A_107 = vector.shape_cast %swap3A_106 : vector<1x16xf32> to vector<16xf32>
      %swap3A_108 = vector.shape_cast %broadcast_in_dim3A_103 : vector<16xf32> to vector<1x16xf32>
      tpu.vector_store %arg7[%swap3A_104, %swap3A_105], %swap3A_108 {strides = array<i32>} : memref<128x128xf32, #tpu.memory_space<vmem>>, vector<1x16xf32>,
      %broadcast_in_dim3A_109 = arith.constant 0.000000e+00 : f32
      %broadcast_in_dim3A_110 = vector.broadcast %broadcast_in_dim3A_109 : f32 to vector<16xf32>
      %swap3A_111 = arith.index_cast %scan3A_96 : i32 to index
      %swap3A_112 = arith.constant 32 : index
      %swap3A_113 = tpu.vector_load %arg7[%swap3A_111, %swap3A_112] {strides = array<i32>} : memref<128x128xf32, #tpu.memory_space<vmem>>, vector<1x16xf32>,
      %swap3A_114 = vector.shape_cast %swap3A_113 : vector<1x16xf32> to vector<16xf32>
      %swap3A_115 = vector.shape_cast %broadcast_in_dim3A_110 : vector<16xf32> to vector<1x16xf32>
      tpu.vector_store %arg7[%swap3A_111, %swap3A_112], %swap3A_115 {strides = array<i32>} : memref<128x128xf32, #tpu.memory_space<vmem>>, vector<1x16xf32>,
      %broadcast_in_dim3A_116 = arith.constant 0.000000e+00 : f32
      %broadcast_in_dim3A_117 = vector.broadcast %broadcast_in_dim3A_116 : f32 to vector<16xf32>
      %swap3A_118 = arith.index_cast %scan3A_96 : i32 to index
      %swap3A_119 = arith.constant 48 : index
      %swap3A_120 = tpu.vector_load %arg7[%swap3A_118, %swap3A_119] {strides = array<i32>} : memref<128x128xf32, #tpu.memory_space<vmem>>, vector<1x16xf32>,
      %swap3A_121 = vector.shape_cast %swap3A_120 : vector<1x16xf32> to vector<16xf32>
      %swap3A_122 = vector.shape_cast %broadcast_in_dim3A_117 : vector<16xf32> to vector<1x16xf32>
      tpu.vector_store %arg7[%swap3A_118, %swap3A_119], %swap3A_122 {strides = array<i32>} : memref<128x128xf32, #tpu.memory_space<vmem>>, vector<1x16xf32>,
      %broadcast_in_dim3A_123 = arith.constant 0.000000e+00 : f32
      %broadcast_in_dim3A_124 = vector.broadcast %broadcast_in_dim3A_123 : f32 to vector<16xf32>
      %swap3A_125 = arith.index_cast %scan3A_96 : i32 to index
      %swap3A_126 = arith.constant 64 : index
      %swap3A_127 = tpu.vector_load %arg7[%swap3A_125, %swap3A_126] {strides = array<i32>} : memref<128x128xf32, #tpu.memory_space<vmem>>, vector<1x16xf32>,
      %swap3A_128 = vector.shape_cast %swap3A_127 : vector<1x16xf32> to vector<16xf32>
      %swap3A_129 = vector.shape_cast %broadcast_in_dim3A_124 : vector<16xf32> to vector<1x16xf32>
      tpu.vector_store %arg7[%swap3A_125, %swap3A_126], %swap3A_129 {strides = array<i32>} : memref<128x128xf32, #tpu.memory_space<vmem>>, vector<1x16xf32>,
      %broadcast_in_dim3A_130 = arith.constant 0.000000e+00 : f32
      %broadcast_in_dim3A_131 = vector.broadcast %broadcast_in_dim3A_130 : f32 to vector<16xf32>
      %swap3A_132 = arith.index_cast %scan3A_96 : i32 to index
      %swap3A_133 = arith.constant 80 : index
      %swap3A_134 = tpu.vector_load %arg7[%swap3A_132, %swap3A_133] {strides = array<i32>} : memref<128x128xf32, #tpu.memory_space<vmem>>, vector<1x16xf32>,
      %swap3A_135 = vector.shape_cast %swap3A_134 : vector<1x16xf32> to vector<16xf32>
      %swap3A_136 = vector.shape_cast %broadcast_in_dim3A_131 : vector<16xf32> to vector<1x16xf32>
      tpu.vector_store %arg7[%swap3A_132, %swap3A_133], %swap3A_136 {strides = array<i32>} : memref<128x128xf32, #tpu.memory_space<vmem>>, vector<1x16xf32>,
      %broadcast_in_dim3A_137 = arith.constant 0.000000e+00 : f32
      %broadcast_in_dim3A_138 = vector.broadcast %broadcast_in_dim3A_137 : f32 to vector<16xf32>
      %swap3A_139 = arith.index_cast %scan3A_96 : i32 to index
      %swap3A_140 = arith.constant 96 : index
      %swap3A_141 = tpu.vector_load %arg7[%swap3A_139, %swap3A_140] {strides = array<i32>} : memref<128x128xf32, #tpu.memory_space<vmem>>, vector<1x16xf32>,
      %swap3A_142 = vector.shape_cast %swap3A_141 : vector<1x16xf32> to vector<16xf32>
      %swap3A_143 = vector.shape_cast %broadcast_in_dim3A_138 : vector<16xf32> to vector<1x16xf32>
      tpu.vector_store %arg7[%swap3A_139, %swap3A_140], %swap3A_143 {strides = array<i32>} : memref<128x128xf32, #tpu.memory_space<vmem>>, vector<1x16xf32>,
      %broadcast_in_dim3A_144 = arith.constant 0.000000e+00 : f32
      %broadcast_in_dim3A_145 = vector.broadcast %broadcast_in_dim3A_144 : f32 to vector<16xf32>
      %swap3A_146 = arith.index_cast %scan3A_96 : i32 to index
      %swap3A_147 = arith.constant 112 : index
      %swap3A_148 = tpu.vector_load %arg7[%swap3A_146, %swap3A_147] {strides = array<i32>} : memref<128x128xf32, #tpu.memory_space<vmem>>, vector<1x16xf32>,
      %swap3A_149 = vector.shape_cast %swap3A_148 : vector<1x16xf32> to vector<16xf32>
      %swap3A_150 = vector.shape_cast %broadcast_in_dim3A_145 : vector<16xf32> to vector<1x16xf32>
      tpu.vector_store %arg7[%swap3A_146, %swap3A_147], %swap3A_150 {strides = array<i32>} : memref<128x128xf32, #tpu.memory_space<vmem>>, vector<1x16xf32>,
    }
    %scan3A_9 = arith.constant 128 : i32
    %mul3A_10 = arith.constant 640 : i32
    %mul3A_11 = arith.muli %arg1, %mul3A_10 : i32
    %add3A_12 = arith.constant 0 : i32
    %add3A_13 = arith.addi %mul3A_11, %add3A_12 : i32
    "tpu.region"() ({
      %run_scoped3A = tpu.sem_alloc : memref<!tpu.dma_semaphore, #tpu.memory_space<semaphore_mem>>
      %dma_start3A_96 = arith.constant 0 : i32
      %dma_start3A_97 = tpu.memref_slice %arg13[%add3A_13, %dma_start3A_96] : memref<10240x128xf32, #tpu.memory_space<vmem_shared>> -> memref<128x128xf32, #tpu.memory_space<vmem_shared>>
      %dma_start3A_98 = arith.constant 0 : i32
      %dma_start3A_99 = tpu.memref_slice %arg13[%add3A_13, %dma_start3A_98] : memref<10240x128xf32, #tpu.memory_space<vmem_shared>> -> memref<128x128xf32, #tpu.memory_space<vmem_shared>>
      tpu.enqueue_dma source(%arg7 : memref<128x128xf32, #tpu.memory_space<vmem>>) target(%dma_start3A_99 : memref<128x128xf32, #tpu.memory_space<vmem_shared>>) target_semaphore(%run_scoped3A : memref<!tpu.dma_semaphore, #tpu.memory_space<semaphore_mem>>)
      %dma_wait3A_100 = arith.constant 0 : i32
      %dma_wait3A_101 = tpu.memref_slice %arg13[%add3A_13, %dma_wait3A_100] : memref<10240x128xf32, #tpu.memory_space<vmem_shared>> -> memref<128x128xf32, #tpu.memory_space<vmem_shared>>
      %dma_wait3A_102 = arith.constant 0 : i32
      %dma_wait3A_103 = tpu.memref_slice %arg13[%add3A_13, %dma_wait3A_102] : memref<10240x128xf32, #tpu.memory_space<vmem_shared>> -> memref<128x128xf32, #tpu.memory_space<vmem_shared>>
      tpu.wait_dma2 semaphore(%run_scoped3A : memref<!tpu.dma_semaphore, #tpu.memory_space<semaphore_mem>>) src(%arg7 : memref<128x128xf32, #tpu.memory_space<vmem>>) dst(%dma_wait3A_103 : memref<128x128xf32, #tpu.memory_space<vmem_shared>>)
      tpu.yield
    }) : () -> ()
    %mul3A_14 = arith.constant 640 : i32
    %mul3A_15 = arith.muli %arg1, %mul3A_14 : i32
    %add3A_16 = arith.constant 128 : i32
    %add3A_17 = arith.addi %mul3A_15, %add3A_16 : i32
    "tpu.region"() ({
      %run_scoped3A = tpu.sem_alloc : memref<!tpu.dma_semaphore, #tpu.memory_space<semaphore_mem>>
      %dma_start3A_96 = arith.constant 0 : i32
      %dma_start3A_97 = tpu.memref_slice %arg13[%add3A_17, %dma_start3A_96] : memref<10240x128xf32, #tpu.memory_space<vmem_shared>> -> memref<128x128xf32, #tpu.memory_space<vmem_shared>>
      %dma_start3A_98 = arith.constant 0 : i32
      %dma_start3A_99 = tpu.memref_slice %arg13[%add3A_17, %dma_start3A_98] : memref<10240x128xf32, #tpu.memory_space<vmem_shared>> -> memref<128x128xf32, #tpu.memory_space<vmem_shared>>
      tpu.enqueue_dma source(%arg7 : memref<128x128xf32, #tpu.memory_space<vmem>>) target(%dma_start3A_99 : memref<128x128xf32, #tpu.memory_space<vmem_shared>>) target_semaphore(%run_scoped3A : memref<!tpu.dma_semaphore, #tpu.memory_space<semaphore_mem>>)
      %dma_wait3A_100 = arith.constant 0 : i32
      %dma_wait3A_101 = tpu.memref_slice %arg13[%add3A_17, %dma_wait3A_100] : memref<10240x128xf32, #tpu.memory_space<vmem_shared>> -> memref<128x128xf32, #tpu.memory_space<vmem_shared>>
      %dma_wait3A_102 = arith.constant 0 : i32
      %dma_wait3A_103 = tpu.memref_slice %arg13[%add3A_17, %dma_wait3A_102] : memref<10240x128xf32, #tpu.memory_space<vmem_shared>> -> memref<128x128xf32, #tpu.memory_space<vmem_shared>>
      tpu.wait_dma2 semaphore(%run_scoped3A : memref<!tpu.dma_semaphore, #tpu.memory_space<semaphore_mem>>) src(%arg7 : memref<128x128xf32, #tpu.memory_space<vmem>>) dst(%dma_wait3A_103 : memref<128x128xf32, #tpu.memory_space<vmem_shared>>)
      tpu.yield
    }) : () -> ()
    %mul3A_18 = arith.constant 640 : i32
    %mul3A_19 = arith.muli %arg1, %mul3A_18 : i32
    %add3A_20 = arith.constant 256 : i32
    %add3A_21 = arith.addi %mul3A_19, %add3A_20 : i32
    "tpu.region"() ({
      %run_scoped3A = tpu.sem_alloc : memref<!tpu.dma_semaphore, #tpu.memory_space<semaphore_mem>>
      %dma_start3A_96 = arith.constant 0 : i32
      %dma_start3A_97 = tpu.memref_slice %arg13[%add3A_21, %dma_start3A_96] : memref<10240x128xf32, #tpu.memory_space<vmem_shared>> -> memref<128x128xf32, #tpu.memory_space<vmem_shared>>
      %dma_start3A_98 = arith.constant 0 : i32
      %dma_start3A_99 = tpu.memref_slice %arg13[%add3A_21, %dma_start3A_98] : memref<10240x128xf32, #tpu.memory_space<vmem_shared>> -> memref<128x128xf32, #tpu.memory_space<vmem_shared>>
      tpu.enqueue_dma source(%arg7 : memref<128x128xf32, #tpu.memory_space<vmem>>) target(%dma_start3A_99 : memref<128x128xf32, #tpu.memory_space<vmem_shared>>) target_semaphore(%run_scoped3A : memref<!tpu.dma_semaphore, #tpu.memory_space<semaphore_mem>>)
      %dma_wait3A_100 = arith.constant 0 : i32
      %dma_wait3A_101 = tpu.memref_slice %arg13[%add3A_21, %dma_wait3A_100] : memref<10240x128xf32, #tpu.memory_space<vmem_shared>> -> memref<128x128xf32, #tpu.memory_space<vmem_shared>>
      %dma_wait3A_102 = arith.constant 0 : i32
      %dma_wait3A_103 = tpu.memref_slice %arg13[%add3A_21, %dma_wait3A_102] : memref<10240x128xf32, #tpu.memory_space<vmem_shared>> -> memref<128x128xf32, #tpu.memory_space<vmem_shared>>
      tpu.wait_dma2 semaphore(%run_scoped3A : memref<!tpu.dma_semaphore, #tpu.memory_space<semaphore_mem>>) src(%arg7 : memref<128x128xf32, #tpu.memory_space<vmem>>) dst(%dma_wait3A_103 : memref<128x128xf32, #tpu.memory_space<vmem_shared>>)
      tpu.yield
    }) : () -> ()
    %mul3A_22 = arith.constant 640 : i32
    %mul3A_23 = arith.muli %arg1, %mul3A_22 : i32
    %add3A_24 = arith.constant 384 : i32
    %add3A_25 = arith.addi %mul3A_23, %add3A_24 : i32
    "tpu.region"() ({
      %run_scoped3A = tpu.sem_alloc : memref<!tpu.dma_semaphore, #tpu.memory_space<semaphore_mem>>
      %dma_start3A_96 = arith.constant 0 : i32
      %dma_start3A_97 = tpu.memref_slice %arg13[%add3A_25, %dma_start3A_96] : memref<10240x128xf32, #tpu.memory_space<vmem_shared>> -> memref<128x128xf32, #tpu.memory_space<vmem_shared>>
      %dma_start3A_98 = arith.constant 0 : i32
      %dma_start3A_99 = tpu.memref_slice %arg13[%add3A_25, %dma_start3A_98] : memref<10240x128xf32, #tpu.memory_space<vmem_shared>> -> memref<128x128xf32, #tpu.memory_space<vmem_shared>>
      tpu.enqueue_dma source(%arg7 : memref<128x128xf32, #tpu.memory_space<vmem>>) target(%dma_start3A_99 : memref<128x128xf32, #tpu.memory_space<vmem_shared>>) target_semaphore(%run_scoped3A : memref<!tpu.dma_semaphore, #tpu.memory_space<semaphore_mem>>)
      %dma_wait3A_100 = arith.constant 0 : i32
      %dma_wait3A_101 = tpu.memref_slice %arg13[%add3A_25, %dma_wait3A_100] : memref<10240x128xf32, #tpu.memory_space<vmem_shared>> -> memref<128x128xf32, #tpu.memory_space<vmem_shared>>
      %dma_wait3A_102 = arith.constant 0 : i32
      %dma_wait3A_103 = tpu.memref_slice %arg13[%add3A_25, %dma_wait3A_102] : memref<10240x128xf32, #tpu.memory_space<vmem_shared>> -> memref<128x128xf32, #tpu.memory_space<vmem_shared>>
      tpu.wait_dma2 semaphore(%run_scoped3A : memref<!tpu.dma_semaphore, #tpu.memory_space<semaphore_mem>>) src(%arg7 : memref<128x128xf32, #tpu.memory_space<vmem>>) dst(%dma_wait3A_103 : memref<128x128xf32, #tpu.memory_space<vmem_shared>>)
      tpu.yield
    }) : () -> ()
    %mul3A_26 = arith.constant 640 : i32
    %mul3A_27 = arith.muli %arg1, %mul3A_26 : i32
    %add3A_28 = arith.constant 512 : i32
    %add3A_29 = arith.addi %mul3A_27, %add3A_28 : i32
    "tpu.region"() ({
      %run_scoped3A = tpu.sem_alloc : memref<!tpu.dma_semaphore, #tpu.memory_space<semaphore_mem>>
      %dma_start3A_96 = arith.constant 0 : i32
      %dma_start3A_97 = tpu.memref_slice %arg13[%add3A_29, %dma_start3A_96] : memref<10240x128xf32, #tpu.memory_space<vmem_shared>> -> memref<128x128xf32, #tpu.memory_space<vmem_shared>>
      %dma_start3A_98 = arith.constant 0 : i32
      %dma_start3A_99 = tpu.memref_slice %arg13[%add3A_29, %dma_start3A_98] : memref<10240x128xf32, #tpu.memory_space<vmem_shared>> -> memref<128x128xf32, #tpu.memory_space<vmem_shared>>
      tpu.enqueue_dma source(%arg7 : memref<128x128xf32, #tpu.memory_space<vmem>>) target(%dma_start3A_99 : memref<128x128xf32, #tpu.memory_space<vmem_shared>>) target_semaphore(%run_scoped3A : memref<!tpu.dma_semaphore, #tpu.memory_space<semaphore_mem>>)
      %dma_wait3A_100 = arith.constant 0 : i32
      %dma_wait3A_101 = tpu.memref_slice %arg13[%add3A_29, %dma_wait3A_100] : memref<10240x128xf32, #tpu.memory_space<vmem_shared>> -> memref<128x128xf32, #tpu.memory_space<vmem_shared>>
      %dma_wait3A_102 = arith.constant 0 : i32
      %dma_wait3A_103 = tpu.memref_slice %arg13[%add3A_29, %dma_wait3A_102] : memref<10240x128xf32, #tpu.memory_space<vmem_shared>> -> memref<128x128xf32, #tpu.memory_space<vmem_shared>>
      tpu.wait_dma2 semaphore(%run_scoped3A : memref<!tpu.dma_semaphore, #tpu.memory_space<semaphore_mem>>) src(%arg7 : memref<128x128xf32, #tpu.memory_space<vmem>>) dst(%dma_wait3A_103 : memref<128x128xf32, #tpu.memory_space<vmem_shared>>)
      tpu.yield
    }) : () -> ()
    %barrier3A = arith.constant 0 : index
    tpu.barrier barrier_id(%barrier3A)
    "tpu.region"() ({
      %run_scoped3A = tpu.sem_alloc : memref<!tpu.dma_semaphore, #tpu.memory_space<semaphore_mem>>
      %dma_start3A_96 = arith.constant 0 : i32
      %dma_start3A_97 = arith.constant 0 : i32
      %dma_start3A_98 = tpu.memref_slice %arg3[%add3A, %dma_start3A_96, %dma_start3A_97] : memref<32x34x128xi32, #tpu.memory_space<hbm>> -> memref<1x34x128xi32, #tpu.memory_space<hbm>>
      %dma_start3A_99 = tpu.memref_squeeze %dma_start3A_98 : memref<1x34x128xi32, #tpu.memory_space<hbm>> -> memref<34x128xi32, #tpu.memory_space<hbm>>
      %dma_start3A_100 = arith.constant 0 : i32
      %dma_start3A_101 = arith.constant 0 : i32
      %dma_start3A_102 = tpu.memref_slice %arg3[%add3A, %dma_start3A_100, %dma_start3A_101] : memref<32x34x128xi32, #tpu.memory_space<hbm>> -> memref<1x34x128xi32, #tpu.memory_space<hbm>>
      %dma_start3A_103 = tpu.memref_squeeze %dma_start3A_102 : memref<1x34x128xi32, #tpu.memory_space<hbm>> -> memref<34x128xi32, #tpu.memory_space<hbm>>
      tpu.enqueue_dma source(%dma_start3A_103 : memref<34x128xi32, #tpu.memory_space<hbm>>) target(%arg6 : memref<34x128xi32, #tpu.memory_space<vmem>>) target_semaphore(%run_scoped3A : memref<!tpu.dma_semaphore, #tpu.memory_space<semaphore_mem>>)
      %dma_wait3A_104 = arith.constant 0 : i32
      %dma_wait3A_105 = arith.constant 0 : i32
      %dma_wait3A_106 = tpu.memref_slice %arg3[%add3A, %dma_wait3A_104, %dma_wait3A_105] : memref<32x34x128xi32, #tpu.memory_space<hbm>> -> memref<1x34x128xi32, #tpu.memory_space<hbm>>
      %dma_wait3A_107 = tpu.memref_squeeze %dma_wait3A_106 : memref<1x34x128xi32, #tpu.memory_space<hbm>> -> memref<34x128xi32, #tpu.memory_space<hbm>>
      %dma_wait3A_108 = arith.constant 0 : i32
      %dma_wait3A_109 = arith.constant 0 : i32
      %dma_wait3A_110 = tpu.memref_slice %arg3[%add3A, %dma_wait3A_108, %dma_wait3A_109] : memref<32x34x128xi32, #tpu.memory_space<hbm>> -> memref<1x34x128xi32, #tpu.memory_space<hbm>>
      %dma_wait3A_111 = tpu.memref_squeeze %dma_wait3A_110 : memref<1x34x128xi32, #tpu.memory_space<hbm>> -> memref<34x128xi32, #tpu.memory_space<hbm>>
      tpu.wait_dma2 semaphore(%run_scoped3A : memref<!tpu.dma_semaphore, #tpu.memory_space<semaphore_mem>>) src(%dma_wait3A_111 : memref<34x128xi32, #tpu.memory_space<hbm>>) dst(%arg6 : memref<34x128xi32, #tpu.memory_space<vmem>>)
      tpu.yield
    }) : () -> ()
    %add3A_30 = arith.constant 0 : i32
    %add3A_31 = arith.addi %mul3A_4, %add3A_30 : i32
    %dma_start3A = arith.constant 0 : i32
    %dma_start3A_32 = tpu.memref_slice %arg2[%add3A_31, %dma_start3A] : memref<139264x128xf32, #tpu.memory_space<hbm>> -> memref<128x128xf32, #tpu.memory_space<hbm>>
    %dma_start3A_33 = arith.constant 0 : i32
    %dma_start3A_34 = tpu.memref_slice %arg2[%add3A_31, %dma_start3A_33] : memref<139264x128xf32, #tpu.memory_space<hbm>> -> memref<128x128xf32, #tpu.memory_space<hbm>>
    tpu.enqueue_dma source(%dma_start3A_34 : memref<128x128xf32, #tpu.memory_space<hbm>>) target(%arg7 : memref<128x128xf32, #tpu.memory_space<vmem>>) target_semaphore(%arg9 : memref<!tpu.dma_semaphore, #tpu.memory_space<semaphore_mem>>)
    %add3A_35 = arith.constant 128 : i32
    %add3A_36 = arith.addi %mul3A_4, %add3A_35 : i32
    %dma_start3A_37 = arith.constant 0 : i32
    %dma_start3A_38 = tpu.memref_slice %arg2[%add3A_36, %dma_start3A_37] : memref<139264x128xf32, #tpu.memory_space<hbm>> -> memref<128x128xf32, #tpu.memory_space<hbm>>
    %dma_start3A_39 = arith.constant 0 : i32
    %dma_start3A_40 = tpu.memref_slice %arg2[%add3A_36, %dma_start3A_39] : memref<139264x128xf32, #tpu.memory_space<hbm>> -> memref<128x128xf32, #tpu.memory_space<hbm>>
    tpu.enqueue_dma source(%dma_start3A_40 : memref<128x128xf32, #tpu.memory_space<hbm>>) target(%arg8 : memref<128x128xf32, #tpu.memory_space<vmem>>) target_semaphore(%arg10 : memref<!tpu.dma_semaphore, #tpu.memory_space<semaphore_mem>>)
    %add3A_41 = arith.constant 0 : i32
    %add3A_42 = arith.addi %mul3A_4, %add3A_41 : i32
    %dma_wait3A = arith.constant 0 : i32
    %dma_wait3A_43 = tpu.memref_slice %arg2[%add3A_42, %dma_wait3A] : memref<139264x128xf32, #tpu.memory_space<hbm>> -> memref<128x128xf32, #tpu.memory_space<hbm>>
    %dma_wait3A_44 = arith.constant 0 : i32
    %dma_wait3A_45 = tpu.memref_slice %arg2[%add3A_42, %dma_wait3A_44] : memref<139264x128xf32, #tpu.memory_space<hbm>> -> memref<128x128xf32, #tpu.memory_space<hbm>>
    tpu.wait_dma2 semaphore(%arg9 : memref<!tpu.dma_semaphore, #tpu.memory_space<semaphore_mem>>) src(%dma_wait3A_45 : memref<128x128xf32, #tpu.memory_space<hbm>>) dst(%arg7 : memref<128x128xf32, #tpu.memory_space<vmem>>)
    %dma_start3A_46 = arith.constant 0 : i32
    %dma_start3A_47 = arith.constant 0 : i32
    %dma_start3A_48 = tpu.memref_slice %arg6[%dma_start3A_46, %dma_start3A_47] : memref<34x128xi32, #tpu.memory_space<vmem>> -> memref<1x128xi32, #tpu.memory_space<vmem>>
    %dma_start3A_49 = tpu.memref_squeeze %dma_start3A_48 : memref<1x128xi32, #tpu.memory_space<vmem>> -> memref<128xi32, #tpu.memory_space<vmem>>
    %dma_start3A_50 = arith.constant 0 : i32
    %dma_start3A_51 = arith.constant 0 : i32
    %dma_start3A_52 = tpu.memref_slice %arg13[%dma_start3A_50, %dma_start3A_51] : memref<10240x128xf32, #tpu.memory_space<vmem_shared>> -> memref<10240x128xf32, #tpu.memory_space<vmem_shared>>
    tpu.enqueue_indirect_dma source(%arg7 : memref<128x128xf32, #tpu.memory_space<vmem>>) target(%dma_start3A_52 : memref<10240x128xf32, #tpu.memory_space<vmem_shared>>) offsets(%dma_start3A_49 : memref<128xi32, #tpu.memory_space<vmem>>) semaphore(%arg11 : memref<!tpu.dma_semaphore, #tpu.memory_space<semaphore_mem>>) {add = true}
    %scan3A_53 = arith.constant 0 : i32
    %scan3A_54 = arith.constant 1 : i32
    %scan3A_55 = arith.constant 16 : i32
    %scan3A_56 = arith.addi %scan3A_54, %scan3A_55 : i32
    %scan3A_57 = arith.constant 1 : i32
    scf.for %scan3A_96 = %scan3A_54 to %scan3A_56 step %scan3A_57  : i32 {
      %mul3A_97 = arith.constant 2 : i32
      %mul3A_98 = arith.muli %scan3A_96, %mul3A_97 : i32
      %add3A_99 = arith.constant 0 : i32
      %add3A_100 = arith.addi %mul3A_98, %add3A_99 : i32
      %sub3A = arith.constant 2 : i32
      %sub3A_101 = arith.subi %add3A_100, %sub3A : i32
      %dma_wait3A_102 = arith.constant 0 : i32
      %dma_wait3A_103 = tpu.memref_slice %arg6[%sub3A_101, %dma_wait3A_102] : memref<34x128xi32, #tpu.memory_space<vmem>> -> memref<1x128xi32, #tpu.memory_space<vmem>>
      %dma_wait3A_104 = tpu.memref_squeeze %dma_wait3A_103 : memref<1x128xi32, #tpu.memory_space<vmem>> -> memref<128xi32, #tpu.memory_space<vmem>>
      %dma_wait3A_105 = arith.constant 0 : i32
      %dma_wait3A_106 = arith.constant 0 : i32
      %dma_wait3A_107 = tpu.memref_slice %arg13[%dma_wait3A_105, %dma_wait3A_106] : memref<10240x128xf32, #tpu.memory_space<vmem_shared>> -> memref<10240x128xf32, #tpu.memory_space<vmem_shared>>
      tpu.wait_indirect_dma semaphore(%arg11 : memref<!tpu.dma_semaphore, #tpu.memory_space<semaphore_mem>>) src(%arg7 : memref<128x128xf32, #tpu.memory_space<vmem>>) dst(%dma_wait3A_107 : memref<10240x128xf32, #tpu.memory_space<vmem_shared>>)
      %mul3A_108 = arith.constant 128 : i32
      %mul3A_109 = arith.muli %add3A_100, %mul3A_108 : i32
      %add3A_110 = arith.addi %mul3A_4, %mul3A_109 : i32
      %dma_start3A_111 = arith.constant 0 : i32
      %dma_start3A_112 = tpu.memref_slice %arg2[%add3A_110, %dma_start3A_111] : memref<139264x128xf32, #tpu.memory_space<hbm>> -> memref<128x128xf32, #tpu.memory_space<hbm>>
      %dma_start3A_113 = arith.constant 0 : i32
      %dma_start3A_114 = tpu.memref_slice %arg2[%add3A_110, %dma_start3A_113] : memref<139264x128xf32, #tpu.memory_space<hbm>> -> memref<128x128xf32, #tpu.memory_space<hbm>>
      tpu.enqueue_dma source(%dma_start3A_114 : memref<128x128xf32, #tpu.memory_space<hbm>>) target(%arg7 : memref<128x128xf32, #tpu.memory_space<vmem>>) target_semaphore(%arg9 : memref<!tpu.dma_semaphore, #tpu.memory_space<semaphore_mem>>)
      %sub3A_115 = arith.constant 1 : i32
      %sub3A_116 = arith.subi %add3A_100, %sub3A_115 : i32
      %mul3A_117 = arith.constant 128 : i32
      %mul3A_118 = arith.muli %sub3A_116, %mul3A_117 : i32
      %add3A_119 = arith.addi %mul3A_4, %mul3A_118 : i32
      %dma_wait3A_120 = arith.constant 0 : i32
      %dma_wait3A_121 = tpu.memref_slice %arg2[%add3A_119, %dma_wait3A_120] : memref<139264x128xf32, #tpu.memory_space<hbm>> -> memref<128x128xf32, #tpu.memory_space<hbm>>
      %dma_wait3A_122 = arith.constant 0 : i32
      %dma_wait3A_123 = tpu.memref_slice %arg2[%add3A_119, %dma_wait3A_122] : memref<139264x128xf32, #tpu.memory_space<hbm>> -> memref<128x128xf32, #tpu.memory_space<hbm>>
      tpu.wait_dma2 semaphore(%arg10 : memref<!tpu.dma_semaphore, #tpu.memory_space<semaphore_mem>>) src(%dma_wait3A_123 : memref<128x128xf32, #tpu.memory_space<hbm>>) dst(%arg8 : memref<128x128xf32, #tpu.memory_space<vmem>>)
      %sub3A_124 = arith.constant 1 : i32
      %sub3A_125 = arith.subi %add3A_100, %sub3A_124 : i32
      %dma_start3A_126 = arith.constant 0 : i32
      %dma_start3A_127 = tpu.memref_slice %arg6[%sub3A_125, %dma_start3A_126] : memref<34x128xi32, #tpu.memory_space<vmem>> -> memref<1x128xi32, #tpu.memory_space<vmem>>
      %dma_start3A_128 = tpu.memref_squeeze %dma_start3A_127 : memref<1x128xi32, #tpu.memory_space<vmem>> -> memref<128xi32, #tpu.memory_space<vmem>>
      %dma_start3A_129 = arith.constant 0 : i32
      %dma_start3A_130 = arith.constant 0 : i32
      %dma_start3A_131 = tpu.memref_slice %arg13[%dma_start3A_129, %dma_start3A_130] : memref<10240x128xf32, #tpu.memory_space<vmem_shared>> -> memref<10240x128xf32, #tpu.memory_space<vmem_shared>>
      tpu.enqueue_indirect_dma source(%arg8 : memref<128x128xf32, #tpu.memory_space<vmem>>) target(%dma_start3A_131 : memref<10240x128xf32, #tpu.memory_space<vmem_shared>>) offsets(%dma_start3A_128 : memref<128xi32, #tpu.memory_space<vmem>>) semaphore(%arg12 : memref<!tpu.dma_semaphore, #tpu.memory_space<semaphore_mem>>) {add = true}
      %mul3A_132 = arith.constant 2 : i32
      %mul3A_133 = arith.muli %scan3A_96, %mul3A_132 : i32
      %add3A_134 = arith.constant 1 : i32
      %add3A_135 = arith.addi %mul3A_133, %add3A_134 : i32
      %sub3A_136 = arith.constant 2 : i32
      %sub3A_137 = arith.subi %add3A_135, %sub3A_136 : i32
      %dma_wait3A_138 = arith.constant 0 : i32
      %dma_wait3A_139 = tpu.memref_slice %arg6[%sub3A_137, %dma_wait3A_138] : memref<34x128xi32, #tpu.memory_space<vmem>> -> memref<1x128xi32, #tpu.memory_space<vmem>>
      %dma_wait3A_140 = tpu.memref_squeeze %dma_wait3A_139 : memref<1x128xi32, #tpu.memory_space<vmem>> -> memref<128xi32, #tpu.memory_space<vmem>>
      %dma_wait3A_141 = arith.constant 0 : i32
      %dma_wait3A_142 = arith.constant 0 : i32
      %dma_wait3A_143 = tpu.memref_slice %arg13[%dma_wait3A_141, %dma_wait3A_142] : memref<10240x128xf32, #tpu.memory_space<vmem_shared>> -> memref<10240x128xf32, #tpu.memory_space<vmem_shared>>
      tpu.wait_indirect_dma semaphore(%arg12 : memref<!tpu.dma_semaphore, #tpu.memory_space<semaphore_mem>>) src(%arg8 : memref<128x128xf32, #tpu.memory_space<vmem>>) dst(%dma_wait3A_143 : memref<10240x128xf32, #tpu.memory_space<vmem_shared>>)
      %mul3A_144 = arith.constant 128 : i32
      %mul3A_145 = arith.muli %add3A_135, %mul3A_144 : i32
      %add3A_146 = arith.addi %mul3A_4, %mul3A_145 : i32
      %dma_start3A_147 = arith.constant 0 : i32
      %dma_start3A_148 = tpu.memref_slice %arg2[%add3A_146, %dma_start3A_147] : memref<139264x128xf32, #tpu.memory_space<hbm>> -> memref<128x128xf32, #tpu.memory_space<hbm>>
      %dma_start3A_149 = arith.constant 0 : i32
      %dma_start3A_150 = tpu.memref_slice %arg2[%add3A_146, %dma_start3A_149] : memref<139264x128xf32, #tpu.memory_space<hbm>> -> memref<128x128xf32, #tpu.memory_space<hbm>>
      tpu.enqueue_dma source(%dma_start3A_150 : memref<128x128xf32, #tpu.memory_space<hbm>>) target(%arg8 : memref<128x128xf32, #tpu.memory_space<vmem>>) target_semaphore(%arg10 : memref<!tpu.dma_semaphore, #tpu.memory_space<semaphore_mem>>)
      %sub3A_151 = arith.constant 1 : i32
      %sub3A_152 = arith.subi %add3A_135, %sub3A_151 : i32
      %mul3A_153 = arith.constant 128 : i32
      %mul3A_154 = arith.muli %sub3A_152, %mul3A_153 : i32
      %add3A_155 = arith.addi %mul3A_4, %mul3A_154 : i32
      %dma_wait3A_156 = arith.constant 0 : i32
      %dma_wait3A_157 = tpu.memref_slice %arg2[%add3A_155, %dma_wait3A_156] : memref<139264x128xf32, #tpu.memory_space<hbm>> -> memref<128x128xf32, #tpu.memory_space<hbm>>
      %dma_wait3A_158 = arith.constant 0 : i32
      %dma_wait3A_159 = tpu.memref_slice %arg2[%add3A_155, %dma_wait3A_158] : memref<139264x128xf32, #tpu.memory_space<hbm>> -> memref<128x128xf32, #tpu.memory_space<hbm>>
      tpu.wait_dma2 semaphore(%arg9 : memref<!tpu.dma_semaphore, #tpu.memory_space<semaphore_mem>>) src(%dma_wait3A_159 : memref<128x128xf32, #tpu.memory_space<hbm>>) dst(%arg7 : memref<128x128xf32, #tpu.memory_space<vmem>>)
      %sub3A_160 = arith.constant 1 : i32
      %sub3A_161 = arith.subi %add3A_135, %sub3A_160 : i32
      %dma_start3A_162 = arith.constant 0 : i32
      %dma_start3A_163 = tpu.memref_slice %arg6[%sub3A_161, %dma_start3A_162] : memref<34x128xi32, #tpu.memory_space<vmem>> -> memref<1x128xi32, #tpu.memory_space<vmem>>
      %dma_start3A_164 = tpu.memref_squeeze %dma_start3A_163 : memref<1x128xi32, #tpu.memory_space<vmem>> -> memref<128xi32, #tpu.memory_space<vmem>>
      %dma_start3A_165 = arith.constant 0 : i32
      %dma_start3A_166 = arith.constant 0 : i32
      %dma_start3A_167 = tpu.memref_slice %arg13[%dma_start3A_165, %dma_start3A_166] : memref<10240x128xf32, #tpu.memory_space<vmem_shared>> -> memref<10240x128xf32, #tpu.memory_space<vmem_shared>>
      tpu.enqueue_indirect_dma source(%arg7 : memref<128x128xf32, #tpu.memory_space<vmem>>) target(%dma_start3A_167 : memref<10240x128xf32, #tpu.memory_space<vmem_shared>>) offsets(%dma_start3A_164 : memref<128xi32, #tpu.memory_space<vmem>>) semaphore(%arg11 : memref<!tpu.dma_semaphore, #tpu.memory_space<semaphore_mem>>) {add = true}
    }
    %scan3A_58 = arith.constant 16 : i32
    %add3A_59 = arith.constant 4224 : i32
    %add3A_60 = arith.addi %mul3A_4, %add3A_59 : i32
    %dma_wait3A_61 = arith.constant 0 : i32
    %dma_wait3A_62 = tpu.memref_slice %arg2[%add3A_60, %dma_wait3A_61] : memref<139264x128xf32, #tpu.memory_space<hbm>> -> memref<128x128xf32, #tpu.memory_space<hbm>>
    %dma_wait3A_63 = arith.constant 0 : i32
    %dma_wait3A_64 = tpu.memref_slice %arg2[%add3A_60, %dma_wait3A_63] : memref<139264x128xf32, #tpu.memory_space<hbm>> -> memref<128x128xf32, #tpu.memory_space<hbm>>
    tpu.wait_dma2 semaphore(%arg10 : memref<!tpu.dma_semaphore, #tpu.memory_space<semaphore_mem>>) src(%dma_wait3A_64 : memref<128x128xf32, #tpu.memory_space<hbm>>) dst(%arg8 : memref<128x128xf32, #tpu.memory_space<vmem>>)
    %dma_start3A_65 = arith.constant 33 : i32
    %dma_start3A_66 = arith.constant 0 : i32
    %dma_start3A_67 = tpu.memref_slice %arg6[%dma_start3A_65, %dma_start3A_66] : memref<34x128xi32, #tpu.memory_space<vmem>> -> memref<1x128xi32, #tpu.memory_space<vmem>>
    %dma_start3A_68 = tpu.memref_squeeze %dma_start3A_67 : memref<1x128xi32, #tpu.memory_space<vmem>> -> memref<128xi32, #tpu.memory_space<vmem>>
    %dma_start3A_69 = arith.constant 0 : i32
    %dma_start3A_70 = arith.constant 0 : i32
    %dma_start3A_71 = tpu.memref_slice %arg13[%dma_start3A_69, %dma_start3A_70] : memref<10240x128xf32, #tpu.memory_space<vmem_shared>> -> memref<10240x128xf32, #tpu.memory_space<vmem_shared>>
    tpu.enqueue_indirect_dma source(%arg8 : memref<128x128xf32, #tpu.memory_space<vmem>>) target(%dma_start3A_71 : memref<10240x128xf32, #tpu.memory_space<vmem_shared>>) offsets(%dma_start3A_68 : memref<128xi32, #tpu.memory_space<vmem>>) semaphore(%arg12 : memref<!tpu.dma_semaphore, #tpu.memory_space<semaphore_mem>>) {add = true}
    %dma_wait3A_72 = arith.constant 32 : i32
    %dma_wait3A_73 = arith.constant 0 : i32
    %dma_wait3A_74 = tpu.memref_slice %arg6[%dma_wait3A_72, %dma_wait3A_73] : memref<34x128xi32, #tpu.memory_space<vmem>> -> memref<1x128xi32, #tpu.memory_space<vmem>>
    %dma_wait3A_75 = tpu.memref_squeeze %dma_wait3A_74 : memref<1x128xi32, #tpu.memory_space<vmem>> -> memref<128xi32, #tpu.memory_space<vmem>>
    %dma_wait3A_76 = arith.constant 0 : i32
    %dma_wait3A_77 = arith.constant 0 : i32
    %dma_wait3A_78 = tpu.memref_slice %arg13[%dma_wait3A_76, %dma_wait3A_77] : memref<10240x128xf32, #tpu.memory_space<vmem_shared>> -> memref<10240x128xf32, #tpu.memory_space<vmem_shared>>
    tpu.wait_indirect_dma semaphore(%arg11 : memref<!tpu.dma_semaphore, #tpu.memory_space<semaphore_mem>>) src(%arg7 : memref<128x128xf32, #tpu.memory_space<vmem>>) dst(%dma_wait3A_78 : memref<10240x128xf32, #tpu.memory_space<vmem_shared>>)
    %dma_wait3A_79 = arith.constant 33 : i32
    %dma_wait3A_80 = arith.constant 0 : i32
    %dma_wait3A_81 = tpu.memref_slice %arg6[%dma_wait3A_79, %dma_wait3A_80] : memref<34x128xi32, #tpu.memory_space<vmem>> -> memref<1x128xi32, #tpu.memory_space<vmem>>
    %dma_wait3A_82 = tpu.memref_squeeze %dma_wait3A_81 : memref<1x128xi32, #tpu.memory_space<vmem>> -> memref<128xi32, #tpu.memory_space<vmem>>
    %dma_wait3A_83 = arith.constant 0 : i32
    %dma_wait3A_84 = arith.constant 0 : i32
    %dma_wait3A_85 = tpu.memref_slice %arg13[%dma_wait3A_83, %dma_wait3A_84] : memref<10240x128xf32, #tpu.memory_space<vmem_shared>> -> memref<10240x128xf32, #tpu.memory_space<vmem_shared>>
    tpu.wait_indirect_dma semaphore(%arg12 : memref<!tpu.dma_semaphore, #tpu.memory_space<semaphore_mem>>) src(%arg8 : memref<128x128xf32, #tpu.memory_space<vmem>>) dst(%dma_wait3A_85 : memref<10240x128xf32, #tpu.memory_space<vmem_shared>>)
    %barrier3A_86 = arith.constant 0 : index
    tpu.barrier barrier_id(%barrier3A_86)
    %mul3A_87 = arith.constant 640 : i32
    %mul3A_88 = arith.muli %arg1, %mul3A_87 : i32
    %eq3A = arith.constant 0 : i32
    %eq3A_89 = arith.cmpi eq, %arg0, %eq3A : i32
    %convert_element_type3A = arith.extui %eq3A_89 : i1 to i32
    %cond3A = arith.constant 0 : i32
    %cond3A_90 = arith.cmpi ne, %convert_element_type3A, %cond3A : i32
    scf.if %cond3A_90 {
      "tpu.region"() ({
        %run_scoped3A = tpu.sem_alloc : memref<!tpu.dma_semaphore, #tpu.memory_space<semaphore_mem>>
        %dma_start3A_96 = arith.constant 0 : i32
        %dma_start3A_97 = tpu.memref_slice %arg4[%mul3A_88, %dma_start3A_96] : memref<10240x128xf32, #tpu.memory_space<hbm>> -> memref<640x128xf32, #tpu.memory_space<hbm>>
        %dma_start3A_98 = arith.constant 0 : i32
        %dma_start3A_99 = tpu.memref_slice %arg13[%mul3A_88, %dma_start3A_98] : memref<10240x128xf32, #tpu.memory_space<vmem_shared>> -> memref<640x128xf32, #tpu.memory_space<vmem_shared>>
        tpu.enqueue_dma source(%dma_start3A_99 : memref<640x128xf32, #tpu.memory_space<vmem_shared>>) target(%dma_start3A_97 : memref<640x128xf32, #tpu.memory_space<hbm>>) target_semaphore(%run_scoped3A : memref<!tpu.dma_semaphore, #tpu.memory_space<semaphore_mem>>)
        %dma_wait3A_100 = arith.constant 0 : i32
        %dma_wait3A_101 = tpu.memref_slice %arg4[%mul3A_88, %dma_wait3A_100] : memref<10240x128xf32, #tpu.memory_space<hbm>> -> memref<640x128xf32, #tpu.memory_space<hbm>>
        %dma_wait3A_102 = arith.constant 0 : i32
        %dma_wait3A_103 = tpu.memref_slice %arg13[%mul3A_88, %dma_wait3A_102] : memref<10240x128xf32, #tpu.memory_space<vmem_shared>> -> memref<640x128xf32, #tpu.memory_space<vmem_shared>>
        tpu.wait_dma2 semaphore(%run_scoped3A : memref<!tpu.dma_semaphore, #tpu.memory_space<semaphore_mem>>) src(%dma_wait3A_103 : memref<640x128xf32, #tpu.memory_space<vmem_shared>>) dst(%dma_wait3A_101 : memref<640x128xf32, #tpu.memory_space<hbm>>)
        tpu.yield
      }) : () -> ()
    } else {
    }
    %eq3A_91 = arith.constant 1 : i32
    %eq3A_92 = arith.cmpi eq, %arg0, %eq3A_91 : i32
    %convert_element_type3A_93 = arith.extui %eq3A_92 : i1 to i32
    %cond3A_94 = arith.constant 0 : i32
    %cond3A_95 = arith.cmpi ne, %convert_element_type3A_93, %cond3A_94 : i32
    scf.if %cond3A_95 {
      "tpu.region"() ({
        %run_scoped3A = tpu.sem_alloc : memref<!tpu.dma_semaphore, #tpu.memory_space<semaphore_mem>>
        %dma_start3A_96 = arith.constant 0 : i32
        %dma_start3A_97 = tpu.memref_slice %arg5[%mul3A_88, %dma_start3A_96] : memref<10240x128xf32, #tpu.memory_space<hbm>> -> memref<640x128xf32, #tpu.memory_space<hbm>>
        %dma_start3A_98 = arith.constant 0 : i32
        %dma_start3A_99 = tpu.memref_slice %arg13[%mul3A_88, %dma_start3A_98] : memref<10240x128xf32, #tpu.memory_space<vmem_shared>> -> memref<640x128xf32, #tpu.memory_space<vmem_shared>>
        tpu.enqueue_dma source(%dma_start3A_99 : memref<640x128xf32, #tpu.memory_space<vmem_shared>>) target(%dma_start3A_97 : memref<640x128xf32, #tpu.memory_space<hbm>>) target_semaphore(%run_scoped3A : memref<!tpu.dma_semaphore, #tpu.memory_space<semaphore_mem>>)
        %dma_wait3A_100 = arith.constant 0 : i32
        %dma_wait3A_101 = tpu.memref_slice %arg5[%mul3A_88, %dma_wait3A_100] : memref<10240x128xf32, #tpu.memory_space<hbm>> -> memref<640x128xf32, #tpu.memory_space<hbm>>
        %dma_wait3A_102 = arith.constant 0 : i32
        %dma_wait3A_103 = tpu.memref_slice %arg13[%mul3A_88, %dma_wait3A_102] : memref<10240x128xf32, #tpu.memory_space<vmem_shared>> -> memref<640x128xf32, #tpu.memory_space<vmem_shared>>
        tpu.wait_dma2 semaphore(%run_scoped3A : memref<!tpu.dma_semaphore, #tpu.memory_space<semaphore_mem>>) src(%dma_wait3A_103 : memref<640x128xf32, #tpu.memory_space<vmem_shared>>) dst(%dma_wait3A_101 : memref<640x128xf32, #tpu.memory_space<hbm>>)
        tpu.yield
      }) : () -> ()
    } else {
    }
    return
  }
}

#map = affine_map<(d0, d1) -> (0, 0)>
#map1 = affine_map<(d0, d1) -> (0, 0, 0)>
module attributes {stable_mosaic.version = 14 : i64} {
  func.func @body_fn(%arg0: i32, %arg1: i32, %arg2: memref<10240x128xf32, #tpu.memory_space<hbm>>, %arg3: memref<32x26x128xi32, #tpu.memory_space<hbm>>, %arg4: memref<106496x128xf32, #tpu.memory_space<hbm>>, %arg5: memref<26x128xi32, #tpu.memory_space<vmem>>, %arg6: memref<128x128xf32, #tpu.memory_space<vmem>>, %arg7: memref<128x128xf32, #tpu.memory_space<vmem>>, %arg8: memref<!tpu.dma_semaphore, #tpu.memory_space<semaphore_mem>>, %arg9: memref<!tpu.dma_semaphore, #tpu.memory_space<semaphore_mem>>, %arg10: memref<!tpu.dma_semaphore, #tpu.memory_space<semaphore_mem>>, %arg11: memref<!tpu.dma_semaphore, #tpu.memory_space<semaphore_mem>>, %arg12: memref<10240x128xf32, #tpu.memory_space<vmem_shared>>) attributes {dimension_semantics = [#tpu.dimension_semantics<core_parallel>, #tpu.dimension_semantics<subcore_parallel>], iteration_bounds = array<i64: 2, 16>, scalar_prefetch = 0 : i64, scratch_operands = 8 : i64, tpu.core_type = #tpu.core_type<sc_vector_subcore>, window_params = [{transform_indices = #map}, {transform_indices = #map1}, {transform_indices = #map}]} {
    %mul3A = arith.constant 2 : i32
    %mul3A_0 = arith.muli %arg1, %mul3A : i32
    %add3A = arith.addi %mul3A_0, %arg0 : i32
    %mul3A_1 = arith.constant 26 : i32
    %mul3A_2 = arith.muli %add3A, %mul3A_1 : i32
    %mul3A_3 = arith.constant 128 : i32
    %mul3A_4 = arith.muli %mul3A_2, %mul3A_3 : i32
    %mul3A_5 = arith.constant 640 : i32
    %mul3A_6 = arith.muli %arg1, %mul3A_5 : i32
    %mul3A_7 = arith.constant 640 : i32
    %mul3A_8 = arith.muli %arg1, %mul3A_7 : i32
    "tpu.region"() ({
      %run_scoped3A = tpu.sem_alloc : memref<!tpu.dma_semaphore, #tpu.memory_space<semaphore_mem>>
      %dma_start3A_64 = arith.constant 0 : i32
      %dma_start3A_65 = tpu.memref_slice %arg12[%mul3A_8, %dma_start3A_64] : memref<10240x128xf32, #tpu.memory_space<vmem_shared>> -> memref<640x128xf32, #tpu.memory_space<vmem_shared>>
      %dma_start3A_66 = arith.constant 0 : i32
      %dma_start3A_67 = tpu.memref_slice %arg2[%mul3A_6, %dma_start3A_66] : memref<10240x128xf32, #tpu.memory_space<hbm>> -> memref<640x128xf32, #tpu.memory_space<hbm>>
      tpu.enqueue_dma source(%dma_start3A_67 : memref<640x128xf32, #tpu.memory_space<hbm>>) target(%dma_start3A_65 : memref<640x128xf32, #tpu.memory_space<vmem_shared>>) target_semaphore(%run_scoped3A : memref<!tpu.dma_semaphore, #tpu.memory_space<semaphore_mem>>)
      %dma_wait3A_68 = arith.constant 0 : i32
      %dma_wait3A_69 = tpu.memref_slice %arg12[%mul3A_8, %dma_wait3A_68] : memref<10240x128xf32, #tpu.memory_space<vmem_shared>> -> memref<640x128xf32, #tpu.memory_space<vmem_shared>>
      %dma_wait3A_70 = arith.constant 0 : i32
      %dma_wait3A_71 = tpu.memref_slice %arg2[%mul3A_6, %dma_wait3A_70] : memref<10240x128xf32, #tpu.memory_space<hbm>> -> memref<640x128xf32, #tpu.memory_space<hbm>>
      tpu.wait_dma2 semaphore(%run_scoped3A : memref<!tpu.dma_semaphore, #tpu.memory_space<semaphore_mem>>) src(%dma_wait3A_71 : memref<640x128xf32, #tpu.memory_space<hbm>>) dst(%dma_wait3A_69 : memref<640x128xf32, #tpu.memory_space<vmem_shared>>)
      tpu.yield
    }) : () -> ()
    "tpu.region"() ({
      %run_scoped3A = tpu.sem_alloc : memref<!tpu.dma_semaphore, #tpu.memory_space<semaphore_mem>>
      %dma_start3A_64 = arith.constant 0 : i32
      %dma_start3A_65 = arith.constant 0 : i32
      %dma_start3A_66 = tpu.memref_slice %arg3[%add3A, %dma_start3A_64, %dma_start3A_65] : memref<32x26x128xi32, #tpu.memory_space<hbm>> -> memref<1x26x128xi32, #tpu.memory_space<hbm>>
      %dma_start3A_67 = tpu.memref_squeeze %dma_start3A_66 : memref<1x26x128xi32, #tpu.memory_space<hbm>> -> memref<26x128xi32, #tpu.memory_space<hbm>>
      %dma_start3A_68 = arith.constant 0 : i32
      %dma_start3A_69 = arith.constant 0 : i32
      %dma_start3A_70 = tpu.memref_slice %arg3[%add3A, %dma_start3A_68, %dma_start3A_69] : memref<32x26x128xi32, #tpu.memory_space<hbm>> -> memref<1x26x128xi32, #tpu.memory_space<hbm>>
      %dma_start3A_71 = tpu.memref_squeeze %dma_start3A_70 : memref<1x26x128xi32, #tpu.memory_space<hbm>> -> memref<26x128xi32, #tpu.memory_space<hbm>>
      tpu.enqueue_dma source(%dma_start3A_71 : memref<26x128xi32, #tpu.memory_space<hbm>>) target(%arg5 : memref<26x128xi32, #tpu.memory_space<vmem>>) target_semaphore(%run_scoped3A : memref<!tpu.dma_semaphore, #tpu.memory_space<semaphore_mem>>)
      %dma_wait3A_72 = arith.constant 0 : i32
      %dma_wait3A_73 = arith.constant 0 : i32
      %dma_wait3A_74 = tpu.memref_slice %arg3[%add3A, %dma_wait3A_72, %dma_wait3A_73] : memref<32x26x128xi32, #tpu.memory_space<hbm>> -> memref<1x26x128xi32, #tpu.memory_space<hbm>>
      %dma_wait3A_75 = tpu.memref_squeeze %dma_wait3A_74 : memref<1x26x128xi32, #tpu.memory_space<hbm>> -> memref<26x128xi32, #tpu.memory_space<hbm>>
      %dma_wait3A_76 = arith.constant 0 : i32
      %dma_wait3A_77 = arith.constant 0 : i32
      %dma_wait3A_78 = tpu.memref_slice %arg3[%add3A, %dma_wait3A_76, %dma_wait3A_77] : memref<32x26x128xi32, #tpu.memory_space<hbm>> -> memref<1x26x128xi32, #tpu.memory_space<hbm>>
      %dma_wait3A_79 = tpu.memref_squeeze %dma_wait3A_78 : memref<1x26x128xi32, #tpu.memory_space<hbm>> -> memref<26x128xi32, #tpu.memory_space<hbm>>
      tpu.wait_dma2 semaphore(%run_scoped3A : memref<!tpu.dma_semaphore, #tpu.memory_space<semaphore_mem>>) src(%dma_wait3A_79 : memref<26x128xi32, #tpu.memory_space<hbm>>) dst(%arg5 : memref<26x128xi32, #tpu.memory_space<vmem>>)
      tpu.yield
    }) : () -> ()
    %barrier3A = arith.constant 0 : index
    tpu.barrier barrier_id(%barrier3A)
    %dma_start3A = arith.constant 0 : i32
    %dma_start3A_9 = arith.constant 0 : i32
    %dma_start3A_10 = tpu.memref_slice %arg5[%dma_start3A, %dma_start3A_9] : memref<26x128xi32, #tpu.memory_space<vmem>> -> memref<1x128xi32, #tpu.memory_space<vmem>>
    %dma_start3A_11 = tpu.memref_squeeze %dma_start3A_10 : memref<1x128xi32, #tpu.memory_space<vmem>> -> memref<128xi32, #tpu.memory_space<vmem>>
    %dma_start3A_12 = arith.constant 0 : i32
    %dma_start3A_13 = arith.constant 0 : i32
    %dma_start3A_14 = tpu.memref_slice %arg12[%dma_start3A_12, %dma_start3A_13] : memref<10240x128xf32, #tpu.memory_space<vmem_shared>> -> memref<10240x128xf32, #tpu.memory_space<vmem_shared>>
    tpu.enqueue_indirect_dma source(%dma_start3A_14 : memref<10240x128xf32, #tpu.memory_space<vmem_shared>>) target(%arg6 : memref<128x128xf32, #tpu.memory_space<vmem>>) offsets(%dma_start3A_11 : memref<128xi32, #tpu.memory_space<vmem>>) semaphore(%arg8 : memref<!tpu.dma_semaphore, #tpu.memory_space<semaphore_mem>>)
    %dma_start3A_15 = arith.constant 1 : i32
    %dma_start3A_16 = arith.constant 0 : i32
    %dma_start3A_17 = tpu.memref_slice %arg5[%dma_start3A_15, %dma_start3A_16] : memref<26x128xi32, #tpu.memory_space<vmem>> -> memref<1x128xi32, #tpu.memory_space<vmem>>
    %dma_start3A_18 = tpu.memref_squeeze %dma_start3A_17 : memref<1x128xi32, #tpu.memory_space<vmem>> -> memref<128xi32, #tpu.memory_space<vmem>>
    %dma_start3A_19 = arith.constant 0 : i32
    %dma_start3A_20 = arith.constant 0 : i32
    %dma_start3A_21 = tpu.memref_slice %arg12[%dma_start3A_19, %dma_start3A_20] : memref<10240x128xf32, #tpu.memory_space<vmem_shared>> -> memref<10240x128xf32, #tpu.memory_space<vmem_shared>>
    tpu.enqueue_indirect_dma source(%dma_start3A_21 : memref<10240x128xf32, #tpu.memory_space<vmem_shared>>) target(%arg7 : memref<128x128xf32, #tpu.memory_space<vmem>>) offsets(%dma_start3A_18 : memref<128xi32, #tpu.memory_space<vmem>>) semaphore(%arg9 : memref<!tpu.dma_semaphore, #tpu.memory_space<semaphore_mem>>)
    %dma_wait3A = arith.constant 0 : i32
    %dma_wait3A_22 = arith.constant 0 : i32
    %dma_wait3A_23 = tpu.memref_slice %arg5[%dma_wait3A, %dma_wait3A_22] : memref<26x128xi32, #tpu.memory_space<vmem>> -> memref<1x128xi32, #tpu.memory_space<vmem>>
    %dma_wait3A_24 = tpu.memref_squeeze %dma_wait3A_23 : memref<1x128xi32, #tpu.memory_space<vmem>> -> memref<128xi32, #tpu.memory_space<vmem>>
    %dma_wait3A_25 = arith.constant 0 : i32
    %dma_wait3A_26 = arith.constant 0 : i32
    %dma_wait3A_27 = tpu.memref_slice %arg12[%dma_wait3A_25, %dma_wait3A_26] : memref<10240x128xf32, #tpu.memory_space<vmem_shared>> -> memref<10240x128xf32, #tpu.memory_space<vmem_shared>>
    tpu.wait_indirect_dma semaphore(%arg8 : memref<!tpu.dma_semaphore, #tpu.memory_space<semaphore_mem>>) src(%dma_wait3A_27 : memref<10240x128xf32, #tpu.memory_space<vmem_shared>>) dst(%arg6 : memref<128x128xf32, #tpu.memory_space<vmem>>)
    %add3A_28 = arith.constant 0 : i32
    %add3A_29 = arith.addi %mul3A_4, %add3A_28 : i32
    %dma_start3A_30 = arith.constant 0 : i32
    %dma_start3A_31 = tpu.memref_slice %arg4[%add3A_29, %dma_start3A_30] : memref<106496x128xf32, #tpu.memory_space<hbm>> -> memref<128x128xf32, #tpu.memory_space<hbm>>
    %dma_start3A_32 = arith.constant 0 : i32
    %dma_start3A_33 = tpu.memref_slice %arg4[%add3A_29, %dma_start3A_32] : memref<106496x128xf32, #tpu.memory_space<hbm>> -> memref<128x128xf32, #tpu.memory_space<hbm>>
    tpu.enqueue_dma source(%arg6 : memref<128x128xf32, #tpu.memory_space<vmem>>) target(%dma_start3A_33 : memref<128x128xf32, #tpu.memory_space<hbm>>) target_semaphore(%arg10 : memref<!tpu.dma_semaphore, #tpu.memory_space<semaphore_mem>>)
    %scan3A = arith.constant 0 : i32
    %scan3A_34 = arith.constant 1 : i32
    %scan3A_35 = arith.constant 12 : i32
    %scan3A_36 = arith.addi %scan3A_34, %scan3A_35 : i32
    %scan3A_37 = arith.constant 1 : i32
    scf.for %scan3A_64 = %scan3A_34 to %scan3A_36 step %scan3A_37  : i32 {
      %mul3A_65 = arith.constant 2 : i32
      %mul3A_66 = arith.muli %scan3A_64, %mul3A_65 : i32
      %add3A_67 = arith.constant 0 : i32
      %add3A_68 = arith.addi %mul3A_66, %add3A_67 : i32
      %sub3A = arith.constant 2 : i32
      %sub3A_69 = arith.subi %add3A_68, %sub3A : i32
      %mul3A_70 = arith.constant 128 : i32
      %mul3A_71 = arith.muli %sub3A_69, %mul3A_70 : i32
      %add3A_72 = arith.addi %mul3A_4, %mul3A_71 : i32
      %dma_wait3A_73 = arith.constant 0 : i32
      %dma_wait3A_74 = tpu.memref_slice %arg4[%add3A_72, %dma_wait3A_73] : memref<106496x128xf32, #tpu.memory_space<hbm>> -> memref<128x128xf32, #tpu.memory_space<hbm>>
      %dma_wait3A_75 = arith.constant 0 : i32
      %dma_wait3A_76 = tpu.memref_slice %arg4[%add3A_72, %dma_wait3A_75] : memref<106496x128xf32, #tpu.memory_space<hbm>> -> memref<128x128xf32, #tpu.memory_space<hbm>>
      tpu.wait_dma2 semaphore(%arg10 : memref<!tpu.dma_semaphore, #tpu.memory_space<semaphore_mem>>) src(%arg6 : memref<128x128xf32, #tpu.memory_space<vmem>>) dst(%dma_wait3A_76 : memref<128x128xf32, #tpu.memory_space<hbm>>)
      %dma_start3A_77 = arith.constant 0 : i32
      %dma_start3A_78 = tpu.memref_slice %arg5[%add3A_68, %dma_start3A_77] : memref<26x128xi32, #tpu.memory_space<vmem>> -> memref<1x128xi32, #tpu.memory_space<vmem>>
      %dma_start3A_79 = tpu.memref_squeeze %dma_start3A_78 : memref<1x128xi32, #tpu.memory_space<vmem>> -> memref<128xi32, #tpu.memory_space<vmem>>
      %dma_start3A_80 = arith.constant 0 : i32
      %dma_start3A_81 = arith.constant 0 : i32
      %dma_start3A_82 = tpu.memref_slice %arg12[%dma_start3A_80, %dma_start3A_81] : memref<10240x128xf32, #tpu.memory_space<vmem_shared>> -> memref<10240x128xf32, #tpu.memory_space<vmem_shared>>
      tpu.enqueue_indirect_dma source(%dma_start3A_82 : memref<10240x128xf32, #tpu.memory_space<vmem_shared>>) target(%arg6 : memref<128x128xf32, #tpu.memory_space<vmem>>) offsets(%dma_start3A_79 : memref<128xi32, #tpu.memory_space<vmem>>) semaphore(%arg8 : memref<!tpu.dma_semaphore, #tpu.memory_space<semaphore_mem>>)
      %sub3A_83 = arith.constant 1 : i32
      %sub3A_84 = arith.subi %add3A_68, %sub3A_83 : i32
      %dma_wait3A_85 = arith.constant 0 : i32
      %dma_wait3A_86 = tpu.memref_slice %arg5[%sub3A_84, %dma_wait3A_85] : memref<26x128xi32, #tpu.memory_space<vmem>> -> memref<1x128xi32, #tpu.memory_space<vmem>>
      %dma_wait3A_87 = tpu.memref_squeeze %dma_wait3A_86 : memref<1x128xi32, #tpu.memory_space<vmem>> -> memref<128xi32, #tpu.memory_space<vmem>>
      %dma_wait3A_88 = arith.constant 0 : i32
      %dma_wait3A_89 = arith.constant 0 : i32
      %dma_wait3A_90 = tpu.memref_slice %arg12[%dma_wait3A_88, %dma_wait3A_89] : memref<10240x128xf32, #tpu.memory_space<vmem_shared>> -> memref<10240x128xf32, #tpu.memory_space<vmem_shared>>
      tpu.wait_indirect_dma semaphore(%arg9 : memref<!tpu.dma_semaphore, #tpu.memory_space<semaphore_mem>>) src(%dma_wait3A_90 : memref<10240x128xf32, #tpu.memory_space<vmem_shared>>) dst(%arg7 : memref<128x128xf32, #tpu.memory_space<vmem>>)
      %sub3A_91 = arith.constant 1 : i32
      %sub3A_92 = arith.subi %add3A_68, %sub3A_91 : i32
      %mul3A_93 = arith.constant 128 : i32
      %mul3A_94 = arith.muli %sub3A_92, %mul3A_93 : i32
      %add3A_95 = arith.addi %mul3A_4, %mul3A_94 : i32
      %dma_start3A_96 = arith.constant 0 : i32
      %dma_start3A_97 = tpu.memref_slice %arg4[%add3A_95, %dma_start3A_96] : memref<106496x128xf32, #tpu.memory_space<hbm>> -> memref<128x128xf32, #tpu.memory_space<hbm>>
      %dma_start3A_98 = arith.constant 0 : i32
      %dma_start3A_99 = tpu.memref_slice %arg4[%add3A_95, %dma_start3A_98] : memref<106496x128xf32, #tpu.memory_space<hbm>> -> memref<128x128xf32, #tpu.memory_space<hbm>>
      tpu.enqueue_dma source(%arg7 : memref<128x128xf32, #tpu.memory_space<vmem>>) target(%dma_start3A_99 : memref<128x128xf32, #tpu.memory_space<hbm>>) target_semaphore(%arg11 : memref<!tpu.dma_semaphore, #tpu.memory_space<semaphore_mem>>)
      %mul3A_100 = arith.constant 2 : i32
      %mul3A_101 = arith.muli %scan3A_64, %mul3A_100 : i32
      %add3A_102 = arith.constant 1 : i32
      %add3A_103 = arith.addi %mul3A_101, %add3A_102 : i32
      %sub3A_104 = arith.constant 2 : i32
      %sub3A_105 = arith.subi %add3A_103, %sub3A_104 : i32
      %mul3A_106 = arith.constant 128 : i32
      %mul3A_107 = arith.muli %sub3A_105, %mul3A_106 : i32
      %add3A_108 = arith.addi %mul3A_4, %mul3A_107 : i32
      %dma_wait3A_109 = arith.constant 0 : i32
      %dma_wait3A_110 = tpu.memref_slice %arg4[%add3A_108, %dma_wait3A_109] : memref<106496x128xf32, #tpu.memory_space<hbm>> -> memref<128x128xf32, #tpu.memory_space<hbm>>
      %dma_wait3A_111 = arith.constant 0 : i32
      %dma_wait3A_112 = tpu.memref_slice %arg4[%add3A_108, %dma_wait3A_111] : memref<106496x128xf32, #tpu.memory_space<hbm>> -> memref<128x128xf32, #tpu.memory_space<hbm>>
      tpu.wait_dma2 semaphore(%arg11 : memref<!tpu.dma_semaphore, #tpu.memory_space<semaphore_mem>>) src(%arg7 : memref<128x128xf32, #tpu.memory_space<vmem>>) dst(%dma_wait3A_112 : memref<128x128xf32, #tpu.memory_space<hbm>>)
      %dma_start3A_113 = arith.constant 0 : i32
      %dma_start3A_114 = tpu.memref_slice %arg5[%add3A_103, %dma_start3A_113] : memref<26x128xi32, #tpu.memory_space<vmem>> -> memref<1x128xi32, #tpu.memory_space<vmem>>
      %dma_start3A_115 = tpu.memref_squeeze %dma_start3A_114 : memref<1x128xi32, #tpu.memory_space<vmem>> -> memref<128xi32, #tpu.memory_space<vmem>>
      %dma_start3A_116 = arith.constant 0 : i32
      %dma_start3A_117 = arith.constant 0 : i32
      %dma_start3A_118 = tpu.memref_slice %arg12[%dma_start3A_116, %dma_start3A_117] : memref<10240x128xf32, #tpu.memory_space<vmem_shared>> -> memref<10240x128xf32, #tpu.memory_space<vmem_shared>>
      tpu.enqueue_indirect_dma source(%dma_start3A_118 : memref<10240x128xf32, #tpu.memory_space<vmem_shared>>) target(%arg7 : memref<128x128xf32, #tpu.memory_space<vmem>>) offsets(%dma_start3A_115 : memref<128xi32, #tpu.memory_space<vmem>>) semaphore(%arg9 : memref<!tpu.dma_semaphore, #tpu.memory_space<semaphore_mem>>)
      %sub3A_119 = arith.constant 1 : i32
      %sub3A_120 = arith.subi %add3A_103, %sub3A_119 : i32
      %dma_wait3A_121 = arith.constant 0 : i32
      %dma_wait3A_122 = tpu.memref_slice %arg5[%sub3A_120, %dma_wait3A_121] : memref<26x128xi32, #tpu.memory_space<vmem>> -> memref<1x128xi32, #tpu.memory_space<vmem>>
      %dma_wait3A_123 = tpu.memref_squeeze %dma_wait3A_122 : memref<1x128xi32, #tpu.memory_space<vmem>> -> memref<128xi32, #tpu.memory_space<vmem>>
      %dma_wait3A_124 = arith.constant 0 : i32
      %dma_wait3A_125 = arith.constant 0 : i32
      %dma_wait3A_126 = tpu.memref_slice %arg12[%dma_wait3A_124, %dma_wait3A_125] : memref<10240x128xf32, #tpu.memory_space<vmem_shared>> -> memref<10240x128xf32, #tpu.memory_space<vmem_shared>>
      tpu.wait_indirect_dma semaphore(%arg8 : memref<!tpu.dma_semaphore, #tpu.memory_space<semaphore_mem>>) src(%dma_wait3A_126 : memref<10240x128xf32, #tpu.memory_space<vmem_shared>>) dst(%arg6 : memref<128x128xf32, #tpu.memory_space<vmem>>)
      %sub3A_127 = arith.constant 1 : i32
      %sub3A_128 = arith.subi %add3A_103, %sub3A_127 : i32
      %mul3A_129 = arith.constant 128 : i32
      %mul3A_130 = arith.muli %sub3A_128, %mul3A_129 : i32
      %add3A_131 = arith.addi %mul3A_4, %mul3A_130 : i32
      %dma_start3A_132 = arith.constant 0 : i32
      %dma_start3A_133 = tpu.memref_slice %arg4[%add3A_131, %dma_start3A_132] : memref<106496x128xf32, #tpu.memory_space<hbm>> -> memref<128x128xf32, #tpu.memory_space<hbm>>
      %dma_start3A_134 = arith.constant 0 : i32
      %dma_start3A_135 = tpu.memref_slice %arg4[%add3A_131, %dma_start3A_134] : memref<106496x128xf32, #tpu.memory_space<hbm>> -> memref<128x128xf32, #tpu.memory_space<hbm>>
      tpu.enqueue_dma source(%arg6 : memref<128x128xf32, #tpu.memory_space<vmem>>) target(%dma_start3A_135 : memref<128x128xf32, #tpu.memory_space<hbm>>) target_semaphore(%arg10 : memref<!tpu.dma_semaphore, #tpu.memory_space<semaphore_mem>>)
    }
    %scan3A_38 = arith.constant 12 : i32
    %dma_wait3A_39 = arith.constant 25 : i32
    %dma_wait3A_40 = arith.constant 0 : i32
    %dma_wait3A_41 = tpu.memref_slice %arg5[%dma_wait3A_39, %dma_wait3A_40] : memref<26x128xi32, #tpu.memory_space<vmem>> -> memref<1x128xi32, #tpu.memory_space<vmem>>
    %dma_wait3A_42 = tpu.memref_squeeze %dma_wait3A_41 : memref<1x128xi32, #tpu.memory_space<vmem>> -> memref<128xi32, #tpu.memory_space<vmem>>
    %dma_wait3A_43 = arith.constant 0 : i32
    %dma_wait3A_44 = arith.constant 0 : i32
    %dma_wait3A_45 = tpu.memref_slice %arg12[%dma_wait3A_43, %dma_wait3A_44] : memref<10240x128xf32, #tpu.memory_space<vmem_shared>> -> memref<10240x128xf32, #tpu.memory_space<vmem_shared>>
    tpu.wait_indirect_dma semaphore(%arg9 : memref<!tpu.dma_semaphore, #tpu.memory_space<semaphore_mem>>) src(%dma_wait3A_45 : memref<10240x128xf32, #tpu.memory_space<vmem_shared>>) dst(%arg7 : memref<128x128xf32, #tpu.memory_space<vmem>>)
    %add3A_46 = arith.constant 3200 : i32
    %add3A_47 = arith.addi %mul3A_4, %add3A_46 : i32
    %dma_start3A_48 = arith.constant 0 : i32
    %dma_start3A_49 = tpu.memref_slice %arg4[%add3A_47, %dma_start3A_48] : memref<106496x128xf32, #tpu.memory_space<hbm>> -> memref<128x128xf32, #tpu.memory_space<hbm>>
    %dma_start3A_50 = arith.constant 0 : i32
    %dma_start3A_51 = tpu.memref_slice %arg4[%add3A_47, %dma_start3A_50] : memref<106496x128xf32, #tpu.memory_space<hbm>> -> memref<128x128xf32, #tpu.memory_space<hbm>>
    tpu.enqueue_dma source(%arg7 : memref<128x128xf32, #tpu.memory_space<vmem>>) target(%dma_start3A_51 : memref<128x128xf32, #tpu.memory_space<hbm>>) target_semaphore(%arg11 : memref<!tpu.dma_semaphore, #tpu.memory_space<semaphore_mem>>)
    %add3A_52 = arith.constant 3072 : i32
    %add3A_53 = arith.addi %mul3A_4, %add3A_52 : i32
    %dma_wait3A_54 = arith.constant 0 : i32
    %dma_wait3A_55 = tpu.memref_slice %arg4[%add3A_53, %dma_wait3A_54] : memref<106496x128xf32, #tpu.memory_space<hbm>> -> memref<128x128xf32, #tpu.memory_space<hbm>>
    %dma_wait3A_56 = arith.constant 0 : i32
    %dma_wait3A_57 = tpu.memref_slice %arg4[%add3A_53, %dma_wait3A_56] : memref<106496x128xf32, #tpu.memory_space<hbm>> -> memref<128x128xf32, #tpu.memory_space<hbm>>
    tpu.wait_dma2 semaphore(%arg10 : memref<!tpu.dma_semaphore, #tpu.memory_space<semaphore_mem>>) src(%arg6 : memref<128x128xf32, #tpu.memory_space<vmem>>) dst(%dma_wait3A_57 : memref<128x128xf32, #tpu.memory_space<hbm>>)
    %add3A_58 = arith.constant 3200 : i32
    %add3A_59 = arith.addi %mul3A_4, %add3A_58 : i32
    %dma_wait3A_60 = arith.constant 0 : i32
    %dma_wait3A_61 = tpu.memref_slice %arg4[%add3A_59, %dma_wait3A_60] : memref<106496x128xf32, #tpu.memory_space<hbm>> -> memref<128x128xf32, #tpu.memory_space<hbm>>
    %dma_wait3A_62 = arith.constant 0 : i32
    %dma_wait3A_63 = tpu.memref_slice %arg4[%add3A_59, %dma_wait3A_62] : memref<106496x128xf32, #tpu.memory_space<hbm>> -> memref<128x128xf32, #tpu.memory_space<hbm>>
    tpu.wait_dma2 semaphore(%arg11 : memref<!tpu.dma_semaphore, #tpu.memory_space<semaphore_mem>>) src(%arg7 : memref<128x128xf32, #tpu.memory_space<vmem>>) dst(%dma_wait3A_63 : memref<128x128xf32, #tpu.memory_space<hbm>>)
    return
  }
}

#map = affine_map<(d0, d1) -> (0, 0)>
#map1 = affine_map<(d0, d1) -> (0, 0, 0)>
module attributes {stable_mosaic.version = 14 : i64} {
  func.func @body_fn(%arg0: i32, %arg1: i32, %arg2: memref<10240x128xf32, #tpu.memory_space<hbm>>, %arg3: memref<32x34x128xi32, #tpu.memory_space<hbm>>, %arg4: memref<139264x128xf32, #tpu.memory_space<hbm>>, %arg5: memref<34x128xi32, #tpu.memory_space<vmem>>, %arg6: memref<128x128xf32, #tpu.memory_space<vmem>>, %arg7: memref<128x128xf32, #tpu.memory_space<vmem>>, %arg8: memref<!tpu.dma_semaphore, #tpu.memory_space<semaphore_mem>>, %arg9: memref<!tpu.dma_semaphore, #tpu.memory_space<semaphore_mem>>, %arg10: memref<!tpu.dma_semaphore, #tpu.memory_space<semaphore_mem>>, %arg11: memref<!tpu.dma_semaphore, #tpu.memory_space<semaphore_mem>>, %arg12: memref<10240x128xf32, #tpu.memory_space<vmem_shared>>) attributes {dimension_semantics = [#tpu.dimension_semantics<core_parallel>, #tpu.dimension_semantics<subcore_parallel>], iteration_bounds = array<i64: 2, 16>, scalar_prefetch = 0 : i64, scratch_operands = 8 : i64, tpu.core_type = #tpu.core_type<sc_vector_subcore>, window_params = [{transform_indices = #map}, {transform_indices = #map1}, {transform_indices = #map}]} {
    %mul3A = arith.constant 2 : i32
    %mul3A_0 = arith.muli %arg1, %mul3A : i32
    %add3A = arith.addi %mul3A_0, %arg0 : i32
    %mul3A_1 = arith.constant 34 : i32
    %mul3A_2 = arith.muli %add3A, %mul3A_1 : i32
    %mul3A_3 = arith.constant 128 : i32
    %mul3A_4 = arith.muli %mul3A_2, %mul3A_3 : i32
    %mul3A_5 = arith.constant 640 : i32
    %mul3A_6 = arith.muli %arg1, %mul3A_5 : i32
    %mul3A_7 = arith.constant 640 : i32
    %mul3A_8 = arith.muli %arg1, %mul3A_7 : i32
    "tpu.region"() ({
      %run_scoped3A = tpu.sem_alloc : memref<!tpu.dma_semaphore, #tpu.memory_space<semaphore_mem>>
      %dma_start3A_64 = arith.constant 0 : i32
      %dma_start3A_65 = tpu.memref_slice %arg12[%mul3A_8, %dma_start3A_64] : memref<10240x128xf32, #tpu.memory_space<vmem_shared>> -> memref<640x128xf32, #tpu.memory_space<vmem_shared>>
      %dma_start3A_66 = arith.constant 0 : i32
      %dma_start3A_67 = tpu.memref_slice %arg2[%mul3A_6, %dma_start3A_66] : memref<10240x128xf32, #tpu.memory_space<hbm>> -> memref<640x128xf32, #tpu.memory_space<hbm>>
      tpu.enqueue_dma source(%dma_start3A_67 : memref<640x128xf32, #tpu.memory_space<hbm>>) target(%dma_start3A_65 : memref<640x128xf32, #tpu.memory_space<vmem_shared>>) target_semaphore(%run_scoped3A : memref<!tpu.dma_semaphore, #tpu.memory_space<semaphore_mem>>)
      %dma_wait3A_68 = arith.constant 0 : i32
      %dma_wait3A_69 = tpu.memref_slice %arg12[%mul3A_8, %dma_wait3A_68] : memref<10240x128xf32, #tpu.memory_space<vmem_shared>> -> memref<640x128xf32, #tpu.memory_space<vmem_shared>>
      %dma_wait3A_70 = arith.constant 0 : i32
      %dma_wait3A_71 = tpu.memref_slice %arg2[%mul3A_6, %dma_wait3A_70] : memref<10240x128xf32, #tpu.memory_space<hbm>> -> memref<640x128xf32, #tpu.memory_space<hbm>>
      tpu.wait_dma2 semaphore(%run_scoped3A : memref<!tpu.dma_semaphore, #tpu.memory_space<semaphore_mem>>) src(%dma_wait3A_71 : memref<640x128xf32, #tpu.memory_space<hbm>>) dst(%dma_wait3A_69 : memref<640x128xf32, #tpu.memory_space<vmem_shared>>)
      tpu.yield
    }) : () -> ()
    "tpu.region"() ({
      %run_scoped3A = tpu.sem_alloc : memref<!tpu.dma_semaphore, #tpu.memory_space<semaphore_mem>>
      %dma_start3A_64 = arith.constant 0 : i32
      %dma_start3A_65 = arith.constant 0 : i32
      %dma_start3A_66 = tpu.memref_slice %arg3[%add3A, %dma_start3A_64, %dma_start3A_65] : memref<32x34x128xi32, #tpu.memory_space<hbm>> -> memref<1x34x128xi32, #tpu.memory_space<hbm>>
      %dma_start3A_67 = tpu.memref_squeeze %dma_start3A_66 : memref<1x34x128xi32, #tpu.memory_space<hbm>> -> memref<34x128xi32, #tpu.memory_space<hbm>>
      %dma_start3A_68 = arith.constant 0 : i32
      %dma_start3A_69 = arith.constant 0 : i32
      %dma_start3A_70 = tpu.memref_slice %arg3[%add3A, %dma_start3A_68, %dma_start3A_69] : memref<32x34x128xi32, #tpu.memory_space<hbm>> -> memref<1x34x128xi32, #tpu.memory_space<hbm>>
      %dma_start3A_71 = tpu.memref_squeeze %dma_start3A_70 : memref<1x34x128xi32, #tpu.memory_space<hbm>> -> memref<34x128xi32, #tpu.memory_space<hbm>>
      tpu.enqueue_dma source(%dma_start3A_71 : memref<34x128xi32, #tpu.memory_space<hbm>>) target(%arg5 : memref<34x128xi32, #tpu.memory_space<vmem>>) target_semaphore(%run_scoped3A : memref<!tpu.dma_semaphore, #tpu.memory_space<semaphore_mem>>)
      %dma_wait3A_72 = arith.constant 0 : i32
      %dma_wait3A_73 = arith.constant 0 : i32
      %dma_wait3A_74 = tpu.memref_slice %arg3[%add3A, %dma_wait3A_72, %dma_wait3A_73] : memref<32x34x128xi32, #tpu.memory_space<hbm>> -> memref<1x34x128xi32, #tpu.memory_space<hbm>>
      %dma_wait3A_75 = tpu.memref_squeeze %dma_wait3A_74 : memref<1x34x128xi32, #tpu.memory_space<hbm>> -> memref<34x128xi32, #tpu.memory_space<hbm>>
      %dma_wait3A_76 = arith.constant 0 : i32
      %dma_wait3A_77 = arith.constant 0 : i32
      %dma_wait3A_78 = tpu.memref_slice %arg3[%add3A, %dma_wait3A_76, %dma_wait3A_77] : memref<32x34x128xi32, #tpu.memory_space<hbm>> -> memref<1x34x128xi32, #tpu.memory_space<hbm>>
      %dma_wait3A_79 = tpu.memref_squeeze %dma_wait3A_78 : memref<1x34x128xi32, #tpu.memory_space<hbm>> -> memref<34x128xi32, #tpu.memory_space<hbm>>
      tpu.wait_dma2 semaphore(%run_scoped3A : memref<!tpu.dma_semaphore, #tpu.memory_space<semaphore_mem>>) src(%dma_wait3A_79 : memref<34x128xi32, #tpu.memory_space<hbm>>) dst(%arg5 : memref<34x128xi32, #tpu.memory_space<vmem>>)
      tpu.yield
    }) : () -> ()
    %barrier3A = arith.constant 0 : index
    tpu.barrier barrier_id(%barrier3A)
    %dma_start3A = arith.constant 0 : i32
    %dma_start3A_9 = arith.constant 0 : i32
    %dma_start3A_10 = tpu.memref_slice %arg5[%dma_start3A, %dma_start3A_9] : memref<34x128xi32, #tpu.memory_space<vmem>> -> memref<1x128xi32, #tpu.memory_space<vmem>>
    %dma_start3A_11 = tpu.memref_squeeze %dma_start3A_10 : memref<1x128xi32, #tpu.memory_space<vmem>> -> memref<128xi32, #tpu.memory_space<vmem>>
    %dma_start3A_12 = arith.constant 0 : i32
    %dma_start3A_13 = arith.constant 0 : i32
    %dma_start3A_14 = tpu.memref_slice %arg12[%dma_start3A_12, %dma_start3A_13] : memref<10240x128xf32, #tpu.memory_space<vmem_shared>> -> memref<10240x128xf32, #tpu.memory_space<vmem_shared>>
    tpu.enqueue_indirect_dma source(%dma_start3A_14 : memref<10240x128xf32, #tpu.memory_space<vmem_shared>>) target(%arg6 : memref<128x128xf32, #tpu.memory_space<vmem>>) offsets(%dma_start3A_11 : memref<128xi32, #tpu.memory_space<vmem>>) semaphore(%arg8 : memref<!tpu.dma_semaphore, #tpu.memory_space<semaphore_mem>>)
    %dma_start3A_15 = arith.constant 1 : i32
    %dma_start3A_16 = arith.constant 0 : i32
    %dma_start3A_17 = tpu.memref_slice %arg5[%dma_start3A_15, %dma_start3A_16] : memref<34x128xi32, #tpu.memory_space<vmem>> -> memref<1x128xi32, #tpu.memory_space<vmem>>
    %dma_start3A_18 = tpu.memref_squeeze %dma_start3A_17 : memref<1x128xi32, #tpu.memory_space<vmem>> -> memref<128xi32, #tpu.memory_space<vmem>>
    %dma_start3A_19 = arith.constant 0 : i32
    %dma_start3A_20 = arith.constant 0 : i32
    %dma_start3A_21 = tpu.memref_slice %arg12[%dma_start3A_19, %dma_start3A_20] : memref<10240x128xf32, #tpu.memory_space<vmem_shared>> -> memref<10240x128xf32, #tpu.memory_space<vmem_shared>>
    tpu.enqueue_indirect_dma source(%dma_start3A_21 : memref<10240x128xf32, #tpu.memory_space<vmem_shared>>) target(%arg7 : memref<128x128xf32, #tpu.memory_space<vmem>>) offsets(%dma_start3A_18 : memref<128xi32, #tpu.memory_space<vmem>>) semaphore(%arg9 : memref<!tpu.dma_semaphore, #tpu.memory_space<semaphore_mem>>)
    %dma_wait3A = arith.constant 0 : i32
    %dma_wait3A_22 = arith.constant 0 : i32
    %dma_wait3A_23 = tpu.memref_slice %arg5[%dma_wait3A, %dma_wait3A_22] : memref<34x128xi32, #tpu.memory_space<vmem>> -> memref<1x128xi32, #tpu.memory_space<vmem>>
    %dma_wait3A_24 = tpu.memref_squeeze %dma_wait3A_23 : memref<1x128xi32, #tpu.memory_space<vmem>> -> memref<128xi32, #tpu.memory_space<vmem>>
    %dma_wait3A_25 = arith.constant 0 : i32
    %dma_wait3A_26 = arith.constant 0 : i32
    %dma_wait3A_27 = tpu.memref_slice %arg12[%dma_wait3A_25, %dma_wait3A_26] : memref<10240x128xf32, #tpu.memory_space<vmem_shared>> -> memref<10240x128xf32, #tpu.memory_space<vmem_shared>>
    tpu.wait_indirect_dma semaphore(%arg8 : memref<!tpu.dma_semaphore, #tpu.memory_space<semaphore_mem>>) src(%dma_wait3A_27 : memref<10240x128xf32, #tpu.memory_space<vmem_shared>>) dst(%arg6 : memref<128x128xf32, #tpu.memory_space<vmem>>)
    %add3A_28 = arith.constant 0 : i32
    %add3A_29 = arith.addi %mul3A_4, %add3A_28 : i32
    %dma_start3A_30 = arith.constant 0 : i32
    %dma_start3A_31 = tpu.memref_slice %arg4[%add3A_29, %dma_start3A_30] : memref<139264x128xf32, #tpu.memory_space<hbm>> -> memref<128x128xf32, #tpu.memory_space<hbm>>
    %dma_start3A_32 = arith.constant 0 : i32
    %dma_start3A_33 = tpu.memref_slice %arg4[%add3A_29, %dma_start3A_32] : memref<139264x128xf32, #tpu.memory_space<hbm>> -> memref<128x128xf32, #tpu.memory_space<hbm>>
    tpu.enqueue_dma source(%arg6 : memref<128x128xf32, #tpu.memory_space<vmem>>) target(%dma_start3A_33 : memref<128x128xf32, #tpu.memory_space<hbm>>) target_semaphore(%arg10 : memref<!tpu.dma_semaphore, #tpu.memory_space<semaphore_mem>>)
    %scan3A = arith.constant 0 : i32
    %scan3A_34 = arith.constant 1 : i32
    %scan3A_35 = arith.constant 16 : i32
    %scan3A_36 = arith.addi %scan3A_34, %scan3A_35 : i32
    %scan3A_37 = arith.constant 1 : i32
    scf.for %scan3A_64 = %scan3A_34 to %scan3A_36 step %scan3A_37  : i32 {
      %mul3A_65 = arith.constant 2 : i32
      %mul3A_66 = arith.muli %scan3A_64, %mul3A_65 : i32
      %add3A_67 = arith.constant 0 : i32
      %add3A_68 = arith.addi %mul3A_66, %add3A_67 : i32
      %sub3A = arith.constant 2 : i32
      %sub3A_69 = arith.subi %add3A_68, %sub3A : i32
      %mul3A_70 = arith.constant 128 : i32
      %mul3A_71 = arith.muli %sub3A_69, %mul3A_70 : i32
      %add3A_72 = arith.addi %mul3A_4, %mul3A_71 : i32
      %dma_wait3A_73 = arith.constant 0 : i32
      %dma_wait3A_74 = tpu.memref_slice %arg4[%add3A_72, %dma_wait3A_73] : memref<139264x128xf32, #tpu.memory_space<hbm>> -> memref<128x128xf32, #tpu.memory_space<hbm>>
      %dma_wait3A_75 = arith.constant 0 : i32
      %dma_wait3A_76 = tpu.memref_slice %arg4[%add3A_72, %dma_wait3A_75] : memref<139264x128xf32, #tpu.memory_space<hbm>> -> memref<128x128xf32, #tpu.memory_space<hbm>>
      tpu.wait_dma2 semaphore(%arg10 : memref<!tpu.dma_semaphore, #tpu.memory_space<semaphore_mem>>) src(%arg6 : memref<128x128xf32, #tpu.memory_space<vmem>>) dst(%dma_wait3A_76 : memref<128x128xf32, #tpu.memory_space<hbm>>)
      %dma_start3A_77 = arith.constant 0 : i32
      %dma_start3A_78 = tpu.memref_slice %arg5[%add3A_68, %dma_start3A_77] : memref<34x128xi32, #tpu.memory_space<vmem>> -> memref<1x128xi32, #tpu.memory_space<vmem>>
      %dma_start3A_79 = tpu.memref_squeeze %dma_start3A_78 : memref<1x128xi32, #tpu.memory_space<vmem>> -> memref<128xi32, #tpu.memory_space<vmem>>
      %dma_start3A_80 = arith.constant 0 : i32
      %dma_start3A_81 = arith.constant 0 : i32
      %dma_start3A_82 = tpu.memref_slice %arg12[%dma_start3A_80, %dma_start3A_81] : memref<10240x128xf32, #tpu.memory_space<vmem_shared>> -> memref<10240x128xf32, #tpu.memory_space<vmem_shared>>
      tpu.enqueue_indirect_dma source(%dma_start3A_82 : memref<10240x128xf32, #tpu.memory_space<vmem_shared>>) target(%arg6 : memref<128x128xf32, #tpu.memory_space<vmem>>) offsets(%dma_start3A_79 : memref<128xi32, #tpu.memory_space<vmem>>) semaphore(%arg8 : memref<!tpu.dma_semaphore, #tpu.memory_space<semaphore_mem>>)
      %sub3A_83 = arith.constant 1 : i32
      %sub3A_84 = arith.subi %add3A_68, %sub3A_83 : i32
      %dma_wait3A_85 = arith.constant 0 : i32
      %dma_wait3A_86 = tpu.memref_slice %arg5[%sub3A_84, %dma_wait3A_85] : memref<34x128xi32, #tpu.memory_space<vmem>> -> memref<1x128xi32, #tpu.memory_space<vmem>>
      %dma_wait3A_87 = tpu.memref_squeeze %dma_wait3A_86 : memref<1x128xi32, #tpu.memory_space<vmem>> -> memref<128xi32, #tpu.memory_space<vmem>>
      %dma_wait3A_88 = arith.constant 0 : i32
      %dma_wait3A_89 = arith.constant 0 : i32
      %dma_wait3A_90 = tpu.memref_slice %arg12[%dma_wait3A_88, %dma_wait3A_89] : memref<10240x128xf32, #tpu.memory_space<vmem_shared>> -> memref<10240x128xf32, #tpu.memory_space<vmem_shared>>
      tpu.wait_indirect_dma semaphore(%arg9 : memref<!tpu.dma_semaphore, #tpu.memory_space<semaphore_mem>>) src(%dma_wait3A_90 : memref<10240x128xf32, #tpu.memory_space<vmem_shared>>) dst(%arg7 : memref<128x128xf32, #tpu.memory_space<vmem>>)
      %sub3A_91 = arith.constant 1 : i32
      %sub3A_92 = arith.subi %add3A_68, %sub3A_91 : i32
      %mul3A_93 = arith.constant 128 : i32
      %mul3A_94 = arith.muli %sub3A_92, %mul3A_93 : i32
      %add3A_95 = arith.addi %mul3A_4, %mul3A_94 : i32
      %dma_start3A_96 = arith.constant 0 : i32
      %dma_start3A_97 = tpu.memref_slice %arg4[%add3A_95, %dma_start3A_96] : memref<139264x128xf32, #tpu.memory_space<hbm>> -> memref<128x128xf32, #tpu.memory_space<hbm>>
      %dma_start3A_98 = arith.constant 0 : i32
      %dma_start3A_99 = tpu.memref_slice %arg4[%add3A_95, %dma_start3A_98] : memref<139264x128xf32, #tpu.memory_space<hbm>> -> memref<128x128xf32, #tpu.memory_space<hbm>>
      tpu.enqueue_dma source(%arg7 : memref<128x128xf32, #tpu.memory_space<vmem>>) target(%dma_start3A_99 : memref<128x128xf32, #tpu.memory_space<hbm>>) target_semaphore(%arg11 : memref<!tpu.dma_semaphore, #tpu.memory_space<semaphore_mem>>)
      %mul3A_100 = arith.constant 2 : i32
      %mul3A_101 = arith.muli %scan3A_64, %mul3A_100 : i32
      %add3A_102 = arith.constant 1 : i32
      %add3A_103 = arith.addi %mul3A_101, %add3A_102 : i32
      %sub3A_104 = arith.constant 2 : i32
      %sub3A_105 = arith.subi %add3A_103, %sub3A_104 : i32
      %mul3A_106 = arith.constant 128 : i32
      %mul3A_107 = arith.muli %sub3A_105, %mul3A_106 : i32
      %add3A_108 = arith.addi %mul3A_4, %mul3A_107 : i32
      %dma_wait3A_109 = arith.constant 0 : i32
      %dma_wait3A_110 = tpu.memref_slice %arg4[%add3A_108, %dma_wait3A_109] : memref<139264x128xf32, #tpu.memory_space<hbm>> -> memref<128x128xf32, #tpu.memory_space<hbm>>
      %dma_wait3A_111 = arith.constant 0 : i32
      %dma_wait3A_112 = tpu.memref_slice %arg4[%add3A_108, %dma_wait3A_111] : memref<139264x128xf32, #tpu.memory_space<hbm>> -> memref<128x128xf32, #tpu.memory_space<hbm>>
      tpu.wait_dma2 semaphore(%arg11 : memref<!tpu.dma_semaphore, #tpu.memory_space<semaphore_mem>>) src(%arg7 : memref<128x128xf32, #tpu.memory_space<vmem>>) dst(%dma_wait3A_112 : memref<128x128xf32, #tpu.memory_space<hbm>>)
      %dma_start3A_113 = arith.constant 0 : i32
      %dma_start3A_114 = tpu.memref_slice %arg5[%add3A_103, %dma_start3A_113] : memref<34x128xi32, #tpu.memory_space<vmem>> -> memref<1x128xi32, #tpu.memory_space<vmem>>
      %dma_start3A_115 = tpu.memref_squeeze %dma_start3A_114 : memref<1x128xi32, #tpu.memory_space<vmem>> -> memref<128xi32, #tpu.memory_space<vmem>>
      %dma_start3A_116 = arith.constant 0 : i32
      %dma_start3A_117 = arith.constant 0 : i32
      %dma_start3A_118 = tpu.memref_slice %arg12[%dma_start3A_116, %dma_start3A_117] : memref<10240x128xf32, #tpu.memory_space<vmem_shared>> -> memref<10240x128xf32, #tpu.memory_space<vmem_shared>>
      tpu.enqueue_indirect_dma source(%dma_start3A_118 : memref<10240x128xf32, #tpu.memory_space<vmem_shared>>) target(%arg7 : memref<128x128xf32, #tpu.memory_space<vmem>>) offsets(%dma_start3A_115 : memref<128xi32, #tpu.memory_space<vmem>>) semaphore(%arg9 : memref<!tpu.dma_semaphore, #tpu.memory_space<semaphore_mem>>)
      %sub3A_119 = arith.constant 1 : i32
      %sub3A_120 = arith.subi %add3A_103, %sub3A_119 : i32
      %dma_wait3A_121 = arith.constant 0 : i32
      %dma_wait3A_122 = tpu.memref_slice %arg5[%sub3A_120, %dma_wait3A_121] : memref<34x128xi32, #tpu.memory_space<vmem>> -> memref<1x128xi32, #tpu.memory_space<vmem>>
      %dma_wait3A_123 = tpu.memref_squeeze %dma_wait3A_122 : memref<1x128xi32, #tpu.memory_space<vmem>> -> memref<128xi32, #tpu.memory_space<vmem>>
      %dma_wait3A_124 = arith.constant 0 : i32
      %dma_wait3A_125 = arith.constant 0 : i32
      %dma_wait3A_126 = tpu.memref_slice %arg12[%dma_wait3A_124, %dma_wait3A_125] : memref<10240x128xf32, #tpu.memory_space<vmem_shared>> -> memref<10240x128xf32, #tpu.memory_space<vmem_shared>>
      tpu.wait_indirect_dma semaphore(%arg8 : memref<!tpu.dma_semaphore, #tpu.memory_space<semaphore_mem>>) src(%dma_wait3A_126 : memref<10240x128xf32, #tpu.memory_space<vmem_shared>>) dst(%arg6 : memref<128x128xf32, #tpu.memory_space<vmem>>)
      %sub3A_127 = arith.constant 1 : i32
      %sub3A_128 = arith.subi %add3A_103, %sub3A_127 : i32
      %mul3A_129 = arith.constant 128 : i32
      %mul3A_130 = arith.muli %sub3A_128, %mul3A_129 : i32
      %add3A_131 = arith.addi %mul3A_4, %mul3A_130 : i32
      %dma_start3A_132 = arith.constant 0 : i32
      %dma_start3A_133 = tpu.memref_slice %arg4[%add3A_131, %dma_start3A_132] : memref<139264x128xf32, #tpu.memory_space<hbm>> -> memref<128x128xf32, #tpu.memory_space<hbm>>
      %dma_start3A_134 = arith.constant 0 : i32
      %dma_start3A_135 = tpu.memref_slice %arg4[%add3A_131, %dma_start3A_134] : memref<139264x128xf32, #tpu.memory_space<hbm>> -> memref<128x128xf32, #tpu.memory_space<hbm>>
      tpu.enqueue_dma source(%arg6 : memref<128x128xf32, #tpu.memory_space<vmem>>) target(%dma_start3A_135 : memref<128x128xf32, #tpu.memory_space<hbm>>) target_semaphore(%arg10 : memref<!tpu.dma_semaphore, #tpu.memory_space<semaphore_mem>>)
    }
    %scan3A_38 = arith.constant 16 : i32
    %dma_wait3A_39 = arith.constant 33 : i32
    %dma_wait3A_40 = arith.constant 0 : i32
    %dma_wait3A_41 = tpu.memref_slice %arg5[%dma_wait3A_39, %dma_wait3A_40] : memref<34x128xi32, #tpu.memory_space<vmem>> -> memref<1x128xi32, #tpu.memory_space<vmem>>
    %dma_wait3A_42 = tpu.memref_squeeze %dma_wait3A_41 : memref<1x128xi32, #tpu.memory_space<vmem>> -> memref<128xi32, #tpu.memory_space<vmem>>
    %dma_wait3A_43 = arith.constant 0 : i32
    %dma_wait3A_44 = arith.constant 0 : i32
    %dma_wait3A_45 = tpu.memref_slice %arg12[%dma_wait3A_43, %dma_wait3A_44] : memref<10240x128xf32, #tpu.memory_space<vmem_shared>> -> memref<10240x128xf32, #tpu.memory_space<vmem_shared>>
    tpu.wait_indirect_dma semaphore(%arg9 : memref<!tpu.dma_semaphore, #tpu.memory_space<semaphore_mem>>) src(%dma_wait3A_45 : memref<10240x128xf32, #tpu.memory_space<vmem_shared>>) dst(%arg7 : memref<128x128xf32, #tpu.memory_space<vmem>>)
    %add3A_46 = arith.constant 4224 : i32
    %add3A_47 = arith.addi %mul3A_4, %add3A_46 : i32
    %dma_start3A_48 = arith.constant 0 : i32
    %dma_start3A_49 = tpu.memref_slice %arg4[%add3A_47, %dma_start3A_48] : memref<139264x128xf32, #tpu.memory_space<hbm>> -> memref<128x128xf32, #tpu.memory_space<hbm>>
    %dma_start3A_50 = arith.constant 0 : i32
    %dma_start3A_51 = tpu.memref_slice %arg4[%add3A_47, %dma_start3A_50] : memref<139264x128xf32, #tpu.memory_space<hbm>> -> memref<128x128xf32, #tpu.memory_space<hbm>>
    tpu.enqueue_dma source(%arg7 : memref<128x128xf32, #tpu.memory_space<vmem>>) target(%dma_start3A_51 : memref<128x128xf32, #tpu.memory_space<hbm>>) target_semaphore(%arg11 : memref<!tpu.dma_semaphore, #tpu.memory_space<semaphore_mem>>)
    %add3A_52 = arith.constant 4096 : i32
    %add3A_53 = arith.addi %mul3A_4, %add3A_52 : i32
    %dma_wait3A_54 = arith.constant 0 : i32
    %dma_wait3A_55 = tpu.memref_slice %arg4[%add3A_53, %dma_wait3A_54] : memref<139264x128xf32, #tpu.memory_space<hbm>> -> memref<128x128xf32, #tpu.memory_space<hbm>>
    %dma_wait3A_56 = arith.constant 0 : i32
    %dma_wait3A_57 = tpu.memref_slice %arg4[%add3A_53, %dma_wait3A_56] : memref<139264x128xf32, #tpu.memory_space<hbm>> -> memref<128x128xf32, #tpu.memory_space<hbm>>
    tpu.wait_dma2 semaphore(%arg10 : memref<!tpu.dma_semaphore, #tpu.memory_space<semaphore_mem>>) src(%arg6 : memref<128x128xf32, #tpu.memory_space<vmem>>) dst(%dma_wait3A_57 : memref<128x128xf32, #tpu.memory_space<hbm>>)
    %add3A_58 = arith.constant 4224 : i32
    %add3A_59 = arith.addi %mul3A_4, %add3A_58 : i32
    %dma_wait3A_60 = arith.constant 0 : i32
    %dma_wait3A_61 = tpu.memref_slice %arg4[%add3A_59, %dma_wait3A_60] : memref<139264x128xf32, #tpu.memory_space<hbm>> -> memref<128x128xf32, #tpu.memory_space<hbm>>
    %dma_wait3A_62 = arith.constant 0 : i32
    %dma_wait3A_63 = tpu.memref_slice %arg4[%add3A_59, %dma_wait3A_62] : memref<139264x128xf32, #tpu.memory_space<hbm>> -> memref<128x128xf32, #tpu.memory_space<hbm>>
    tpu.wait_dma2 semaphore(%arg11 : memref<!tpu.dma_semaphore, #tpu.memory_space<semaphore_mem>>) src(%arg7 : memref<128x128xf32, #tpu.memory_space<vmem>>) dst(%dma_wait3A_63 : memref<128x128xf32, #tpu.memory_space<hbm>>)
    return
  }
}

#map = affine_map<(d0, d1) -> (0, 0)>
#map1 = affine_map<(d0, d1) -> (0, 0, 0)>
module attributes {stable_mosaic.version = 14 : i64} {
  func.func @body_fn(%arg0: i32, %arg1: i32, %arg2: memref<106496x128xf32, #tpu.memory_space<hbm>>, %arg3: memref<32x26x128xi32, #tpu.memory_space<hbm>>, %arg4: memref<10240x128xf32, #tpu.memory_space<hbm>>, %arg5: memref<10240x128xf32, #tpu.memory_space<hbm>>, %arg6: memref<26x128xi32, #tpu.memory_space<vmem>>, %arg7: memref<128x128xf32, #tpu.memory_space<vmem>>, %arg8: memref<128x128xf32, #tpu.memory_space<vmem>>, %arg9: memref<!tpu.dma_semaphore, #tpu.memory_space<semaphore_mem>>, %arg10: memref<!tpu.dma_semaphore, #tpu.memory_space<semaphore_mem>>, %arg11: memref<!tpu.dma_semaphore, #tpu.memory_space<semaphore_mem>>, %arg12: memref<!tpu.dma_semaphore, #tpu.memory_space<semaphore_mem>>, %arg13: memref<10240x128xf32, #tpu.memory_space<vmem_shared>>) attributes {dimension_semantics = [#tpu.dimension_semantics<core_parallel>, #tpu.dimension_semantics<subcore_parallel>], iteration_bounds = array<i64: 2, 16>, scalar_prefetch = 0 : i64, scratch_operands = 8 : i64, tpu.core_type = #tpu.core_type<sc_vector_subcore>, window_params = [{transform_indices = #map}, {transform_indices = #map1}, {transform_indices = #map}, {transform_indices = #map}]} {
    %mul3A = arith.constant 2 : i32
    %mul3A_0 = arith.muli %arg1, %mul3A : i32
    %add3A = arith.addi %mul3A_0, %arg0 : i32
    %mul3A_1 = arith.constant 26 : i32
    %mul3A_2 = arith.muli %add3A, %mul3A_1 : i32
    %mul3A_3 = arith.constant 128 : i32
    %mul3A_4 = arith.muli %mul3A_2, %mul3A_3 : i32
    %scan3A = arith.constant 0 : i32
    %scan3A_5 = arith.constant 0 : i32
    %scan3A_6 = arith.constant 128 : i32
    %scan3A_7 = arith.addi %scan3A_5, %scan3A_6 : i32
    %scan3A_8 = arith.constant 1 : i32
    scf.for %scan3A_96 = %scan3A_5 to %scan3A_7 step %scan3A_8  : i32 {
      %broadcast_in_dim3A = arith.constant 0.000000e+00 : f32
      %broadcast_in_dim3A_97 = vector.broadcast %broadcast_in_dim3A : f32 to vector<16xf32>
      %swap3A = arith.index_cast %scan3A_96 : i32 to index
      %swap3A_98 = arith.constant 0 : index
      %swap3A_99 = tpu.vector_load %arg7[%swap3A, %swap3A_98] {strides = array<i32>} : memref<128x128xf32, #tpu.memory_space<vmem>>, vector<1x16xf32>,
      %swap3A_100 = vector.shape_cast %swap3A_99 : vector<1x16xf32> to vector<16xf32>
      %swap3A_101 = vector.shape_cast %broadcast_in_dim3A_97 : vector<16xf32> to vector<1x16xf32>
      tpu.vector_store %arg7[%swap3A, %swap3A_98], %swap3A_101 {strides = array<i32>} : memref<128x128xf32, #tpu.memory_space<vmem>>, vector<1x16xf32>,
      %broadcast_in_dim3A_102 = arith.constant 0.000000e+00 : f32
      %broadcast_in_dim3A_103 = vector.broadcast %broadcast_in_dim3A_102 : f32 to vector<16xf32>
      %swap3A_104 = arith.index_cast %scan3A_96 : i32 to index
      %swap3A_105 = arith.constant 16 : index
      %swap3A_106 = tpu.vector_load %arg7[%swap3A_104, %swap3A_105] {strides = array<i32>} : memref<128x128xf32, #tpu.memory_space<vmem>>, vector<1x16xf32>,
      %swap3A_107 = vector.shape_cast %swap3A_106 : vector<1x16xf32> to vector<16xf32>
      %swap3A_108 = vector.shape_cast %broadcast_in_dim3A_103 : vector<16xf32> to vector<1x16xf32>
      tpu.vector_store %arg7[%swap3A_104, %swap3A_105], %swap3A_108 {strides = array<i32>} : memref<128x128xf32, #tpu.memory_space<vmem>>, vector<1x16xf32>,
      %broadcast_in_dim3A_109 = arith.constant 0.000000e+00 : f32
      %broadcast_in_dim3A_110 = vector.broadcast %broadcast_in_dim3A_109 : f32 to vector<16xf32>
      %swap3A_111 = arith.index_cast %scan3A_96 : i32 to index
      %swap3A_112 = arith.constant 32 : index
      %swap3A_113 = tpu.vector_load %arg7[%swap3A_111, %swap3A_112] {strides = array<i32>} : memref<128x128xf32, #tpu.memory_space<vmem>>, vector<1x16xf32>,
      %swap3A_114 = vector.shape_cast %swap3A_113 : vector<1x16xf32> to vector<16xf32>
      %swap3A_115 = vector.shape_cast %broadcast_in_dim3A_110 : vector<16xf32> to vector<1x16xf32>
      tpu.vector_store %arg7[%swap3A_111, %swap3A_112], %swap3A_115 {strides = array<i32>} : memref<128x128xf32, #tpu.memory_space<vmem>>, vector<1x16xf32>,
      %broadcast_in_dim3A_116 = arith.constant 0.000000e+00 : f32
      %broadcast_in_dim3A_117 = vector.broadcast %broadcast_in_dim3A_116 : f32 to vector<16xf32>
      %swap3A_118 = arith.index_cast %scan3A_96 : i32 to index
      %swap3A_119 = arith.constant 48 : index
      %swap3A_120 = tpu.vector_load %arg7[%swap3A_118, %swap3A_119] {strides = array<i32>} : memref<128x128xf32, #tpu.memory_space<vmem>>, vector<1x16xf32>,
      %swap3A_121 = vector.shape_cast %swap3A_120 : vector<1x16xf32> to vector<16xf32>
      %swap3A_122 = vector.shape_cast %broadcast_in_dim3A_117 : vector<16xf32> to vector<1x16xf32>
      tpu.vector_store %arg7[%swap3A_118, %swap3A_119], %swap3A_122 {strides = array<i32>} : memref<128x128xf32, #tpu.memory_space<vmem>>, vector<1x16xf32>,
      %broadcast_in_dim3A_123 = arith.constant 0.000000e+00 : f32
      %broadcast_in_dim3A_124 = vector.broadcast %broadcast_in_dim3A_123 : f32 to vector<16xf32>
      %swap3A_125 = arith.index_cast %scan3A_96 : i32 to index
      %swap3A_126 = arith.constant 64 : index
      %swap3A_127 = tpu.vector_load %arg7[%swap3A_125, %swap3A_126] {strides = array<i32>} : memref<128x128xf32, #tpu.memory_space<vmem>>, vector<1x16xf32>,
      %swap3A_128 = vector.shape_cast %swap3A_127 : vector<1x16xf32> to vector<16xf32>
      %swap3A_129 = vector.shape_cast %broadcast_in_dim3A_124 : vector<16xf32> to vector<1x16xf32>
      tpu.vector_store %arg7[%swap3A_125, %swap3A_126], %swap3A_129 {strides = array<i32>} : memref<128x128xf32, #tpu.memory_space<vmem>>, vector<1x16xf32>,
      %broadcast_in_dim3A_130 = arith.constant 0.000000e+00 : f32
      %broadcast_in_dim3A_131 = vector.broadcast %broadcast_in_dim3A_130 : f32 to vector<16xf32>
      %swap3A_132 = arith.index_cast %scan3A_96 : i32 to index
      %swap3A_133 = arith.constant 80 : index
      %swap3A_134 = tpu.vector_load %arg7[%swap3A_132, %swap3A_133] {strides = array<i32>} : memref<128x128xf32, #tpu.memory_space<vmem>>, vector<1x16xf32>,
      %swap3A_135 = vector.shape_cast %swap3A_134 : vector<1x16xf32> to vector<16xf32>
      %swap3A_136 = vector.shape_cast %broadcast_in_dim3A_131 : vector<16xf32> to vector<1x16xf32>
      tpu.vector_store %arg7[%swap3A_132, %swap3A_133], %swap3A_136 {strides = array<i32>} : memref<128x128xf32, #tpu.memory_space<vmem>>, vector<1x16xf32>,
      %broadcast_in_dim3A_137 = arith.constant 0.000000e+00 : f32
      %broadcast_in_dim3A_138 = vector.broadcast %broadcast_in_dim3A_137 : f32 to vector<16xf32>
      %swap3A_139 = arith.index_cast %scan3A_96 : i32 to index
      %swap3A_140 = arith.constant 96 : index
      %swap3A_141 = tpu.vector_load %arg7[%swap3A_139, %swap3A_140] {strides = array<i32>} : memref<128x128xf32, #tpu.memory_space<vmem>>, vector<1x16xf32>,
      %swap3A_142 = vector.shape_cast %swap3A_141 : vector<1x16xf32> to vector<16xf32>
      %swap3A_143 = vector.shape_cast %broadcast_in_dim3A_138 : vector<16xf32> to vector<1x16xf32>
      tpu.vector_store %arg7[%swap3A_139, %swap3A_140], %swap3A_143 {strides = array<i32>} : memref<128x128xf32, #tpu.memory_space<vmem>>, vector<1x16xf32>,
      %broadcast_in_dim3A_144 = arith.constant 0.000000e+00 : f32
      %broadcast_in_dim3A_145 = vector.broadcast %broadcast_in_dim3A_144 : f32 to vector<16xf32>
      %swap3A_146 = arith.index_cast %scan3A_96 : i32 to index
      %swap3A_147 = arith.constant 112 : index
      %swap3A_148 = tpu.vector_load %arg7[%swap3A_146, %swap3A_147] {strides = array<i32>} : memref<128x128xf32, #tpu.memory_space<vmem>>, vector<1x16xf32>,
      %swap3A_149 = vector.shape_cast %swap3A_148 : vector<1x16xf32> to vector<16xf32>
      %swap3A_150 = vector.shape_cast %broadcast_in_dim3A_145 : vector<16xf32> to vector<1x16xf32>
      tpu.vector_store %arg7[%swap3A_146, %swap3A_147], %swap3A_150 {strides = array<i32>} : memref<128x128xf32, #tpu.memory_space<vmem>>, vector<1x16xf32>,
    }
    %scan3A_9 = arith.constant 128 : i32
    %mul3A_10 = arith.constant 640 : i32
    %mul3A_11 = arith.muli %arg1, %mul3A_10 : i32
    %add3A_12 = arith.constant 0 : i32
    %add3A_13 = arith.addi %mul3A_11, %add3A_12 : i32
    "tpu.region"() ({
      %run_scoped3A = tpu.sem_alloc : memref<!tpu.dma_semaphore, #tpu.memory_space<semaphore_mem>>
      %dma_start3A_96 = arith.constant 0 : i32
      %dma_start3A_97 = tpu.memref_slice %arg13[%add3A_13, %dma_start3A_96] : memref<10240x128xf32, #tpu.memory_space<vmem_shared>> -> memref<128x128xf32, #tpu.memory_space<vmem_shared>>
      %dma_start3A_98 = arith.constant 0 : i32
      %dma_start3A_99 = tpu.memref_slice %arg13[%add3A_13, %dma_start3A_98] : memref<10240x128xf32, #tpu.memory_space<vmem_shared>> -> memref<128x128xf32, #tpu.memory_space<vmem_shared>>
      tpu.enqueue_dma source(%arg7 : memref<128x128xf32, #tpu.memory_space<vmem>>) target(%dma_start3A_99 : memref<128x128xf32, #tpu.memory_space<vmem_shared>>) target_semaphore(%run_scoped3A : memref<!tpu.dma_semaphore, #tpu.memory_space<semaphore_mem>>)
      %dma_wait3A_100 = arith.constant 0 : i32
      %dma_wait3A_101 = tpu.memref_slice %arg13[%add3A_13, %dma_wait3A_100] : memref<10240x128xf32, #tpu.memory_space<vmem_shared>> -> memref<128x128xf32, #tpu.memory_space<vmem_shared>>
      %dma_wait3A_102 = arith.constant 0 : i32
      %dma_wait3A_103 = tpu.memref_slice %arg13[%add3A_13, %dma_wait3A_102] : memref<10240x128xf32, #tpu.memory_space<vmem_shared>> -> memref<128x128xf32, #tpu.memory_space<vmem_shared>>
      tpu.wait_dma2 semaphore(%run_scoped3A : memref<!tpu.dma_semaphore, #tpu.memory_space<semaphore_mem>>) src(%arg7 : memref<128x128xf32, #tpu.memory_space<vmem>>) dst(%dma_wait3A_103 : memref<128x128xf32, #tpu.memory_space<vmem_shared>>)
      tpu.yield
    }) : () -> ()
    %mul3A_14 = arith.constant 640 : i32
    %mul3A_15 = arith.muli %arg1, %mul3A_14 : i32
    %add3A_16 = arith.constant 128 : i32
    %add3A_17 = arith.addi %mul3A_15, %add3A_16 : i32
    "tpu.region"() ({
      %run_scoped3A = tpu.sem_alloc : memref<!tpu.dma_semaphore, #tpu.memory_space<semaphore_mem>>
      %dma_start3A_96 = arith.constant 0 : i32
      %dma_start3A_97 = tpu.memref_slice %arg13[%add3A_17, %dma_start3A_96] : memref<10240x128xf32, #tpu.memory_space<vmem_shared>> -> memref<128x128xf32, #tpu.memory_space<vmem_shared>>
      %dma_start3A_98 = arith.constant 0 : i32
      %dma_start3A_99 = tpu.memref_slice %arg13[%add3A_17, %dma_start3A_98] : memref<10240x128xf32, #tpu.memory_space<vmem_shared>> -> memref<128x128xf32, #tpu.memory_space<vmem_shared>>
      tpu.enqueue_dma source(%arg7 : memref<128x128xf32, #tpu.memory_space<vmem>>) target(%dma_start3A_99 : memref<128x128xf32, #tpu.memory_space<vmem_shared>>) target_semaphore(%run_scoped3A : memref<!tpu.dma_semaphore, #tpu.memory_space<semaphore_mem>>)
      %dma_wait3A_100 = arith.constant 0 : i32
      %dma_wait3A_101 = tpu.memref_slice %arg13[%add3A_17, %dma_wait3A_100] : memref<10240x128xf32, #tpu.memory_space<vmem_shared>> -> memref<128x128xf32, #tpu.memory_space<vmem_shared>>
      %dma_wait3A_102 = arith.constant 0 : i32
      %dma_wait3A_103 = tpu.memref_slice %arg13[%add3A_17, %dma_wait3A_102] : memref<10240x128xf32, #tpu.memory_space<vmem_shared>> -> memref<128x128xf32, #tpu.memory_space<vmem_shared>>
      tpu.wait_dma2 semaphore(%run_scoped3A : memref<!tpu.dma_semaphore, #tpu.memory_space<semaphore_mem>>) src(%arg7 : memref<128x128xf32, #tpu.memory_space<vmem>>) dst(%dma_wait3A_103 : memref<128x128xf32, #tpu.memory_space<vmem_shared>>)
      tpu.yield
    }) : () -> ()
    %mul3A_18 = arith.constant 640 : i32
    %mul3A_19 = arith.muli %arg1, %mul3A_18 : i32
    %add3A_20 = arith.constant 256 : i32
    %add3A_21 = arith.addi %mul3A_19, %add3A_20 : i32
    "tpu.region"() ({
      %run_scoped3A = tpu.sem_alloc : memref<!tpu.dma_semaphore, #tpu.memory_space<semaphore_mem>>
      %dma_start3A_96 = arith.constant 0 : i32
      %dma_start3A_97 = tpu.memref_slice %arg13[%add3A_21, %dma_start3A_96] : memref<10240x128xf32, #tpu.memory_space<vmem_shared>> -> memref<128x128xf32, #tpu.memory_space<vmem_shared>>
      %dma_start3A_98 = arith.constant 0 : i32
      %dma_start3A_99 = tpu.memref_slice %arg13[%add3A_21, %dma_start3A_98] : memref<10240x128xf32, #tpu.memory_space<vmem_shared>> -> memref<128x128xf32, #tpu.memory_space<vmem_shared>>
      tpu.enqueue_dma source(%arg7 : memref<128x128xf32, #tpu.memory_space<vmem>>) target(%dma_start3A_99 : memref<128x128xf32, #tpu.memory_space<vmem_shared>>) target_semaphore(%run_scoped3A : memref<!tpu.dma_semaphore, #tpu.memory_space<semaphore_mem>>)
      %dma_wait3A_100 = arith.constant 0 : i32
      %dma_wait3A_101 = tpu.memref_slice %arg13[%add3A_21, %dma_wait3A_100] : memref<10240x128xf32, #tpu.memory_space<vmem_shared>> -> memref<128x128xf32, #tpu.memory_space<vmem_shared>>
      %dma_wait3A_102 = arith.constant 0 : i32
      %dma_wait3A_103 = tpu.memref_slice %arg13[%add3A_21, %dma_wait3A_102] : memref<10240x128xf32, #tpu.memory_space<vmem_shared>> -> memref<128x128xf32, #tpu.memory_space<vmem_shared>>
      tpu.wait_dma2 semaphore(%run_scoped3A : memref<!tpu.dma_semaphore, #tpu.memory_space<semaphore_mem>>) src(%arg7 : memref<128x128xf32, #tpu.memory_space<vmem>>) dst(%dma_wait3A_103 : memref<128x128xf32, #tpu.memory_space<vmem_shared>>)
      tpu.yield
    }) : () -> ()
    %mul3A_22 = arith.constant 640 : i32
    %mul3A_23 = arith.muli %arg1, %mul3A_22 : i32
    %add3A_24 = arith.constant 384 : i32
    %add3A_25 = arith.addi %mul3A_23, %add3A_24 : i32
    "tpu.region"() ({
      %run_scoped3A = tpu.sem_alloc : memref<!tpu.dma_semaphore, #tpu.memory_space<semaphore_mem>>
      %dma_start3A_96 = arith.constant 0 : i32
      %dma_start3A_97 = tpu.memref_slice %arg13[%add3A_25, %dma_start3A_96] : memref<10240x128xf32, #tpu.memory_space<vmem_shared>> -> memref<128x128xf32, #tpu.memory_space<vmem_shared>>
      %dma_start3A_98 = arith.constant 0 : i32
      %dma_start3A_99 = tpu.memref_slice %arg13[%add3A_25, %dma_start3A_98] : memref<10240x128xf32, #tpu.memory_space<vmem_shared>> -> memref<128x128xf32, #tpu.memory_space<vmem_shared>>
      tpu.enqueue_dma source(%arg7 : memref<128x128xf32, #tpu.memory_space<vmem>>) target(%dma_start3A_99 : memref<128x128xf32, #tpu.memory_space<vmem_shared>>) target_semaphore(%run_scoped3A : memref<!tpu.dma_semaphore, #tpu.memory_space<semaphore_mem>>)
      %dma_wait3A_100 = arith.constant 0 : i32
      %dma_wait3A_101 = tpu.memref_slice %arg13[%add3A_25, %dma_wait3A_100] : memref<10240x128xf32, #tpu.memory_space<vmem_shared>> -> memref<128x128xf32, #tpu.memory_space<vmem_shared>>
      %dma_wait3A_102 = arith.constant 0 : i32
      %dma_wait3A_103 = tpu.memref_slice %arg13[%add3A_25, %dma_wait3A_102] : memref<10240x128xf32, #tpu.memory_space<vmem_shared>> -> memref<128x128xf32, #tpu.memory_space<vmem_shared>>
      tpu.wait_dma2 semaphore(%run_scoped3A : memref<!tpu.dma_semaphore, #tpu.memory_space<semaphore_mem>>) src(%arg7 : memref<128x128xf32, #tpu.memory_space<vmem>>) dst(%dma_wait3A_103 : memref<128x128xf32, #tpu.memory_space<vmem_shared>>)
      tpu.yield
    }) : () -> ()
    %mul3A_26 = arith.constant 640 : i32
    %mul3A_27 = arith.muli %arg1, %mul3A_26 : i32
    %add3A_28 = arith.constant 512 : i32
    %add3A_29 = arith.addi %mul3A_27, %add3A_28 : i32
    "tpu.region"() ({
      %run_scoped3A = tpu.sem_alloc : memref<!tpu.dma_semaphore, #tpu.memory_space<semaphore_mem>>
      %dma_start3A_96 = arith.constant 0 : i32
      %dma_start3A_97 = tpu.memref_slice %arg13[%add3A_29, %dma_start3A_96] : memref<10240x128xf32, #tpu.memory_space<vmem_shared>> -> memref<128x128xf32, #tpu.memory_space<vmem_shared>>
      %dma_start3A_98 = arith.constant 0 : i32
      %dma_start3A_99 = tpu.memref_slice %arg13[%add3A_29, %dma_start3A_98] : memref<10240x128xf32, #tpu.memory_space<vmem_shared>> -> memref<128x128xf32, #tpu.memory_space<vmem_shared>>
      tpu.enqueue_dma source(%arg7 : memref<128x128xf32, #tpu.memory_space<vmem>>) target(%dma_start3A_99 : memref<128x128xf32, #tpu.memory_space<vmem_shared>>) target_semaphore(%run_scoped3A : memref<!tpu.dma_semaphore, #tpu.memory_space<semaphore_mem>>)
      %dma_wait3A_100 = arith.constant 0 : i32
      %dma_wait3A_101 = tpu.memref_slice %arg13[%add3A_29, %dma_wait3A_100] : memref<10240x128xf32, #tpu.memory_space<vmem_shared>> -> memref<128x128xf32, #tpu.memory_space<vmem_shared>>
      %dma_wait3A_102 = arith.constant 0 : i32
      %dma_wait3A_103 = tpu.memref_slice %arg13[%add3A_29, %dma_wait3A_102] : memref<10240x128xf32, #tpu.memory_space<vmem_shared>> -> memref<128x128xf32, #tpu.memory_space<vmem_shared>>
      tpu.wait_dma2 semaphore(%run_scoped3A : memref<!tpu.dma_semaphore, #tpu.memory_space<semaphore_mem>>) src(%arg7 : memref<128x128xf32, #tpu.memory_space<vmem>>) dst(%dma_wait3A_103 : memref<128x128xf32, #tpu.memory_space<vmem_shared>>)
      tpu.yield
    }) : () -> ()
    %barrier3A = arith.constant 0 : index
    tpu.barrier barrier_id(%barrier3A)
    "tpu.region"() ({
      %run_scoped3A = tpu.sem_alloc : memref<!tpu.dma_semaphore, #tpu.memory_space<semaphore_mem>>
      %dma_start3A_96 = arith.constant 0 : i32
      %dma_start3A_97 = arith.constant 0 : i32
      %dma_start3A_98 = tpu.memref_slice %arg3[%add3A, %dma_start3A_96, %dma_start3A_97] : memref<32x26x128xi32, #tpu.memory_space<hbm>> -> memref<1x26x128xi32, #tpu.memory_space<hbm>>
      %dma_start3A_99 = tpu.memref_squeeze %dma_start3A_98 : memref<1x26x128xi32, #tpu.memory_space<hbm>> -> memref<26x128xi32, #tpu.memory_space<hbm>>
      %dma_start3A_100 = arith.constant 0 : i32
      %dma_start3A_101 = arith.constant 0 : i32
      %dma_start3A_102 = tpu.memref_slice %arg3[%add3A, %dma_start3A_100, %dma_start3A_101] : memref<32x26x128xi32, #tpu.memory_space<hbm>> -> memref<1x26x128xi32, #tpu.memory_space<hbm>>
      %dma_start3A_103 = tpu.memref_squeeze %dma_start3A_102 : memref<1x26x128xi32, #tpu.memory_space<hbm>> -> memref<26x128xi32, #tpu.memory_space<hbm>>
      tpu.enqueue_dma source(%dma_start3A_103 : memref<26x128xi32, #tpu.memory_space<hbm>>) target(%arg6 : memref<26x128xi32, #tpu.memory_space<vmem>>) target_semaphore(%run_scoped3A : memref<!tpu.dma_semaphore, #tpu.memory_space<semaphore_mem>>)
      %dma_wait3A_104 = arith.constant 0 : i32
      %dma_wait3A_105 = arith.constant 0 : i32
      %dma_wait3A_106 = tpu.memref_slice %arg3[%add3A, %dma_wait3A_104, %dma_wait3A_105] : memref<32x26x128xi32, #tpu.memory_space<hbm>> -> memref<1x26x128xi32, #tpu.memory_space<hbm>>
      %dma_wait3A_107 = tpu.memref_squeeze %dma_wait3A_106 : memref<1x26x128xi32, #tpu.memory_space<hbm>> -> memref<26x128xi32, #tpu.memory_space<hbm>>
      %dma_wait3A_108 = arith.constant 0 : i32
      %dma_wait3A_109 = arith.constant 0 : i32
      %dma_wait3A_110 = tpu.memref_slice %arg3[%add3A, %dma_wait3A_108, %dma_wait3A_109] : memref<32x26x128xi32, #tpu.memory_space<hbm>> -> memref<1x26x128xi32, #tpu.memory_space<hbm>>
      %dma_wait3A_111 = tpu.memref_squeeze %dma_wait3A_110 : memref<1x26x128xi32, #tpu.memory_space<hbm>> -> memref<26x128xi32, #tpu.memory_space<hbm>>
      tpu.wait_dma2 semaphore(%run_scoped3A : memref<!tpu.dma_semaphore, #tpu.memory_space<semaphore_mem>>) src(%dma_wait3A_111 : memref<26x128xi32, #tpu.memory_space<hbm>>) dst(%arg6 : memref<26x128xi32, #tpu.memory_space<vmem>>)
      tpu.yield
    }) : () -> ()
    %add3A_30 = arith.constant 0 : i32
    %add3A_31 = arith.addi %mul3A_4, %add3A_30 : i32
    %dma_start3A = arith.constant 0 : i32
    %dma_start3A_32 = tpu.memref_slice %arg2[%add3A_31, %dma_start3A] : memref<106496x128xf32, #tpu.memory_space<hbm>> -> memref<128x128xf32, #tpu.memory_space<hbm>>
    %dma_start3A_33 = arith.constant 0 : i32
    %dma_start3A_34 = tpu.memref_slice %arg2[%add3A_31, %dma_start3A_33] : memref<106496x128xf32, #tpu.memory_space<hbm>> -> memref<128x128xf32, #tpu.memory_space<hbm>>
    tpu.enqueue_dma source(%dma_start3A_34 : memref<128x128xf32, #tpu.memory_space<hbm>>) target(%arg7 : memref<128x128xf32, #tpu.memory_space<vmem>>) target_semaphore(%arg9 : memref<!tpu.dma_semaphore, #tpu.memory_space<semaphore_mem>>)
    %add3A_35 = arith.constant 128 : i32
    %add3A_36 = arith.addi %mul3A_4, %add3A_35 : i32
    %dma_start3A_37 = arith.constant 0 : i32
    %dma_start3A_38 = tpu.memref_slice %arg2[%add3A_36, %dma_start3A_37] : memref<106496x128xf32, #tpu.memory_space<hbm>> -> memref<128x128xf32, #tpu.memory_space<hbm>>
    %dma_start3A_39 = arith.constant 0 : i32
    %dma_start3A_40 = tpu.memref_slice %arg2[%add3A_36, %dma_start3A_39] : memref<106496x128xf32, #tpu.memory_space<hbm>> -> memref<128x128xf32, #tpu.memory_space<hbm>>
    tpu.enqueue_dma source(%dma_start3A_40 : memref<128x128xf32, #tpu.memory_space<hbm>>) target(%arg8 : memref<128x128xf32, #tpu.memory_space<vmem>>) target_semaphore(%arg10 : memref<!tpu.dma_semaphore, #tpu.memory_space<semaphore_mem>>)
    %add3A_41 = arith.constant 0 : i32
    %add3A_42 = arith.addi %mul3A_4, %add3A_41 : i32
    %dma_wait3A = arith.constant 0 : i32
    %dma_wait3A_43 = tpu.memref_slice %arg2[%add3A_42, %dma_wait3A] : memref<106496x128xf32, #tpu.memory_space<hbm>> -> memref<128x128xf32, #tpu.memory_space<hbm>>
    %dma_wait3A_44 = arith.constant 0 : i32
    %dma_wait3A_45 = tpu.memref_slice %arg2[%add3A_42, %dma_wait3A_44] : memref<106496x128xf32, #tpu.memory_space<hbm>> -> memref<128x128xf32, #tpu.memory_space<hbm>>
    tpu.wait_dma2 semaphore(%arg9 : memref<!tpu.dma_semaphore, #tpu.memory_space<semaphore_mem>>) src(%dma_wait3A_45 : memref<128x128xf32, #tpu.memory_space<hbm>>) dst(%arg7 : memref<128x128xf32, #tpu.memory_space<vmem>>)
    %dma_start3A_46 = arith.constant 0 : i32
    %dma_start3A_47 = arith.constant 0 : i32
    %dma_start3A_48 = tpu.memref_slice %arg6[%dma_start3A_46, %dma_start3A_47] : memref<26x128xi32, #tpu.memory_space<vmem>> -> memref<1x128xi32, #tpu.memory_space<vmem>>
    %dma_start3A_49 = tpu.memref_squeeze %dma_start3A_48 : memref<1x128xi32, #tpu.memory_space<vmem>> -> memref<128xi32, #tpu.memory_space<vmem>>
    %dma_start3A_50 = arith.constant 0 : i32
    %dma_start3A_51 = arith.constant 0 : i32
    %dma_start3A_52 = tpu.memref_slice %arg13[%dma_start3A_50, %dma_start3A_51] : memref<10240x128xf32, #tpu.memory_space<vmem_shared>> -> memref<10240x128xf32, #tpu.memory_space<vmem_shared>>
    tpu.enqueue_indirect_dma source(%arg7 : memref<128x128xf32, #tpu.memory_space<vmem>>) target(%dma_start3A_52 : memref<10240x128xf32, #tpu.memory_space<vmem_shared>>) offsets(%dma_start3A_49 : memref<128xi32, #tpu.memory_space<vmem>>) semaphore(%arg11 : memref<!tpu.dma_semaphore, #tpu.memory_space<semaphore_mem>>) {add = true}
    %scan3A_53 = arith.constant 0 : i32
    %scan3A_54 = arith.constant 1 : i32
    %scan3A_55 = arith.constant 12 : i32
    %scan3A_56 = arith.addi %scan3A_54, %scan3A_55 : i32
    %scan3A_57 = arith.constant 1 : i32
    scf.for %scan3A_96 = %scan3A_54 to %scan3A_56 step %scan3A_57  : i32 {
      %mul3A_97 = arith.constant 2 : i32
      %mul3A_98 = arith.muli %scan3A_96, %mul3A_97 : i32
      %add3A_99 = arith.constant 0 : i32
      %add3A_100 = arith.addi %mul3A_98, %add3A_99 : i32
      %sub3A = arith.constant 2 : i32
      %sub3A_101 = arith.subi %add3A_100, %sub3A : i32
      %dma_wait3A_102 = arith.constant 0 : i32
      %dma_wait3A_103 = tpu.memref_slice %arg6[%sub3A_101, %dma_wait3A_102] : memref<26x128xi32, #tpu.memory_space<vmem>> -> memref<1x128xi32, #tpu.memory_space<vmem>>
      %dma_wait3A_104 = tpu.memref_squeeze %dma_wait3A_103 : memref<1x128xi32, #tpu.memory_space<vmem>> -> memref<128xi32, #tpu.memory_space<vmem>>
      %dma_wait3A_105 = arith.constant 0 : i32
      %dma_wait3A_106 = arith.constant 0 : i32
      %dma_wait3A_107 = tpu.memref_slice %arg13[%dma_wait3A_105, %dma_wait3A_106] : memref<10240x128xf32, #tpu.memory_space<vmem_shared>> -> memref<10240x128xf32, #tpu.memory_space<vmem_shared>>
      tpu.wait_indirect_dma semaphore(%arg11 : memref<!tpu.dma_semaphore, #tpu.memory_space<semaphore_mem>>) src(%arg7 : memref<128x128xf32, #tpu.memory_space<vmem>>) dst(%dma_wait3A_107 : memref<10240x128xf32, #tpu.memory_space<vmem_shared>>)
      %mul3A_108 = arith.constant 128 : i32
      %mul3A_109 = arith.muli %add3A_100, %mul3A_108 : i32
      %add3A_110 = arith.addi %mul3A_4, %mul3A_109 : i32
      %dma_start3A_111 = arith.constant 0 : i32
      %dma_start3A_112 = tpu.memref_slice %arg2[%add3A_110, %dma_start3A_111] : memref<106496x128xf32, #tpu.memory_space<hbm>> -> memref<128x128xf32, #tpu.memory_space<hbm>>
      %dma_start3A_113 = arith.constant 0 : i32
      %dma_start3A_114 = tpu.memref_slice %arg2[%add3A_110, %dma_start3A_113] : memref<106496x128xf32, #tpu.memory_space<hbm>> -> memref<128x128xf32, #tpu.memory_space<hbm>>
      tpu.enqueue_dma source(%dma_start3A_114 : memref<128x128xf32, #tpu.memory_space<hbm>>) target(%arg7 : memref<128x128xf32, #tpu.memory_space<vmem>>) target_semaphore(%arg9 : memref<!tpu.dma_semaphore, #tpu.memory_space<semaphore_mem>>)
      %sub3A_115 = arith.constant 1 : i32
      %sub3A_116 = arith.subi %add3A_100, %sub3A_115 : i32
      %mul3A_117 = arith.constant 128 : i32
      %mul3A_118 = arith.muli %sub3A_116, %mul3A_117 : i32
      %add3A_119 = arith.addi %mul3A_4, %mul3A_118 : i32
      %dma_wait3A_120 = arith.constant 0 : i32
      %dma_wait3A_121 = tpu.memref_slice %arg2[%add3A_119, %dma_wait3A_120] : memref<106496x128xf32, #tpu.memory_space<hbm>> -> memref<128x128xf32, #tpu.memory_space<hbm>>
      %dma_wait3A_122 = arith.constant 0 : i32
      %dma_wait3A_123 = tpu.memref_slice %arg2[%add3A_119, %dma_wait3A_122] : memref<106496x128xf32, #tpu.memory_space<hbm>> -> memref<128x128xf32, #tpu.memory_space<hbm>>
      tpu.wait_dma2 semaphore(%arg10 : memref<!tpu.dma_semaphore, #tpu.memory_space<semaphore_mem>>) src(%dma_wait3A_123 : memref<128x128xf32, #tpu.memory_space<hbm>>) dst(%arg8 : memref<128x128xf32, #tpu.memory_space<vmem>>)
      %sub3A_124 = arith.constant 1 : i32
      %sub3A_125 = arith.subi %add3A_100, %sub3A_124 : i32
      %dma_start3A_126 = arith.constant 0 : i32
      %dma_start3A_127 = tpu.memref_slice %arg6[%sub3A_125, %dma_start3A_126] : memref<26x128xi32, #tpu.memory_space<vmem>> -> memref<1x128xi32, #tpu.memory_space<vmem>>
      %dma_start3A_128 = tpu.memref_squeeze %dma_start3A_127 : memref<1x128xi32, #tpu.memory_space<vmem>> -> memref<128xi32, #tpu.memory_space<vmem>>
      %dma_start3A_129 = arith.constant 0 : i32
      %dma_start3A_130 = arith.constant 0 : i32
      %dma_start3A_131 = tpu.memref_slice %arg13[%dma_start3A_129, %dma_start3A_130] : memref<10240x128xf32, #tpu.memory_space<vmem_shared>> -> memref<10240x128xf32, #tpu.memory_space<vmem_shared>>
      tpu.enqueue_indirect_dma source(%arg8 : memref<128x128xf32, #tpu.memory_space<vmem>>) target(%dma_start3A_131 : memref<10240x128xf32, #tpu.memory_space<vmem_shared>>) offsets(%dma_start3A_128 : memref<128xi32, #tpu.memory_space<vmem>>) semaphore(%arg12 : memref<!tpu.dma_semaphore, #tpu.memory_space<semaphore_mem>>) {add = true}
      %mul3A_132 = arith.constant 2 : i32
      %mul3A_133 = arith.muli %scan3A_96, %mul3A_132 : i32
      %add3A_134 = arith.constant 1 : i32
      %add3A_135 = arith.addi %mul3A_133, %add3A_134 : i32
      %sub3A_136 = arith.constant 2 : i32
      %sub3A_137 = arith.subi %add3A_135, %sub3A_136 : i32
      %dma_wait3A_138 = arith.constant 0 : i32
      %dma_wait3A_139 = tpu.memref_slice %arg6[%sub3A_137, %dma_wait3A_138] : memref<26x128xi32, #tpu.memory_space<vmem>> -> memref<1x128xi32, #tpu.memory_space<vmem>>
      %dma_wait3A_140 = tpu.memref_squeeze %dma_wait3A_139 : memref<1x128xi32, #tpu.memory_space<vmem>> -> memref<128xi32, #tpu.memory_space<vmem>>
      %dma_wait3A_141 = arith.constant 0 : i32
      %dma_wait3A_142 = arith.constant 0 : i32
      %dma_wait3A_143 = tpu.memref_slice %arg13[%dma_wait3A_141, %dma_wait3A_142] : memref<10240x128xf32, #tpu.memory_space<vmem_shared>> -> memref<10240x128xf32, #tpu.memory_space<vmem_shared>>
      tpu.wait_indirect_dma semaphore(%arg12 : memref<!tpu.dma_semaphore, #tpu.memory_space<semaphore_mem>>) src(%arg8 : memref<128x128xf32, #tpu.memory_space<vmem>>) dst(%dma_wait3A_143 : memref<10240x128xf32, #tpu.memory_space<vmem_shared>>)
      %mul3A_144 = arith.constant 128 : i32
      %mul3A_145 = arith.muli %add3A_135, %mul3A_144 : i32
      %add3A_146 = arith.addi %mul3A_4, %mul3A_145 : i32
      %dma_start3A_147 = arith.constant 0 : i32
      %dma_start3A_148 = tpu.memref_slice %arg2[%add3A_146, %dma_start3A_147] : memref<106496x128xf32, #tpu.memory_space<hbm>> -> memref<128x128xf32, #tpu.memory_space<hbm>>
      %dma_start3A_149 = arith.constant 0 : i32
      %dma_start3A_150 = tpu.memref_slice %arg2[%add3A_146, %dma_start3A_149] : memref<106496x128xf32, #tpu.memory_space<hbm>> -> memref<128x128xf32, #tpu.memory_space<hbm>>
      tpu.enqueue_dma source(%dma_start3A_150 : memref<128x128xf32, #tpu.memory_space<hbm>>) target(%arg8 : memref<128x128xf32, #tpu.memory_space<vmem>>) target_semaphore(%arg10 : memref<!tpu.dma_semaphore, #tpu.memory_space<semaphore_mem>>)
      %sub3A_151 = arith.constant 1 : i32
      %sub3A_152 = arith.subi %add3A_135, %sub3A_151 : i32
      %mul3A_153 = arith.constant 128 : i32
      %mul3A_154 = arith.muli %sub3A_152, %mul3A_153 : i32
      %add3A_155 = arith.addi %mul3A_4, %mul3A_154 : i32
      %dma_wait3A_156 = arith.constant 0 : i32
      %dma_wait3A_157 = tpu.memref_slice %arg2[%add3A_155, %dma_wait3A_156] : memref<106496x128xf32, #tpu.memory_space<hbm>> -> memref<128x128xf32, #tpu.memory_space<hbm>>
      %dma_wait3A_158 = arith.constant 0 : i32
      %dma_wait3A_159 = tpu.memref_slice %arg2[%add3A_155, %dma_wait3A_158] : memref<106496x128xf32, #tpu.memory_space<hbm>> -> memref<128x128xf32, #tpu.memory_space<hbm>>
      tpu.wait_dma2 semaphore(%arg9 : memref<!tpu.dma_semaphore, #tpu.memory_space<semaphore_mem>>) src(%dma_wait3A_159 : memref<128x128xf32, #tpu.memory_space<hbm>>) dst(%arg7 : memref<128x128xf32, #tpu.memory_space<vmem>>)
      %sub3A_160 = arith.constant 1 : i32
      %sub3A_161 = arith.subi %add3A_135, %sub3A_160 : i32
      %dma_start3A_162 = arith.constant 0 : i32
      %dma_start3A_163 = tpu.memref_slice %arg6[%sub3A_161, %dma_start3A_162] : memref<26x128xi32, #tpu.memory_space<vmem>> -> memref<1x128xi32, #tpu.memory_space<vmem>>
      %dma_start3A_164 = tpu.memref_squeeze %dma_start3A_163 : memref<1x128xi32, #tpu.memory_space<vmem>> -> memref<128xi32, #tpu.memory_space<vmem>>
      %dma_start3A_165 = arith.constant 0 : i32
      %dma_start3A_166 = arith.constant 0 : i32
      %dma_start3A_167 = tpu.memref_slice %arg13[%dma_start3A_165, %dma_start3A_166] : memref<10240x128xf32, #tpu.memory_space<vmem_shared>> -> memref<10240x128xf32, #tpu.memory_space<vmem_shared>>
      tpu.enqueue_indirect_dma source(%arg7 : memref<128x128xf32, #tpu.memory_space<vmem>>) target(%dma_start3A_167 : memref<10240x128xf32, #tpu.memory_space<vmem_shared>>) offsets(%dma_start3A_164 : memref<128xi32, #tpu.memory_space<vmem>>) semaphore(%arg11 : memref<!tpu.dma_semaphore, #tpu.memory_space<semaphore_mem>>) {add = true}
    }
    %scan3A_58 = arith.constant 12 : i32
    %add3A_59 = arith.constant 3200 : i32
    %add3A_60 = arith.addi %mul3A_4, %add3A_59 : i32
    %dma_wait3A_61 = arith.constant 0 : i32
    %dma_wait3A_62 = tpu.memref_slice %arg2[%add3A_60, %dma_wait3A_61] : memref<106496x128xf32, #tpu.memory_space<hbm>> -> memref<128x128xf32, #tpu.memory_space<hbm>>
    %dma_wait3A_63 = arith.constant 0 : i32
    %dma_wait3A_64 = tpu.memref_slice %arg2[%add3A_60, %dma_wait3A_63] : memref<106496x128xf32, #tpu.memory_space<hbm>> -> memref<128x128xf32, #tpu.memory_space<hbm>>
    tpu.wait_dma2 semaphore(%arg10 : memref<!tpu.dma_semaphore, #tpu.memory_space<semaphore_mem>>) src(%dma_wait3A_64 : memref<128x128xf32, #tpu.memory_space<hbm>>) dst(%arg8 : memref<128x128xf32, #tpu.memory_space<vmem>>)
    %dma_start3A_65 = arith.constant 25 : i32
    %dma_start3A_66 = arith.constant 0 : i32
    %dma_start3A_67 = tpu.memref_slice %arg6[%dma_start3A_65, %dma_start3A_66] : memref<26x128xi32, #tpu.memory_space<vmem>> -> memref<1x128xi32, #tpu.memory_space<vmem>>
    %dma_start3A_68 = tpu.memref_squeeze %dma_start3A_67 : memref<1x128xi32, #tpu.memory_space<vmem>> -> memref<128xi32, #tpu.memory_space<vmem>>
    %dma_start3A_69 = arith.constant 0 : i32
    %dma_start3A_70 = arith.constant 0 : i32
    %dma_start3A_71 = tpu.memref_slice %arg13[%dma_start3A_69, %dma_start3A_70] : memref<10240x128xf32, #tpu.memory_space<vmem_shared>> -> memref<10240x128xf32, #tpu.memory_space<vmem_shared>>
    tpu.enqueue_indirect_dma source(%arg8 : memref<128x128xf32, #tpu.memory_space<vmem>>) target(%dma_start3A_71 : memref<10240x128xf32, #tpu.memory_space<vmem_shared>>) offsets(%dma_start3A_68 : memref<128xi32, #tpu.memory_space<vmem>>) semaphore(%arg12 : memref<!tpu.dma_semaphore, #tpu.memory_space<semaphore_mem>>) {add = true}
    %dma_wait3A_72 = arith.constant 24 : i32
    %dma_wait3A_73 = arith.constant 0 : i32
    %dma_wait3A_74 = tpu.memref_slice %arg6[%dma_wait3A_72, %dma_wait3A_73] : memref<26x128xi32, #tpu.memory_space<vmem>> -> memref<1x128xi32, #tpu.memory_space<vmem>>
    %dma_wait3A_75 = tpu.memref_squeeze %dma_wait3A_74 : memref<1x128xi32, #tpu.memory_space<vmem>> -> memref<128xi32, #tpu.memory_space<vmem>>
    %dma_wait3A_76 = arith.constant 0 : i32
    %dma_wait3A_77 = arith.constant 0 : i32
    %dma_wait3A_78 = tpu.memref_slice %arg13[%dma_wait3A_76, %dma_wait3A_77] : memref<10240x128xf32, #tpu.memory_space<vmem_shared>> -> memref<10240x128xf32, #tpu.memory_space<vmem_shared>>
    tpu.wait_indirect_dma semaphore(%arg11 : memref<!tpu.dma_semaphore, #tpu.memory_space<semaphore_mem>>) src(%arg7 : memref<128x128xf32, #tpu.memory_space<vmem>>) dst(%dma_wait3A_78 : memref<10240x128xf32, #tpu.memory_space<vmem_shared>>)
    %dma_wait3A_79 = arith.constant 25 : i32
    %dma_wait3A_80 = arith.constant 0 : i32
    %dma_wait3A_81 = tpu.memref_slice %arg6[%dma_wait3A_79, %dma_wait3A_80] : memref<26x128xi32, #tpu.memory_space<vmem>> -> memref<1x128xi32, #tpu.memory_space<vmem>>
    %dma_wait3A_82 = tpu.memref_squeeze %dma_wait3A_81 : memref<1x128xi32, #tpu.memory_space<vmem>> -> memref<128xi32, #tpu.memory_space<vmem>>
    %dma_wait3A_83 = arith.constant 0 : i32
    %dma_wait3A_84 = arith.constant 0 : i32
    %dma_wait3A_85 = tpu.memref_slice %arg13[%dma_wait3A_83, %dma_wait3A_84] : memref<10240x128xf32, #tpu.memory_space<vmem_shared>> -> memref<10240x128xf32, #tpu.memory_space<vmem_shared>>
    tpu.wait_indirect_dma semaphore(%arg12 : memref<!tpu.dma_semaphore, #tpu.memory_space<semaphore_mem>>) src(%arg8 : memref<128x128xf32, #tpu.memory_space<vmem>>) dst(%dma_wait3A_85 : memref<10240x128xf32, #tpu.memory_space<vmem_shared>>)
    %barrier3A_86 = arith.constant 0 : index
    tpu.barrier barrier_id(%barrier3A_86)
    %mul3A_87 = arith.constant 640 : i32
    %mul3A_88 = arith.muli %arg1, %mul3A_87 : i32
    %eq3A = arith.constant 0 : i32
    %eq3A_89 = arith.cmpi eq, %arg0, %eq3A : i32
    %convert_element_type3A = arith.extui %eq3A_89 : i1 to i32
    %cond3A = arith.constant 0 : i32
    %cond3A_90 = arith.cmpi ne, %convert_element_type3A, %cond3A : i32
    scf.if %cond3A_90 {
      "tpu.region"() ({
        %run_scoped3A = tpu.sem_alloc : memref<!tpu.dma_semaphore, #tpu.memory_space<semaphore_mem>>
        %dma_start3A_96 = arith.constant 0 : i32
        %dma_start3A_97 = tpu.memref_slice %arg4[%mul3A_88, %dma_start3A_96] : memref<10240x128xf32, #tpu.memory_space<hbm>> -> memref<640x128xf32, #tpu.memory_space<hbm>>
        %dma_start3A_98 = arith.constant 0 : i32
        %dma_start3A_99 = tpu.memref_slice %arg13[%mul3A_88, %dma_start3A_98] : memref<10240x128xf32, #tpu.memory_space<vmem_shared>> -> memref<640x128xf32, #tpu.memory_space<vmem_shared>>
        tpu.enqueue_dma source(%dma_start3A_99 : memref<640x128xf32, #tpu.memory_space<vmem_shared>>) target(%dma_start3A_97 : memref<640x128xf32, #tpu.memory_space<hbm>>) target_semaphore(%run_scoped3A : memref<!tpu.dma_semaphore, #tpu.memory_space<semaphore_mem>>)
        %dma_wait3A_100 = arith.constant 0 : i32
        %dma_wait3A_101 = tpu.memref_slice %arg4[%mul3A_88, %dma_wait3A_100] : memref<10240x128xf32, #tpu.memory_space<hbm>> -> memref<640x128xf32, #tpu.memory_space<hbm>>
        %dma_wait3A_102 = arith.constant 0 : i32
        %dma_wait3A_103 = tpu.memref_slice %arg13[%mul3A_88, %dma_wait3A_102] : memref<10240x128xf32, #tpu.memory_space<vmem_shared>> -> memref<640x128xf32, #tpu.memory_space<vmem_shared>>
        tpu.wait_dma2 semaphore(%run_scoped3A : memref<!tpu.dma_semaphore, #tpu.memory_space<semaphore_mem>>) src(%dma_wait3A_103 : memref<640x128xf32, #tpu.memory_space<vmem_shared>>) dst(%dma_wait3A_101 : memref<640x128xf32, #tpu.memory_space<hbm>>)
        tpu.yield
      }) : () -> ()
    } else {
    }
    %eq3A_91 = arith.constant 1 : i32
    %eq3A_92 = arith.cmpi eq, %arg0, %eq3A_91 : i32
    %convert_element_type3A_93 = arith.extui %eq3A_92 : i1 to i32
    %cond3A_94 = arith.constant 0 : i32
    %cond3A_95 = arith.cmpi ne, %convert_element_type3A_93, %cond3A_94 : i32
    scf.if %cond3A_95 {
      "tpu.region"() ({
        %run_scoped3A = tpu.sem_alloc : memref<!tpu.dma_semaphore, #tpu.memory_space<semaphore_mem>>
        %dma_start3A_96 = arith.constant 0 : i32
        %dma_start3A_97 = tpu.memref_slice %arg5[%mul3A_88, %dma_start3A_96] : memref<10240x128xf32, #tpu.memory_space<hbm>> -> memref<640x128xf32, #tpu.memory_space<hbm>>
        %dma_start3A_98 = arith.constant 0 : i32
        %dma_start3A_99 = tpu.memref_slice %arg13[%mul3A_88, %dma_start3A_98] : memref<10240x128xf32, #tpu.memory_space<vmem_shared>> -> memref<640x128xf32, #tpu.memory_space<vmem_shared>>
        tpu.enqueue_dma source(%dma_start3A_99 : memref<640x128xf32, #tpu.memory_space<vmem_shared>>) target(%dma_start3A_97 : memref<640x128xf32, #tpu.memory_space<hbm>>) target_semaphore(%run_scoped3A : memref<!tpu.dma_semaphore, #tpu.memory_space<semaphore_mem>>)
        %dma_wait3A_100 = arith.constant 0 : i32
        %dma_wait3A_101 = tpu.memref_slice %arg5[%mul3A_88, %dma_wait3A_100] : memref<10240x128xf32, #tpu.memory_space<hbm>> -> memref<640x128xf32, #tpu.memory_space<hbm>>
        %dma_wait3A_102 = arith.constant 0 : i32
        %dma_wait3A_103 = tpu.memref_slice %arg13[%mul3A_88, %dma_wait3A_102] : memref<10240x128xf32, #tpu.memory_space<vmem_shared>> -> memref<640x128xf32, #tpu.memory_space<vmem_shared>>
        tpu.wait_dma2 semaphore(%run_scoped3A : memref<!tpu.dma_semaphore, #tpu.memory_space<semaphore_mem>>) src(%dma_wait3A_103 : memref<640x128xf32, #tpu.memory_space<vmem_shared>>) dst(%dma_wait3A_101 : memref<640x128xf32, #tpu.memory_space<hbm>>)
        tpu.yield
      }) : () -> ()
    } else {
    }
    return
  }
}

#map = affine_map<(d0, d1) -> (0, 0)>
#map1 = affine_map<(d0, d1) -> (0, 0, 0)>
module attributes {stable_mosaic.version = 14 : i64} {
  func.func @body_fn(%arg0: i32, %arg1: i32, %arg2: memref<81920x128xf32, #tpu.memory_space<hbm>>, %arg3: memref<32x20x128xi32, #tpu.memory_space<hbm>>, %arg4: memref<10240x128xf32, #tpu.memory_space<hbm>>, %arg5: memref<10240x128xf32, #tpu.memory_space<hbm>>, %arg6: memref<20x128xi32, #tpu.memory_space<vmem>>, %arg7: memref<128x128xf32, #tpu.memory_space<vmem>>, %arg8: memref<128x128xf32, #tpu.memory_space<vmem>>, %arg9: memref<!tpu.dma_semaphore, #tpu.memory_space<semaphore_mem>>, %arg10: memref<!tpu.dma_semaphore, #tpu.memory_space<semaphore_mem>>, %arg11: memref<!tpu.dma_semaphore, #tpu.memory_space<semaphore_mem>>, %arg12: memref<!tpu.dma_semaphore, #tpu.memory_space<semaphore_mem>>, %arg13: memref<10240x128xf32, #tpu.memory_space<vmem_shared>>) attributes {dimension_semantics = [#tpu.dimension_semantics<core_parallel>, #tpu.dimension_semantics<subcore_parallel>], iteration_bounds = array<i64: 2, 16>, scalar_prefetch = 0 : i64, scratch_operands = 8 : i64, tpu.core_type = #tpu.core_type<sc_vector_subcore>, window_params = [{transform_indices = #map}, {transform_indices = #map1}, {transform_indices = #map}, {transform_indices = #map}]} {
    %mul3A = arith.constant 2 : i32
    %mul3A_0 = arith.muli %arg1, %mul3A : i32
    %add3A = arith.addi %mul3A_0, %arg0 : i32
    %mul3A_1 = arith.constant 20 : i32
    %mul3A_2 = arith.muli %add3A, %mul3A_1 : i32
    %mul3A_3 = arith.constant 128 : i32
    %mul3A_4 = arith.muli %mul3A_2, %mul3A_3 : i32
    %scan3A = arith.constant 0 : i32
    %scan3A_5 = arith.constant 0 : i32
    %scan3A_6 = arith.constant 128 : i32
    %scan3A_7 = arith.addi %scan3A_5, %scan3A_6 : i32
    %scan3A_8 = arith.constant 1 : i32
    scf.for %scan3A_96 = %scan3A_5 to %scan3A_7 step %scan3A_8  : i32 {
      %broadcast_in_dim3A = arith.constant 0.000000e+00 : f32
      %broadcast_in_dim3A_97 = vector.broadcast %broadcast_in_dim3A : f32 to vector<16xf32>
      %swap3A = arith.index_cast %scan3A_96 : i32 to index
      %swap3A_98 = arith.constant 0 : index
      %swap3A_99 = tpu.vector_load %arg7[%swap3A, %swap3A_98] {strides = array<i32>} : memref<128x128xf32, #tpu.memory_space<vmem>>, vector<1x16xf32>,
      %swap3A_100 = vector.shape_cast %swap3A_99 : vector<1x16xf32> to vector<16xf32>
      %swap3A_101 = vector.shape_cast %broadcast_in_dim3A_97 : vector<16xf32> to vector<1x16xf32>
      tpu.vector_store %arg7[%swap3A, %swap3A_98], %swap3A_101 {strides = array<i32>} : memref<128x128xf32, #tpu.memory_space<vmem>>, vector<1x16xf32>,
      %broadcast_in_dim3A_102 = arith.constant 0.000000e+00 : f32
      %broadcast_in_dim3A_103 = vector.broadcast %broadcast_in_dim3A_102 : f32 to vector<16xf32>
      %swap3A_104 = arith.index_cast %scan3A_96 : i32 to index
      %swap3A_105 = arith.constant 16 : index
      %swap3A_106 = tpu.vector_load %arg7[%swap3A_104, %swap3A_105] {strides = array<i32>} : memref<128x128xf32, #tpu.memory_space<vmem>>, vector<1x16xf32>,
      %swap3A_107 = vector.shape_cast %swap3A_106 : vector<1x16xf32> to vector<16xf32>
      %swap3A_108 = vector.shape_cast %broadcast_in_dim3A_103 : vector<16xf32> to vector<1x16xf32>
      tpu.vector_store %arg7[%swap3A_104, %swap3A_105], %swap3A_108 {strides = array<i32>} : memref<128x128xf32, #tpu.memory_space<vmem>>, vector<1x16xf32>,
      %broadcast_in_dim3A_109 = arith.constant 0.000000e+00 : f32
      %broadcast_in_dim3A_110 = vector.broadcast %broadcast_in_dim3A_109 : f32 to vector<16xf32>
      %swap3A_111 = arith.index_cast %scan3A_96 : i32 to index
      %swap3A_112 = arith.constant 32 : index
      %swap3A_113 = tpu.vector_load %arg7[%swap3A_111, %swap3A_112] {strides = array<i32>} : memref<128x128xf32, #tpu.memory_space<vmem>>, vector<1x16xf32>,
      %swap3A_114 = vector.shape_cast %swap3A_113 : vector<1x16xf32> to vector<16xf32>
      %swap3A_115 = vector.shape_cast %broadcast_in_dim3A_110 : vector<16xf32> to vector<1x16xf32>
      tpu.vector_store %arg7[%swap3A_111, %swap3A_112], %swap3A_115 {strides = array<i32>} : memref<128x128xf32, #tpu.memory_space<vmem>>, vector<1x16xf32>,
      %broadcast_in_dim3A_116 = arith.constant 0.000000e+00 : f32
      %broadcast_in_dim3A_117 = vector.broadcast %broadcast_in_dim3A_116 : f32 to vector<16xf32>
      %swap3A_118 = arith.index_cast %scan3A_96 : i32 to index
      %swap3A_119 = arith.constant 48 : index
      %swap3A_120 = tpu.vector_load %arg7[%swap3A_118, %swap3A_119] {strides = array<i32>} : memref<128x128xf32, #tpu.memory_space<vmem>>, vector<1x16xf32>,
      %swap3A_121 = vector.shape_cast %swap3A_120 : vector<1x16xf32> to vector<16xf32>
      %swap3A_122 = vector.shape_cast %broadcast_in_dim3A_117 : vector<16xf32> to vector<1x16xf32>
      tpu.vector_store %arg7[%swap3A_118, %swap3A_119], %swap3A_122 {strides = array<i32>} : memref<128x128xf32, #tpu.memory_space<vmem>>, vector<1x16xf32>,
      %broadcast_in_dim3A_123 = arith.constant 0.000000e+00 : f32
      %broadcast_in_dim3A_124 = vector.broadcast %broadcast_in_dim3A_123 : f32 to vector<16xf32>
      %swap3A_125 = arith.index_cast %scan3A_96 : i32 to index
      %swap3A_126 = arith.constant 64 : index
      %swap3A_127 = tpu.vector_load %arg7[%swap3A_125, %swap3A_126] {strides = array<i32>} : memref<128x128xf32, #tpu.memory_space<vmem>>, vector<1x16xf32>,
      %swap3A_128 = vector.shape_cast %swap3A_127 : vector<1x16xf32> to vector<16xf32>
      %swap3A_129 = vector.shape_cast %broadcast_in_dim3A_124 : vector<16xf32> to vector<1x16xf32>
      tpu.vector_store %arg7[%swap3A_125, %swap3A_126], %swap3A_129 {strides = array<i32>} : memref<128x128xf32, #tpu.memory_space<vmem>>, vector<1x16xf32>,
      %broadcast_in_dim3A_130 = arith.constant 0.000000e+00 : f32
      %broadcast_in_dim3A_131 = vector.broadcast %broadcast_in_dim3A_130 : f32 to vector<16xf32>
      %swap3A_132 = arith.index_cast %scan3A_96 : i32 to index
      %swap3A_133 = arith.constant 80 : index
      %swap3A_134 = tpu.vector_load %arg7[%swap3A_132, %swap3A_133] {strides = array<i32>} : memref<128x128xf32, #tpu.memory_space<vmem>>, vector<1x16xf32>,
      %swap3A_135 = vector.shape_cast %swap3A_134 : vector<1x16xf32> to vector<16xf32>
      %swap3A_136 = vector.shape_cast %broadcast_in_dim3A_131 : vector<16xf32> to vector<1x16xf32>
      tpu.vector_store %arg7[%swap3A_132, %swap3A_133], %swap3A_136 {strides = array<i32>} : memref<128x128xf32, #tpu.memory_space<vmem>>, vector<1x16xf32>,
      %broadcast_in_dim3A_137 = arith.constant 0.000000e+00 : f32
      %broadcast_in_dim3A_138 = vector.broadcast %broadcast_in_dim3A_137 : f32 to vector<16xf32>
      %swap3A_139 = arith.index_cast %scan3A_96 : i32 to index
      %swap3A_140 = arith.constant 96 : index
      %swap3A_141 = tpu.vector_load %arg7[%swap3A_139, %swap3A_140] {strides = array<i32>} : memref<128x128xf32, #tpu.memory_space<vmem>>, vector<1x16xf32>,
      %swap3A_142 = vector.shape_cast %swap3A_141 : vector<1x16xf32> to vector<16xf32>
      %swap3A_143 = vector.shape_cast %broadcast_in_dim3A_138 : vector<16xf32> to vector<1x16xf32>
      tpu.vector_store %arg7[%swap3A_139, %swap3A_140], %swap3A_143 {strides = array<i32>} : memref<128x128xf32, #tpu.memory_space<vmem>>, vector<1x16xf32>,
      %broadcast_in_dim3A_144 = arith.constant 0.000000e+00 : f32
      %broadcast_in_dim3A_145 = vector.broadcast %broadcast_in_dim3A_144 : f32 to vector<16xf32>
      %swap3A_146 = arith.index_cast %scan3A_96 : i32 to index
      %swap3A_147 = arith.constant 112 : index
      %swap3A_148 = tpu.vector_load %arg7[%swap3A_146, %swap3A_147] {strides = array<i32>} : memref<128x128xf32, #tpu.memory_space<vmem>>, vector<1x16xf32>,
      %swap3A_149 = vector.shape_cast %swap3A_148 : vector<1x16xf32> to vector<16xf32>
      %swap3A_150 = vector.shape_cast %broadcast_in_dim3A_145 : vector<16xf32> to vector<1x16xf32>
      tpu.vector_store %arg7[%swap3A_146, %swap3A_147], %swap3A_150 {strides = array<i32>} : memref<128x128xf32, #tpu.memory_space<vmem>>, vector<1x16xf32>,
    }
    %scan3A_9 = arith.constant 128 : i32
    %mul3A_10 = arith.constant 640 : i32
    %mul3A_11 = arith.muli %arg1, %mul3A_10 : i32
    %add3A_12 = arith.constant 0 : i32
    %add3A_13 = arith.addi %mul3A_11, %add3A_12 : i32
    "tpu.region"() ({
      %run_scoped3A = tpu.sem_alloc : memref<!tpu.dma_semaphore, #tpu.memory_space<semaphore_mem>>
      %dma_start3A_96 = arith.constant 0 : i32
      %dma_start3A_97 = tpu.memref_slice %arg13[%add3A_13, %dma_start3A_96] : memref<10240x128xf32, #tpu.memory_space<vmem_shared>> -> memref<128x128xf32, #tpu.memory_space<vmem_shared>>
      %dma_start3A_98 = arith.constant 0 : i32
      %dma_start3A_99 = tpu.memref_slice %arg13[%add3A_13, %dma_start3A_98] : memref<10240x128xf32, #tpu.memory_space<vmem_shared>> -> memref<128x128xf32, #tpu.memory_space<vmem_shared>>
      tpu.enqueue_dma source(%arg7 : memref<128x128xf32, #tpu.memory_space<vmem>>) target(%dma_start3A_99 : memref<128x128xf32, #tpu.memory_space<vmem_shared>>) target_semaphore(%run_scoped3A : memref<!tpu.dma_semaphore, #tpu.memory_space<semaphore_mem>>)
      %dma_wait3A_100 = arith.constant 0 : i32
      %dma_wait3A_101 = tpu.memref_slice %arg13[%add3A_13, %dma_wait3A_100] : memref<10240x128xf32, #tpu.memory_space<vmem_shared>> -> memref<128x128xf32, #tpu.memory_space<vmem_shared>>
      %dma_wait3A_102 = arith.constant 0 : i32
      %dma_wait3A_103 = tpu.memref_slice %arg13[%add3A_13, %dma_wait3A_102] : memref<10240x128xf32, #tpu.memory_space<vmem_shared>> -> memref<128x128xf32, #tpu.memory_space<vmem_shared>>
      tpu.wait_dma2 semaphore(%run_scoped3A : memref<!tpu.dma_semaphore, #tpu.memory_space<semaphore_mem>>) src(%arg7 : memref<128x128xf32, #tpu.memory_space<vmem>>) dst(%dma_wait3A_103 : memref<128x128xf32, #tpu.memory_space<vmem_shared>>)
      tpu.yield
    }) : () -> ()
    %mul3A_14 = arith.constant 640 : i32
    %mul3A_15 = arith.muli %arg1, %mul3A_14 : i32
    %add3A_16 = arith.constant 128 : i32
    %add3A_17 = arith.addi %mul3A_15, %add3A_16 : i32
    "tpu.region"() ({
      %run_scoped3A = tpu.sem_alloc : memref<!tpu.dma_semaphore, #tpu.memory_space<semaphore_mem>>
      %dma_start3A_96 = arith.constant 0 : i32
      %dma_start3A_97 = tpu.memref_slice %arg13[%add3A_17, %dma_start3A_96] : memref<10240x128xf32, #tpu.memory_space<vmem_shared>> -> memref<128x128xf32, #tpu.memory_space<vmem_shared>>
      %dma_start3A_98 = arith.constant 0 : i32
      %dma_start3A_99 = tpu.memref_slice %arg13[%add3A_17, %dma_start3A_98] : memref<10240x128xf32, #tpu.memory_space<vmem_shared>> -> memref<128x128xf32, #tpu.memory_space<vmem_shared>>
      tpu.enqueue_dma source(%arg7 : memref<128x128xf32, #tpu.memory_space<vmem>>) target(%dma_start3A_99 : memref<128x128xf32, #tpu.memory_space<vmem_shared>>) target_semaphore(%run_scoped3A : memref<!tpu.dma_semaphore, #tpu.memory_space<semaphore_mem>>)
      %dma_wait3A_100 = arith.constant 0 : i32
      %dma_wait3A_101 = tpu.memref_slice %arg13[%add3A_17, %dma_wait3A_100] : memref<10240x128xf32, #tpu.memory_space<vmem_shared>> -> memref<128x128xf32, #tpu.memory_space<vmem_shared>>
      %dma_wait3A_102 = arith.constant 0 : i32
      %dma_wait3A_103 = tpu.memref_slice %arg13[%add3A_17, %dma_wait3A_102] : memref<10240x128xf32, #tpu.memory_space<vmem_shared>> -> memref<128x128xf32, #tpu.memory_space<vmem_shared>>
      tpu.wait_dma2 semaphore(%run_scoped3A : memref<!tpu.dma_semaphore, #tpu.memory_space<semaphore_mem>>) src(%arg7 : memref<128x128xf32, #tpu.memory_space<vmem>>) dst(%dma_wait3A_103 : memref<128x128xf32, #tpu.memory_space<vmem_shared>>)
      tpu.yield
    }) : () -> ()
    %mul3A_18 = arith.constant 640 : i32
    %mul3A_19 = arith.muli %arg1, %mul3A_18 : i32
    %add3A_20 = arith.constant 256 : i32
    %add3A_21 = arith.addi %mul3A_19, %add3A_20 : i32
    "tpu.region"() ({
      %run_scoped3A = tpu.sem_alloc : memref<!tpu.dma_semaphore, #tpu.memory_space<semaphore_mem>>
      %dma_start3A_96 = arith.constant 0 : i32
      %dma_start3A_97 = tpu.memref_slice %arg13[%add3A_21, %dma_start3A_96] : memref<10240x128xf32, #tpu.memory_space<vmem_shared>> -> memref<128x128xf32, #tpu.memory_space<vmem_shared>>
      %dma_start3A_98 = arith.constant 0 : i32
      %dma_start3A_99 = tpu.memref_slice %arg13[%add3A_21, %dma_start3A_98] : memref<10240x128xf32, #tpu.memory_space<vmem_shared>> -> memref<128x128xf32, #tpu.memory_space<vmem_shared>>
      tpu.enqueue_dma source(%arg7 : memref<128x128xf32, #tpu.memory_space<vmem>>) target(%dma_start3A_99 : memref<128x128xf32, #tpu.memory_space<vmem_shared>>) target_semaphore(%run_scoped3A : memref<!tpu.dma_semaphore, #tpu.memory_space<semaphore_mem>>)
      %dma_wait3A_100 = arith.constant 0 : i32
      %dma_wait3A_101 = tpu.memref_slice %arg13[%add3A_21, %dma_wait3A_100] : memref<10240x128xf32, #tpu.memory_space<vmem_shared>> -> memref<128x128xf32, #tpu.memory_space<vmem_shared>>
      %dma_wait3A_102 = arith.constant 0 : i32
      %dma_wait3A_103 = tpu.memref_slice %arg13[%add3A_21, %dma_wait3A_102] : memref<10240x128xf32, #tpu.memory_space<vmem_shared>> -> memref<128x128xf32, #tpu.memory_space<vmem_shared>>
      tpu.wait_dma2 semaphore(%run_scoped3A : memref<!tpu.dma_semaphore, #tpu.memory_space<semaphore_mem>>) src(%arg7 : memref<128x128xf32, #tpu.memory_space<vmem>>) dst(%dma_wait3A_103 : memref<128x128xf32, #tpu.memory_space<vmem_shared>>)
      tpu.yield
    }) : () -> ()
    %mul3A_22 = arith.constant 640 : i32
    %mul3A_23 = arith.muli %arg1, %mul3A_22 : i32
    %add3A_24 = arith.constant 384 : i32
    %add3A_25 = arith.addi %mul3A_23, %add3A_24 : i32
    "tpu.region"() ({
      %run_scoped3A = tpu.sem_alloc : memref<!tpu.dma_semaphore, #tpu.memory_space<semaphore_mem>>
      %dma_start3A_96 = arith.constant 0 : i32
      %dma_start3A_97 = tpu.memref_slice %arg13[%add3A_25, %dma_start3A_96] : memref<10240x128xf32, #tpu.memory_space<vmem_shared>> -> memref<128x128xf32, #tpu.memory_space<vmem_shared>>
      %dma_start3A_98 = arith.constant 0 : i32
      %dma_start3A_99 = tpu.memref_slice %arg13[%add3A_25, %dma_start3A_98] : memref<10240x128xf32, #tpu.memory_space<vmem_shared>> -> memref<128x128xf32, #tpu.memory_space<vmem_shared>>
      tpu.enqueue_dma source(%arg7 : memref<128x128xf32, #tpu.memory_space<vmem>>) target(%dma_start3A_99 : memref<128x128xf32, #tpu.memory_space<vmem_shared>>) target_semaphore(%run_scoped3A : memref<!tpu.dma_semaphore, #tpu.memory_space<semaphore_mem>>)
      %dma_wait3A_100 = arith.constant 0 : i32
      %dma_wait3A_101 = tpu.memref_slice %arg13[%add3A_25, %dma_wait3A_100] : memref<10240x128xf32, #tpu.memory_space<vmem_shared>> -> memref<128x128xf32, #tpu.memory_space<vmem_shared>>
      %dma_wait3A_102 = arith.constant 0 : i32
      %dma_wait3A_103 = tpu.memref_slice %arg13[%add3A_25, %dma_wait3A_102] : memref<10240x128xf32, #tpu.memory_space<vmem_shared>> -> memref<128x128xf32, #tpu.memory_space<vmem_shared>>
      tpu.wait_dma2 semaphore(%run_scoped3A : memref<!tpu.dma_semaphore, #tpu.memory_space<semaphore_mem>>) src(%arg7 : memref<128x128xf32, #tpu.memory_space<vmem>>) dst(%dma_wait3A_103 : memref<128x128xf32, #tpu.memory_space<vmem_shared>>)
      tpu.yield
    }) : () -> ()
    %mul3A_26 = arith.constant 640 : i32
    %mul3A_27 = arith.muli %arg1, %mul3A_26 : i32
    %add3A_28 = arith.constant 512 : i32
    %add3A_29 = arith.addi %mul3A_27, %add3A_28 : i32
    "tpu.region"() ({
      %run_scoped3A = tpu.sem_alloc : memref<!tpu.dma_semaphore, #tpu.memory_space<semaphore_mem>>
      %dma_start3A_96 = arith.constant 0 : i32
      %dma_start3A_97 = tpu.memref_slice %arg13[%add3A_29, %dma_start3A_96] : memref<10240x128xf32, #tpu.memory_space<vmem_shared>> -> memref<128x128xf32, #tpu.memory_space<vmem_shared>>
      %dma_start3A_98 = arith.constant 0 : i32
      %dma_start3A_99 = tpu.memref_slice %arg13[%add3A_29, %dma_start3A_98] : memref<10240x128xf32, #tpu.memory_space<vmem_shared>> -> memref<128x128xf32, #tpu.memory_space<vmem_shared>>
      tpu.enqueue_dma source(%arg7 : memref<128x128xf32, #tpu.memory_space<vmem>>) target(%dma_start3A_99 : memref<128x128xf32, #tpu.memory_space<vmem_shared>>) target_semaphore(%run_scoped3A : memref<!tpu.dma_semaphore, #tpu.memory_space<semaphore_mem>>)
      %dma_wait3A_100 = arith.constant 0 : i32
      %dma_wait3A_101 = tpu.memref_slice %arg13[%add3A_29, %dma_wait3A_100] : memref<10240x128xf32, #tpu.memory_space<vmem_shared>> -> memref<128x128xf32, #tpu.memory_space<vmem_shared>>
      %dma_wait3A_102 = arith.constant 0 : i32
      %dma_wait3A_103 = tpu.memref_slice %arg13[%add3A_29, %dma_wait3A_102] : memref<10240x128xf32, #tpu.memory_space<vmem_shared>> -> memref<128x128xf32, #tpu.memory_space<vmem_shared>>
      tpu.wait_dma2 semaphore(%run_scoped3A : memref<!tpu.dma_semaphore, #tpu.memory_space<semaphore_mem>>) src(%arg7 : memref<128x128xf32, #tpu.memory_space<vmem>>) dst(%dma_wait3A_103 : memref<128x128xf32, #tpu.memory_space<vmem_shared>>)
      tpu.yield
    }) : () -> ()
    %barrier3A = arith.constant 0 : index
    tpu.barrier barrier_id(%barrier3A)
    "tpu.region"() ({
      %run_scoped3A = tpu.sem_alloc : memref<!tpu.dma_semaphore, #tpu.memory_space<semaphore_mem>>
      %dma_start3A_96 = arith.constant 0 : i32
      %dma_start3A_97 = arith.constant 0 : i32
      %dma_start3A_98 = tpu.memref_slice %arg3[%add3A, %dma_start3A_96, %dma_start3A_97] : memref<32x20x128xi32, #tpu.memory_space<hbm>> -> memref<1x20x128xi32, #tpu.memory_space<hbm>>
      %dma_start3A_99 = tpu.memref_squeeze %dma_start3A_98 : memref<1x20x128xi32, #tpu.memory_space<hbm>> -> memref<20x128xi32, #tpu.memory_space<hbm>>
      %dma_start3A_100 = arith.constant 0 : i32
      %dma_start3A_101 = arith.constant 0 : i32
      %dma_start3A_102 = tpu.memref_slice %arg3[%add3A, %dma_start3A_100, %dma_start3A_101] : memref<32x20x128xi32, #tpu.memory_space<hbm>> -> memref<1x20x128xi32, #tpu.memory_space<hbm>>
      %dma_start3A_103 = tpu.memref_squeeze %dma_start3A_102 : memref<1x20x128xi32, #tpu.memory_space<hbm>> -> memref<20x128xi32, #tpu.memory_space<hbm>>
      tpu.enqueue_dma source(%dma_start3A_103 : memref<20x128xi32, #tpu.memory_space<hbm>>) target(%arg6 : memref<20x128xi32, #tpu.memory_space<vmem>>) target_semaphore(%run_scoped3A : memref<!tpu.dma_semaphore, #tpu.memory_space<semaphore_mem>>)
      %dma_wait3A_104 = arith.constant 0 : i32
      %dma_wait3A_105 = arith.constant 0 : i32
      %dma_wait3A_106 = tpu.memref_slice %arg3[%add3A, %dma_wait3A_104, %dma_wait3A_105] : memref<32x20x128xi32, #tpu.memory_space<hbm>> -> memref<1x20x128xi32, #tpu.memory_space<hbm>>
      %dma_wait3A_107 = tpu.memref_squeeze %dma_wait3A_106 : memref<1x20x128xi32, #tpu.memory_space<hbm>> -> memref<20x128xi32, #tpu.memory_space<hbm>>
      %dma_wait3A_108 = arith.constant 0 : i32
      %dma_wait3A_109 = arith.constant 0 : i32
      %dma_wait3A_110 = tpu.memref_slice %arg3[%add3A, %dma_wait3A_108, %dma_wait3A_109] : memref<32x20x128xi32, #tpu.memory_space<hbm>> -> memref<1x20x128xi32, #tpu.memory_space<hbm>>
      %dma_wait3A_111 = tpu.memref_squeeze %dma_wait3A_110 : memref<1x20x128xi32, #tpu.memory_space<hbm>> -> memref<20x128xi32, #tpu.memory_space<hbm>>
      tpu.wait_dma2 semaphore(%run_scoped3A : memref<!tpu.dma_semaphore, #tpu.memory_space<semaphore_mem>>) src(%dma_wait3A_111 : memref<20x128xi32, #tpu.memory_space<hbm>>) dst(%arg6 : memref<20x128xi32, #tpu.memory_space<vmem>>)
      tpu.yield
    }) : () -> ()
    %add3A_30 = arith.constant 0 : i32
    %add3A_31 = arith.addi %mul3A_4, %add3A_30 : i32
    %dma_start3A = arith.constant 0 : i32
    %dma_start3A_32 = tpu.memref_slice %arg2[%add3A_31, %dma_start3A] : memref<81920x128xf32, #tpu.memory_space<hbm>> -> memref<128x128xf32, #tpu.memory_space<hbm>>
    %dma_start3A_33 = arith.constant 0 : i32
    %dma_start3A_34 = tpu.memref_slice %arg2[%add3A_31, %dma_start3A_33] : memref<81920x128xf32, #tpu.memory_space<hbm>> -> memref<128x128xf32, #tpu.memory_space<hbm>>
    tpu.enqueue_dma source(%dma_start3A_34 : memref<128x128xf32, #tpu.memory_space<hbm>>) target(%arg7 : memref<128x128xf32, #tpu.memory_space<vmem>>) target_semaphore(%arg9 : memref<!tpu.dma_semaphore, #tpu.memory_space<semaphore_mem>>)
    %add3A_35 = arith.constant 128 : i32
    %add3A_36 = arith.addi %mul3A_4, %add3A_35 : i32
    %dma_start3A_37 = arith.constant 0 : i32
    %dma_start3A_38 = tpu.memref_slice %arg2[%add3A_36, %dma_start3A_37] : memref<81920x128xf32, #tpu.memory_space<hbm>> -> memref<128x128xf32, #tpu.memory_space<hbm>>
    %dma_start3A_39 = arith.constant 0 : i32
    %dma_start3A_40 = tpu.memref_slice %arg2[%add3A_36, %dma_start3A_39] : memref<81920x128xf32, #tpu.memory_space<hbm>> -> memref<128x128xf32, #tpu.memory_space<hbm>>
    tpu.enqueue_dma source(%dma_start3A_40 : memref<128x128xf32, #tpu.memory_space<hbm>>) target(%arg8 : memref<128x128xf32, #tpu.memory_space<vmem>>) target_semaphore(%arg10 : memref<!tpu.dma_semaphore, #tpu.memory_space<semaphore_mem>>)
    %add3A_41 = arith.constant 0 : i32
    %add3A_42 = arith.addi %mul3A_4, %add3A_41 : i32
    %dma_wait3A = arith.constant 0 : i32
    %dma_wait3A_43 = tpu.memref_slice %arg2[%add3A_42, %dma_wait3A] : memref<81920x128xf32, #tpu.memory_space<hbm>> -> memref<128x128xf32, #tpu.memory_space<hbm>>
    %dma_wait3A_44 = arith.constant 0 : i32
    %dma_wait3A_45 = tpu.memref_slice %arg2[%add3A_42, %dma_wait3A_44] : memref<81920x128xf32, #tpu.memory_space<hbm>> -> memref<128x128xf32, #tpu.memory_space<hbm>>
    tpu.wait_dma2 semaphore(%arg9 : memref<!tpu.dma_semaphore, #tpu.memory_space<semaphore_mem>>) src(%dma_wait3A_45 : memref<128x128xf32, #tpu.memory_space<hbm>>) dst(%arg7 : memref<128x128xf32, #tpu.memory_space<vmem>>)
    %dma_start3A_46 = arith.constant 0 : i32
    %dma_start3A_47 = arith.constant 0 : i32
    %dma_start3A_48 = tpu.memref_slice %arg6[%dma_start3A_46, %dma_start3A_47] : memref<20x128xi32, #tpu.memory_space<vmem>> -> memref<1x128xi32, #tpu.memory_space<vmem>>
    %dma_start3A_49 = tpu.memref_squeeze %dma_start3A_48 : memref<1x128xi32, #tpu.memory_space<vmem>> -> memref<128xi32, #tpu.memory_space<vmem>>
    %dma_start3A_50 = arith.constant 0 : i32
    %dma_start3A_51 = arith.constant 0 : i32
    %dma_start3A_52 = tpu.memref_slice %arg13[%dma_start3A_50, %dma_start3A_51] : memref<10240x128xf32, #tpu.memory_space<vmem_shared>> -> memref<10240x128xf32, #tpu.memory_space<vmem_shared>>
    tpu.enqueue_indirect_dma source(%arg7 : memref<128x128xf32, #tpu.memory_space<vmem>>) target(%dma_start3A_52 : memref<10240x128xf32, #tpu.memory_space<vmem_shared>>) offsets(%dma_start3A_49 : memref<128xi32, #tpu.memory_space<vmem>>) semaphore(%arg11 : memref<!tpu.dma_semaphore, #tpu.memory_space<semaphore_mem>>) {add = true}
    %scan3A_53 = arith.constant 0 : i32
    %scan3A_54 = arith.constant 1 : i32
    %scan3A_55 = arith.constant 9 : i32
    %scan3A_56 = arith.addi %scan3A_54, %scan3A_55 : i32
    %scan3A_57 = arith.constant 1 : i32
    scf.for %scan3A_96 = %scan3A_54 to %scan3A_56 step %scan3A_57  : i32 {
      %mul3A_97 = arith.constant 2 : i32
      %mul3A_98 = arith.muli %scan3A_96, %mul3A_97 : i32
      %add3A_99 = arith.constant 0 : i32
      %add3A_100 = arith.addi %mul3A_98, %add3A_99 : i32
      %sub3A = arith.constant 2 : i32
      %sub3A_101 = arith.subi %add3A_100, %sub3A : i32
      %dma_wait3A_102 = arith.constant 0 : i32
      %dma_wait3A_103 = tpu.memref_slice %arg6[%sub3A_101, %dma_wait3A_102] : memref<20x128xi32, #tpu.memory_space<vmem>> -> memref<1x128xi32, #tpu.memory_space<vmem>>
      %dma_wait3A_104 = tpu.memref_squeeze %dma_wait3A_103 : memref<1x128xi32, #tpu.memory_space<vmem>> -> memref<128xi32, #tpu.memory_space<vmem>>
      %dma_wait3A_105 = arith.constant 0 : i32
      %dma_wait3A_106 = arith.constant 0 : i32
      %dma_wait3A_107 = tpu.memref_slice %arg13[%dma_wait3A_105, %dma_wait3A_106] : memref<10240x128xf32, #tpu.memory_space<vmem_shared>> -> memref<10240x128xf32, #tpu.memory_space<vmem_shared>>
      tpu.wait_indirect_dma semaphore(%arg11 : memref<!tpu.dma_semaphore, #tpu.memory_space<semaphore_mem>>) src(%arg7 : memref<128x128xf32, #tpu.memory_space<vmem>>) dst(%dma_wait3A_107 : memref<10240x128xf32, #tpu.memory_space<vmem_shared>>)
      %mul3A_108 = arith.constant 128 : i32
      %mul3A_109 = arith.muli %add3A_100, %mul3A_108 : i32
      %add3A_110 = arith.addi %mul3A_4, %mul3A_109 : i32
      %dma_start3A_111 = arith.constant 0 : i32
      %dma_start3A_112 = tpu.memref_slice %arg2[%add3A_110, %dma_start3A_111] : memref<81920x128xf32, #tpu.memory_space<hbm>> -> memref<128x128xf32, #tpu.memory_space<hbm>>
      %dma_start3A_113 = arith.constant 0 : i32
      %dma_start3A_114 = tpu.memref_slice %arg2[%add3A_110, %dma_start3A_113] : memref<81920x128xf32, #tpu.memory_space<hbm>> -> memref<128x128xf32, #tpu.memory_space<hbm>>
      tpu.enqueue_dma source(%dma_start3A_114 : memref<128x128xf32, #tpu.memory_space<hbm>>) target(%arg7 : memref<128x128xf32, #tpu.memory_space<vmem>>) target_semaphore(%arg9 : memref<!tpu.dma_semaphore, #tpu.memory_space<semaphore_mem>>)
      %sub3A_115 = arith.constant 1 : i32
      %sub3A_116 = arith.subi %add3A_100, %sub3A_115 : i32
      %mul3A_117 = arith.constant 128 : i32
      %mul3A_118 = arith.muli %sub3A_116, %mul3A_117 : i32
      %add3A_119 = arith.addi %mul3A_4, %mul3A_118 : i32
      %dma_wait3A_120 = arith.constant 0 : i32
      %dma_wait3A_121 = tpu.memref_slice %arg2[%add3A_119, %dma_wait3A_120] : memref<81920x128xf32, #tpu.memory_space<hbm>> -> memref<128x128xf32, #tpu.memory_space<hbm>>
      %dma_wait3A_122 = arith.constant 0 : i32
      %dma_wait3A_123 = tpu.memref_slice %arg2[%add3A_119, %dma_wait3A_122] : memref<81920x128xf32, #tpu.memory_space<hbm>> -> memref<128x128xf32, #tpu.memory_space<hbm>>
      tpu.wait_dma2 semaphore(%arg10 : memref<!tpu.dma_semaphore, #tpu.memory_space<semaphore_mem>>) src(%dma_wait3A_123 : memref<128x128xf32, #tpu.memory_space<hbm>>) dst(%arg8 : memref<128x128xf32, #tpu.memory_space<vmem>>)
      %sub3A_124 = arith.constant 1 : i32
      %sub3A_125 = arith.subi %add3A_100, %sub3A_124 : i32
      %dma_start3A_126 = arith.constant 0 : i32
      %dma_start3A_127 = tpu.memref_slice %arg6[%sub3A_125, %dma_start3A_126] : memref<20x128xi32, #tpu.memory_space<vmem>> -> memref<1x128xi32, #tpu.memory_space<vmem>>
      %dma_start3A_128 = tpu.memref_squeeze %dma_start3A_127 : memref<1x128xi32, #tpu.memory_space<vmem>> -> memref<128xi32, #tpu.memory_space<vmem>>
      %dma_start3A_129 = arith.constant 0 : i32
      %dma_start3A_130 = arith.constant 0 : i32
      %dma_start3A_131 = tpu.memref_slice %arg13[%dma_start3A_129, %dma_start3A_130] : memref<10240x128xf32, #tpu.memory_space<vmem_shared>> -> memref<10240x128xf32, #tpu.memory_space<vmem_shared>>
      tpu.enqueue_indirect_dma source(%arg8 : memref<128x128xf32, #tpu.memory_space<vmem>>) target(%dma_start3A_131 : memref<10240x128xf32, #tpu.memory_space<vmem_shared>>) offsets(%dma_start3A_128 : memref<128xi32, #tpu.memory_space<vmem>>) semaphore(%arg12 : memref<!tpu.dma_semaphore, #tpu.memory_space<semaphore_mem>>) {add = true}
      %mul3A_132 = arith.constant 2 : i32
      %mul3A_133 = arith.muli %scan3A_96, %mul3A_132 : i32
      %add3A_134 = arith.constant 1 : i32
      %add3A_135 = arith.addi %mul3A_133, %add3A_134 : i32
      %sub3A_136 = arith.constant 2 : i32
      %sub3A_137 = arith.subi %add3A_135, %sub3A_136 : i32
      %dma_wait3A_138 = arith.constant 0 : i32
      %dma_wait3A_139 = tpu.memref_slice %arg6[%sub3A_137, %dma_wait3A_138] : memref<20x128xi32, #tpu.memory_space<vmem>> -> memref<1x128xi32, #tpu.memory_space<vmem>>
      %dma_wait3A_140 = tpu.memref_squeeze %dma_wait3A_139 : memref<1x128xi32, #tpu.memory_space<vmem>> -> memref<128xi32, #tpu.memory_space<vmem>>
      %dma_wait3A_141 = arith.constant 0 : i32
      %dma_wait3A_142 = arith.constant 0 : i32
      %dma_wait3A_143 = tpu.memref_slice %arg13[%dma_wait3A_141, %dma_wait3A_142] : memref<10240x128xf32, #tpu.memory_space<vmem_shared>> -> memref<10240x128xf32, #tpu.memory_space<vmem_shared>>
      tpu.wait_indirect_dma semaphore(%arg12 : memref<!tpu.dma_semaphore, #tpu.memory_space<semaphore_mem>>) src(%arg8 : memref<128x128xf32, #tpu.memory_space<vmem>>) dst(%dma_wait3A_143 : memref<10240x128xf32, #tpu.memory_space<vmem_shared>>)
      %mul3A_144 = arith.constant 128 : i32
      %mul3A_145 = arith.muli %add3A_135, %mul3A_144 : i32
      %add3A_146 = arith.addi %mul3A_4, %mul3A_145 : i32
      %dma_start3A_147 = arith.constant 0 : i32
      %dma_start3A_148 = tpu.memref_slice %arg2[%add3A_146, %dma_start3A_147] : memref<81920x128xf32, #tpu.memory_space<hbm>> -> memref<128x128xf32, #tpu.memory_space<hbm>>
      %dma_start3A_149 = arith.constant 0 : i32
      %dma_start3A_150 = tpu.memref_slice %arg2[%add3A_146, %dma_start3A_149] : memref<81920x128xf32, #tpu.memory_space<hbm>> -> memref<128x128xf32, #tpu.memory_space<hbm>>
      tpu.enqueue_dma source(%dma_start3A_150 : memref<128x128xf32, #tpu.memory_space<hbm>>) target(%arg8 : memref<128x128xf32, #tpu.memory_space<vmem>>) target_semaphore(%arg10 : memref<!tpu.dma_semaphore, #tpu.memory_space<semaphore_mem>>)
      %sub3A_151 = arith.constant 1 : i32
      %sub3A_152 = arith.subi %add3A_135, %sub3A_151 : i32
      %mul3A_153 = arith.constant 128 : i32
      %mul3A_154 = arith.muli %sub3A_152, %mul3A_153 : i32
      %add3A_155 = arith.addi %mul3A_4, %mul3A_154 : i32
      %dma_wait3A_156 = arith.constant 0 : i32
      %dma_wait3A_157 = tpu.memref_slice %arg2[%add3A_155, %dma_wait3A_156] : memref<81920x128xf32, #tpu.memory_space<hbm>> -> memref<128x128xf32, #tpu.memory_space<hbm>>
      %dma_wait3A_158 = arith.constant 0 : i32
      %dma_wait3A_159 = tpu.memref_slice %arg2[%add3A_155, %dma_wait3A_158] : memref<81920x128xf32, #tpu.memory_space<hbm>> -> memref<128x128xf32, #tpu.memory_space<hbm>>
      tpu.wait_dma2 semaphore(%arg9 : memref<!tpu.dma_semaphore, #tpu.memory_space<semaphore_mem>>) src(%dma_wait3A_159 : memref<128x128xf32, #tpu.memory_space<hbm>>) dst(%arg7 : memref<128x128xf32, #tpu.memory_space<vmem>>)
      %sub3A_160 = arith.constant 1 : i32
      %sub3A_161 = arith.subi %add3A_135, %sub3A_160 : i32
      %dma_start3A_162 = arith.constant 0 : i32
      %dma_start3A_163 = tpu.memref_slice %arg6[%sub3A_161, %dma_start3A_162] : memref<20x128xi32, #tpu.memory_space<vmem>> -> memref<1x128xi32, #tpu.memory_space<vmem>>
      %dma_start3A_164 = tpu.memref_squeeze %dma_start3A_163 : memref<1x128xi32, #tpu.memory_space<vmem>> -> memref<128xi32, #tpu.memory_space<vmem>>
      %dma_start3A_165 = arith.constant 0 : i32
      %dma_start3A_166 = arith.constant 0 : i32
      %dma_start3A_167 = tpu.memref_slice %arg13[%dma_start3A_165, %dma_start3A_166] : memref<10240x128xf32, #tpu.memory_space<vmem_shared>> -> memref<10240x128xf32, #tpu.memory_space<vmem_shared>>
      tpu.enqueue_indirect_dma source(%arg7 : memref<128x128xf32, #tpu.memory_space<vmem>>) target(%dma_start3A_167 : memref<10240x128xf32, #tpu.memory_space<vmem_shared>>) offsets(%dma_start3A_164 : memref<128xi32, #tpu.memory_space<vmem>>) semaphore(%arg11 : memref<!tpu.dma_semaphore, #tpu.memory_space<semaphore_mem>>) {add = true}
    }
    %scan3A_58 = arith.constant 9 : i32
    %add3A_59 = arith.constant 2432 : i32
    %add3A_60 = arith.addi %mul3A_4, %add3A_59 : i32
    %dma_wait3A_61 = arith.constant 0 : i32
    %dma_wait3A_62 = tpu.memref_slice %arg2[%add3A_60, %dma_wait3A_61] : memref<81920x128xf32, #tpu.memory_space<hbm>> -> memref<128x128xf32, #tpu.memory_space<hbm>>
    %dma_wait3A_63 = arith.constant 0 : i32
    %dma_wait3A_64 = tpu.memref_slice %arg2[%add3A_60, %dma_wait3A_63] : memref<81920x128xf32, #tpu.memory_space<hbm>> -> memref<128x128xf32, #tpu.memory_space<hbm>>
    tpu.wait_dma2 semaphore(%arg10 : memref<!tpu.dma_semaphore, #tpu.memory_space<semaphore_mem>>) src(%dma_wait3A_64 : memref<128x128xf32, #tpu.memory_space<hbm>>) dst(%arg8 : memref<128x128xf32, #tpu.memory_space<vmem>>)
    %dma_start3A_65 = arith.constant 19 : i32
    %dma_start3A_66 = arith.constant 0 : i32
    %dma_start3A_67 = tpu.memref_slice %arg6[%dma_start3A_65, %dma_start3A_66] : memref<20x128xi32, #tpu.memory_space<vmem>> -> memref<1x128xi32, #tpu.memory_space<vmem>>
    %dma_start3A_68 = tpu.memref_squeeze %dma_start3A_67 : memref<1x128xi32, #tpu.memory_space<vmem>> -> memref<128xi32, #tpu.memory_space<vmem>>
    %dma_start3A_69 = arith.constant 0 : i32
    %dma_start3A_70 = arith.constant 0 : i32
    %dma_start3A_71 = tpu.memref_slice %arg13[%dma_start3A_69, %dma_start3A_70] : memref<10240x128xf32, #tpu.memory_space<vmem_shared>> -> memref<10240x128xf32, #tpu.memory_space<vmem_shared>>
    tpu.enqueue_indirect_dma source(%arg8 : memref<128x128xf32, #tpu.memory_space<vmem>>) target(%dma_start3A_71 : memref<10240x128xf32, #tpu.memory_space<vmem_shared>>) offsets(%dma_start3A_68 : memref<128xi32, #tpu.memory_space<vmem>>) semaphore(%arg12 : memref<!tpu.dma_semaphore, #tpu.memory_space<semaphore_mem>>) {add = true}
    %dma_wait3A_72 = arith.constant 18 : i32
    %dma_wait3A_73 = arith.constant 0 : i32
    %dma_wait3A_74 = tpu.memref_slice %arg6[%dma_wait3A_72, %dma_wait3A_73] : memref<20x128xi32, #tpu.memory_space<vmem>> -> memref<1x128xi32, #tpu.memory_space<vmem>>
    %dma_wait3A_75 = tpu.memref_squeeze %dma_wait3A_74 : memref<1x128xi32, #tpu.memory_space<vmem>> -> memref<128xi32, #tpu.memory_space<vmem>>
    %dma_wait3A_76 = arith.constant 0 : i32
    %dma_wait3A_77 = arith.constant 0 : i32
    %dma_wait3A_78 = tpu.memref_slice %arg13[%dma_wait3A_76, %dma_wait3A_77] : memref<10240x128xf32, #tpu.memory_space<vmem_shared>> -> memref<10240x128xf32, #tpu.memory_space<vmem_shared>>
    tpu.wait_indirect_dma semaphore(%arg11 : memref<!tpu.dma_semaphore, #tpu.memory_space<semaphore_mem>>) src(%arg7 : memref<128x128xf32, #tpu.memory_space<vmem>>) dst(%dma_wait3A_78 : memref<10240x128xf32, #tpu.memory_space<vmem_shared>>)
    %dma_wait3A_79 = arith.constant 19 : i32
    %dma_wait3A_80 = arith.constant 0 : i32
    %dma_wait3A_81 = tpu.memref_slice %arg6[%dma_wait3A_79, %dma_wait3A_80] : memref<20x128xi32, #tpu.memory_space<vmem>> -> memref<1x128xi32, #tpu.memory_space<vmem>>
    %dma_wait3A_82 = tpu.memref_squeeze %dma_wait3A_81 : memref<1x128xi32, #tpu.memory_space<vmem>> -> memref<128xi32, #tpu.memory_space<vmem>>
    %dma_wait3A_83 = arith.constant 0 : i32
    %dma_wait3A_84 = arith.constant 0 : i32
    %dma_wait3A_85 = tpu.memref_slice %arg13[%dma_wait3A_83, %dma_wait3A_84] : memref<10240x128xf32, #tpu.memory_space<vmem_shared>> -> memref<10240x128xf32, #tpu.memory_space<vmem_shared>>
    tpu.wait_indirect_dma semaphore(%arg12 : memref<!tpu.dma_semaphore, #tpu.memory_space<semaphore_mem>>) src(%arg8 : memref<128x128xf32, #tpu.memory_space<vmem>>) dst(%dma_wait3A_85 : memref<10240x128xf32, #tpu.memory_space<vmem_shared>>)
    %barrier3A_86 = arith.constant 0 : index
    tpu.barrier barrier_id(%barrier3A_86)
    %mul3A_87 = arith.constant 640 : i32
    %mul3A_88 = arith.muli %arg1, %mul3A_87 : i32
    %eq3A = arith.constant 0 : i32
    %eq3A_89 = arith.cmpi eq, %arg0, %eq3A : i32
    %convert_element_type3A = arith.extui %eq3A_89 : i1 to i32
    %cond3A = arith.constant 0 : i32
    %cond3A_90 = arith.cmpi ne, %convert_element_type3A, %cond3A : i32
    scf.if %cond3A_90 {
      "tpu.region"() ({
        %run_scoped3A = tpu.sem_alloc : memref<!tpu.dma_semaphore, #tpu.memory_space<semaphore_mem>>
        %dma_start3A_96 = arith.constant 0 : i32
        %dma_start3A_97 = tpu.memref_slice %arg4[%mul3A_88, %dma_start3A_96] : memref<10240x128xf32, #tpu.memory_space<hbm>> -> memref<640x128xf32, #tpu.memory_space<hbm>>
        %dma_start3A_98 = arith.constant 0 : i32
        %dma_start3A_99 = tpu.memref_slice %arg13[%mul3A_88, %dma_start3A_98] : memref<10240x128xf32, #tpu.memory_space<vmem_shared>> -> memref<640x128xf32, #tpu.memory_space<vmem_shared>>
        tpu.enqueue_dma source(%dma_start3A_99 : memref<640x128xf32, #tpu.memory_space<vmem_shared>>) target(%dma_start3A_97 : memref<640x128xf32, #tpu.memory_space<hbm>>) target_semaphore(%run_scoped3A : memref<!tpu.dma_semaphore, #tpu.memory_space<semaphore_mem>>)
        %dma_wait3A_100 = arith.constant 0 : i32
        %dma_wait3A_101 = tpu.memref_slice %arg4[%mul3A_88, %dma_wait3A_100] : memref<10240x128xf32, #tpu.memory_space<hbm>> -> memref<640x128xf32, #tpu.memory_space<hbm>>
        %dma_wait3A_102 = arith.constant 0 : i32
        %dma_wait3A_103 = tpu.memref_slice %arg13[%mul3A_88, %dma_wait3A_102] : memref<10240x128xf32, #tpu.memory_space<vmem_shared>> -> memref<640x128xf32, #tpu.memory_space<vmem_shared>>
        tpu.wait_dma2 semaphore(%run_scoped3A : memref<!tpu.dma_semaphore, #tpu.memory_space<semaphore_mem>>) src(%dma_wait3A_103 : memref<640x128xf32, #tpu.memory_space<vmem_shared>>) dst(%dma_wait3A_101 : memref<640x128xf32, #tpu.memory_space<hbm>>)
        tpu.yield
      }) : () -> ()
    } else {
    }
    %eq3A_91 = arith.constant 1 : i32
    %eq3A_92 = arith.cmpi eq, %arg0, %eq3A_91 : i32
    %convert_element_type3A_93 = arith.extui %eq3A_92 : i1 to i32
    %cond3A_94 = arith.constant 0 : i32
    %cond3A_95 = arith.cmpi ne, %convert_element_type3A_93, %cond3A_94 : i32
    scf.if %cond3A_95 {
      "tpu.region"() ({
        %run_scoped3A = tpu.sem_alloc : memref<!tpu.dma_semaphore, #tpu.memory_space<semaphore_mem>>
        %dma_start3A_96 = arith.constant 0 : i32
        %dma_start3A_97 = tpu.memref_slice %arg5[%mul3A_88, %dma_start3A_96] : memref<10240x128xf32, #tpu.memory_space<hbm>> -> memref<640x128xf32, #tpu.memory_space<hbm>>
        %dma_start3A_98 = arith.constant 0 : i32
        %dma_start3A_99 = tpu.memref_slice %arg13[%mul3A_88, %dma_start3A_98] : memref<10240x128xf32, #tpu.memory_space<vmem_shared>> -> memref<640x128xf32, #tpu.memory_space<vmem_shared>>
        tpu.enqueue_dma source(%dma_start3A_99 : memref<640x128xf32, #tpu.memory_space<vmem_shared>>) target(%dma_start3A_97 : memref<640x128xf32, #tpu.memory_space<hbm>>) target_semaphore(%run_scoped3A : memref<!tpu.dma_semaphore, #tpu.memory_space<semaphore_mem>>)
        %dma_wait3A_100 = arith.constant 0 : i32
        %dma_wait3A_101 = tpu.memref_slice %arg5[%mul3A_88, %dma_wait3A_100] : memref<10240x128xf32, #tpu.memory_space<hbm>> -> memref<640x128xf32, #tpu.memory_space<hbm>>
        %dma_wait3A_102 = arith.constant 0 : i32
        %dma_wait3A_103 = tpu.memref_slice %arg13[%mul3A_88, %dma_wait3A_102] : memref<10240x128xf32, #tpu.memory_space<vmem_shared>> -> memref<640x128xf32, #tpu.memory_space<vmem_shared>>
        tpu.wait_dma2 semaphore(%run_scoped3A : memref<!tpu.dma_semaphore, #tpu.memory_space<semaphore_mem>>) src(%dma_wait3A_103 : memref<640x128xf32, #tpu.memory_space<vmem_shared>>) dst(%dma_wait3A_101 : memref<640x128xf32, #tpu.memory_space<hbm>>)
        tpu.yield
      }) : () -> ()
    } else {
    }
    return
  }
}

module attributes {stable_mosaic.version = 14 : i64} {
  func.func @_afh_body(%arg0: i32, %arg1: memref<2000x128xf32, #tpu.memory_space<vmem>>, %arg2: memref<128x128xf32, #tpu.memory_space<vmem>>, %arg3: memref<1x128xf32, #tpu.memory_space<vmem>>, %arg4: memref<2000x128xf32, #tpu.memory_space<vmem>>) attributes {dimension_semantics = [#tpu.dimension_semantics<arbitrary>], iteration_bounds = array<i64: 5>, scalar_prefetch = 0 : i64, scratch_operands = 0 : i64, tpu.core_type = #tpu.core_type<tc>, window_params = [{transform_indices = @transform_0, window_bounds = array<i64: 2000, 128>}, {pipeline_mode = #tpu.pipeline_mode<synchronous>, transform_indices = @transform_1, window_bounds = array<i64: 128, 128>}, {pipeline_mode = #tpu.pipeline_mode<synchronous>, transform_indices = @transform_2, window_bounds = array<i64: 1, 128>}, {transform_indices = @transform_3, window_bounds = array<i64: 2000, 128>}]} {
    %get3A = arith.constant 0 : index
    %get3A_0 = arith.constant 0 : index
    %get3A_1 = vector.load %arg1[%get3A, %get3A_0] : memref<2000x128xf32, #tpu.memory_space<vmem>>, vector<2000x128xf32>
    %get3A_2 = arith.constant 0 : index
    %get3A_3 = arith.constant 0 : index
    %get3A_4 = vector.load %arg2[%get3A_2, %get3A_3] : memref<128x128xf32, #tpu.memory_space<vmem>>, vector<128x128xf32>
    %dot_general3A = arith.constant dense<0.000000e+00> : vector<2000x128xf32>
    %dot_general3A_5 = tpu.matmul %get3A_1, %get3A_4, %dot_general3A {dimension_numbers = #tpu.dot_dimension_numbers<[1], [0], [0], [1], [0, 0, 1, 1], [], []>, transpose_lhs_hint = false} : vector<2000x128xf32>, vector<128x128xf32>, vector<2000x128xf32> -> vector<2000x128xf32>
    %get3A_6 = arith.constant 0 : index
    %get3A_7 = arith.constant 0 : index
    %get3A_8 = vector.load %arg3[%get3A_6, %get3A_7] : memref<1x128xf32, #tpu.memory_space<vmem>>, vector<1x128xf32>
    %add3A = vector.broadcast %get3A_8 : vector<1x128xf32> to vector<2000x128xf32>
    %add3A_9 = arith.addf %dot_general3A_5, %add3A : vector<2000x128xf32>
    %swap3A = arith.constant 0 : index
    %swap3A_10 = arith.constant 0 : index
    %swap3A_11 = vector.load %arg4[%swap3A, %swap3A_10] : memref<2000x128xf32, #tpu.memory_space<vmem>>, vector<2000x128xf32>
    tpu.vector_store %arg4[%swap3A, %swap3A_10], %add3A_9 {strides = array<i32>} : memref<2000x128xf32, #tpu.memory_space<vmem>>, vector<2000x128xf32>,
    return
  }
  func.func @transform_0(%arg0: i32) -> (i32, i32) {
    %c0_i32 = arith.constant 0 : i32
    %c0_i32_0 = arith.constant 0 : i32
    return %arg0, %c0_i32 : i32, i32
  }
  func.func @transform_1(%arg0: i32) -> (i32, i32) {
    %c0_i32 = arith.constant 0 : i32
    %c0_i32_0 = arith.constant 0 : i32
    %c0_i32_1 = arith.constant 0 : i32
    return %c0_i32, %c0_i32_0 : i32, i32
  }
  func.func @transform_2(%arg0: i32) -> (i32, i32) {
    %c0_i32 = arith.constant 0 : i32
    %c0_i32_0 = arith.constant 0 : i32
    %c0_i32_1 = arith.constant 0 : i32
    return %c0_i32, %c0_i32_0 : i32, i32
  }
  func.func @transform_3(%arg0: i32) -> (i32, i32) {
    %c0_i32 = arith.constant 0 : i32
    %c0_i32_0 = arith.constant 0 : i32
    return %arg0, %c0_i32 : i32, i32
  }
}

module attributes {stable_mosaic.version = 14 : i64} {
  func.func @_msg_body(%arg0: i32, %arg1: memref<100x2560xf32, #tpu.memory_space<vmem>>, %arg2: memref<2560x128xf32, #tpu.memory_space<vmem>>, %arg3: memref<100x128xf32, #tpu.memory_space<vmem>>, %arg4: memref<1x128xf32, #tpu.memory_space<vmem>>, %arg5: memref<128x128xf32, #tpu.memory_space<vmem>>, %arg6: memref<2560x128xf32, #tpu.memory_space<vmem>>) attributes {dimension_semantics = [#tpu.dimension_semantics<arbitrary>], iteration_bounds = array<i64: 41>, scalar_prefetch = 0 : i64, scratch_operands = 0 : i64, tpu.core_type = #tpu.core_type<tc>, window_params = [{transform_indices = @transform_0, window_bounds = array<i64: 100, 2560>}, {transform_indices = @transform_1, window_bounds = array<i64: 2560, 128>}, {pipeline_mode = #tpu.pipeline_mode<synchronous>, transform_indices = @transform_2, window_bounds = array<i64: 100, 128>}, {pipeline_mode = #tpu.pipeline_mode<synchronous>, transform_indices = @transform_3, window_bounds = array<i64: 1, 128>}, {pipeline_mode = #tpu.pipeline_mode<synchronous>, transform_indices = @transform_4, window_bounds = array<i64: 128, 128>}, {transform_indices = @transform_5, window_bounds = array<i64: 2560, 128>}]} {
    %get3A = arith.constant 0 : index
    %get3A_0 = arith.constant 0 : index
    %get3A_1 = vector.load %arg1[%get3A, %get3A_0] : memref<100x2560xf32, #tpu.memory_space<vmem>>, vector<100x2560xf32>
    %get3A_2 = arith.constant 0 : index
    %get3A_3 = arith.constant 0 : index
    %get3A_4 = vector.load %arg3[%get3A_2, %get3A_3] : memref<100x128xf32, #tpu.memory_space<vmem>>, vector<100x128xf32>
    %dot_general3A = arith.constant dense<0.000000e+00> : vector<2560x128xf32>
    %dot_general3A_5 = tpu.matmul %get3A_1, %get3A_4, %dot_general3A {dimension_numbers = #tpu.dot_dimension_numbers<[0], [0], [1], [1], [0, 1, 1, 1], [], []>, transpose_lhs_hint = false} : vector<100x2560xf32>, vector<100x128xf32>, vector<2560x128xf32> -> vector<2560x128xf32>
    %get3A_6 = arith.constant 0 : index
    %get3A_7 = arith.constant 0 : index
    %get3A_8 = vector.load %arg4[%get3A_6, %get3A_7] : memref<1x128xf32, #tpu.memory_space<vmem>>, vector<1x128xf32>
    %add3A = vector.broadcast %get3A_8 : vector<1x128xf32> to vector<2560x128xf32>
    %add3A_9 = arith.addf %dot_general3A_5, %add3A : vector<2560x128xf32>
    %get3A_10 = arith.constant 0 : index
    %get3A_11 = arith.constant 0 : index
    %get3A_12 = vector.load %arg2[%get3A_10, %get3A_11] : memref<2560x128xf32, #tpu.memory_space<vmem>>, vector<2560x128xf32>
    %mul3A = arith.mulf %add3A_9, %get3A_12 : vector<2560x128xf32>
    %get3A_13 = arith.constant 0 : index
    %get3A_14 = arith.constant 0 : index
    %get3A_15 = vector.load %arg5[%get3A_13, %get3A_14] : memref<128x128xf32, #tpu.memory_space<vmem>>, vector<128x128xf32>
    %dot_general3A_16 = arith.constant dense<0.000000e+00> : vector<2560x128xf32>
    %dot_general3A_17 = tpu.matmul %mul3A, %get3A_15, %dot_general3A_16 {dimension_numbers = #tpu.dot_dimension_numbers<[1], [0], [0], [1], [0, 0, 1, 1], [], []>, transpose_lhs_hint = false} : vector<2560x128xf32>, vector<128x128xf32>, vector<2560x128xf32> -> vector<2560x128xf32>
    %tanh3A = math.tanh %dot_general3A_17 : vector<2560x128xf32>
    %swap3A = arith.constant 0 : index
    %swap3A_18 = arith.constant 0 : index
    %swap3A_19 = vector.load %arg6[%swap3A, %swap3A_18] : memref<2560x128xf32, #tpu.memory_space<vmem>>, vector<2560x128xf32>
    tpu.vector_store %arg6[%swap3A, %swap3A_18], %tanh3A {strides = array<i32>} : memref<2560x128xf32, #tpu.memory_space<vmem>>, vector<2560x128xf32>,
    return
  }
  func.func @transform_0(%arg0: i32) -> (i32, i32) {
    %add3A = arith.constant 84 : i32
    %add3A_0 = arith.addi %arg0, %add3A : i32
    %c0_i32 = arith.constant 0 : i32
    %c0_i32_1 = arith.constant 0 : i32
    return %c0_i32, %add3A_0 : i32, i32
  }
  func.func @transform_1(%arg0: i32) -> (i32, i32) {
    %c0_i32 = arith.constant 0 : i32
    %c0_i32_0 = arith.constant 0 : i32
    return %arg0, %c0_i32 : i32, i32
  }
  func.func @transform_2(%arg0: i32) -> (i32, i32) {
    %c0_i32 = arith.constant 0 : i32
    %c0_i32_0 = arith.constant 0 : i32
    %c0_i32_1 = arith.constant 0 : i32
    return %c0_i32, %c0_i32_0 : i32, i32
  }
  func.func @transform_3(%arg0: i32) -> (i32, i32) {
    %c0_i32 = arith.constant 0 : i32
    %c0_i32_0 = arith.constant 0 : i32
    %c0_i32_1 = arith.constant 0 : i32
    return %c0_i32, %c0_i32_0 : i32, i32
  }
  func.func @transform_4(%arg0: i32) -> (i32, i32) {
    %c0_i32 = arith.constant 0 : i32
    %c0_i32_0 = arith.constant 0 : i32
    %c0_i32_1 = arith.constant 0 : i32
    return %c0_i32, %c0_i32_0 : i32, i32
  }
  func.func @transform_5(%arg0: i32) -> (i32, i32) {
    %c0_i32 = arith.constant 0 : i32
    %c0_i32_0 = arith.constant 0 : i32
    return %arg0, %c0_i32 : i32, i32
  }
}

module attributes {stable_mosaic.version = 14 : i64} {
  func.func @_msg_body(%arg0: i32, %arg1: memref<100x2560xf32, #tpu.memory_space<vmem>>, %arg2: memref<2560x128xf32, #tpu.memory_space<vmem>>, %arg3: memref<100x128xf32, #tpu.memory_space<vmem>>, %arg4: memref<1x128xf32, #tpu.memory_space<vmem>>, %arg5: memref<128x128xf32, #tpu.memory_space<vmem>>, %arg6: memref<2560x128xf32, #tpu.memory_space<vmem>>) attributes {dimension_semantics = [#tpu.dimension_semantics<arbitrary>], iteration_bounds = array<i64: 52>, scalar_prefetch = 0 : i64, scratch_operands = 0 : i64, tpu.core_type = #tpu.core_type<tc>, window_params = [{transform_indices = @transform_0, window_bounds = array<i64: 100, 2560>}, {transform_indices = @transform_1, window_bounds = array<i64: 2560, 128>}, {pipeline_mode = #tpu.pipeline_mode<synchronous>, transform_indices = @transform_2, window_bounds = array<i64: 100, 128>}, {pipeline_mode = #tpu.pipeline_mode<synchronous>, transform_indices = @transform_3, window_bounds = array<i64: 1, 128>}, {pipeline_mode = #tpu.pipeline_mode<synchronous>, transform_indices = @transform_4, window_bounds = array<i64: 128, 128>}, {transform_indices = @transform_5, window_bounds = array<i64: 2560, 128>}]} {
    %get3A = arith.constant 0 : index
    %get3A_0 = arith.constant 0 : index
    %get3A_1 = vector.load %arg1[%get3A, %get3A_0] : memref<100x2560xf32, #tpu.memory_space<vmem>>, vector<100x2560xf32>
    %get3A_2 = arith.constant 0 : index
    %get3A_3 = arith.constant 0 : index
    %get3A_4 = vector.load %arg3[%get3A_2, %get3A_3] : memref<100x128xf32, #tpu.memory_space<vmem>>, vector<100x128xf32>
    %dot_general3A = arith.constant dense<0.000000e+00> : vector<2560x128xf32>
    %dot_general3A_5 = tpu.matmul %get3A_1, %get3A_4, %dot_general3A {dimension_numbers = #tpu.dot_dimension_numbers<[0], [0], [1], [1], [0, 1, 1, 1], [], []>, transpose_lhs_hint = false} : vector<100x2560xf32>, vector<100x128xf32>, vector<2560x128xf32> -> vector<2560x128xf32>
    %get3A_6 = arith.constant 0 : index
    %get3A_7 = arith.constant 0 : index
    %get3A_8 = vector.load %arg4[%get3A_6, %get3A_7] : memref<1x128xf32, #tpu.memory_space<vmem>>, vector<1x128xf32>
    %add3A = vector.broadcast %get3A_8 : vector<1x128xf32> to vector<2560x128xf32>
    %add3A_9 = arith.addf %dot_general3A_5, %add3A : vector<2560x128xf32>
    %get3A_10 = arith.constant 0 : index
    %get3A_11 = arith.constant 0 : index
    %get3A_12 = vector.load %arg2[%get3A_10, %get3A_11] : memref<2560x128xf32, #tpu.memory_space<vmem>>, vector<2560x128xf32>
    %mul3A = arith.mulf %add3A_9, %get3A_12 : vector<2560x128xf32>
    %get3A_13 = arith.constant 0 : index
    %get3A_14 = arith.constant 0 : index
    %get3A_15 = vector.load %arg5[%get3A_13, %get3A_14] : memref<128x128xf32, #tpu.memory_space<vmem>>, vector<128x128xf32>
    %dot_general3A_16 = arith.constant dense<0.000000e+00> : vector<2560x128xf32>
    %dot_general3A_17 = tpu.matmul %mul3A, %get3A_15, %dot_general3A_16 {dimension_numbers = #tpu.dot_dimension_numbers<[1], [0], [0], [1], [0, 0, 1, 1], [], []>, transpose_lhs_hint = false} : vector<2560x128xf32>, vector<128x128xf32>, vector<2560x128xf32> -> vector<2560x128xf32>
    %tanh3A = math.tanh %dot_general3A_17 : vector<2560x128xf32>
    %swap3A = arith.constant 0 : index
    %swap3A_18 = arith.constant 0 : index
    %swap3A_19 = vector.load %arg6[%swap3A, %swap3A_18] : memref<2560x128xf32, #tpu.memory_space<vmem>>, vector<2560x128xf32>
    tpu.vector_store %arg6[%swap3A, %swap3A_18], %tanh3A {strides = array<i32>} : memref<2560x128xf32, #tpu.memory_space<vmem>>, vector<2560x128xf32>,
    return
  }
  func.func @transform_0(%arg0: i32) -> (i32, i32) {
    %add3A = arith.constant 32 : i32
    %add3A_0 = arith.addi %arg0, %add3A : i32
    %c0_i32 = arith.constant 0 : i32
    %c0_i32_1 = arith.constant 0 : i32
    return %c0_i32, %add3A_0 : i32, i32
  }
  func.func @transform_1(%arg0: i32) -> (i32, i32) {
    %c0_i32 = arith.constant 0 : i32
    %c0_i32_0 = arith.constant 0 : i32
    return %arg0, %c0_i32 : i32, i32
  }
  func.func @transform_2(%arg0: i32) -> (i32, i32) {
    %c0_i32 = arith.constant 0 : i32
    %c0_i32_0 = arith.constant 0 : i32
    %c0_i32_1 = arith.constant 0 : i32
    return %c0_i32, %c0_i32_0 : i32, i32
  }
  func.func @transform_3(%arg0: i32) -> (i32, i32) {
    %c0_i32 = arith.constant 0 : i32
    %c0_i32_0 = arith.constant 0 : i32
    %c0_i32_1 = arith.constant 0 : i32
    return %c0_i32, %c0_i32_0 : i32, i32
  }
  func.func @transform_4(%arg0: i32) -> (i32, i32) {
    %c0_i32 = arith.constant 0 : i32
    %c0_i32_0 = arith.constant 0 : i32
    %c0_i32_1 = arith.constant 0 : i32
    return %c0_i32, %c0_i32_0 : i32, i32
  }
  func.func @transform_5(%arg0: i32) -> (i32, i32) {
    %c0_i32 = arith.constant 0 : i32
    %c0_i32_0 = arith.constant 0 : i32
    return %arg0, %c0_i32 : i32, i32
  }
}

module attributes {stable_mosaic.version = 14 : i64} {
  func.func @_msg_body(%arg0: i32, %arg1: memref<100x2560xf32, #tpu.memory_space<vmem>>, %arg2: memref<2560x128xf32, #tpu.memory_space<vmem>>, %arg3: memref<100x128xf32, #tpu.memory_space<vmem>>, %arg4: memref<1x128xf32, #tpu.memory_space<vmem>>, %arg5: memref<128x128xf32, #tpu.memory_space<vmem>>, %arg6: memref<2560x128xf32, #tpu.memory_space<vmem>>) attributes {dimension_semantics = [#tpu.dimension_semantics<arbitrary>], iteration_bounds = array<i64: 32>, scalar_prefetch = 0 : i64, scratch_operands = 0 : i64, tpu.core_type = #tpu.core_type<tc>, window_params = [{transform_indices = @transform_0, window_bounds = array<i64: 100, 2560>}, {transform_indices = @transform_1, window_bounds = array<i64: 2560, 128>}, {pipeline_mode = #tpu.pipeline_mode<synchronous>, transform_indices = @transform_2, window_bounds = array<i64: 100, 128>}, {pipeline_mode = #tpu.pipeline_mode<synchronous>, transform_indices = @transform_3, window_bounds = array<i64: 1, 128>}, {pipeline_mode = #tpu.pipeline_mode<synchronous>, transform_indices = @transform_4, window_bounds = array<i64: 128, 128>}, {transform_indices = @transform_5, window_bounds = array<i64: 2560, 128>}]} {
    %get3A = arith.constant 0 : index
    %get3A_0 = arith.constant 0 : index
    %get3A_1 = vector.load %arg1[%get3A, %get3A_0] : memref<100x2560xf32, #tpu.memory_space<vmem>>, vector<100x2560xf32>
    %get3A_2 = arith.constant 0 : index
    %get3A_3 = arith.constant 0 : index
    %get3A_4 = vector.load %arg3[%get3A_2, %get3A_3] : memref<100x128xf32, #tpu.memory_space<vmem>>, vector<100x128xf32>
    %dot_general3A = arith.constant dense<0.000000e+00> : vector<2560x128xf32>
    %dot_general3A_5 = tpu.matmul %get3A_1, %get3A_4, %dot_general3A {dimension_numbers = #tpu.dot_dimension_numbers<[0], [0], [1], [1], [0, 1, 1, 1], [], []>, transpose_lhs_hint = false} : vector<100x2560xf32>, vector<100x128xf32>, vector<2560x128xf32> -> vector<2560x128xf32>
    %get3A_6 = arith.constant 0 : index
    %get3A_7 = arith.constant 0 : index
    %get3A_8 = vector.load %arg4[%get3A_6, %get3A_7] : memref<1x128xf32, #tpu.memory_space<vmem>>, vector<1x128xf32>
    %add3A = vector.broadcast %get3A_8 : vector<1x128xf32> to vector<2560x128xf32>
    %add3A_9 = arith.addf %dot_general3A_5, %add3A : vector<2560x128xf32>
    %get3A_10 = arith.constant 0 : index
    %get3A_11 = arith.constant 0 : index
    %get3A_12 = vector.load %arg2[%get3A_10, %get3A_11] : memref<2560x128xf32, #tpu.memory_space<vmem>>, vector<2560x128xf32>
    %mul3A = arith.mulf %add3A_9, %get3A_12 : vector<2560x128xf32>
    %get3A_13 = arith.constant 0 : index
    %get3A_14 = arith.constant 0 : index
    %get3A_15 = vector.load %arg5[%get3A_13, %get3A_14] : memref<128x128xf32, #tpu.memory_space<vmem>>, vector<128x128xf32>
    %dot_general3A_16 = arith.constant dense<0.000000e+00> : vector<2560x128xf32>
    %dot_general3A_17 = tpu.matmul %mul3A, %get3A_15, %dot_general3A_16 {dimension_numbers = #tpu.dot_dimension_numbers<[1], [0], [0], [1], [0, 0, 1, 1], [], []>, transpose_lhs_hint = false} : vector<2560x128xf32>, vector<128x128xf32>, vector<2560x128xf32> -> vector<2560x128xf32>
    %tanh3A = math.tanh %dot_general3A_17 : vector<2560x128xf32>
    %swap3A = arith.constant 0 : index
    %swap3A_18 = arith.constant 0 : index
    %swap3A_19 = vector.load %arg6[%swap3A, %swap3A_18] : memref<2560x128xf32, #tpu.memory_space<vmem>>, vector<2560x128xf32>
    tpu.vector_store %arg6[%swap3A, %swap3A_18], %tanh3A {strides = array<i32>} : memref<2560x128xf32, #tpu.memory_space<vmem>>, vector<2560x128xf32>,
    return
  }
  func.func @transform_0(%arg0: i32) -> (i32, i32) {
    %add3A = arith.constant 0 : i32
    %add3A_0 = arith.addi %arg0, %add3A : i32
    %c0_i32 = arith.constant 0 : i32
    %c0_i32_1 = arith.constant 0 : i32
    return %c0_i32, %add3A_0 : i32, i32
  }
  func.func @transform_1(%arg0: i32) -> (i32, i32) {
    %c0_i32 = arith.constant 0 : i32
    %c0_i32_0 = arith.constant 0 : i32
    return %arg0, %c0_i32 : i32, i32
  }
  func.func @transform_2(%arg0: i32) -> (i32, i32) {
    %c0_i32 = arith.constant 0 : i32
    %c0_i32_0 = arith.constant 0 : i32
    %c0_i32_1 = arith.constant 0 : i32
    return %c0_i32, %c0_i32_0 : i32, i32
  }
  func.func @transform_3(%arg0: i32) -> (i32, i32) {
    %c0_i32 = arith.constant 0 : i32
    %c0_i32_0 = arith.constant 0 : i32
    %c0_i32_1 = arith.constant 0 : i32
    return %c0_i32, %c0_i32_0 : i32, i32
  }
  func.func @transform_4(%arg0: i32) -> (i32, i32) {
    %c0_i32 = arith.constant 0 : i32
    %c0_i32_0 = arith.constant 0 : i32
    %c0_i32_1 = arith.constant 0 : i32
    return %c0_i32, %c0_i32_0 : i32, i32
  }
  func.func @transform_5(%arg0: i32) -> (i32, i32) {
    %c0_i32 = arith.constant 0 : i32
    %c0_i32_0 = arith.constant 0 : i32
    return %arg0, %c0_i32 : i32, i32
  }
}

module attributes {stable_mosaic.version = 14 : i64} {
  func.func @_final_body(%arg0: i32, %arg1: memref<2000x128xf32, #tpu.memory_space<vmem>>, %arg2: memref<2000x128xf32, #tpu.memory_space<vmem>>, %arg3: memref<2000x128xf32, #tpu.memory_space<vmem>>, %arg4: memref<2000x128xf32, #tpu.memory_space<vmem>>, %arg5: memref<2000x128xf32, #tpu.memory_space<vmem>>, %arg6: memref<2000x128xf32, #tpu.memory_space<vmem>>, %arg7: memref<2000x128xf32, #tpu.memory_space<vmem>>, %arg8: memref<2000x128xf32, #tpu.memory_space<vmem>>, %arg9: memref<1x128xf32, #tpu.memory_space<vmem>>, %arg10: memref<128x128xf32, #tpu.memory_space<vmem>>, %arg11: memref<2000x128xf32, #tpu.memory_space<vmem>>) attributes {dimension_semantics = [#tpu.dimension_semantics<arbitrary>], iteration_bounds = array<i64: 5>, scalar_prefetch = 0 : i64, scratch_operands = 0 : i64, tpu.core_type = #tpu.core_type<tc>, window_params = [{transform_indices = @transform_0, window_bounds = array<i64: 2000, 128>}, {transform_indices = @transform_1, window_bounds = array<i64: 2000, 128>}, {transform_indices = @transform_2, window_bounds = array<i64: 2000, 128>}, {transform_indices = @transform_3, window_bounds = array<i64: 2000, 128>}, {transform_indices = @transform_4, window_bounds = array<i64: 2000, 128>}, {transform_indices = @transform_5, window_bounds = array<i64: 2000, 128>}, {transform_indices = @transform_6, window_bounds = array<i64: 2000, 128>}, {transform_indices = @transform_7, window_bounds = array<i64: 2000, 128>}, {pipeline_mode = #tpu.pipeline_mode<synchronous>, transform_indices = @transform_8, window_bounds = array<i64: 1, 128>}, {pipeline_mode = #tpu.pipeline_mode<synchronous>, transform_indices = @transform_9, window_bounds = array<i64: 128, 128>}, {transform_indices = @transform_10, window_bounds = array<i64: 2000, 128>}]} {
    %get3A = arith.constant 0 : index
    %get3A_0 = arith.constant 0 : index
    %get3A_1 = vector.load %arg9[%get3A, %get3A_0] : memref<1x128xf32, #tpu.memory_space<vmem>>, vector<1x128xf32>
    %get3A_2 = arith.constant 0 : index
    %get3A_3 = arith.constant 0 : index
    %get3A_4 = vector.load %arg8[%get3A_2, %get3A_3] : memref<2000x128xf32, #tpu.memory_space<vmem>>, vector<2000x128xf32>
    %mul3A = vector.broadcast %get3A_1 : vector<1x128xf32> to vector<2000x128xf32>
    %mul3A_5 = arith.mulf %mul3A, %get3A_4 : vector<2000x128xf32>
    %get3A_6 = arith.constant 0 : index
    %get3A_7 = arith.constant 0 : index
    %get3A_8 = vector.load %arg10[%get3A_6, %get3A_7] : memref<128x128xf32, #tpu.memory_space<vmem>>, vector<128x128xf32>
    %dot_general3A = arith.constant dense<0.000000e+00> : vector<2000x128xf32>
    %dot_general3A_9 = tpu.matmul %mul3A_5, %get3A_8, %dot_general3A {dimension_numbers = #tpu.dot_dimension_numbers<[1], [0], [0], [1], [0, 0, 1, 1], [], []>, transpose_lhs_hint = false} : vector<2000x128xf32>, vector<128x128xf32>, vector<2000x128xf32> -> vector<2000x128xf32>
    %tanh3A = math.tanh %dot_general3A_9 : vector<2000x128xf32>
    %get3A_10 = arith.constant 0 : index
    %get3A_11 = arith.constant 0 : index
    %get3A_12 = vector.load %arg7[%get3A_10, %get3A_11] : memref<2000x128xf32, #tpu.memory_space<vmem>>, vector<2000x128xf32>
    %sub3A = arith.subf %get3A_12, %tanh3A : vector<2000x128xf32>
    %get3A_13 = arith.constant 0 : index
    %get3A_14 = arith.constant 0 : index
    %get3A_15 = vector.load %arg1[%get3A_13, %get3A_14] : memref<2000x128xf32, #tpu.memory_space<vmem>>, vector<2000x128xf32>
    %add3A = arith.addf %sub3A, %get3A_15 : vector<2000x128xf32>
    %get3A_16 = arith.constant 0 : index
    %get3A_17 = arith.constant 0 : index
    %get3A_18 = vector.load %arg2[%get3A_16, %get3A_17] : memref<2000x128xf32, #tpu.memory_space<vmem>>, vector<2000x128xf32>
    %add3A_19 = arith.addf %add3A, %get3A_18 : vector<2000x128xf32>
    %get3A_20 = arith.constant 0 : index
    %get3A_21 = arith.constant 0 : index
    %get3A_22 = vector.load %arg3[%get3A_20, %get3A_21] : memref<2000x128xf32, #tpu.memory_space<vmem>>, vector<2000x128xf32>
    %add3A_23 = arith.addf %add3A_19, %get3A_22 : vector<2000x128xf32>
    %get3A_24 = arith.constant 0 : index
    %get3A_25 = arith.constant 0 : index
    %get3A_26 = vector.load %arg4[%get3A_24, %get3A_25] : memref<2000x128xf32, #tpu.memory_space<vmem>>, vector<2000x128xf32>
    %add3A_27 = arith.addf %add3A_23, %get3A_26 : vector<2000x128xf32>
    %get3A_28 = arith.constant 0 : index
    %get3A_29 = arith.constant 0 : index
    %get3A_30 = vector.load %arg5[%get3A_28, %get3A_29] : memref<2000x128xf32, #tpu.memory_space<vmem>>, vector<2000x128xf32>
    %add3A_31 = arith.addf %add3A_27, %get3A_30 : vector<2000x128xf32>
    %get3A_32 = arith.constant 0 : index
    %get3A_33 = arith.constant 0 : index
    %get3A_34 = vector.load %arg6[%get3A_32, %get3A_33] : memref<2000x128xf32, #tpu.memory_space<vmem>>, vector<2000x128xf32>
    %add3A_35 = arith.addf %add3A_31, %get3A_34 : vector<2000x128xf32>
    %swap3A = arith.constant 0 : index
    %swap3A_36 = arith.constant 0 : index
    %swap3A_37 = vector.load %arg11[%swap3A, %swap3A_36] : memref<2000x128xf32, #tpu.memory_space<vmem>>, vector<2000x128xf32>
    tpu.vector_store %arg11[%swap3A, %swap3A_36], %add3A_35 {strides = array<i32>} : memref<2000x128xf32, #tpu.memory_space<vmem>>, vector<2000x128xf32>,
    return
  }
  func.func @transform_0(%arg0: i32) -> (i32, i32) {
    %c0_i32 = arith.constant 0 : i32
    %c0_i32_0 = arith.constant 0 : i32
    return %arg0, %c0_i32 : i32, i32
  }
  func.func @transform_1(%arg0: i32) -> (i32, i32) {
    %c0_i32 = arith.constant 0 : i32
    %c0_i32_0 = arith.constant 0 : i32
    return %arg0, %c0_i32 : i32, i32
  }
  func.func @transform_2(%arg0: i32) -> (i32, i32) {
    %c0_i32 = arith.constant 0 : i32
    %c0_i32_0 = arith.constant 0 : i32
    return %arg0, %c0_i32 : i32, i32
  }
  func.func @transform_3(%arg0: i32) -> (i32, i32) {
    %c0_i32 = arith.constant 0 : i32
    %c0_i32_0 = arith.constant 0 : i32
    return %arg0, %c0_i32 : i32, i32
  }
  func.func @transform_4(%arg0: i32) -> (i32, i32) {
    %c0_i32 = arith.constant 0 : i32
    %c0_i32_0 = arith.constant 0 : i32
    return %arg0, %c0_i32 : i32, i32
  }
  func.func @transform_5(%arg0: i32) -> (i32, i32) {
    %c0_i32 = arith.constant 0 : i32
    %c0_i32_0 = arith.constant 0 : i32
    return %arg0, %c0_i32 : i32, i32
  }
  func.func @transform_6(%arg0: i32) -> (i32, i32) {
    %c0_i32 = arith.constant 0 : i32
    %c0_i32_0 = arith.constant 0 : i32
    return %arg0, %c0_i32 : i32, i32
  }
  func.func @transform_7(%arg0: i32) -> (i32, i32) {
    %c0_i32 = arith.constant 0 : i32
    %c0_i32_0 = arith.constant 0 : i32
    return %arg0, %c0_i32 : i32, i32
  }
  func.func @transform_8(%arg0: i32) -> (i32, i32) {
    %c0_i32 = arith.constant 0 : i32
    %c0_i32_0 = arith.constant 0 : i32
    %c0_i32_1 = arith.constant 0 : i32
    return %c0_i32, %c0_i32_0 : i32, i32
  }
  func.func @transform_9(%arg0: i32) -> (i32, i32) {
    %c0_i32 = arith.constant 0 : i32
    %c0_i32_0 = arith.constant 0 : i32
    %c0_i32_1 = arith.constant 0 : i32
    return %c0_i32, %c0_i32_0 : i32, i32
  }
  func.func @transform_10(%arg0: i32) -> (i32, i32) {
    %c0_i32 = arith.constant 0 : i32
    %c0_i32_0 = arith.constant 0 : i32
    return %arg0, %c0_i32 : i32, i32
  }
}

</mosaic_0001>

<sc_bundles>
// kernel: kernel.13.cloned.1.call-start
scs
__scs_entry_jumppad:
0x0: {  	(pc) =	sbr.rel $0x88, $3  }
0x1: {  	(tag) =	ssettag $0x0;
	lr =	simm.s32 $0x1  }
0x2: {  	[smem:$0x3F98] =	sst lr;
	_ =	strace $0xD0000000  }
0x3: {  	_ = 	snop  }
0x4: {  	_ = 	snop  }
0x5: {  	_ = 	snop  }
0x6: {  	_ = 	snop  }
0x7: {  	_ = 	snop  }
__scs_overlays_trampoline_lowered:
0x8: {  	[smem:$0x3FA7] =	sst s0  }
0x9: {  	[smem:$0x3FA8] =	sst s1  }
0xa: {  	[smem:$0x3FA9] =	sst s2  }
0xb: {  	[smem:$0x3FAA] =	sst s3  }
0xc: {  	[smem:$0x3FAB] =	sst s4  }
0xd: {  	[smem:$0x3FAC] =	sst s5  }
0xe: {  	[smem:$0x3FAD] =	sst s6  }
0xf: {  	[smem:$0x3FAE] =	sst s7  }
0x10: {  	[smem:$0x3FAF] =	sst s8  }
0x11: {  	[smem:$0x3FB0] =	sst s9;
	s0 =	simm.s32 @!p0 $0x0  }
0x12: {  	s1 =	sld [smem:$0x3F96];
	s0 =	simm.s32 @p0 $0x1  }
0x13: {  	[smem:$0x3FB1] =	sst s0;
	s0 =	simm.s32 @!p1 $0x0  }
0x14: {  	s2 =	sld [smem:$0x3F95];
	s0 =	simm.s32 @p1 $0x1  }
0x15: {  	[smem:$0x3FB2] =	sst s0;
	s0 =	simm.s32 @!p2 $0x0  }
0x16: {  	s3 =	sld [smem:$0x3FDB];
	s0 =	simm.s32 @p2 $0x1  }
0x17: {  	s4 =	simm.s32 $0x1BF5;
	[smem:$0x3FB4] =	sst s0  }
0x18: {  	s0 =	sld [smem:$0x3F97];
	_ =	swait.ge [sflag:s4], $0x0  }
0x19: {  	s7 =	sld [smem:$0x3F98]  }
0x1a: {  	s8 =	sadd.s32 $0xFFFFE003, lr  }
0x1b: {  	s9 =	sadd.s32 $0xFFFFFEF7, lr;
	s5 =	simm.s32 $0xFFFFFFFF;
	p2 =	slt.u32 s8, $0xFFFFF086  }
0x1c: {  	p1 =	slt.u32 s9, $0xF7A;
	s5 =	simm.s32 @!p2 $0x0  }
0x1d: {  	s5 =	simm.s32 @p1 $0x1;
	p0 =	seq.s32 s7, s2  }
0x1e: {  	s7 =	smul.u32 @!p0 $0xF7A, s2;
	p2 =	seq.s32 @!p0 s5, $0x0  }
0x1f: {  	s9 =	smul.u32 $0xF7A, s1;
	s8 =	simm.s32 @!p0 $0x1BF5;
	p2 =	por !p2, p0  }
0x20: {  	[sflag:s8] =	ssyncset.s32 @!p0 $0xFFFFF086;
	s6 =	sadd.s32 @!p0 s3, s7;
	s7 =	simm.s32 @!p0 $0x108  }
0x21: {  	s3 =	sadd.s32 s3, s9;
	s6 =	sadd.s32 @!p0 $0x88, s6;
	s7 =	simm.s32 @p2 $0x1082  }
0x22: {  	[simem:s7], [sflag:s8] =	dma.local @!p0 [hbm:s6], $0xF7A  }
0x23: {  	s9 =	sor.u32 $0xD0000000, s2;
	s6 =	simm.s32 $0x108;
	_ =	swait.ge @!p0 [sflag:s8], $0x0  }
0x24: {  	s3 =	sadd.s32 $0x88, s3;
	s6 =	simm.s32 @!p1 $0x1082;
	[sflag:s4] =	ssyncset.s32 $0xFFFFF086  }
0x25: {  	[simem:s6], [sflag:s4] =	dma.local [hbm:s3], $0xF7A  }
0x26: {  	[smem:$0x3F98] =	sst s1;
	(tag) =	ssettag s2;
	_ =	strace s9  }
0x27: {  	s1 =	sld [smem:$0x3FA8]  }
0x28: {  	s2 =	sld [smem:$0x3FA9]  }
0x29: {  	s4 =	sld [smem:$0x3FAB]  }
0x2a: {  	p0 =	seq.s32 s5, $0x0;
	s5 =	sld [smem:$0x3FAC]  }
0x2b: {  	s6 =	sld [smem:$0x3FAD]  }
0x2c: {  	s7 =	sld [smem:$0x3FAE]  }
0x2d: {  	s3 =	simm.s32 $0x108;
	s8 =	sld [smem:$0x3FAF]  }
0x2e: {  	s3 =	simm.s32 @!p0 $0x1082;
	s9 =	sld [smem:$0x3FB0]  }
0x2f: {  	lr =	sadd.s32 s0, s3;
	s0 =	sld [smem:$0x3FA7]  }
0x30: {  	s3 =	sld [smem:$0x3FAA]  }
0x31: {  	[smem:$0x3FB3] =	sst s10  }
0x32: {  	s10 =	sld [smem:$0x3FB1];
	_ =	sdelay $0x3  }
0x33: {  	p0 =	seq.s32 s10, $0x1;
	s10 =	sld [smem:$0x3FB3];
	_ =	sdelay $0x3  }
0x34: {  	[smem:$0x3FB3] =	sst s10  }
0x35: {  	s10 =	sld [smem:$0x3FB2];
	_ =	sdelay $0x3  }
0x36: {  	p1 =	seq.s32 s10, $0x1;
	s10 =	sld [smem:$0x3FB3];
	_ =	sdelay $0x3  }
0x37: {  	[smem:$0x3FB3] =	sst s10  }
0x38: {  	s10 =	sld [smem:$0x3FB4]  }
0x39: {  	_ = 	snop;
	(pc) =	sbr.ind lr, $3  }
0x3a: {  	_ = 	snop  }
0x3b: {  	_ = 	snop  }
0x3c: {  	p2 =	seq.s32 s10, $0x1;
	s10 =	sld [smem:$0x3FB3]  }
0x3d: {  	_ =	shalt  }
0x3e: {  	_ =	shalt  }
0x3f: {  	_ =	shalt  }
0x40: {  	_ =	shalt  }
0x41: {  	_ =	shalt  }
0x42: {  	_ =	shalt  }
0x43: {  	_ =	shalt  }
0x44: {  	_ =	shalt  }
0x45: {  	_ =	shalt  }
0x46: {  	_ =	shalt  }
0x47: {  	_ =	shalt  }
0x48: {  	_ =	shalt  }
0x49: {  	_ =	shalt  }
0x4a: {  	_ =	shalt  }
0x4b: {  	_ =	shalt  }
0x4c: {  	_ =	shalt  }
0x4d: {  	_ =	shalt  }
0x4e: {  	_ =	shalt  }
0x4f: {  	_ =	shalt  }
0x50: {  	_ =	shalt  }
0x51: {  	_ =	shalt  }
0x52: {  	_ =	shalt  }
0x53: {  	_ =	shalt  }
0x54: {  	_ =	shalt  }
0x55: {  	_ =	shalt  }
0x56: {  	_ =	shalt  }
0x57: {  	_ =	shalt  }
0x58: {  	_ =	shalt  }
0x59: {  	_ =	shalt  }
0x5a: {  	_ =	shalt  }
0x5b: {  	_ =	shalt  }
0x5c: {  	_ =	shalt  }
0x5d: {  	_ =	shalt  }
0x5e: {  	_ =	shalt  }
0x5f: {  	_ =	shalt  }
0x60: {  	_ =	shalt  }
0x61: {  	_ =	shalt  }
0x62: {  	_ =	shalt  }
0x63: {  	_ =	shalt  }
0x64: {  	_ =	shalt  }
0x65: {  	_ =	shalt  }
0x66: {  	_ =	shalt  }
0x67: {  	_ =	shalt  }
0x68: {  	_ =	shalt  }
0x69: {  	_ =	shalt  }
0x6a: {  	_ =	shalt  }
0x6b: {  	_ =	shalt  }
0x6c: {  	_ =	shalt  }
0x6d: {  	_ =	shalt  }
0x6e: {  	_ =	shalt  }
0x6f: {  	_ =	shalt  }
0x70: {  	_ =	shalt  }
0x71: {  	_ =	shalt  }
0x72: {  	_ =	shalt  }
0x73: {  	_ =	shalt  }
0x74: {  	_ =	shalt  }
0x75: {  	_ =	shalt  }
0x76: {  	_ =	shalt  }
0x77: {  	_ =	shalt  }
0x78: {  	_ =	shalt  }
0x79: {  	_ =	shalt  }
0x7a: {  	_ =	shalt  }
0x7b: {  	_ =	shalt  }
0x7c: {  	_ =	shalt  }
0x7d: {  	_ =	shalt  }
0x7e: {  	_ =	shalt  }
0x7f: {  	_ =	shalt  }
0x80: {  	_ =	shalt  }
0x81: {  	_ =	shalt  }
0x82: {  	_ =	shalt  }
0x83: {  	_ =	shalt  }
0x84: {  	_ =	shalt  }
0x85: {  	_ =	shalt  }
0x86: {  	_ =	shalt  }
0x87: {  	_ =	shalt  }
.Lfunc_end0:
.L_simem_size_0:
called_computation_lowered:
.L_overlay_start_0:
0x88: {  	s2 =	sld [smem:$0x3FD9]  }
0x89: {  	s3 =	sld [smem:$0x3FFE];
	_ =	sdelay $0x1  }
0x8a: {  	s1 =	srdreg.scid  }
0x8b: {  	s0 =	sand.u32 $0x1, s1  }
0x8c: {  	s17 =	sshll.u32 s0, $0xA;
	s2 =	sadd.s32 s3, s2  }
0x8d: {  	s2 =	sadd.s32 s2, s17  }
0x8e: {  	[smem:$0x3FBF] =	sst s2  }
0x8f: {  	_ = 	snop  }
0x90: {  	(tm) =	ssettm $0x1  }
0x91: {  	s18 =	sld [smem:$0x3FFB];
	_ =	sdelay $0x3  }
0x92: {  	_ =	strace s18  }
0x93: {  	s2 =	sld [smem:$0x3FFC];
	_ =	sdelay $0x3  }
0x94: {  	_ =	strace s2  }
0x95: {  	s2 =	sld [smem:$0x3FFD];
	_ =	sdelay $0x3  }
0x96: {  	_ =	strace s2  }
0x97: {  	_ =	strace $0x8FFFFFFF  }
0x98: {  	s19 =	sld [smem:$0x3FDB];
	_ =	sdelay $0x1  }
0x99: {  	s20 =	simm.s32 $_scs_section_size  }
0x9a: {  	s4 =	simm.s32 $_size__tile_overlayer_lowered;
	s5 =	simm.s32 $_tile_overlayer_lowered  }
0x9b: {  	s6 =	simm.s32 $0x1BFF;
	s21 =	sshll.u32 s5, $0x1;
	s3 =	sadd.s32 s20, s19  }
0x9c: {  	s22 =	simm.s32 $0x0;
	s4 =	sshll.u32 s4, $0x1;
	s5 =	sadd.s32 s21, s3  }
0x9d: {  	[timem:s22], [sflag:s6] =	dma.local [hbm:s5], s4  }
0x9e: {  	_ =	swait.ge [sflag:s6], s4  }
0x9f: {  	s4 =	ssub.s32 $0x0, s4;
	[sflag:s6] =	ssyncset.done $0x0  }
0xa0: {  	[sflag:s6] =	ssyncadd.s32 s4;
	_ =	sdelay $0x1  }
0xa1: {  	s23 =	simm.s32 $0x1B8B  }
0xa2: {  	_ =	swait.ge [sflag:s23], $0x1  }
0xa3: {  	[sflag:s23] =	ssyncset.done $0x0  }
0xa4: {  	[sflag:s23] =	ssyncadd.s32 $0xFFFFFFFF  }
0xa5: {  	s4 =	sld [smem:$0x0]  }
0xa6: {  	s5 =	sand.u32 $0xFFFFFFFE, s1  }
0xa7: {  	p0 =	sne.s32 s1, s5  }
0xa8: {  	s5 =	sshll.u32 @p0 s5, $0xE  }
0xa9: {  	s5 =	sadd.s32 @p0 $0x11B8D, s5;
	s6 =	sshll.u32 @p0 s4, $0x11  }
0xaa: {  	s5 =	sor.u32 @p0 s6, s5  }
0xab: {  	[sflag:s5] =	ssyncadd.remote.s32 @p0 $0x1;
	_ =	sdelay $0x1  }
0xac: {  	s5 =	simm.s32 @p0 $0x1B8D  }
0xad: {  	_ =	swait.eq @p0 [sflag:s5], $0x1  }
0xae: {  	[sflag:s5] =	ssyncadd.s32 @p0 $0xFFFFFFFF  }
0xaf: {  	s6 =	sshll.u32 @!p0 s1, $0xE  }
0xb0: {  	s6 =	sor.u32 @!p0 $0x4000, s6;
	s5 =	simm.s32 @!p0 $0x1B8D  }
0xb1: {  	s4 =	sshll.u32 @!p0 s4, $0x11;
	s6 =	sadd.s32 @!p0 $0x11B8D, s6;
	_ =	swait.eq @!p0 [sflag:s5], $0x1  }
0xb2: {  	s4 =	sor.u32 @!p0 s4, s6;
	[sflag:s5] =	ssyncadd.s32 @!p0 $0xFFFFFFFF  }
0xb3: {  	s25 =	simm.s32 $0x1B8E;
	s24 =	sld [smem:$0x3FFE];
	[sflag:s4] =	ssyncadd.remote.s32 @!p0 $0x1  }
0xb4: {  	s26 =	simm.s32 $execute0_lowered;
	[smem:$0x3FD2] =	sst s25  }
0xb5: {  	s5 =	sshll.u32 s26, $0x1;
	_ =	strace $0x8000004C;
	[dreg:$0x1] =	wrdreg $0xFFFFFFFF  }
0xb6: {  	s28 =	simm.s32 $_size_execute0_lowered;
	s3 =	sadd.s32 s3, s5;
	[dreg:$0x0] =	wrdreg $0x0  }
0xb7: {  	s5 =	sshll.u32 s28, $0x1;
	[dreg:$0x2] =	wrdreg s3  }
0xb8: {  	[dreg:$0x3] =	wrdreg s5  }
0xb9: {  	[dreg:$0x4] =	wrdreg $0xC0  }
0xba: {  	_ =	task [dreg:s22], $0x5FFFF  }
0xbb: {  	[dreg:$0x1] =	wrdreg $0xFFFFFFFF  }
0xbc: {  	[dreg:$0x0] =	wrdreg $0x60  }
0xbd: {  	[dreg:$0x2] =	wrdreg s24  }
0xbe: {  	[dreg:$0x3] =	wrdreg $0x8C000  }
0xbf: {  	[dreg:$0x4] =	wrdreg $0x9  }
0xc0: {  	_ =	task.clear_ibuf [dreg:s22], $0x5FFFF;
	_ =	strace $0x9000004C  }
0xc1: {  	s29 =	simm.s32 $0x9;
	_ =	strace $0x8000004E  }
0xc2: {  	_ =	swait.ge [sflag:s29], $0x1  }
0xc3: {  	[sflag:s29] =	ssyncadd.s32 $0xFFFFFFFF  }
0xc4: {  	_ =	strace $0x9000004E  }
0xc5: {  	_ =	sfence  }
0xc6: {  	s30 =	sld [smem:$0x0];
	_ =	sdelay $0x2  }
0xc7: {  	s31 =	sshll.u32 s1, $0xD;
	s1 =	sshrl.u32 s1, $0x2  }
0xc8: {  	s4 =	sand.u32 $0x4000, s31;
	s1 =	sadd.s32 s1, s30  }
0xc9: {  	s0 =	sor.u32 s4, s0;
	s1 =	sshll.u32 s1, $0x11  }
0xca: {  	s0 =	sor.u32 s1, s0  }
0xcb: {  	s0 =	sadd.s32 $0x8F2B, s0  }
0xcc: {  	[sflag:s0] =	ssyncadd.remote.s32 $0x1  }
0xcd: {  	_ =	sfence.sel $0xFFFF  }
0xce: {  	[dreg:$0x0] =	wrdreg $0xFFFFFFFF;
	(pc) =	sbr.abs _section_cstart, $3  }
0xcf: {  	[dreg:$0x1] =	wrdreg $0xFFFFFFFF  }
0xd0: {  	_ =	task.clear_ibuf [dreg:s22], $0x2FFFF;
	_ =	strace $0x9FFFFFFF  }
0xd1: {  	(tm) =	ssettm $0x7FFFFFFF  }
tec
execute0_lowered:
.L_overlay_start_1:
0x0: {  	(tag) =	ssettag $0x1  }
0x1: {  	s4 =	rddreg [dreg:$0x0]  }
0x2: {  	s2 =	rddreg [dreg:$0x1];
	s1 =	stileid.u32  }
0x3: {  	s3 =	srdreg.scid;
	s0 =	rddreg [dreg:$0x2];
	s16 =	simm.s32 $0x4C00  }
0x4: {  	s17 =	simm.s32 $0x1;
	s18 =	simm.s32 $0x3;
	s6 =	smul.u32 $0x2800, s1  }
0x5: {  	s19 =	simm.s32 $0x2;
	s20 =	simm.s32 $0x4;
	s9 =	smul.u32 $0x50000, s1  }
0x6: {  	s21 =	simm.s32 $0x0;
	s8 =	sand.u32 $0x1, s3;
	s14 =	smul.u32 $0xA0000, s1  }
0x7: {  	s5 =	sshll.u32 s1, $0x1;
	s3 =	simm.s32 $0x0;
	s29 =	smul.u32 $0x14000, s1  }
0x8: {  	s10 =	sadd.s32 $0x3F4400, s4;
	s28 =	sshll.u32 s1, $0x6;
	s15 =	smul.u32 $0x50000, s8  }
0x9: {  	s5 =	sor.u32 s8, s5;
	[smem:$0x7FF] =	sst s3;
	s30 =	smul.u32 $0xA000, s8  }
0xa: {  	s25 =	ssub.s32 $0x2, s8;
	s7 =	smul.u32 $0x180, s5;
	_ =	strace $0x8000004D  }
0xb: {  	s6 =	sadd.s32 s6, s4;
	s11 =	sshrl.u32 s25, $0x1;
	s12 =	smul.u32 $0xA000, s5  }
0xc: {  	s9 =	sshrl.u32 s9, $0x2;
	s26 =	smul.u32 $0x50000, s5;
	s5 =	sor.u32 $0x1C05, s28  }
0xd: {  	s11 =	ssub.s32 s25, s11;
	s13 =	sadd.s32 s9, s2;
	s14 =	sadd.s32 s15, s14  }
0xe: {  	s15 =	simm.s32 $0xC00;
	s7 =	sadd.s32 s7, s4;
	s4 =	sadd.s32 $0x5400, s6  }
0xf: {  	s9 =	sshrl.u32 s26, $0x3;
	s14 =	sor.u32 $0x8000, s14;
	s6 =	sadd.s32 $0x3F1400, s7  }
0x10: {  	s7 =	sadd.s32 s10, s12;
	s9 =	sadd.s32 s10, s9;
	s12 =	sadd.s32 s29, s10  }
0x11: {  	s31 =	sshrl.u32 s14, $0x3;
	s14 =	simm.s32 $0x80;
	s8 =	sadd.s32 $0x9800, s9  }
0x12: {  	s9 =	smax.u32 s11, $0x1;
	s12 =	sadd.s32 s30, s12;
	s10 =	sadd.s32 s31, s10  }
0x13: {  	s11 =	sadd.s32 $0x800, s12;
	s12 =	sshrl.u32 s13, $0x3;
	s13 =	simm.s32 $0x5  }
.LBB2_1:
0x14: {  	[spmem:s12], [sflag:s5] =	dma.local [hbm:s4], $0x2800  }
0x15: {  	_ =	swait.ge [sflag:s13], $0x2800  }
0x16: {  	[sflag:s13] =	ssyncset.done $0x0  }
0x17: {  	[sflag:s13] =	ssyncadd.s32 $0xFFFFD800  }
0x18: {  	[tilespmem:s3], [sflag:$0x5] =	stream.linear.gather [hbm4b:s6+s3], $0xA00, $0x38;
	[tilespmem:$0x1CC00] =	vst v63  }
0x19: {  	_ =	swait.ge [sflag:s13], $0xA00  }
0x1a: {  	[sflag:s13] =	ssyncset.done $0x0  }
0x1b: {  	[sflag:s13] =	ssyncadd.s32 $0xFFFFF600  }
0x1c: {  	[bflag:$0x0] =	sbarrier.arrive $0xFFFF  }
0x1d: {  	[tilespmem:s15], [sflag:$0x1] =	stream.indirect.gather [spmem:s2], $0x80, s3, s14, $0xb8;
	[tilespmem:$0x1CC00] =	vst v63  }
0x1e: {  	_ = 	snop  }
0x1f: {  	[tilespmem:s16], [sflag:$0x2] =	stream.indirect.gather [spmem:s2], $0x80, s14, s14, $0xb8;
	[tilespmem:$0x1CC00] =	vst v63  }
0x20: {  	_ =	swait.ge [sflag:s17], $0x4000  }
0x21: {  	[sflag:s17] =	ssyncset.done $0x0  }
0x22: {  	[sflag:s17] =	ssyncadd.s32 $0xFFFFC000  }
0x23: {  	[hbm4b:s7+s3] =	stream.linear.scatter [tilespmem:s15], [sflag:$0x3], $0x4000, $0x38;
	[tilespmem:$0x1CC00] =	vst v63  }
0x24: {  	_ =	swait.ge [sflag:s18], $0x4000  }
0x25: {  	[sflag:s18] =	ssyncset.done $0x0  }
0x26: {  	s22 =	simm.s32 $0x100;
	[sflag:s18] =	ssyncadd.s32 $0xFFFFC000  }
0x27: {  	[tilespmem:s15], [sflag:$0x1] =	stream.indirect.gather [spmem:s2], $0x80, s22, s14, $0xb8;
	[tilespmem:$0x1CC00] =	vst v63  }
0x28: {  	_ =	swait.ge [sflag:s19], $0x4000  }
0x29: {  	[sflag:s19] =	ssyncset.done $0x0  }
0x2a: {  	s30 =	sadd.s32 $0x0, s11;
	[sflag:s19] =	ssyncadd.s32 $0xFFFFC000  }
0x2b: {  	[hbm4b:s30+s3] =	stream.linear.scatter [tilespmem:s16], [sflag:$0x4], $0x4000, $0x38;
	[tilespmem:$0x1CC00] =	vst v63  }
0x2c: {  	_ =	swait.ge [sflag:s20], $0x4000  }
0x2d: {  	[sflag:s20] =	ssyncset.done $0x0  }
0x2e: {  	s31 =	simm.s32 $0x180;
	[sflag:s20] =	ssyncadd.s32 $0xFFFFC000  }
0x2f: {  	[tilespmem:s16], [sflag:$0x2] =	stream.indirect.gather [spmem:s2], $0x80, s31, s14, $0xb8;
	[tilespmem:$0x1CC00] =	vst v63  }
0x30: {  	_ =	swait.ge [sflag:s17], $0x4000  }
0x31: {  	s24 =	sadd.s32 $0x0, s10;
	[sflag:s17] =	ssyncset.done $0x0  }
0x32: {  	s23 =	simm.s32 $0x280;
	s22 =	simm.s32 $0x1000;
	[sflag:s17] =	ssyncadd.s32 $0xFFFFC000  }
.LBB2_2:
0x33: {  	[hbm4b:s24+s3] =	stream.linear.scatter [tilespmem:s15], [sflag:$0x3], $0x4000, $0x38;
	[tilespmem:$0x1CC00] =	vst v63  }
0x34: {  	s24 =	smov.u32 s22  }
0x35: {  	p0 =	sne.s32 s22, $0x8000;
	s22 =	sadd.s32 $0x1000, s22;
	_ =	swait.ge [sflag:s18], $0x4000  }
0x36: {  	[sflag:s18] =	ssyncset.done $0x0  }
0x37: {  	s25 =	sadd.s32 $0xFFFFFF80, s23;
	[sflag:s18] =	ssyncadd.s32 $0xFFFFC000  }
0x38: {  	[tilespmem:s15], [sflag:$0x1] =	stream.indirect.gather [spmem:s2], $0x80, s25, s14, $0xb8;
	[tilespmem:$0x1CC00] =	vst v63  }
0x39: {  	_ =	swait.ge [sflag:s19], $0x4000  }
0x3a: {  	[sflag:s19] =	ssyncset.done $0x0  }
0x3b: {  	s25 =	sadd.s32 s24, s11;
	[sflag:s19] =	ssyncadd.s32 $0xFFFFC000  }
0x3c: {  	[hbm4b:s25+s3] =	stream.linear.scatter [tilespmem:s16], [sflag:$0x4], $0x4000, $0x38;
	[tilespmem:$0x1CC00] =	vst v63  }
0x3d: {  	_ =	swait.ge [sflag:s20], $0x4000  }
0x3e: {  	[sflag:s20] =	ssyncset.done $0x0  }
.Ltmp0:
0x3f: {  	[sflag:s20] =	ssyncadd.s32 $0xFFFFC000;
	(pc) =	sbr.rel @p0 .LBB2_2-.Ltmp0, $4  }
0x40: {  	[tilespmem:s16], [sflag:$0x2] =	stream.indirect.gather [spmem:s2], $0x80, s23, s14, $0xb8;
	[tilespmem:$0x1CC00] =	vst v63  }
0x41: {  	_ =	swait.ge [sflag:s17], $0x4000  }
0x42: {  	[sflag:s17] =	ssyncset.done $0x0  }
0x43: {  	s24 =	sadd.s32 s24, s10;
	s23 =	sadd.s32 $0x100, s23;
	[sflag:s17] =	ssyncadd.s32 $0xFFFFC000  }
0x44: {  	[hbm4b:s24+s3] =	stream.linear.scatter [tilespmem:s15], [sflag:$0x3], $0x4000, $0x38;
	[tilespmem:$0x1CC00] =	vst v63  }
0x45: {  	_ =	swait.ge [sflag:s19], $0x4000  }
0x46: {  	[sflag:s19] =	ssyncset.done $0x0  }
0x47: {  	s21 =	sadd.s32 $0x1, s21;
	[sflag:s19] =	ssyncadd.s32 $0xFFFFC000  }
0x48: {  	[hbm4b:s8+s3] =	stream.linear.scatter [tilespmem:s16], [sflag:$0x4], $0x4000, $0x38;
	[tilespmem:$0x1CC00] =	vst v63  }
0x49: {  	p0 =	sne.s32 s21, s9;
	_ =	swait.ge [sflag:s18], $0x4000  }
.Ltmp1:
0x4a: {  	[sflag:s18] =	ssyncset.done $0x0;
	(pc) =	sbr.rel @p0 .LBB2_1-.Ltmp1, $4  }
0x4b: {  	[sflag:s18] =	ssyncadd.s32 $0xFFFFC000  }
0x4c: {  	_ =	swait.ge [sflag:s20], $0x4000  }
0x4d: {  	[sflag:s20] =	ssyncset.done $0x0  }
0x4e: {  	[sflag:s20] =	ssyncadd.s32 $0xFFFFC000  }
0x4f: {  	_ =	sfence.sel $0x180000  }
0x50: {  	[bflag:$0x0] =	sbarrier.arrive $0xFFFF  }
0x51: {  	p0 =	sne.s32 s1, $0x0;
	_ =	strace $0x9000004D  }
0x52: {  	s0 =	sadd.s32 @!p0 $0x100000, s0;
	[bflag:$0x2] =	sbarrier.arrive $0xFFFF  }
0x53: {  	[sflag:s0] =	ssyncadd.tile.s32 @!p0 $0x1;
	_ =	shalt  }
.Lfunc_end2:
_tile_overlayer_lowered:
.L_overlay_start_2:
0x54: {  	(tag) =	ssettag $0x2  }
0x55: {  	s0 =	rddreg [dreg:$0x0];
	s2 =	stileid.u32  }
0x56: {  	s1 =	rddreg [dreg:$0x1];
	p0 =	sne.s32 s2, $0x0  }
0x57: {  	s3 =	rddreg [dreg:$0x2];
	[bflag:$0x3] =	sbarrier.arrive $0xFFFF;
	s2 =	simm.s32 @!p0 $0x1C05  }
0x58: {  	[timem:s3], [sflag:s2] =	dma.local @!p0 [hbm:s0], s1  }
0x59: {  	s0 =	simm.s32 @!p0 $0x5  }
0x5a: {  	_ =	swait.ge @!p0 [sflag:s0], s1  }
0x5b: {  	s1 =	ssub.s32 @!p0 $0x0, s1;
	[sflag:s0] =	ssyncset.done @!p0 $0x0  }
0x5c: {  	[sflag:s0] =	ssyncadd.s32 @!p0 s1  }
0x5d: {  	[bflag:$0x3] =	sbarrier.arrive $0xFFFF  }
0x5e: {  	_ =	shalt  }

// kernel: kernel.16.cloned.1.call-start
scs
__scs_entry_jumppad:
0x0: {  	(pc) =	sbr.rel $0x88, $3  }
0x1: {  	(tag) =	ssettag $0x0;
	lr =	simm.s32 $0x1  }
0x2: {  	[smem:$0x3F98] =	sst lr;
	_ =	strace $0xD0000000  }
0x3: {  	_ = 	snop  }
0x4: {  	_ = 	snop  }
0x5: {  	_ = 	snop  }
0x6: {  	_ = 	snop  }
0x7: {  	_ = 	snop  }
__scs_overlays_trampoline_lowered:
0x8: {  	[smem:$0x3FA7] =	sst s0  }
0x9: {  	[smem:$0x3FA8] =	sst s1  }
0xa: {  	[smem:$0x3FA9] =	sst s2  }
0xb: {  	[smem:$0x3FAA] =	sst s3  }
0xc: {  	[smem:$0x3FAB] =	sst s4  }
0xd: {  	[smem:$0x3FAC] =	sst s5  }
0xe: {  	[smem:$0x3FAD] =	sst s6  }
0xf: {  	[smem:$0x3FAE] =	sst s7  }
0x10: {  	[smem:$0x3FAF] =	sst s8  }
0x11: {  	[smem:$0x3FB0] =	sst s9;
	s0 =	simm.s32 @!p0 $0x0  }
0x12: {  	s1 =	sld [smem:$0x3F96];
	s0 =	simm.s32 @p0 $0x1  }
0x13: {  	[smem:$0x3FB1] =	sst s0;
	s0 =	simm.s32 @!p1 $0x0  }
0x14: {  	s2 =	sld [smem:$0x3F95];
	s0 =	simm.s32 @p1 $0x1  }
0x15: {  	[smem:$0x3FB2] =	sst s0;
	s0 =	simm.s32 @!p2 $0x0  }
0x16: {  	s3 =	sld [smem:$0x3FDB];
	s0 =	simm.s32 @p2 $0x1  }
0x17: {  	s4 =	simm.s32 $0x1BF5;
	[smem:$0x3FB4] =	sst s0  }
0x18: {  	s0 =	sld [smem:$0x3F97];
	_ =	swait.ge [sflag:s4], $0x0  }
0x19: {  	s7 =	sld [smem:$0x3F98]  }
0x1a: {  	s8 =	sadd.s32 $0xFFFFE003, lr  }
0x1b: {  	s9 =	sadd.s32 $0xFFFFFEF7, lr;
	s5 =	simm.s32 $0xFFFFFFFF;
	p2 =	slt.u32 s8, $0xFFFFF086  }
0x1c: {  	p1 =	slt.u32 s9, $0xF7A;
	s5 =	simm.s32 @!p2 $0x0  }
0x1d: {  	s5 =	simm.s32 @p1 $0x1;
	p0 =	seq.s32 s7, s2  }
0x1e: {  	s7 =	smul.u32 @!p0 $0xF7A, s2;
	p2 =	seq.s32 @!p0 s5, $0x0  }
0x1f: {  	s9 =	smul.u32 $0xF7A, s1;
	s8 =	simm.s32 @!p0 $0x1BF5;
	p2 =	por !p2, p0  }
0x20: {  	[sflag:s8] =	ssyncset.s32 @!p0 $0xFFFFF086;
	s6 =	sadd.s32 @!p0 s3, s7;
	s7 =	simm.s32 @!p0 $0x108  }
0x21: {  	s3 =	sadd.s32 s3, s9;
	s6 =	sadd.s32 @!p0 $0x88, s6;
	s7 =	simm.s32 @p2 $0x1082  }
0x22: {  	[simem:s7], [sflag:s8] =	dma.local @!p0 [hbm:s6], $0xF7A  }
0x23: {  	s9 =	sor.u32 $0xD0000000, s2;
	s6 =	simm.s32 $0x108;
	_ =	swait.ge @!p0 [sflag:s8], $0x0  }
0x24: {  	s3 =	sadd.s32 $0x88, s3;
	s6 =	simm.s32 @!p1 $0x1082;
	[sflag:s4] =	ssyncset.s32 $0xFFFFF086  }
0x25: {  	[simem:s6], [sflag:s4] =	dma.local [hbm:s3], $0xF7A  }
0x26: {  	[smem:$0x3F98] =	sst s1;
	(tag) =	ssettag s2;
	_ =	strace s9  }
0x27: {  	s1 =	sld [smem:$0x3FA8]  }
0x28: {  	s2 =	sld [smem:$0x3FA9]  }
0x29: {  	s4 =	sld [smem:$0x3FAB]  }
0x2a: {  	p0 =	seq.s32 s5, $0x0;
	s5 =	sld [smem:$0x3FAC]  }
0x2b: {  	s6 =	sld [smem:$0x3FAD]  }
0x2c: {  	s7 =	sld [smem:$0x3FAE]  }
0x2d: {  	s3 =	simm.s32 $0x108;
	s8 =	sld [smem:$0x3FAF]  }
0x2e: {  	s3 =	simm.s32 @!p0 $0x1082;
	s9 =	sld [smem:$0x3FB0]  }
0x2f: {  	lr =	sadd.s32 s0, s3;
	s0 =	sld [smem:$0x3FA7]  }
0x30: {  	s3 =	sld [smem:$0x3FAA]  }
0x31: {  	[smem:$0x3FB3] =	sst s10  }
0x32: {  	s10 =	sld [smem:$0x3FB1];
	_ =	sdelay $0x3  }
0x33: {  	p0 =	seq.s32 s10, $0x1;
	s10 =	sld [smem:$0x3FB3];
	_ =	sdelay $0x3  }
0x34: {  	[smem:$0x3FB3] =	sst s10  }
0x35: {  	s10 =	sld [smem:$0x3FB2];
	_ =	sdelay $0x3  }
0x36: {  	p1 =	seq.s32 s10, $0x1;
	s10 =	sld [smem:$0x3FB3];
	_ =	sdelay $0x3  }
0x37: {  	[smem:$0x3FB3] =	sst s10  }
0x38: {  	s10 =	sld [smem:$0x3FB4]  }
0x39: {  	_ = 	snop;
	(pc) =	sbr.ind lr, $3  }
0x3a: {  	_ = 	snop  }
0x3b: {  	_ = 	snop  }
0x3c: {  	p2 =	seq.s32 s10, $0x1;
	s10 =	sld [smem:$0x3FB3]  }
0x3d: {  	_ =	shalt  }
0x3e: {  	_ =	shalt  }
0x3f: {  	_ =	shalt  }
0x40: {  	_ =	shalt  }
0x41: {  	_ =	shalt  }
0x42: {  	_ =	shalt  }
0x43: {  	_ =	shalt  }
0x44: {  	_ =	shalt  }
0x45: {  	_ =	shalt  }
0x46: {  	_ =	shalt  }
0x47: {  	_ =	shalt  }
0x48: {  	_ =	shalt  }
0x49: {  	_ =	shalt  }
0x4a: {  	_ =	shalt  }
0x4b: {  	_ =	shalt  }
0x4c: {  	_ =	shalt  }
0x4d: {  	_ =	shalt  }
0x4e: {  	_ =	shalt  }
0x4f: {  	_ =	shalt  }
0x50: {  	_ =	shalt  }
0x51: {  	_ =	shalt  }
0x52: {  	_ =	shalt  }
0x53: {  	_ =	shalt  }
0x54: {  	_ =	shalt  }
0x55: {  	_ =	shalt  }
0x56: {  	_ =	shalt  }
0x57: {  	_ =	shalt  }
0x58: {  	_ =	shalt  }
0x59: {  	_ =	shalt  }
0x5a: {  	_ =	shalt  }
0x5b: {  	_ =	shalt  }
0x5c: {  	_ =	shalt  }
0x5d: {  	_ =	shalt  }
0x5e: {  	_ =	shalt  }
0x5f: {  	_ =	shalt  }
0x60: {  	_ =	shalt  }
0x61: {  	_ =	shalt  }
0x62: {  	_ =	shalt  }
0x63: {  	_ =	shalt  }
0x64: {  	_ =	shalt  }
0x65: {  	_ =	shalt  }
0x66: {  	_ =	shalt  }
0x67: {  	_ =	shalt  }
0x68: {  	_ =	shalt  }
0x69: {  	_ =	shalt  }
0x6a: {  	_ =	shalt  }
0x6b: {  	_ =	shalt  }
0x6c: {  	_ =	shalt  }
0x6d: {  	_ =	shalt  }
0x6e: {  	_ =	shalt  }
0x6f: {  	_ =	shalt  }
0x70: {  	_ =	shalt  }
0x71: {  	_ =	shalt  }
0x72: {  	_ =	shalt  }
0x73: {  	_ =	shalt  }
0x74: {  	_ =	shalt  }
0x75: {  	_ =	shalt  }
0x76: {  	_ =	shalt  }
0x77: {  	_ =	shalt  }
0x78: {  	_ =	shalt  }
0x79: {  	_ =	shalt  }
0x7a: {  	_ =	shalt  }
0x7b: {  	_ =	shalt  }
0x7c: {  	_ =	shalt  }
0x7d: {  	_ =	shalt  }
0x7e: {  	_ =	shalt  }
0x7f: {  	_ =	shalt  }
0x80: {  	_ =	shalt  }
0x81: {  	_ =	shalt  }
0x82: {  	_ =	shalt  }
0x83: {  	_ =	shalt  }
0x84: {  	_ =	shalt  }
0x85: {  	_ =	shalt  }
0x86: {  	_ =	shalt  }
0x87: {  	_ =	shalt  }
.Lfunc_end0:
.L_simem_size_0:
called_computation.1_lowered:
.L_overlay_start_0:
0x88: {  	s2 =	sld [smem:$0x3FD9]  }
0x89: {  	s3 =	sld [smem:$0x3FFE];
	_ =	sdelay $0x1  }
0x8a: {  	s1 =	srdreg.scid  }
0x8b: {  	s0 =	sand.u32 $0x1, s1  }
0x8c: {  	s17 =	sshll.u32 s0, $0xA;
	s2 =	sadd.s32 s3, s2  }
0x8d: {  	s2 =	sadd.s32 s2, s17  }
0x8e: {  	[smem:$0x3FBF] =	sst s2  }
0x8f: {  	_ = 	snop  }
0x90: {  	(tm) =	ssettm $0x1  }
0x91: {  	s18 =	sld [smem:$0x3FFB];
	_ =	sdelay $0x3  }
0x92: {  	_ =	strace s18  }
0x93: {  	s2 =	sld [smem:$0x3FFC];
	_ =	sdelay $0x3  }
0x94: {  	_ =	strace s2  }
0x95: {  	s2 =	sld [smem:$0x3FFD];
	_ =	sdelay $0x3  }
0x96: {  	_ =	strace s2  }
0x97: {  	_ =	strace $0x8FFFFFFF  }
0x98: {  	s19 =	sld [smem:$0x3FDB];
	_ =	sdelay $0x1  }
0x99: {  	s20 =	simm.s32 $_scs_section_size  }
0x9a: {  	s4 =	simm.s32 $_size__tile_overlayer_lowered;
	s5 =	simm.s32 $_tile_overlayer_lowered  }
0x9b: {  	s6 =	simm.s32 $0x1BFF;
	s21 =	sshll.u32 s5, $0x1;
	s3 =	sadd.s32 s20, s19  }
0x9c: {  	s22 =	simm.s32 $0x0;
	s4 =	sshll.u32 s4, $0x1;
	s5 =	sadd.s32 s21, s3  }
0x9d: {  	[timem:s22], [sflag:s6] =	dma.local [hbm:s5], s4  }
0x9e: {  	_ =	swait.ge [sflag:s6], s4  }
0x9f: {  	s4 =	ssub.s32 $0x0, s4;
	[sflag:s6] =	ssyncset.done $0x0  }
0xa0: {  	[sflag:s6] =	ssyncadd.s32 s4;
	_ =	sdelay $0x1  }
0xa1: {  	s23 =	simm.s32 $0x1B8B  }
0xa2: {  	_ =	swait.ge [sflag:s23], $0x1  }
0xa3: {  	[sflag:s23] =	ssyncset.done $0x0  }
0xa4: {  	[sflag:s23] =	ssyncadd.s32 $0xFFFFFFFF  }
0xa5: {  	s4 =	sld [smem:$0x0]  }
0xa6: {  	s5 =	sand.u32 $0xFFFFFFFE, s1  }
0xa7: {  	p0 =	sne.s32 s1, s5  }
0xa8: {  	s5 =	sshll.u32 @p0 s5, $0xE  }
0xa9: {  	s5 =	sadd.s32 @p0 $0x11B8D, s5;
	s6 =	sshll.u32 @p0 s4, $0x11  }
0xaa: {  	s5 =	sor.u32 @p0 s6, s5  }
0xab: {  	[sflag:s5] =	ssyncadd.remote.s32 @p0 $0x1;
	_ =	sdelay $0x1  }
0xac: {  	s5 =	simm.s32 @p0 $0x1B8D  }
0xad: {  	_ =	swait.eq @p0 [sflag:s5], $0x1  }
0xae: {  	[sflag:s5] =	ssyncadd.s32 @p0 $0xFFFFFFFF  }
0xaf: {  	s6 =	sshll.u32 @!p0 s1, $0xE  }
0xb0: {  	s6 =	sor.u32 @!p0 $0x4000, s6;
	s5 =	simm.s32 @!p0 $0x1B8D  }
0xb1: {  	s4 =	sshll.u32 @!p0 s4, $0x11;
	s6 =	sadd.s32 @!p0 $0x11B8D, s6;
	_ =	swait.eq @!p0 [sflag:s5], $0x1  }
0xb2: {  	s4 =	sor.u32 @!p0 s4, s6;
	[sflag:s5] =	ssyncadd.s32 @!p0 $0xFFFFFFFF  }
0xb3: {  	s25 =	simm.s32 $0x1B8E;
	s24 =	sld [smem:$0x3FFE];
	[sflag:s4] =	ssyncadd.remote.s32 @!p0 $0x1  }
0xb4: {  	s26 =	simm.s32 $execute0_lowered;
	[smem:$0x3FD2] =	sst s25  }
0xb5: {  	s5 =	sshll.u32 s26, $0x1;
	_ =	strace $0x80000055;
	[dreg:$0x1] =	wrdreg $0xFFFFFFFF  }
0xb6: {  	s28 =	simm.s32 $_size_execute0_lowered;
	s3 =	sadd.s32 s3, s5;
	[dreg:$0x0] =	wrdreg $0x0  }
0xb7: {  	s5 =	sshll.u32 s28, $0x1;
	[dreg:$0x2] =	wrdreg s3  }
0xb8: {  	[dreg:$0x3] =	wrdreg s5  }
0xb9: {  	[dreg:$0x4] =	wrdreg $0xC0  }
0xba: {  	_ =	task [dreg:s22], $0x5FFFF  }
0xbb: {  	[dreg:$0x1] =	wrdreg $0xFFFFFFFF  }
0xbc: {  	[dreg:$0x0] =	wrdreg $0x60  }
0xbd: {  	[dreg:$0x2] =	wrdreg s24  }
0xbe: {  	[dreg:$0x3] =	wrdreg $0x8C000  }
0xbf: {  	[dreg:$0x4] =	wrdreg $0x9  }
0xc0: {  	_ =	task.clear_ibuf [dreg:s22], $0x5FFFF;
	_ =	strace $0x90000055  }
0xc1: {  	s29 =	simm.s32 $0x9;
	_ =	strace $0x80000057  }
0xc2: {  	_ =	swait.ge [sflag:s29], $0x1  }
0xc3: {  	[sflag:s29] =	ssyncadd.s32 $0xFFFFFFFF  }
0xc4: {  	_ =	strace $0x90000057  }
0xc5: {  	_ =	sfence  }
0xc6: {  	s30 =	sld [smem:$0x0];
	_ =	sdelay $0x2  }
0xc7: {  	s31 =	sshll.u32 s1, $0xD;
	s1 =	sshrl.u32 s1, $0x2  }
0xc8: {  	s4 =	sand.u32 $0x4000, s31;
	s1 =	sadd.s32 s1, s30  }
0xc9: {  	s0 =	sor.u32 s4, s0;
	s1 =	sshll.u32 s1, $0x11  }
0xca: {  	s0 =	sor.u32 s1, s0  }
0xcb: {  	s0 =	sadd.s32 $0x8F2B, s0  }
0xcc: {  	[sflag:s0] =	ssyncadd.remote.s32 $0x1  }
0xcd: {  	_ =	sfence.sel $0xFFFF  }
0xce: {  	[dreg:$0x0] =	wrdreg $0xFFFFFFFF;
	(pc) =	sbr.abs _section_cstart, $3  }
0xcf: {  	[dreg:$0x1] =	wrdreg $0xFFFFFFFF  }
0xd0: {  	_ =	task.clear_ibuf [dreg:s22], $0x2FFFF;
	_ =	strace $0x9FFFFFFF  }
0xd1: {  	(tm) =	ssettm $0x7FFFFFFF  }
tec
execute0_lowered:
.L_overlay_start_1:
0x0: {  	(tag) =	ssettag $0x1  }
0x1: {  	s13 =	rddreg [dreg:$0x0]  }
0x2: {  	s2 =	rddreg [dreg:$0x1]  }
0x3: {  	s0 =	rddreg [dreg:$0x2]  }
0x4: {  	s4 =	srdreg.scid;
	s1 =	stileid.u32  }
0x5: {  	s3 =	simm.s32 $0x0;
	s19 =	simm.s32 $0x3D8400;
	s21 =	simm.s32 $0x3  }
0x6: {  	s22 =	simm.s32 $0x2;
	s23 =	simm.s32 $0x4;
	s29 =	smul.u32 $0x50000, s1  }
0x7: {  	s24 =	simm.s32 $0x980;
	s25 =	simm.s32 $0x0;
	s16 =	smul.u32 $0x2800, s1  }
0x8: {  	s14 =	sand.u32 $0x1, s4;
	s28 =	sshll.u32 s1, $0x1;
	s17 =	smul.u32 $0xA0000, s1  }
0x9: {  	[smem:$0x7FF] =	sst s3;
	s15 =	sadd.s32 $0x270400, s13;
	s20 =	smul.u32 $0x14000, s1  }
0xa: {  	s7 =	sor.u32 s14, s28;
	_ =	strace $0x80000056;
	s18 =	smul.u32 $0x50000, s14  }
0xb: {  	s6 =	ssub.s32 $0x2, s14;
	p0 =	seq.s32 s14, $0x1;
	s14 =	smul.u32 $0xA000, s14  }
0xc: {  	s5 =	smul.u32 $0x180, s7;
	s8 =	sshrl.u32 s6, $0x1;
	s4 =	sshrl.u32 s29, $0x2  }
0xd: {  	s10 =	smul.u32 $0xA000, s7;
	s19 =	simm.s32 @!p0 $0x3B0400;
	s30 =	sadd.s32 s20, s15  }
0xe: {  	s20 =	simm.s32 $0x80;
	s12 =	ssub.s32 s6, s8;
	s4 =	sadd.s32 s4, s2  }
0xf: {  	s17 =	sadd.s32 s18, s17;
	s14 =	sadd.s32 s14, s30;
	s18 =	simm.s32 $0x4C00  }
0x10: {  	s9 =	sadd.s32 s5, s13;
	s5 =	sadd.s32 $0x4000, s4;
	s6 =	sadd.s32 $0x8000, s4  }
0x11: {  	s7 =	sadd.s32 $0xC000, s4;
	s8 =	sadd.s32 $0x10000, s4;
	s10 =	sadd.s32 s15, s10  }
0x12: {  	s12 =	smax.u32 s12, $0x1;
	s13 =	sadd.s32 s19, s13;
	s17 =	sor.u32 $0x8000, s17  }
0x13: {  	s14 =	sadd.s32 $0x1800, s14;
	s19 =	simm.s32 $0x1;
	s9 =	sadd.s32 $0x26D400, s9  }
0x14: {  	s11 =	sadd.s32 $0x800, s10;
	s13 =	sadd.s32 s13, s16;
	s31 =	sshrl.u32 s17, $0x3  }
0x15: {  	v0 =	vimm.f32 $0.0e+00;
	s16 =	simm.s32 $0xC00;
	s17 =	simm.s32 $0x5;
	s15 =	sadd.s32 s31, s15  }
.LBB2_1:
0x16: {  	s26 =	simm.s32 $0x0;
	s28 =	simm.s32 $0x200  }
.LBB2_2:
0x17: {  	p0 =	sne.s32 s28, $0xFE00;
	[tilespmem:s26+$0xC70] =	vst v0  }
0x18: {  	[tilespmem:s26+$0xC00] =	vst v0  }
0x19: {  	[tilespmem:s26+$0xC10] =	vst v0  }
.Ltmp0:
0x1a: {  	[tilespmem:s26+$0xC20] =	vst v0;
	(pc) =	sbr.rel @p0 .LBB2_2-.Ltmp0, $4  }
0x1b: {  	[tilespmem:s26+$0xC30] =	vst v0  }
0x1c: {  	[tilespmem:s26+$0xC40] =	vst v0  }
0x1d: {  	[tilespmem:s26+$0xC50] =	vst v0  }
0x1e: {  	[tilespmem:s26+$0xC60] =	vst v0;
	s26 =	sshra.s32 s28, $0x2;
	s28 =	sadd.s32 $0x200, s28  }
0x1f: {  	[tilespmem:s26+$0xC70] =	vst v0  }
0x20: {  	[tilespmem:s26+$0xC00] =	vst v0  }
0x21: {  	[tilespmem:s26+$0xC10] =	vst v0  }
0x22: {  	[tilespmem:s26+$0xC20] =	vst v0  }
0x23: {  	[tilespmem:s26+$0xC30] =	vst v0  }
0x24: {  	[tilespmem:s26+$0xC40] =	vst v0  }
0x25: {  	[tilespmem:s26+$0xC50] =	vst v0  }
0x26: {  	[tilespmem:s26+$0xC60] =	vst v0  }
0x27: {  	[spmem:s4] =	stream.linear.scatter [tilespmem:s16], [sflag:$0x5], $0x4000, $0x38;
	[tilespmem:$0x1CC00] =	vst v63  }
0x28: {  	_ =	swait.ge [sflag:s17], $0x4000  }
0x29: {  	[sflag:s17] =	ssyncset.done $0x0  }
0x2a: {  	[sflag:s17] =	ssyncadd.s32 $0xFFFFC000  }
0x2b: {  	[spmem:s5] =	stream.linear.scatter [tilespmem:s16], [sflag:$0x5], $0x4000, $0x38;
	[tilespmem:$0x1CC00] =	vst v63  }
0x2c: {  	_ =	swait.ge [sflag:s17], $0x4000  }
0x2d: {  	[sflag:s17] =	ssyncset.done $0x0  }
0x2e: {  	[sflag:s17] =	ssyncadd.s32 $0xFFFFC000  }
0x2f: {  	[spmem:s6] =	stream.linear.scatter [tilespmem:s16], [sflag:$0x5], $0x4000, $0x38;
	[tilespmem:$0x1CC00] =	vst v63  }
0x30: {  	_ =	swait.ge [sflag:s17], $0x4000  }
0x31: {  	[sflag:s17] =	ssyncset.done $0x0  }
0x32: {  	[sflag:s17] =	ssyncadd.s32 $0xFFFFC000  }
0x33: {  	[spmem:s7] =	stream.linear.scatter [tilespmem:s16], [sflag:$0x5], $0x4000, $0x38;
	[tilespmem:$0x1CC00] =	vst v63  }
0x34: {  	_ =	swait.ge [sflag:s17], $0x4000  }
0x35: {  	[sflag:s17] =	ssyncset.done $0x0  }
0x36: {  	[sflag:s17] =	ssyncadd.s32 $0xFFFFC000  }
0x37: {  	[spmem:s8] =	stream.linear.scatter [tilespmem:s16], [sflag:$0x5], $0x4000, $0x38;
	[tilespmem:$0x1CC00] =	vst v63  }
0x38: {  	_ =	swait.ge [sflag:s17], $0x4000  }
0x39: {  	[sflag:s17] =	ssyncset.done $0x0  }
0x3a: {  	[sflag:s17] =	ssyncadd.s32 $0xFFFFC000  }
0x3b: {  	s30 =	simm.s32 $0x0;
	[bflag:$0x0] =	sbarrier.arrive $0xFFFF  }
0x3c: {  	[tilespmem:s30], [sflag:$0x5] =	stream.linear.gather [hbm4b:s9+s30], $0xA00, $0x38;
	[tilespmem:$0x1CC00] =	vst v63  }
0x3d: {  	_ =	swait.ge [sflag:s17], $0xA00  }
0x3e: {  	[sflag:s17] =	ssyncset.done $0x0  }
0x3f: {  	[sflag:s17] =	ssyncadd.s32 $0xFFFFF600  }
0x40: {  	[tilespmem:s16], [sflag:$0x1] =	stream.linear.gather [hbm4b:s10+s30], $0x4000, $0x38;
	[tilespmem:$0x1CC00] =	vst v63  }
0x41: {  	_ = 	snop  }
0x42: {  	[tilespmem:s18], [sflag:$0x2] =	stream.linear.gather [hbm4b:s11+s30], $0x4000, $0x38;
	[tilespmem:$0x1CC00] =	vst v63  }
0x43: {  	_ =	swait.ge [sflag:s19], $0x4000  }
0x44: {  	[sflag:s19] =	ssyncset.done $0x0  }
0x45: {  	[sflag:s19] =	ssyncadd.s32 $0xFFFFC000  }
0x46: {  	[spmem:s2] =	stream.indirect.scatter.add.f32 [tilespmem:s16], [sflag:$0x3], $0x80, s30, s20, $0xb8;
	[tilespmem:$0x1CC00] =	vst v63  }
0x47: {  	_ =	swait.ge [sflag:s21], $0x4000  }
0x48: {  	[sflag:s21] =	ssyncset.done $0x0  }
0x49: {  	s31 =	sadd.s32 $0x0, s15;
	[sflag:s21] =	ssyncadd.s32 $0xFFFFC000  }
0x4a: {  	[tilespmem:s16], [sflag:$0x1] =	stream.linear.gather [hbm4b:s31+s3], $0x4000, $0x38;
	[tilespmem:$0x1CC00] =	vst v63  }
0x4b: {  	_ =	swait.ge [sflag:s22], $0x4000  }
0x4c: {  	[sflag:s22] =	ssyncset.done $0x0  }
0x4d: {  	s30 =	simm.s32 $0x80;
	[sflag:s22] =	ssyncadd.s32 $0xFFFFC000  }
0x4e: {  	[spmem:s2] =	stream.indirect.scatter.add.f32 [tilespmem:s18], [sflag:$0x4], $0x80, s30, s20, $0xb8;
	[tilespmem:$0x1CC00] =	vst v63  }
0x4f: {  	_ =	swait.ge [sflag:s23], $0x4000  }
0x50: {  	[sflag:s23] =	ssyncset.done $0x0  }
0x51: {  	s31 =	sadd.s32 $0x0, s14;
	[sflag:s23] =	ssyncadd.s32 $0xFFFFC000  }
0x52: {  	[tilespmem:s18], [sflag:$0x2] =	stream.linear.gather [hbm4b:s31+s3], $0x4000, $0x38;
	[tilespmem:$0x1CC00] =	vst v63  }
0x53: {  	_ =	swait.ge [sflag:s19], $0x4000  }
0x54: {  	s26 =	simm.s32 $0x100;
	[sflag:s19] =	ssyncset.done $0x0  }
0x55: {  	s28 =	simm.s32 $0x1000;
	s29 =	simm.s32 $0x200;
	[sflag:s19] =	ssyncadd.s32 $0xFFFFC000  }
.LBB2_4:
0x56: {  	[spmem:s2] =	stream.indirect.scatter.add.f32 [tilespmem:s16], [sflag:$0x3], $0x80, s26, s20, $0xb8;
	[tilespmem:$0x1CC00] =	vst v63  }
0x57: {  	s30 =	smov.u32 s28;
	s26 =	smov.u32 s29  }
0x58: {  	p0 =	sne.s32 s28, $0x8000;
	s28 =	sadd.s32 $0x1000, s28;
	_ =	swait.ge [sflag:s21], $0x4000  }
0x59: {  	[sflag:s21] =	ssyncset.done $0x0  }
0x5a: {  	s31 =	sadd.s32 s30, s15;
	[sflag:s21] =	ssyncadd.s32 $0xFFFFC000  }
0x5b: {  	[tilespmem:s16], [sflag:$0x1] =	stream.linear.gather [hbm4b:s31+s3], $0x4000, $0x38;
	[tilespmem:$0x1CC00] =	vst v63  }
0x5c: {  	_ =	swait.ge [sflag:s22], $0x4000  }
0x5d: {  	[sflag:s22] =	ssyncset.done $0x0  }
0x5e: {  	s31 =	sadd.s32 $0xFFFFFF80, s29;
	[sflag:s22] =	ssyncadd.s32 $0xFFFFC000  }
0x5f: {  	[spmem:s2] =	stream.indirect.scatter.add.f32 [tilespmem:s18], [sflag:$0x4], $0x80, s31, s20, $0xb8;
	[tilespmem:$0x1CC00] =	vst v63  }
0x60: {  	_ =	swait.ge [sflag:s23], $0x4000  }
0x61: {  	[sflag:s23] =	ssyncset.done $0x0  }
.Ltmp1:
0x62: {  	s30 =	sadd.s32 s30, s14;
	[sflag:s23] =	ssyncadd.s32 $0xFFFFC000;
	(pc) =	sbr.rel @p0 .LBB2_4-.Ltmp1, $4  }
0x63: {  	[tilespmem:s18], [sflag:$0x2] =	stream.linear.gather [hbm4b:s30+s3], $0x4000, $0x38;
	[tilespmem:$0x1CC00] =	vst v63  }
0x64: {  	_ =	swait.ge [sflag:s19], $0x4000  }
0x65: {  	[sflag:s19] =	ssyncset.done $0x0  }
0x66: {  	s29 =	sadd.s32 $0x100, s29;
	[sflag:s19] =	ssyncadd.s32 $0xFFFFC000  }
0x67: {  	[spmem:s2] =	stream.indirect.scatter.add.f32 [tilespmem:s16], [sflag:$0x3], $0x80, s26, s20, $0xb8;
	[tilespmem:$0x1CC00] =	vst v63  }
0x68: {  	_ =	swait.ge [sflag:s22], $0x4000  }
0x69: {  	[sflag:s22] =	ssyncset.done $0x0  }
0x6a: {  	[sflag:s22] =	ssyncadd.s32 $0xFFFFC000  }
0x6b: {  	[spmem:s2] =	stream.indirect.scatter.add.f32 [tilespmem:s18], [sflag:$0x4], $0x80, s24, s20, $0xb8;
	[tilespmem:$0x1CC00] =	vst v63  }
0x6c: {  	_ =	swait.ge [sflag:s21], $0x4000  }
0x6d: {  	[sflag:s21] =	ssyncset.done $0x0  }
0x6e: {  	[sflag:s21] =	ssyncadd.s32 $0xFFFFC000  }
0x6f: {  	_ =	swait.ge [sflag:s23], $0x4000  }
0x70: {  	s31 =	sshll.u32 s1, $0x6;
	s25 =	sadd.s32 $0x1, s25;
	[sflag:s23] =	ssyncset.done $0x0  }
0x71: {  	s28 =	sshrl.u32 s4, $0x3;
	p0 =	sne.s32 s25, s12;
	[sflag:s23] =	ssyncadd.s32 $0xFFFFC000  }
.Ltmp2:
0x72: {  	s26 =	sor.u32 $0x1C05, s31;
	[bflag:$0x0] =	sbarrier.arrive $0xFFFF;
	(pc) =	sbr.rel @p0 .LBB2_1-.Ltmp2, $4  }
0x73: {  	[hbm:s13], [sflag:s26] =	dma.local [spmem:s28], $0x2800  }
0x74: {  	_ =	swait.ge [sflag:s17], $0x2800  }
0x75: {  	[sflag:s17] =	ssyncset.done $0x0  }
0x76: {  	[sflag:s17] =	ssyncadd.s32 $0xFFFFD800  }
0x77: {  	_ =	sfence.sel $0x180000  }
0x78: {  	[bflag:$0x0] =	sbarrier.arrive $0xFFFF  }
0x79: {  	p0 =	sne.s32 s1, $0x0;
	_ =	strace $0x90000056  }
0x7a: {  	s0 =	sadd.s32 @!p0 $0x100000, s0;
	[bflag:$0x2] =	sbarrier.arrive $0xFFFF  }
0x7b: {  	[sflag:s0] =	ssyncadd.tile.s32 @!p0 $0x1;
	_ =	shalt  }
.Lfunc_end2:
_tile_overlayer_lowered:
.L_overlay_start_2:
0x7c: {  	(tag) =	ssettag $0x2  }
0x7d: {  	s0 =	rddreg [dreg:$0x0];
	s2 =	stileid.u32  }
0x7e: {  	s1 =	rddreg [dreg:$0x1];
	p0 =	sne.s32 s2, $0x0  }
0x7f: {  	s3 =	rddreg [dreg:$0x2];
	[bflag:$0x3] =	sbarrier.arrive $0xFFFF;
	s2 =	simm.s32 @!p0 $0x1C05  }
0x80: {  	[timem:s3], [sflag:s2] =	dma.local @!p0 [hbm:s0], s1  }
0x81: {  	s0 =	simm.s32 @!p0 $0x5  }
0x82: {  	_ =	swait.ge @!p0 [sflag:s0], s1  }
0x83: {  	s1 =	ssub.s32 @!p0 $0x0, s1;
	[sflag:s0] =	ssyncset.done @!p0 $0x0  }
0x84: {  	[sflag:s0] =	ssyncadd.s32 @!p0 s1  }
0x85: {  	[bflag:$0x3] =	sbarrier.arrive $0xFFFF  }
0x86: {  	_ =	shalt  }

// kernel: kernel.19.cloned.1.call-start
scs
__scs_entry_jumppad:
0x0: {  	(pc) =	sbr.rel $0x88, $3  }
0x1: {  	(tag) =	ssettag $0x0;
	lr =	simm.s32 $0x1  }
0x2: {  	[smem:$0x3F98] =	sst lr;
	_ =	strace $0xD0000000  }
0x3: {  	_ = 	snop  }
0x4: {  	_ = 	snop  }
0x5: {  	_ = 	snop  }
0x6: {  	_ = 	snop  }
0x7: {  	_ = 	snop  }
__scs_overlays_trampoline_lowered:
0x8: {  	[smem:$0x3FA7] =	sst s0  }
0x9: {  	[smem:$0x3FA8] =	sst s1  }
0xa: {  	[smem:$0x3FA9] =	sst s2  }
0xb: {  	[smem:$0x3FAA] =	sst s3  }
0xc: {  	[smem:$0x3FAB] =	sst s4  }
0xd: {  	[smem:$0x3FAC] =	sst s5  }
0xe: {  	[smem:$0x3FAD] =	sst s6  }
0xf: {  	[smem:$0x3FAE] =	sst s7  }
0x10: {  	[smem:$0x3FAF] =	sst s8  }
0x11: {  	[smem:$0x3FB0] =	sst s9;
	s0 =	simm.s32 @!p0 $0x0  }
0x12: {  	s1 =	sld [smem:$0x3F96];
	s0 =	simm.s32 @p0 $0x1  }
0x13: {  	[smem:$0x3FB1] =	sst s0;
	s0 =	simm.s32 @!p1 $0x0  }
0x14: {  	s2 =	sld [smem:$0x3F95];
	s0 =	simm.s32 @p1 $0x1  }
0x15: {  	[smem:$0x3FB2] =	sst s0;
	s0 =	simm.s32 @!p2 $0x0  }
0x16: {  	s3 =	sld [smem:$0x3FDB];
	s0 =	simm.s32 @p2 $0x1  }
0x17: {  	s4 =	simm.s32 $0x1BF5;
	[smem:$0x3FB4] =	sst s0  }
0x18: {  	s0 =	sld [smem:$0x3F97];
	_ =	swait.ge [sflag:s4], $0x0  }
0x19: {  	s7 =	sld [smem:$0x3F98]  }
0x1a: {  	s8 =	sadd.s32 $0xFFFFE003, lr  }
0x1b: {  	s9 =	sadd.s32 $0xFFFFFEF7, lr;
	s5 =	simm.s32 $0xFFFFFFFF;
	p2 =	slt.u32 s8, $0xFFFFF086  }
0x1c: {  	p1 =	slt.u32 s9, $0xF7A;
	s5 =	simm.s32 @!p2 $0x0  }
0x1d: {  	s5 =	simm.s32 @p1 $0x1;
	p0 =	seq.s32 s7, s2  }
0x1e: {  	s7 =	smul.u32 @!p0 $0xF7A, s2;
	p2 =	seq.s32 @!p0 s5, $0x0  }
0x1f: {  	s9 =	smul.u32 $0xF7A, s1;
	s8 =	simm.s32 @!p0 $0x1BF5;
	p2 =	por !p2, p0  }
0x20: {  	[sflag:s8] =	ssyncset.s32 @!p0 $0xFFFFF086;
	s6 =	sadd.s32 @!p0 s3, s7;
	s7 =	simm.s32 @!p0 $0x108  }
0x21: {  	s3 =	sadd.s32 s3, s9;
	s6 =	sadd.s32 @!p0 $0x88, s6;
	s7 =	simm.s32 @p2 $0x1082  }
0x22: {  	[simem:s7], [sflag:s8] =	dma.local @!p0 [hbm:s6], $0xF7A  }
0x23: {  	s9 =	sor.u32 $0xD0000000, s2;
	s6 =	simm.s32 $0x108;
	_ =	swait.ge @!p0 [sflag:s8], $0x0  }
0x24: {  	s3 =	sadd.s32 $0x88, s3;
	s6 =	simm.s32 @!p1 $0x1082;
	[sflag:s4] =	ssyncset.s32 $0xFFFFF086  }
0x25: {  	[simem:s6], [sflag:s4] =	dma.local [hbm:s3], $0xF7A  }
0x26: {  	[smem:$0x3F98] =	sst s1;
	(tag) =	ssettag s2;
	_ =	strace s9  }
0x27: {  	s1 =	sld [smem:$0x3FA8]  }
0x28: {  	s2 =	sld [smem:$0x3FA9]  }
0x29: {  	s4 =	sld [smem:$0x3FAB]  }
0x2a: {  	p0 =	seq.s32 s5, $0x0;
	s5 =	sld [smem:$0x3FAC]  }
0x2b: {  	s6 =	sld [smem:$0x3FAD]  }
0x2c: {  	s7 =	sld [smem:$0x3FAE]  }
0x2d: {  	s3 =	simm.s32 $0x108;
	s8 =	sld [smem:$0x3FAF]  }
0x2e: {  	s3 =	simm.s32 @!p0 $0x1082;
	s9 =	sld [smem:$0x3FB0]  }
0x2f: {  	lr =	sadd.s32 s0, s3;
	s0 =	sld [smem:$0x3FA7]  }
0x30: {  	s3 =	sld [smem:$0x3FAA]  }
0x31: {  	[smem:$0x3FB3] =	sst s10  }
0x32: {  	s10 =	sld [smem:$0x3FB1];
	_ =	sdelay $0x3  }
0x33: {  	p0 =	seq.s32 s10, $0x1;
	s10 =	sld [smem:$0x3FB3];
	_ =	sdelay $0x3  }
0x34: {  	[smem:$0x3FB3] =	sst s10  }
0x35: {  	s10 =	sld [smem:$0x3FB2];
	_ =	sdelay $0x3  }
0x36: {  	p1 =	seq.s32 s10, $0x1;
	s10 =	sld [smem:$0x3FB3];
	_ =	sdelay $0x3  }
0x37: {  	[smem:$0x3FB3] =	sst s10  }
0x38: {  	s10 =	sld [smem:$0x3FB4]  }
0x39: {  	_ = 	snop;
	(pc) =	sbr.ind lr, $3  }
0x3a: {  	_ = 	snop  }
0x3b: {  	_ = 	snop  }
0x3c: {  	p2 =	seq.s32 s10, $0x1;
	s10 =	sld [smem:$0x3FB3]  }
0x3d: {  	_ =	shalt  }
0x3e: {  	_ =	shalt  }
0x3f: {  	_ =	shalt  }
0x40: {  	_ =	shalt  }
0x41: {  	_ =	shalt  }
0x42: {  	_ =	shalt  }
0x43: {  	_ =	shalt  }
0x44: {  	_ =	shalt  }
0x45: {  	_ =	shalt  }
0x46: {  	_ =	shalt  }
0x47: {  	_ =	shalt  }
0x48: {  	_ =	shalt  }
0x49: {  	_ =	shalt  }
0x4a: {  	_ =	shalt  }
0x4b: {  	_ =	shalt  }
0x4c: {  	_ =	shalt  }
0x4d: {  	_ =	shalt  }
0x4e: {  	_ =	shalt  }
0x4f: {  	_ =	shalt  }
0x50: {  	_ =	shalt  }
0x51: {  	_ =	shalt  }
0x52: {  	_ =	shalt  }
0x53: {  	_ =	shalt  }
0x54: {  	_ =	shalt  }
0x55: {  	_ =	shalt  }
0x56: {  	_ =	shalt  }
0x57: {  	_ =	shalt  }
0x58: {  	_ =	shalt  }
0x59: {  	_ =	shalt  }
0x5a: {  	_ =	shalt  }
0x5b: {  	_ =	shalt  }
0x5c: {  	_ =	shalt  }
0x5d: {  	_ =	shalt  }
0x5e: {  	_ =	shalt  }
0x5f: {  	_ =	shalt  }
0x60: {  	_ =	shalt  }
0x61: {  	_ =	shalt  }
0x62: {  	_ =	shalt  }
0x63: {  	_ =	shalt  }
0x64: {  	_ =	shalt  }
0x65: {  	_ =	shalt  }
0x66: {  	_ =	shalt  }
0x67: {  	_ =	shalt  }
0x68: {  	_ =	shalt  }
0x69: {  	_ =	shalt  }
0x6a: {  	_ =	shalt  }
0x6b: {  	_ =	shalt  }
0x6c: {  	_ =	shalt  }
0x6d: {  	_ =	shalt  }
0x6e: {  	_ =	shalt  }
0x6f: {  	_ =	shalt  }
0x70: {  	_ =	shalt  }
0x71: {  	_ =	shalt  }
0x72: {  	_ =	shalt  }
0x73: {  	_ =	shalt  }
0x74: {  	_ =	shalt  }
0x75: {  	_ =	shalt  }
0x76: {  	_ =	shalt  }
0x77: {  	_ =	shalt  }
0x78: {  	_ =	shalt  }
0x79: {  	_ =	shalt  }
0x7a: {  	_ =	shalt  }
0x7b: {  	_ =	shalt  }
0x7c: {  	_ =	shalt  }
0x7d: {  	_ =	shalt  }
0x7e: {  	_ =	shalt  }
0x7f: {  	_ =	shalt  }
0x80: {  	_ =	shalt  }
0x81: {  	_ =	shalt  }
0x82: {  	_ =	shalt  }
0x83: {  	_ =	shalt  }
0x84: {  	_ =	shalt  }
0x85: {  	_ =	shalt  }
0x86: {  	_ =	shalt  }
0x87: {  	_ =	shalt  }
.Lfunc_end0:
.L_simem_size_0:
called_computation.2_lowered:
.L_overlay_start_0:
0x88: {  	s2 =	sld [smem:$0x3FD9]  }
0x89: {  	s3 =	sld [smem:$0x3FFE];
	_ =	sdelay $0x1  }
0x8a: {  	s1 =	srdreg.scid  }
0x8b: {  	s0 =	sand.u32 $0x1, s1  }
0x8c: {  	s17 =	sshll.u32 s0, $0xA;
	s2 =	sadd.s32 s3, s2  }
0x8d: {  	s2 =	sadd.s32 s2, s17  }
0x8e: {  	[smem:$0x3FBF] =	sst s2  }
0x8f: {  	_ = 	snop  }
0x90: {  	s2 =	sld [smem:$0x3FD0];
	(tm) =	ssettm $0x1  }
0x91: {  	s18 =	sld [smem:$0x3FFB];
	_ =	sdelay $0x3  }
0x92: {  	_ =	strace s18  }
0x93: {  	s3 =	sld [smem:$0x3FFC];
	_ =	sdelay $0x3  }
0x94: {  	_ =	strace s3  }
0x95: {  	s3 =	sld [smem:$0x3FFD];
	_ =	sdelay $0x3  }
0x96: {  	_ =	strace s3  }
0x97: {  	_ =	strace $0x8FFFFFFF  }
0x98: {  	s19 =	sld [smem:$0x3FDB];
	_ =	sdelay $0x1  }
0x99: {  	s4 =	simm.s32 $_scs_section_size  }
0x9a: {  	s5 =	simm.s32 $_size__tile_overlayer_lowered;
	s6 =	simm.s32 $_tile_overlayer_lowered  }
0x9b: {  	s22 =	simm.s32 $0x1BFF;
	s21 =	sshll.u32 s6, $0x1;
	s3 =	sadd.s32 s4, s19  }
0x9c: {  	s7 =	simm.s32 $0x0;
	s20 =	sshll.u32 s5, $0x1;
	s5 =	sadd.s32 s21, s3  }
0x9d: {  	[timem:s7], [sflag:s22] =	dma.local [hbm:s5], s20  }
0x9e: {  	_ =	swait.ge [sflag:s22], s20  }
0x9f: {  	s4 =	ssub.s32 $0x0, s20;
	[sflag:s22] =	ssyncset.done $0x0  }
0xa0: {  	[sflag:s22] =	ssyncadd.s32 s4;
	_ =	sdelay $0x1  }
0xa1: {  	s23 =	simm.s32 $0x1B8B  }
0xa2: {  	_ =	swait.ge [sflag:s23], $0x1  }
0xa3: {  	[sflag:s23] =	ssyncset.done $0x0  }
0xa4: {  	s25 =	simm.s32 $0x1B8E;
	s24 =	sld [smem:$0x3FFE];
	[sflag:s23] =	ssyncadd.s32 $0xFFFFFFFF  }
0xa5: {  	s26 =	simm.s32 $execute0_lowered;
	[smem:$0x3FD2] =	sst s25  }
0xa6: {  	s5 =	sshll.u32 s26, $0x1;
	_ =	strace $0x80000046;
	[dreg:$0x1] =	wrdreg $0xFFFFFFFF  }
0xa7: {  	s28 =	simm.s32 $_size_execute0_lowered;
	s3 =	sadd.s32 s3, s5;
	[dreg:$0x0] =	wrdreg $0x0  }
0xa8: {  	s5 =	sshll.u32 s28, $0x1;
	[dreg:$0x2] =	wrdreg s3  }
0xa9: {  	[dreg:$0x3] =	wrdreg s5  }
0xaa: {  	[dreg:$0x4] =	wrdreg $0xC0  }
0xab: {  	_ =	task [dreg:s7], $0x5FFFF  }
0xac: {  	[dreg:$0x1] =	wrdreg $0xFFFFFFFF  }
0xad: {  	[dreg:$0x0] =	wrdreg $0x60  }
0xae: {  	[dreg:$0x2] =	wrdreg s24  }
0xaf: {  	[dreg:$0x3] =	wrdreg s2  }
0xb0: {  	[dreg:$0x4] =	wrdreg $0x94000  }
0xb1: {  	[dreg:$0x5] =	wrdreg $0xA  }
0xb2: {  	_ =	task.clear_ibuf [dreg:s7], $0x6FFFF;
	_ =	strace $0x90000046  }
0xb3: {  	s29 =	simm.s32 $0xA;
	_ =	strace $0x80000048  }
0xb4: {  	_ =	swait.ge [sflag:s29], $0x1  }
0xb5: {  	[sflag:s29] =	ssyncadd.s32 $0xFFFFFFFF  }
0xb6: {  	_ =	strace $0x90000048  }
0xb7: {  	_ =	sfence  }
0xb8: {  	s30 =	sld [smem:$0x0];
	_ =	sdelay $0x2  }
0xb9: {  	s31 =	sshll.u32 s1, $0xD;
	s1 =	sshrl.u32 s1, $0x2  }
0xba: {  	s3 =	sand.u32 $0x4000, s31;
	s1 =	sadd.s32 s1, s30  }
0xbb: {  	s0 =	sor.u32 s3, s0;
	s1 =	sshll.u32 s1, $0x11  }
0xbc: {  	s0 =	sor.u32 s1, s0  }
0xbd: {  	s0 =	sadd.s32 $0x8F2B, s0  }
0xbe: {  	[sflag:s0] =	ssyncadd.remote.s32 $0x1  }
0xbf: {  	_ =	sfence.sel $0xFFFF  }
0xc0: {  	[dreg:$0x0] =	wrdreg $0xFFFFFFFF;
	(pc) =	sbr.abs _section_cstart, $3  }
0xc1: {  	[dreg:$0x1] =	wrdreg $0xFFFFFFFF  }
0xc2: {  	_ =	task.clear_ibuf [dreg:s7], $0x2FFFF;
	_ =	strace $0x9FFFFFFF  }
0xc3: {  	(tm) =	ssettm $0x7FFFFFFF  }
tec
execute0_lowered:
.L_overlay_start_1:
0x0: {  	(tag) =	ssettag $0x1  }
0x1: {  	s4 =	rddreg [dreg:$0x0]  }
0x2: {  	s7 =	rddreg [dreg:$0x1]  }
0x3: {  	s2 =	rddreg [dreg:$0x2]  }
0x4: {  	s0 =	rddreg [dreg:$0x3]  }
0x5: {  	s3 =	simm.s32 $0x0;
	s1 =	stileid.u32;
	s5 =	srdreg.scid  }
0x6: {  	s18 =	simm.s32 $0x1;
	s19 =	simm.s32 $0x3;
	s6 =	smul.u32 $0x2800, s1  }
0x7: {  	s20 =	simm.s32 $0x2;
	s21 =	simm.s32 $0x4;
	s9 =	smul.u32 $0x50000, s1  }
0x8: {  	s22 =	simm.s32 $0x0;
	s8 =	sand.u32 $0x1, s5;
	s15 =	smul.u32 $0x110000, s1  }
0x9: {  	s24 =	sshll.u32 s1, $0x1;
	[smem:$0x7FF] =	sst s3;
	s29 =	smul.u32 $0x22000, s1  }
0xa: {  	s26 =	sshll.u32 s1, $0x6;
	s5 =	sor.u32 s8, s24;
	s16 =	smul.u32 $0x88000, s8  }
0xb: {  	_ =	strace $0x80000047;
	s11 =	ssub.s32 $0x2, s8;
	s17 =	smul.u32 $0x11000, s8  }
0xc: {  	s6 =	sadd.s32 s6, s4;
	s10 =	smul.u32 $0x280, s5;
	s4 =	sadd.s32 $0x2D400, s4  }
0xd: {  	s12 =	smul.u32 $0x11000, s5;
	s13 =	sshrl.u32 s11, $0x1;
	s9 =	sshrl.u32 s9, $0x2  }
0xe: {  	s14 =	smul.u32 $0x88000, s5;
	s11 =	ssub.s32 s11, s13;
	s25 =	sadd.s32 s9, s2  }
0xf: {  	s5 =	sadd.s32 $0x5400, s6;
	s6 =	sor.u32 $0x1C05, s26;
	s30 =	sadd.s32 s29, s4  }
0x10: {  	s31 =	sadd.s32 s16, s15;
	s15 =	simm.s32 $0x80;
	s16 =	simm.s32 $0x1400  }
0x11: {  	s28 =	sshrl.u32 s14, $0x3;
	s7 =	sadd.s32 s7, s10;
	s8 =	sadd.s32 s4, s12  }
0x12: {  	s10 =	smax.u32 s11, $0x1;
	s12 =	sadd.s32 s17, s30;
	s11 =	sadd.s32 $0x8000, s31  }
0x13: {  	s13 =	sshrl.u32 s25, $0x3;
	s14 =	simm.s32 $0x5;
	s9 =	sadd.s32 s4, s28  }
0x14: {  	s17 =	simm.s32 $0x5400;
	s12 =	sadd.s32 $0x800, s12;
	s9 =	sadd.s32 $0x10800, s9  }
.LBB2_1:
0x15: {  	[spmem:s13], [sflag:s6] =	dma.local [hbm:s5], $0x2800  }
0x16: {  	_ =	swait.ge [sflag:s14], $0x2800  }
0x17: {  	[sflag:s14] =	ssyncset.done $0x0  }
0x18: {  	[sflag:s14] =	ssyncadd.s32 $0xFFFFD800  }
0x19: {  	[tilespmem:s3], [sflag:$0x5] =	stream.linear.gather [hbm4b:s7+s3], $0x1100, $0x38;
	[tilespmem:$0x1D400] =	vst v63  }
0x1a: {  	_ =	swait.ge [sflag:s14], $0x1100  }
0x1b: {  	[sflag:s14] =	ssyncset.done $0x0  }
0x1c: {  	[sflag:s14] =	ssyncadd.s32 $0xFFFFEF00  }
0x1d: {  	[bflag:$0x0] =	sbarrier.arrive $0xFFFF  }
0x1e: {  	[tilespmem:s16], [sflag:$0x1] =	stream.indirect.gather [spmem:s2], $0x80, s3, s15, $0xb8;
	[tilespmem:$0x1D400] =	vst v63  }
0x1f: {  	_ = 	snop  }
0x20: {  	[tilespmem:s17], [sflag:$0x2] =	stream.indirect.gather [spmem:s2], $0x80, s15, s15, $0xb8;
	[tilespmem:$0x1D400] =	vst v63  }
0x21: {  	_ =	swait.ge [sflag:s18], $0x4000  }
0x22: {  	[sflag:s18] =	ssyncset.done $0x0  }
0x23: {  	[sflag:s18] =	ssyncadd.s32 $0xFFFFC000  }
0x24: {  	[hbm4b:s8+s3] =	stream.linear.scatter [tilespmem:s16], [sflag:$0x3], $0x4000, $0x38;
	[tilespmem:$0x1D400] =	vst v63  }
0x25: {  	_ =	swait.ge [sflag:s19], $0x4000  }
0x26: {  	[sflag:s19] =	ssyncset.done $0x0  }
0x27: {  	s23 =	simm.s32 $0x100;
	[sflag:s19] =	ssyncadd.s32 $0xFFFFC000  }
0x28: {  	[tilespmem:s16], [sflag:$0x1] =	stream.indirect.gather [spmem:s2], $0x80, s23, s15, $0xb8;
	[tilespmem:$0x1D400] =	vst v63  }
0x29: {  	_ =	swait.ge [sflag:s20], $0x4000  }
0x2a: {  	[sflag:s20] =	ssyncset.done $0x0  }
0x2b: {  	s30 =	sadd.s32 $0x0, s12;
	[sflag:s20] =	ssyncadd.s32 $0xFFFFC000  }
0x2c: {  	[hbm4b:s30+s3] =	stream.linear.scatter [tilespmem:s17], [sflag:$0x4], $0x4000, $0x38;
	[tilespmem:$0x1D400] =	vst v63  }
0x2d: {  	_ =	swait.ge [sflag:s21], $0x4000  }
0x2e: {  	[sflag:s21] =	ssyncset.done $0x0  }
0x2f: {  	s31 =	simm.s32 $0x180;
	[sflag:s21] =	ssyncadd.s32 $0xFFFFC000  }
0x30: {  	[tilespmem:s17], [sflag:$0x2] =	stream.indirect.gather [spmem:s2], $0x80, s31, s15, $0xb8;
	[tilespmem:$0x1D400] =	vst v63  }
0x31: {  	s25 =	sshrl.u32 s11, $0x3;
	_ =	swait.ge [sflag:s18], $0x4000  }
0x32: {  	s24 =	simm.s32 $0x280;
	s26 =	sadd.s32 s4, s25;
	[sflag:s18] =	ssyncset.done $0x0  }
0x33: {  	s25 =	sadd.s32 $0x8000, s11;
	s23 =	simm.s32 $0x1000;
	[sflag:s18] =	ssyncadd.s32 $0xFFFFC000  }
.LBB2_2:
0x34: {  	[hbm4b:s26+s3] =	stream.linear.scatter [tilespmem:s16], [sflag:$0x3], $0x4000, $0x38;
	[tilespmem:$0x1D400] =	vst v63  }
0x35: {  	s26 =	smov.u32 s23  }
0x36: {  	p0 =	sne.s32 s23, $0xF000;
	s23 =	sadd.s32 $0x1000, s23;
	_ =	swait.ge [sflag:s19], $0x4000  }
0x37: {  	[sflag:s19] =	ssyncset.done $0x0  }
0x38: {  	s28 =	sadd.s32 $0xFFFFFF80, s24;
	[sflag:s19] =	ssyncadd.s32 $0xFFFFC000  }
0x39: {  	[tilespmem:s16], [sflag:$0x1] =	stream.indirect.gather [spmem:s2], $0x80, s28, s15, $0xb8;
	[tilespmem:$0x1D400] =	vst v63  }
0x3a: {  	_ =	swait.ge [sflag:s20], $0x4000  }
0x3b: {  	[sflag:s20] =	ssyncset.done $0x0  }
0x3c: {  	s26 =	sadd.s32 s26, s12;
	[sflag:s20] =	ssyncadd.s32 $0xFFFFC000  }
0x3d: {  	[hbm4b:s26+s3] =	stream.linear.scatter [tilespmem:s17], [sflag:$0x4], $0x4000, $0x38;
	[tilespmem:$0x1D400] =	vst v63  }
0x3e: {  	_ =	swait.ge [sflag:s21], $0x4000  }
0x3f: {  	[sflag:s21] =	ssyncset.done $0x0  }
.Ltmp0:
0x40: {  	[sflag:s21] =	ssyncadd.s32 $0xFFFFC000;
	(pc) =	sbr.rel @p0 .LBB2_2-.Ltmp0, $4  }
0x41: {  	[tilespmem:s17], [sflag:$0x2] =	stream.indirect.gather [spmem:s2], $0x80, s24, s15, $0xb8;
	[tilespmem:$0x1D400] =	vst v63  }
0x42: {  	_ =	swait.ge [sflag:s18], $0x4000  }
0x43: {  	s26 =	sshrl.u32 s25, $0x3;
	s24 =	sadd.s32 $0x100, s24;
	[sflag:s18] =	ssyncset.done $0x0  }
0x44: {  	s25 =	sadd.s32 $0x8000, s25;
	s26 =	sadd.s32 s4, s26;
	[sflag:s18] =	ssyncadd.s32 $0xFFFFC000  }
0x45: {  	[hbm4b:s26+s3] =	stream.linear.scatter [tilespmem:s16], [sflag:$0x3], $0x4000, $0x38;
	[tilespmem:$0x1D400] =	vst v63  }
0x46: {  	_ =	swait.ge [sflag:s20], $0x4000  }
0x47: {  	[sflag:s20] =	ssyncset.done $0x0  }
0x48: {  	s22 =	sadd.s32 $0x1, s22;
	[sflag:s20] =	ssyncadd.s32 $0xFFFFC000  }
0x49: {  	[hbm4b:s9+s3] =	stream.linear.scatter [tilespmem:s17], [sflag:$0x4], $0x4000, $0x38;
	[tilespmem:$0x1D400] =	vst v63  }
0x4a: {  	p0 =	sne.s32 s22, s10;
	_ =	swait.ge [sflag:s19], $0x4000  }
.Ltmp1:
0x4b: {  	[sflag:s19] =	ssyncset.done $0x0;
	(pc) =	sbr.rel @p0 .LBB2_1-.Ltmp1, $4  }
0x4c: {  	[sflag:s19] =	ssyncadd.s32 $0xFFFFC000  }
0x4d: {  	_ =	swait.ge [sflag:s21], $0x4000  }
0x4e: {  	[sflag:s21] =	ssyncset.done $0x0  }
0x4f: {  	[sflag:s21] =	ssyncadd.s32 $0xFFFFC000  }
0x50: {  	_ =	sfence.sel $0x180000  }
0x51: {  	[bflag:$0x0] =	sbarrier.arrive $0xFFFF  }
0x52: {  	p0 =	sne.s32 s1, $0x0;
	_ =	strace $0x90000047  }
0x53: {  	s0 =	sadd.s32 @!p0 $0x100000, s0;
	[bflag:$0x2] =	sbarrier.arrive $0xFFFF  }
0x54: {  	[sflag:s0] =	ssyncadd.tile.s32 @!p0 $0x1;
	_ =	shalt  }
.Lfunc_end2:
_tile_overlayer_lowered:
.L_overlay_start_2:
0x55: {  	(tag) =	ssettag $0x2  }
0x56: {  	s0 =	rddreg [dreg:$0x0];
	s2 =	stileid.u32  }
0x57: {  	s1 =	rddreg [dreg:$0x1];
	p0 =	sne.s32 s2, $0x0  }
0x58: {  	s3 =	rddreg [dreg:$0x2];
	[bflag:$0x3] =	sbarrier.arrive $0xFFFF;
	s2 =	simm.s32 @!p0 $0x1C05  }
0x59: {  	[timem:s3], [sflag:s2] =	dma.local @!p0 [hbm:s0], s1  }
0x5a: {  	s0 =	simm.s32 @!p0 $0x5  }
0x5b: {  	_ =	swait.ge @!p0 [sflag:s0], s1  }
0x5c: {  	s1 =	ssub.s32 @!p0 $0x0, s1;
	[sflag:s0] =	ssyncset.done @!p0 $0x0  }
0x5d: {  	[sflag:s0] =	ssyncadd.s32 @!p0 s1  }
0x5e: {  	[bflag:$0x3] =	sbarrier.arrive $0xFFFF  }
0x5f: {  	_ =	shalt  }

// kernel: kernel.22.cloned.1.call-start
scs
__scs_entry_jumppad:
0x0: {  	(pc) =	sbr.rel $0x88, $3  }
0x1: {  	(tag) =	ssettag $0x0;
	lr =	simm.s32 $0x1  }
0x2: {  	[smem:$0x3F98] =	sst lr;
	_ =	strace $0xD0000000  }
0x3: {  	_ = 	snop  }
0x4: {  	_ = 	snop  }
0x5: {  	_ = 	snop  }
0x6: {  	_ = 	snop  }
0x7: {  	_ = 	snop  }
__scs_overlays_trampoline_lowered:
0x8: {  	[smem:$0x3FA7] =	sst s0  }
0x9: {  	[smem:$0x3FA8] =	sst s1  }
0xa: {  	[smem:$0x3FA9] =	sst s2  }
0xb: {  	[smem:$0x3FAA] =	sst s3  }
0xc: {  	[smem:$0x3FAB] =	sst s4  }
0xd: {  	[smem:$0x3FAC] =	sst s5  }
0xe: {  	[smem:$0x3FAD] =	sst s6  }
0xf: {  	[smem:$0x3FAE] =	sst s7  }
0x10: {  	[smem:$0x3FAF] =	sst s8  }
0x11: {  	[smem:$0x3FB0] =	sst s9;
	s0 =	simm.s32 @!p0 $0x0  }
0x12: {  	s1 =	sld [smem:$0x3F96];
	s0 =	simm.s32 @p0 $0x1  }
0x13: {  	[smem:$0x3FB1] =	sst s0;
	s0 =	simm.s32 @!p1 $0x0  }
0x14: {  	s2 =	sld [smem:$0x3F95];
	s0 =	simm.s32 @p1 $0x1  }
0x15: {  	[smem:$0x3FB2] =	sst s0;
	s0 =	simm.s32 @!p2 $0x0  }
0x16: {  	s3 =	sld [smem:$0x3FDB];
	s0 =	simm.s32 @p2 $0x1  }
0x17: {  	s4 =	simm.s32 $0x1BF5;
	[smem:$0x3FB4] =	sst s0  }
0x18: {  	s0 =	sld [smem:$0x3F97];
	_ =	swait.ge [sflag:s4], $0x0  }
0x19: {  	s7 =	sld [smem:$0x3F98]  }
0x1a: {  	s8 =	sadd.s32 $0xFFFFE003, lr  }
0x1b: {  	s9 =	sadd.s32 $0xFFFFFEF7, lr;
	s5 =	simm.s32 $0xFFFFFFFF;
	p2 =	slt.u32 s8, $0xFFFFF086  }
0x1c: {  	p1 =	slt.u32 s9, $0xF7A;
	s5 =	simm.s32 @!p2 $0x0  }
0x1d: {  	s5 =	simm.s32 @p1 $0x1;
	p0 =	seq.s32 s7, s2  }
0x1e: {  	s7 =	smul.u32 @!p0 $0xF7A, s2;
	p2 =	seq.s32 @!p0 s5, $0x0  }
0x1f: {  	s9 =	smul.u32 $0xF7A, s1;
	s8 =	simm.s32 @!p0 $0x1BF5;
	p2 =	por !p2, p0  }
0x20: {  	[sflag:s8] =	ssyncset.s32 @!p0 $0xFFFFF086;
	s6 =	sadd.s32 @!p0 s3, s7;
	s7 =	simm.s32 @!p0 $0x108  }
0x21: {  	s3 =	sadd.s32 s3, s9;
	s6 =	sadd.s32 @!p0 $0x88, s6;
	s7 =	simm.s32 @p2 $0x1082  }
0x22: {  	[simem:s7], [sflag:s8] =	dma.local @!p0 [hbm:s6], $0xF7A  }
0x23: {  	s9 =	sor.u32 $0xD0000000, s2;
	s6 =	simm.s32 $0x108;
	_ =	swait.ge @!p0 [sflag:s8], $0x0  }
0x24: {  	s3 =	sadd.s32 $0x88, s3;
	s6 =	simm.s32 @!p1 $0x1082;
	[sflag:s4] =	ssyncset.s32 $0xFFFFF086  }
0x25: {  	[simem:s6], [sflag:s4] =	dma.local [hbm:s3], $0xF7A  }
0x26: {  	[smem:$0x3F98] =	sst s1;
	(tag) =	ssettag s2;
	_ =	strace s9  }
0x27: {  	s1 =	sld [smem:$0x3FA8]  }
0x28: {  	s2 =	sld [smem:$0x3FA9]  }
0x29: {  	s4 =	sld [smem:$0x3FAB]  }
0x2a: {  	p0 =	seq.s32 s5, $0x0;
	s5 =	sld [smem:$0x3FAC]  }
0x2b: {  	s6 =	sld [smem:$0x3FAD]  }
0x2c: {  	s7 =	sld [smem:$0x3FAE]  }
0x2d: {  	s3 =	simm.s32 $0x108;
	s8 =	sld [smem:$0x3FAF]  }
0x2e: {  	s3 =	simm.s32 @!p0 $0x1082;
	s9 =	sld [smem:$0x3FB0]  }
0x2f: {  	lr =	sadd.s32 s0, s3;
	s0 =	sld [smem:$0x3FA7]  }
0x30: {  	s3 =	sld [smem:$0x3FAA]  }
0x31: {  	[smem:$0x3FB3] =	sst s10  }
0x32: {  	s10 =	sld [smem:$0x3FB1];
	_ =	sdelay $0x3  }
0x33: {  	p0 =	seq.s32 s10, $0x1;
	s10 =	sld [smem:$0x3FB3];
	_ =	sdelay $0x3  }
0x34: {  	[smem:$0x3FB3] =	sst s10  }
0x35: {  	s10 =	sld [smem:$0x3FB2];
	_ =	sdelay $0x3  }
0x36: {  	p1 =	seq.s32 s10, $0x1;
	s10 =	sld [smem:$0x3FB3];
	_ =	sdelay $0x3  }
0x37: {  	[smem:$0x3FB3] =	sst s10  }
0x38: {  	s10 =	sld [smem:$0x3FB4]  }
0x39: {  	_ = 	snop;
	(pc) =	sbr.ind lr, $3  }
0x3a: {  	_ = 	snop  }
0x3b: {  	_ = 	snop  }
0x3c: {  	p2 =	seq.s32 s10, $0x1;
	s10 =	sld [smem:$0x3FB3]  }
0x3d: {  	_ =	shalt  }
0x3e: {  	_ =	shalt  }
0x3f: {  	_ =	shalt  }
0x40: {  	_ =	shalt  }
0x41: {  	_ =	shalt  }
0x42: {  	_ =	shalt  }
0x43: {  	_ =	shalt  }
0x44: {  	_ =	shalt  }
0x45: {  	_ =	shalt  }
0x46: {  	_ =	shalt  }
0x47: {  	_ =	shalt  }
0x48: {  	_ =	shalt  }
0x49: {  	_ =	shalt  }
0x4a: {  	_ =	shalt  }
0x4b: {  	_ =	shalt  }
0x4c: {  	_ =	shalt  }
0x4d: {  	_ =	shalt  }
0x4e: {  	_ =	shalt  }
0x4f: {  	_ =	shalt  }
0x50: {  	_ =	shalt  }
0x51: {  	_ =	shalt  }
0x52: {  	_ =	shalt  }
0x53: {  	_ =	shalt  }
0x54: {  	_ =	shalt  }
0x55: {  	_ =	shalt  }
0x56: {  	_ =	shalt  }
0x57: {  	_ =	shalt  }
0x58: {  	_ =	shalt  }
0x59: {  	_ =	shalt  }
0x5a: {  	_ =	shalt  }
0x5b: {  	_ =	shalt  }
0x5c: {  	_ =	shalt  }
0x5d: {  	_ =	shalt  }
0x5e: {  	_ =	shalt  }
0x5f: {  	_ =	shalt  }
0x60: {  	_ =	shalt  }
0x61: {  	_ =	shalt  }
0x62: {  	_ =	shalt  }
0x63: {  	_ =	shalt  }
0x64: {  	_ =	shalt  }
0x65: {  	_ =	shalt  }
0x66: {  	_ =	shalt  }
0x67: {  	_ =	shalt  }
0x68: {  	_ =	shalt  }
0x69: {  	_ =	shalt  }
0x6a: {  	_ =	shalt  }
0x6b: {  	_ =	shalt  }
0x6c: {  	_ =	shalt  }
0x6d: {  	_ =	shalt  }
0x6e: {  	_ =	shalt  }
0x6f: {  	_ =	shalt  }
0x70: {  	_ =	shalt  }
0x71: {  	_ =	shalt  }
0x72: {  	_ =	shalt  }
0x73: {  	_ =	shalt  }
0x74: {  	_ =	shalt  }
0x75: {  	_ =	shalt  }
0x76: {  	_ =	shalt  }
0x77: {  	_ =	shalt  }
0x78: {  	_ =	shalt  }
0x79: {  	_ =	shalt  }
0x7a: {  	_ =	shalt  }
0x7b: {  	_ =	shalt  }
0x7c: {  	_ =	shalt  }
0x7d: {  	_ =	shalt  }
0x7e: {  	_ =	shalt  }
0x7f: {  	_ =	shalt  }
0x80: {  	_ =	shalt  }
0x81: {  	_ =	shalt  }
0x82: {  	_ =	shalt  }
0x83: {  	_ =	shalt  }
0x84: {  	_ =	shalt  }
0x85: {  	_ =	shalt  }
0x86: {  	_ =	shalt  }
0x87: {  	_ =	shalt  }
.Lfunc_end0:
.L_simem_size_0:
called_computation.3_lowered:
.L_overlay_start_0:
0x88: {  	s2 =	sld [smem:$0x3FD9]  }
0x89: {  	s3 =	sld [smem:$0x3FFE];
	_ =	sdelay $0x1  }
0x8a: {  	s1 =	srdreg.scid  }
0x8b: {  	s0 =	sand.u32 $0x1, s1  }
0x8c: {  	s17 =	sshll.u32 s0, $0xA;
	s2 =	sadd.s32 s3, s2  }
0x8d: {  	s2 =	sadd.s32 s2, s17  }
0x8e: {  	[smem:$0x3FBF] =	sst s2  }
0x8f: {  	_ = 	snop  }
0x90: {  	(tm) =	ssettm $0x1  }
0x91: {  	s18 =	sld [smem:$0x3FFB];
	_ =	sdelay $0x3  }
0x92: {  	_ =	strace s18  }
0x93: {  	s2 =	sld [smem:$0x3FFC];
	_ =	sdelay $0x3  }
0x94: {  	_ =	strace s2  }
0x95: {  	s2 =	sld [smem:$0x3FFD];
	_ =	sdelay $0x3  }
0x96: {  	_ =	strace s2  }
0x97: {  	_ =	strace $0x8FFFFFFF  }
0x98: {  	s19 =	sld [smem:$0x3FDB];
	_ =	sdelay $0x1  }
0x99: {  	s20 =	simm.s32 $_scs_section_size  }
0x9a: {  	s4 =	simm.s32 $_size__tile_overlayer_lowered;
	s5 =	simm.s32 $_tile_overlayer_lowered  }
0x9b: {  	s6 =	simm.s32 $0x1BFF;
	s21 =	sshll.u32 s5, $0x1;
	s3 =	sadd.s32 s20, s19  }
0x9c: {  	s22 =	simm.s32 $0x0;
	s4 =	sshll.u32 s4, $0x1;
	s5 =	sadd.s32 s21, s3  }
0x9d: {  	[timem:s22], [sflag:s6] =	dma.local [hbm:s5], s4  }
0x9e: {  	_ =	swait.ge [sflag:s6], s4  }
0x9f: {  	s4 =	ssub.s32 $0x0, s4;
	[sflag:s6] =	ssyncset.done $0x0  }
0xa0: {  	[sflag:s6] =	ssyncadd.s32 s4;
	_ =	sdelay $0x1  }
0xa1: {  	s23 =	simm.s32 $0x1B8B  }
0xa2: {  	_ =	swait.ge [sflag:s23], $0x1  }
0xa3: {  	[sflag:s23] =	ssyncset.done $0x0  }
0xa4: {  	[sflag:s23] =	ssyncadd.s32 $0xFFFFFFFF  }
0xa5: {  	s4 =	sld [smem:$0x0]  }
0xa6: {  	s5 =	sand.u32 $0xFFFFFFFE, s1  }
0xa7: {  	p0 =	sne.s32 s1, s5  }
0xa8: {  	s5 =	sshll.u32 @p0 s5, $0xE  }
0xa9: {  	s5 =	sadd.s32 @p0 $0x11B8D, s5;
	s6 =	sshll.u32 @p0 s4, $0x11  }
0xaa: {  	s5 =	sor.u32 @p0 s6, s5  }
0xab: {  	[sflag:s5] =	ssyncadd.remote.s32 @p0 $0x1;
	_ =	sdelay $0x1  }
0xac: {  	s5 =	simm.s32 @p0 $0x1B8D  }
0xad: {  	_ =	swait.eq @p0 [sflag:s5], $0x1  }
0xae: {  	[sflag:s5] =	ssyncadd.s32 @p0 $0xFFFFFFFF  }
0xaf: {  	s6 =	sshll.u32 @!p0 s1, $0xE  }
0xb0: {  	s6 =	sor.u32 @!p0 $0x4000, s6;
	s5 =	simm.s32 @!p0 $0x1B8D  }
0xb1: {  	s4 =	sshll.u32 @!p0 s4, $0x11;
	s6 =	sadd.s32 @!p0 $0x11B8D, s6;
	_ =	swait.eq @!p0 [sflag:s5], $0x1  }
0xb2: {  	s4 =	sor.u32 @!p0 s4, s6;
	[sflag:s5] =	ssyncadd.s32 @!p0 $0xFFFFFFFF  }
0xb3: {  	s25 =	simm.s32 $0x1B8E;
	s24 =	sld [smem:$0x3FFE];
	[sflag:s4] =	ssyncadd.remote.s32 @!p0 $0x1  }
0xb4: {  	s26 =	simm.s32 $execute0_lowered;
	[smem:$0x3FD2] =	sst s25  }
0xb5: {  	s5 =	sshll.u32 s26, $0x1;
	_ =	strace $0x8000004F;
	[dreg:$0x1] =	wrdreg $0xFFFFFFFF  }
0xb6: {  	s28 =	simm.s32 $_size_execute0_lowered;
	s3 =	sadd.s32 s3, s5;
	[dreg:$0x0] =	wrdreg $0x0  }
0xb7: {  	s5 =	sshll.u32 s28, $0x1;
	[dreg:$0x2] =	wrdreg s3  }
0xb8: {  	[dreg:$0x3] =	wrdreg s5  }
0xb9: {  	[dreg:$0x4] =	wrdreg $0xC0  }
0xba: {  	_ =	task [dreg:s22], $0x5FFFF  }
0xbb: {  	[dreg:$0x1] =	wrdreg $0xFFFFFFFF  }
0xbc: {  	[dreg:$0x0] =	wrdreg $0x60  }
0xbd: {  	[dreg:$0x2] =	wrdreg s24  }
0xbe: {  	[dreg:$0x3] =	wrdreg $0x94000  }
0xbf: {  	[dreg:$0x4] =	wrdreg $0xA  }
0xc0: {  	_ =	task.clear_ibuf [dreg:s22], $0x5FFFF;
	_ =	strace $0x9000004F  }
0xc1: {  	s29 =	simm.s32 $0xA;
	_ =	strace $0x80000051  }
0xc2: {  	_ =	swait.ge [sflag:s29], $0x1  }
0xc3: {  	[sflag:s29] =	ssyncadd.s32 $0xFFFFFFFF  }
0xc4: {  	_ =	strace $0x90000051  }
0xc5: {  	_ =	sfence  }
0xc6: {  	s30 =	sld [smem:$0x0];
	_ =	sdelay $0x2  }
0xc7: {  	s31 =	sshll.u32 s1, $0xD;
	s1 =	sshrl.u32 s1, $0x2  }
0xc8: {  	s4 =	sand.u32 $0x4000, s31;
	s1 =	sadd.s32 s1, s30  }
0xc9: {  	s0 =	sor.u32 s4, s0;
	s1 =	sshll.u32 s1, $0x11  }
0xca: {  	s0 =	sor.u32 s1, s0  }
0xcb: {  	s0 =	sadd.s32 $0x8F2B, s0  }
0xcc: {  	[sflag:s0] =	ssyncadd.remote.s32 $0x1  }
0xcd: {  	_ =	sfence.sel $0xFFFF  }
0xce: {  	[dreg:$0x0] =	wrdreg $0xFFFFFFFF;
	(pc) =	sbr.abs _section_cstart, $3  }
0xcf: {  	[dreg:$0x1] =	wrdreg $0xFFFFFFFF  }
0xd0: {  	_ =	task.clear_ibuf [dreg:s22], $0x2FFFF;
	_ =	strace $0x9FFFFFFF  }
0xd1: {  	(tm) =	ssettm $0x7FFFFFFF  }
tec
execute0_lowered:
.L_overlay_start_1:
0x0: {  	(tag) =	ssettag $0x1  }
0x1: {  	s1 =	srdreg.scid;
	s14 =	rddreg [dreg:$0x0]  }
0x2: {  	s0 =	stileid.u32;
	s2 =	rddreg [dreg:$0x1];
	s3 =	simm.s32 $0x0  }
0x3: {  	s19 =	simm.s32 $0x55400;
	s22 =	simm.s32 $0x3;
	s7 =	smul.u32 $0x50000, s0  }
0x4: {  	s23 =	simm.s32 $0x2;
	s24 =	simm.s32 $0x4;
	s16 =	smul.u32 $0x2800, s0  }
0x5: {  	s25 =	simm.s32 $0x1080;
	s26 =	simm.s32 $0x0;
	s17 =	smul.u32 $0x22000, s0  }
0x6: {  	s13 =	sand.u32 $0x1, s1;
	s28 =	sshll.u32 s0, $0x1;
	s20 =	smul.u32 $0x110000, s0  }
0x7: {  	[smem:$0x7FF] =	sst s3;
	s4 =	sadd.s32 $0x539400, s14;
	s18 =	smul.u32 $0x11000, s13  }
0x8: {  	s6 =	sor.u32 s13, s28;
	_ =	strace $0x80000050;
	s21 =	smul.u32 $0x88000, s13  }
0x9: {  	s8 =	ssub.s32 $0x2, s13;
	p0 =	seq.s32 s13, $0x1;
	s5 =	smul.u32 $0x280, s6  }
0xa: {  	s29 =	sshrl.u32 s8, $0x1;
	s7 =	sshrl.u32 s7, $0x2;
	s11 =	smul.u32 $0x11000, s6  }
0xb: {  	s19 =	simm.s32 @!p0 $0x2D400;
	s30 =	sadd.s32 s17, s4;
	s17 =	simm.s32 $0x1400  }
0xc: {  	s15 =	ssub.s32 s8, s29;
	s31 =	sadd.s32 s21, s20;
	s20 =	simm.s32 $0x1  }
0xd: {  	s21 =	simm.s32 $0x80;
	s10 =	sadd.s32 s5, s14;
	s5 =	sadd.s32 s7, s2  }
0xe: {  	s11 =	sadd.s32 s4, s11;
	s13 =	smax.u32 s15, $0x1;
	s14 =	sadd.s32 s19, s14  }
0xf: {  	s15 =	sadd.s32 s18, s30;
	s18 =	simm.s32 $0x5;
	s19 =	simm.s32 $0x5400  }
0x10: {  	s6 =	sadd.s32 $0x4000, s5;
	s7 =	sadd.s32 $0x8000, s5;
	s8 =	sadd.s32 $0xC000, s5  }
0x11: {  	s9 =	sadd.s32 $0x10000, s5;
	s10 =	sadd.s32 $0x534400, s10;
	s12 =	sadd.s32 $0x800, s11  }
0x12: {  	v0 =	vimm.f32 $0.0e+00;
	s14 =	sadd.s32 s14, s16;
	s15 =	sadd.s32 $0x1800, s15;
	s16 =	sadd.s32 $0x8000, s31  }
.LBB2_1:
0x13: {  	s28 =	simm.s32 $0x0;
	s29 =	simm.s32 $0x200  }
.LBB2_2:
0x14: {  	p0 =	sne.s32 s29, $0xFE00;
	[tilespmem:s28+$0x1470] =	vst v0  }
0x15: {  	[tilespmem:s28+$0x1400] =	vst v0  }
0x16: {  	[tilespmem:s28+$0x1410] =	vst v0  }
.Ltmp0:
0x17: {  	[tilespmem:s28+$0x1420] =	vst v0;
	(pc) =	sbr.rel @p0 .LBB2_2-.Ltmp0, $4  }
0x18: {  	[tilespmem:s28+$0x1430] =	vst v0  }
0x19: {  	[tilespmem:s28+$0x1440] =	vst v0  }
0x1a: {  	[tilespmem:s28+$0x1450] =	vst v0  }
0x1b: {  	[tilespmem:s28+$0x1460] =	vst v0;
	s28 =	sshra.s32 s29, $0x2;
	s29 =	sadd.s32 $0x200, s29  }
0x1c: {  	[tilespmem:s28+$0x1470] =	vst v0  }
0x1d: {  	[tilespmem:s28+$0x1400] =	vst v0  }
0x1e: {  	[tilespmem:s28+$0x1410] =	vst v0  }
0x1f: {  	[tilespmem:s28+$0x1420] =	vst v0  }
0x20: {  	[tilespmem:s28+$0x1430] =	vst v0  }
0x21: {  	[tilespmem:s28+$0x1440] =	vst v0  }
0x22: {  	[tilespmem:s28+$0x1450] =	vst v0  }
0x23: {  	[tilespmem:s28+$0x1460] =	vst v0  }
0x24: {  	[spmem:s5] =	stream.linear.scatter [tilespmem:s17], [sflag:$0x5], $0x4000, $0x38;
	[tilespmem:$0x1D400] =	vst v63  }
0x25: {  	_ =	swait.ge [sflag:s18], $0x4000  }
0x26: {  	[sflag:s18] =	ssyncset.done $0x0  }
0x27: {  	[sflag:s18] =	ssyncadd.s32 $0xFFFFC000  }
0x28: {  	[spmem:s6] =	stream.linear.scatter [tilespmem:s17], [sflag:$0x5], $0x4000, $0x38;
	[tilespmem:$0x1D400] =	vst v63  }
0x29: {  	_ =	swait.ge [sflag:s18], $0x4000  }
0x2a: {  	[sflag:s18] =	ssyncset.done $0x0  }
0x2b: {  	[sflag:s18] =	ssyncadd.s32 $0xFFFFC000  }
0x2c: {  	[spmem:s7] =	stream.linear.scatter [tilespmem:s17], [sflag:$0x5], $0x4000, $0x38;
	[tilespmem:$0x1D400] =	vst v63  }
0x2d: {  	_ =	swait.ge [sflag:s18], $0x4000  }
0x2e: {  	[sflag:s18] =	ssyncset.done $0x0  }
0x2f: {  	[sflag:s18] =	ssyncadd.s32 $0xFFFFC000  }
0x30: {  	[spmem:s8] =	stream.linear.scatter [tilespmem:s17], [sflag:$0x5], $0x4000, $0x38;
	[tilespmem:$0x1D400] =	vst v63  }
0x31: {  	_ =	swait.ge [sflag:s18], $0x4000  }
0x32: {  	[sflag:s18] =	ssyncset.done $0x0  }
0x33: {  	[sflag:s18] =	ssyncadd.s32 $0xFFFFC000  }
0x34: {  	[spmem:s9] =	stream.linear.scatter [tilespmem:s17], [sflag:$0x5], $0x4000, $0x38;
	[tilespmem:$0x1D400] =	vst v63  }
0x35: {  	_ =	swait.ge [sflag:s18], $0x4000  }
0x36: {  	[sflag:s18] =	ssyncset.done $0x0  }
0x37: {  	[sflag:s18] =	ssyncadd.s32 $0xFFFFC000  }
0x38: {  	s28 =	simm.s32 $0x0;
	[bflag:$0x0] =	sbarrier.arrive $0xFFFF  }
0x39: {  	[tilespmem:s28], [sflag:$0x5] =	stream.linear.gather [hbm4b:s10+s28], $0x1100, $0x38;
	[tilespmem:$0x1D400] =	vst v63  }
0x3a: {  	_ =	swait.ge [sflag:s18], $0x1100  }
0x3b: {  	[sflag:s18] =	ssyncset.done $0x0  }
0x3c: {  	[sflag:s18] =	ssyncadd.s32 $0xFFFFEF00  }
0x3d: {  	[tilespmem:s17], [sflag:$0x1] =	stream.linear.gather [hbm4b:s11+s28], $0x4000, $0x38;
	[tilespmem:$0x1D400] =	vst v63  }
0x3e: {  	_ = 	snop  }
0x3f: {  	[tilespmem:s19], [sflag:$0x2] =	stream.linear.gather [hbm4b:s12+s28], $0x4000, $0x38;
	[tilespmem:$0x1D400] =	vst v63  }
0x40: {  	_ =	swait.ge [sflag:s20], $0x4000  }
0x41: {  	[sflag:s20] =	ssyncset.done $0x0  }
0x42: {  	[sflag:s20] =	ssyncadd.s32 $0xFFFFC000  }
0x43: {  	[spmem:s2] =	stream.indirect.scatter.add.f32 [tilespmem:s17], [sflag:$0x3], $0x80, s28, s21, $0xb8;
	[tilespmem:$0x1D400] =	vst v63  }
0x44: {  	_ =	swait.ge [sflag:s22], $0x4000  }
0x45: {  	s28 =	sshrl.u32 s16, $0x3;
	[sflag:s22] =	ssyncset.done $0x0  }
0x46: {  	s28 =	sadd.s32 s4, s28;
	[sflag:s22] =	ssyncadd.s32 $0xFFFFC000  }
0x47: {  	[tilespmem:s17], [sflag:$0x1] =	stream.linear.gather [hbm4b:s28+s3], $0x4000, $0x38;
	[tilespmem:$0x1D400] =	vst v63  }
0x48: {  	_ =	swait.ge [sflag:s23], $0x4000  }
0x49: {  	[sflag:s23] =	ssyncset.done $0x0  }
0x4a: {  	s28 =	simm.s32 $0x80;
	[sflag:s23] =	ssyncadd.s32 $0xFFFFC000  }
0x4b: {  	[spmem:s2] =	stream.indirect.scatter.add.f32 [tilespmem:s19], [sflag:$0x4], $0x80, s28, s21, $0xb8;
	[tilespmem:$0x1D400] =	vst v63  }
0x4c: {  	_ =	swait.ge [sflag:s24], $0x4000  }
0x4d: {  	[sflag:s24] =	ssyncset.done $0x0  }
0x4e: {  	s28 =	sadd.s32 $0x0, s15;
	[sflag:s24] =	ssyncadd.s32 $0xFFFFC000  }
0x4f: {  	[tilespmem:s19], [sflag:$0x2] =	stream.linear.gather [hbm4b:s28+s3], $0x4000, $0x38;
	[tilespmem:$0x1D400] =	vst v63  }
0x50: {  	_ =	swait.ge [sflag:s20], $0x4000  }
0x51: {  	s29 =	simm.s32 $0x1000;
	s30 =	sadd.s32 $0x8000, s16;
	[sflag:s20] =	ssyncset.done $0x0  }
0x52: {  	s31 =	simm.s32 $0x200;
	s28 =	simm.s32 $0x100;
	[sflag:s20] =	ssyncadd.s32 $0xFFFFC000  }
.LBB2_4:
0x53: {  	[spmem:s2] =	stream.indirect.scatter.add.f32 [tilespmem:s17], [sflag:$0x3], $0x80, s28, s21, $0xb8;
	[tilespmem:$0x1D400] =	vst v63  }
0x54: {  	s1 =	smov.u32 s29;
	s28 =	smov.u32 s31  }
0x55: {  	p0 =	sne.s32 s29, $0xF000;
	s29 =	sadd.s32 $0x1000, s29;
	_ =	swait.ge [sflag:s22], $0x4000  }
0x56: {  	s0 =	sshrl.u32 s30, $0x3;
	[sflag:s22] =	ssyncset.done $0x0  }
0x57: {  	s0 =	sadd.s32 s4, s0;
	[sflag:s22] =	ssyncadd.s32 $0xFFFFC000  }
0x58: {  	[tilespmem:s17], [sflag:$0x1] =	stream.linear.gather [hbm4b:s0+s3], $0x4000, $0x38;
	[tilespmem:$0x1D400] =	vst v63  }
0x59: {  	_ =	swait.ge [sflag:s23], $0x4000  }
0x5a: {  	[sflag:s23] =	ssyncset.done $0x0  }
0x5b: {  	s0 =	sadd.s32 $0xFFFFFF80, s31;
	[sflag:s23] =	ssyncadd.s32 $0xFFFFC000  }
0x5c: {  	[spmem:s2] =	stream.indirect.scatter.add.f32 [tilespmem:s19], [sflag:$0x4], $0x80, s0, s21, $0xb8;
	[tilespmem:$0x1D400] =	vst v63  }
0x5d: {  	_ =	swait.ge [sflag:s24], $0x4000  }
0x5e: {  	[sflag:s24] =	ssyncset.done $0x0  }
.Ltmp1:
0x5f: {  	s0 =	sadd.s32 s1, s15;
	[sflag:s24] =	ssyncadd.s32 $0xFFFFC000;
	(pc) =	sbr.rel @p0 .LBB2_4-.Ltmp1, $4  }
0x60: {  	[tilespmem:s19], [sflag:$0x2] =	stream.linear.gather [hbm4b:s0+s3], $0x4000, $0x38;
	[tilespmem:$0x1D400] =	vst v63  }
0x61: {  	_ =	swait.ge [sflag:s20], $0x4000  }
0x62: {  	[sflag:s20] =	ssyncset.done $0x0  }
0x63: {  	s30 =	sadd.s32 $0x8000, s30;
	s31 =	sadd.s32 $0x100, s31;
	[sflag:s20] =	ssyncadd.s32 $0xFFFFC000  }
0x64: {  	[spmem:s2] =	stream.indirect.scatter.add.f32 [tilespmem:s17], [sflag:$0x3], $0x80, s28, s21, $0xb8;
	[tilespmem:$0x1D400] =	vst v63  }
0x65: {  	_ =	swait.ge [sflag:s23], $0x4000  }
0x66: {  	[sflag:s23] =	ssyncset.done $0x0  }
0x67: {  	[sflag:s23] =	ssyncadd.s32 $0xFFFFC000  }
0x68: {  	[spmem:s2] =	stream.indirect.scatter.add.f32 [tilespmem:s19], [sflag:$0x4], $0x80, s25, s21, $0xb8;
	[tilespmem:$0x1D400] =	vst v63  }
0x69: {  	_ =	swait.ge [sflag:s22], $0x4000  }
0x6a: {  	[sflag:s22] =	ssyncset.done $0x0  }
0x6b: {  	[sflag:s22] =	ssyncadd.s32 $0xFFFFC000  }
0x6c: {  	s0 =	stileid.u32;
	_ =	swait.ge [sflag:s24], $0x4000  }
0x6d: {  	s1 =	sshrl.u32 s5, $0x3;
	s26 =	sadd.s32 $0x1, s26;
	[sflag:s24] =	ssyncset.done $0x0  }
0x6e: {  	s0 =	sshll.u32 s0, $0x6;
	p0 =	sne.s32 s26, s13;
	[sflag:s24] =	ssyncadd.s32 $0xFFFFC000  }
.Ltmp2:
0x6f: {  	s0 =	sor.u32 $0x1C05, s0;
	[bflag:$0x0] =	sbarrier.arrive $0xFFFF;
	(pc) =	sbr.rel @p0 .LBB2_1-.Ltmp2, $4  }
0x70: {  	[hbm:s14], [sflag:s0] =	dma.local [spmem:s1], $0x2800  }
0x71: {  	_ =	swait.ge [sflag:s18], $0x2800  }
0x72: {  	[sflag:s18] =	ssyncset.done $0x0  }
0x73: {  	[sflag:s18] =	ssyncadd.s32 $0xFFFFD800  }
0x74: {  	_ =	sfence.sel $0x180000  }
0x75: {  	[bflag:$0x0] =	sbarrier.arrive $0xFFFF  }
0x76: {  	_ =	strace $0x90000050  }
0x77: {  	s0 =	stileid.u32;
	[bflag:$0x2] =	sbarrier.arrive $0xFFFF  }
0x78: {  	p0 =	sne.s32 s0, $0x0;
	s0 =	rddreg [dreg:$0x2]  }
0x79: {  	s0 =	sadd.s32 @!p0 $0x100000, s0  }
0x7a: {  	[sflag:s0] =	ssyncadd.tile.s32 @!p0 $0x1;
	_ =	shalt  }
.Lfunc_end2:
_tile_overlayer_lowered:
.L_overlay_start_2:
0x7b: {  	(tag) =	ssettag $0x2  }
0x7c: {  	s0 =	rddreg [dreg:$0x0];
	s2 =	stileid.u32  }
0x7d: {  	s1 =	rddreg [dreg:$0x1];
	p0 =	sne.s32 s2, $0x0  }
0x7e: {  	s3 =	rddreg [dreg:$0x2];
	[bflag:$0x3] =	sbarrier.arrive $0xFFFF;
	s2 =	simm.s32 @!p0 $0x1C05  }
0x7f: {  	[timem:s3], [sflag:s2] =	dma.local @!p0 [hbm:s0], s1  }
0x80: {  	s0 =	simm.s32 @!p0 $0x5  }
0x81: {  	_ =	swait.ge @!p0 [sflag:s0], s1  }
0x82: {  	s1 =	ssub.s32 @!p0 $0x0, s1;
	[sflag:s0] =	ssyncset.done @!p0 $0x0  }
0x83: {  	[sflag:s0] =	ssyncadd.s32 @!p0 s1  }
0x84: {  	[bflag:$0x3] =	sbarrier.arrive $0xFFFF  }
0x85: {  	_ =	shalt  }

// kernel: kernel.25.cloned.1.call-start
scs
__scs_entry_jumppad:
0x0: {  	(pc) =	sbr.rel $0x88, $3  }
0x1: {  	(tag) =	ssettag $0x0;
	lr =	simm.s32 $0x1  }
0x2: {  	[smem:$0x3F98] =	sst lr;
	_ =	strace $0xD0000000  }
0x3: {  	_ = 	snop  }
0x4: {  	_ = 	snop  }
0x5: {  	_ = 	snop  }
0x6: {  	_ = 	snop  }
0x7: {  	_ = 	snop  }
__scs_overlays_trampoline_lowered:
0x8: {  	[smem:$0x3FA7] =	sst s0  }
0x9: {  	[smem:$0x3FA8] =	sst s1  }
0xa: {  	[smem:$0x3FA9] =	sst s2  }
0xb: {  	[smem:$0x3FAA] =	sst s3  }
0xc: {  	[smem:$0x3FAB] =	sst s4  }
0xd: {  	[smem:$0x3FAC] =	sst s5  }
0xe: {  	[smem:$0x3FAD] =	sst s6  }
0xf: {  	[smem:$0x3FAE] =	sst s7  }
0x10: {  	[smem:$0x3FAF] =	sst s8  }
0x11: {  	[smem:$0x3FB0] =	sst s9;
	s0 =	simm.s32 @!p0 $0x0  }
0x12: {  	s1 =	sld [smem:$0x3F96];
	s0 =	simm.s32 @p0 $0x1  }
0x13: {  	[smem:$0x3FB1] =	sst s0;
	s0 =	simm.s32 @!p1 $0x0  }
0x14: {  	s2 =	sld [smem:$0x3F95];
	s0 =	simm.s32 @p1 $0x1  }
0x15: {  	[smem:$0x3FB2] =	sst s0;
	s0 =	simm.s32 @!p2 $0x0  }
0x16: {  	s3 =	sld [smem:$0x3FDB];
	s0 =	simm.s32 @p2 $0x1  }
0x17: {  	s4 =	simm.s32 $0x1BF5;
	[smem:$0x3FB4] =	sst s0  }
0x18: {  	s0 =	sld [smem:$0x3F97];
	_ =	swait.ge [sflag:s4], $0x0  }
0x19: {  	s7 =	sld [smem:$0x3F98]  }
0x1a: {  	s8 =	sadd.s32 $0xFFFFE003, lr  }
0x1b: {  	s9 =	sadd.s32 $0xFFFFFEF7, lr;
	s5 =	simm.s32 $0xFFFFFFFF;
	p2 =	slt.u32 s8, $0xFFFFF086  }
0x1c: {  	p1 =	slt.u32 s9, $0xF7A;
	s5 =	simm.s32 @!p2 $0x0  }
0x1d: {  	s5 =	simm.s32 @p1 $0x1;
	p0 =	seq.s32 s7, s2  }
0x1e: {  	s7 =	smul.u32 @!p0 $0xF7A, s2;
	p2 =	seq.s32 @!p0 s5, $0x0  }
0x1f: {  	s9 =	smul.u32 $0xF7A, s1;
	s8 =	simm.s32 @!p0 $0x1BF5;
	p2 =	por !p2, p0  }
0x20: {  	[sflag:s8] =	ssyncset.s32 @!p0 $0xFFFFF086;
	s6 =	sadd.s32 @!p0 s3, s7;
	s7 =	simm.s32 @!p0 $0x108  }
0x21: {  	s3 =	sadd.s32 s3, s9;
	s6 =	sadd.s32 @!p0 $0x88, s6;
	s7 =	simm.s32 @p2 $0x1082  }
0x22: {  	[simem:s7], [sflag:s8] =	dma.local @!p0 [hbm:s6], $0xF7A  }
0x23: {  	s9 =	sor.u32 $0xD0000000, s2;
	s6 =	simm.s32 $0x108;
	_ =	swait.ge @!p0 [sflag:s8], $0x0  }
0x24: {  	s3 =	sadd.s32 $0x88, s3;
	s6 =	simm.s32 @!p1 $0x1082;
	[sflag:s4] =	ssyncset.s32 $0xFFFFF086  }
0x25: {  	[simem:s6], [sflag:s4] =	dma.local [hbm:s3], $0xF7A  }
0x26: {  	[smem:$0x3F98] =	sst s1;
	(tag) =	ssettag s2;
	_ =	strace s9  }
0x27: {  	s1 =	sld [smem:$0x3FA8]  }
0x28: {  	s2 =	sld [smem:$0x3FA9]  }
0x29: {  	s4 =	sld [smem:$0x3FAB]  }
0x2a: {  	p0 =	seq.s32 s5, $0x0;
	s5 =	sld [smem:$0x3FAC]  }
0x2b: {  	s6 =	sld [smem:$0x3FAD]  }
0x2c: {  	s7 =	sld [smem:$0x3FAE]  }
0x2d: {  	s3 =	simm.s32 $0x108;
	s8 =	sld [smem:$0x3FAF]  }
0x2e: {  	s3 =	simm.s32 @!p0 $0x1082;
	s9 =	sld [smem:$0x3FB0]  }
0x2f: {  	lr =	sadd.s32 s0, s3;
	s0 =	sld [smem:$0x3FA7]  }
0x30: {  	s3 =	sld [smem:$0x3FAA]  }
0x31: {  	[smem:$0x3FB3] =	sst s10  }
0x32: {  	s10 =	sld [smem:$0x3FB1];
	_ =	sdelay $0x3  }
0x33: {  	p0 =	seq.s32 s10, $0x1;
	s10 =	sld [smem:$0x3FB3];
	_ =	sdelay $0x3  }
0x34: {  	[smem:$0x3FB3] =	sst s10  }
0x35: {  	s10 =	sld [smem:$0x3FB2];
	_ =	sdelay $0x3  }
0x36: {  	p1 =	seq.s32 s10, $0x1;
	s10 =	sld [smem:$0x3FB3];
	_ =	sdelay $0x3  }
0x37: {  	[smem:$0x3FB3] =	sst s10  }
0x38: {  	s10 =	sld [smem:$0x3FB4]  }
0x39: {  	_ = 	snop;
	(pc) =	sbr.ind lr, $3  }
0x3a: {  	_ = 	snop  }
0x3b: {  	_ = 	snop  }
0x3c: {  	p2 =	seq.s32 s10, $0x1;
	s10 =	sld [smem:$0x3FB3]  }
0x3d: {  	_ =	shalt  }
0x3e: {  	_ =	shalt  }
0x3f: {  	_ =	shalt  }
0x40: {  	_ =	shalt  }
0x41: {  	_ =	shalt  }
0x42: {  	_ =	shalt  }
0x43: {  	_ =	shalt  }
0x44: {  	_ =	shalt  }
0x45: {  	_ =	shalt  }
0x46: {  	_ =	shalt  }
0x47: {  	_ =	shalt  }
0x48: {  	_ =	shalt  }
0x49: {  	_ =	shalt  }
0x4a: {  	_ =	shalt  }
0x4b: {  	_ =	shalt  }
0x4c: {  	_ =	shalt  }
0x4d: {  	_ =	shalt  }
0x4e: {  	_ =	shalt  }
0x4f: {  	_ =	shalt  }
0x50: {  	_ =	shalt  }
0x51: {  	_ =	shalt  }
0x52: {  	_ =	shalt  }
0x53: {  	_ =	shalt  }
0x54: {  	_ =	shalt  }
0x55: {  	_ =	shalt  }
0x56: {  	_ =	shalt  }
0x57: {  	_ =	shalt  }
0x58: {  	_ =	shalt  }
0x59: {  	_ =	shalt  }
0x5a: {  	_ =	shalt  }
0x5b: {  	_ =	shalt  }
0x5c: {  	_ =	shalt  }
0x5d: {  	_ =	shalt  }
0x5e: {  	_ =	shalt  }
0x5f: {  	_ =	shalt  }
0x60: {  	_ =	shalt  }
0x61: {  	_ =	shalt  }
0x62: {  	_ =	shalt  }
0x63: {  	_ =	shalt  }
0x64: {  	_ =	shalt  }
0x65: {  	_ =	shalt  }
0x66: {  	_ =	shalt  }
0x67: {  	_ =	shalt  }
0x68: {  	_ =	shalt  }
0x69: {  	_ =	shalt  }
0x6a: {  	_ =	shalt  }
0x6b: {  	_ =	shalt  }
0x6c: {  	_ =	shalt  }
0x6d: {  	_ =	shalt  }
0x6e: {  	_ =	shalt  }
0x6f: {  	_ =	shalt  }
0x70: {  	_ =	shalt  }
0x71: {  	_ =	shalt  }
0x72: {  	_ =	shalt  }
0x73: {  	_ =	shalt  }
0x74: {  	_ =	shalt  }
0x75: {  	_ =	shalt  }
0x76: {  	_ =	shalt  }
0x77: {  	_ =	shalt  }
0x78: {  	_ =	shalt  }
0x79: {  	_ =	shalt  }
0x7a: {  	_ =	shalt  }
0x7b: {  	_ =	shalt  }
0x7c: {  	_ =	shalt  }
0x7d: {  	_ =	shalt  }
0x7e: {  	_ =	shalt  }
0x7f: {  	_ =	shalt  }
0x80: {  	_ =	shalt  }
0x81: {  	_ =	shalt  }
0x82: {  	_ =	shalt  }
0x83: {  	_ =	shalt  }
0x84: {  	_ =	shalt  }
0x85: {  	_ =	shalt  }
0x86: {  	_ =	shalt  }
0x87: {  	_ =	shalt  }
.Lfunc_end0:
.L_simem_size_0:
called_computation.4_lowered:
.L_overlay_start_0:
0x88: {  	s2 =	sld [smem:$0x3FD9]  }
0x89: {  	s3 =	sld [smem:$0x3FFE];
	_ =	sdelay $0x1  }
0x8a: {  	s1 =	srdreg.scid  }
0x8b: {  	s0 =	sand.u32 $0x1, s1  }
0x8c: {  	s17 =	sshll.u32 s0, $0xA;
	s2 =	sadd.s32 s3, s2  }
0x8d: {  	s2 =	sadd.s32 s2, s17  }
0x8e: {  	[smem:$0x3FBF] =	sst s2  }
0x8f: {  	_ = 	snop  }
0x90: {  	(tm) =	ssettm $0x1  }
0x91: {  	s18 =	sld [smem:$0x3FFB];
	_ =	sdelay $0x3  }
0x92: {  	_ =	strace s18  }
0x93: {  	s2 =	sld [smem:$0x3FFC];
	_ =	sdelay $0x3  }
0x94: {  	_ =	strace s2  }
0x95: {  	s2 =	sld [smem:$0x3FFD];
	_ =	sdelay $0x3  }
0x96: {  	_ =	strace s2  }
0x97: {  	_ =	strace $0x8FFFFFFF  }
0x98: {  	s19 =	sld [smem:$0x3FDB];
	_ =	sdelay $0x1  }
0x99: {  	s20 =	simm.s32 $_scs_section_size  }
0x9a: {  	s4 =	simm.s32 $_size__tile_overlayer_lowered;
	s5 =	simm.s32 $_tile_overlayer_lowered  }
0x9b: {  	s6 =	simm.s32 $0x1BFF;
	s21 =	sshll.u32 s5, $0x1;
	s3 =	sadd.s32 s20, s19  }
0x9c: {  	s22 =	simm.s32 $0x0;
	s4 =	sshll.u32 s4, $0x1;
	s5 =	sadd.s32 s21, s3  }
0x9d: {  	[timem:s22], [sflag:s6] =	dma.local [hbm:s5], s4  }
0x9e: {  	_ =	swait.ge [sflag:s6], s4  }
0x9f: {  	s4 =	ssub.s32 $0x0, s4;
	[sflag:s6] =	ssyncset.done $0x0  }
0xa0: {  	[sflag:s6] =	ssyncadd.s32 s4;
	_ =	sdelay $0x1  }
0xa1: {  	s23 =	simm.s32 $0x1B8B  }
0xa2: {  	_ =	swait.ge [sflag:s23], $0x1  }
0xa3: {  	[sflag:s23] =	ssyncset.done $0x0  }
0xa4: {  	[sflag:s23] =	ssyncadd.s32 $0xFFFFFFFF  }
0xa5: {  	s4 =	sld [smem:$0x0]  }
0xa6: {  	s5 =	sand.u32 $0xFFFFFFFE, s1  }
0xa7: {  	p0 =	sne.s32 s1, s5  }
0xa8: {  	s5 =	sshll.u32 @p0 s5, $0xE  }
0xa9: {  	s5 =	sadd.s32 @p0 $0x11B8D, s5;
	s6 =	sshll.u32 @p0 s4, $0x11  }
0xaa: {  	s5 =	sor.u32 @p0 s6, s5  }
0xab: {  	[sflag:s5] =	ssyncadd.remote.s32 @p0 $0x1;
	_ =	sdelay $0x1  }
0xac: {  	s5 =	simm.s32 @p0 $0x1B8D  }
0xad: {  	_ =	swait.eq @p0 [sflag:s5], $0x1  }
0xae: {  	[sflag:s5] =	ssyncadd.s32 @p0 $0xFFFFFFFF  }
0xaf: {  	s6 =	sshll.u32 @!p0 s1, $0xE  }
0xb0: {  	s6 =	sor.u32 @!p0 $0x4000, s6;
	s5 =	simm.s32 @!p0 $0x1B8D  }
0xb1: {  	s4 =	sshll.u32 @!p0 s4, $0x11;
	s6 =	sadd.s32 @!p0 $0x11B8D, s6;
	_ =	swait.eq @!p0 [sflag:s5], $0x1  }
0xb2: {  	s4 =	sor.u32 @!p0 s4, s6;
	[sflag:s5] =	ssyncadd.s32 @!p0 $0xFFFFFFFF  }
0xb3: {  	s25 =	simm.s32 $0x1B8E;
	s24 =	sld [smem:$0x3FFE];
	[sflag:s4] =	ssyncadd.remote.s32 @!p0 $0x1  }
0xb4: {  	s26 =	simm.s32 $execute0_lowered;
	[smem:$0x3FD2] =	sst s25  }
0xb5: {  	s5 =	sshll.u32 s26, $0x1;
	_ =	strace $0x80000049;
	[dreg:$0x1] =	wrdreg $0xFFFFFFFF  }
0xb6: {  	s28 =	simm.s32 $_size_execute0_lowered;
	s3 =	sadd.s32 s3, s5;
	[dreg:$0x0] =	wrdreg $0x0  }
0xb7: {  	s5 =	sshll.u32 s28, $0x1;
	[dreg:$0x2] =	wrdreg s3  }
0xb8: {  	[dreg:$0x3] =	wrdreg s5  }
0xb9: {  	[dreg:$0x4] =	wrdreg $0xC0  }
0xba: {  	_ =	task [dreg:s22], $0x5FFFF  }
0xbb: {  	[dreg:$0x1] =	wrdreg $0xFFFFFFFF  }
0xbc: {  	[dreg:$0x0] =	wrdreg $0x60  }
0xbd: {  	[dreg:$0x2] =	wrdreg s24  }
0xbe: {  	[dreg:$0x3] =	wrdreg $0x90000  }
0xbf: {  	[dreg:$0x4] =	wrdreg $0xB  }
0xc0: {  	_ =	task.clear_ibuf [dreg:s22], $0x5FFFF;
	_ =	strace $0x90000049  }
0xc1: {  	s29 =	simm.s32 $0xB;
	_ =	strace $0x8000004B  }
0xc2: {  	_ =	swait.ge [sflag:s29], $0x1  }
0xc3: {  	[sflag:s29] =	ssyncadd.s32 $0xFFFFFFFF  }
0xc4: {  	_ =	strace $0x9000004B  }
0xc5: {  	_ =	sfence  }
0xc6: {  	s30 =	sld [smem:$0x0];
	_ =	sdelay $0x2  }
0xc7: {  	s31 =	sshll.u32 s1, $0xD;
	s1 =	sshrl.u32 s1, $0x2  }
0xc8: {  	s4 =	sand.u32 $0x4000, s31;
	s1 =	sadd.s32 s1, s30  }
0xc9: {  	s0 =	sor.u32 s4, s0;
	s1 =	sshll.u32 s1, $0x11  }
0xca: {  	s0 =	sor.u32 s1, s0  }
0xcb: {  	s0 =	sadd.s32 $0x8F2B, s0  }
0xcc: {  	[sflag:s0] =	ssyncadd.remote.s32 $0x1  }
0xcd: {  	_ =	sfence.sel $0xFFFF  }
0xce: {  	[dreg:$0x0] =	wrdreg $0xFFFFFFFF;
	(pc) =	sbr.abs _section_cstart, $3  }
0xcf: {  	[dreg:$0x1] =	wrdreg $0xFFFFFFFF  }
0xd0: {  	_ =	task.clear_ibuf [dreg:s22], $0x2FFFF;
	_ =	strace $0x9FFFFFFF  }
0xd1: {  	(tm) =	ssettm $0x7FFFFFFF  }
tec
execute0_lowered:
.L_overlay_start_1:
0x0: {  	(tag) =	ssettag $0x1  }
0x1: {  	s4 =	rddreg [dreg:$0x0]  }
0x2: {  	s2 =	rddreg [dreg:$0x1]  }
0x3: {  	s0 =	rddreg [dreg:$0x2];
	s1 =	stileid.u32  }
0x4: {  	s5 =	srdreg.scid;
	s3 =	simm.s32 $0x0;
	s17 =	simm.s32 $0x5000  }
0x5: {  	s18 =	simm.s32 $0x1;
	s19 =	simm.s32 $0x3;
	s6 =	smul.u32 $0x2800, s1  }
0x6: {  	s20 =	simm.s32 $0x2;
	s21 =	simm.s32 $0x4;
	s9 =	smul.u32 $0x50000, s1  }
0x7: {  	s22 =	simm.s32 $0x0;
	s8 =	sand.u32 $0x1, s5;
	s26 =	smul.u32 $0xD0000, s1  }
0x8: {  	s25 =	sshll.u32 s1, $0x1;
	[smem:$0x7FF] =	sst s3;
	s30 =	smul.u32 $0x1A000, s1  }
0x9: {  	s28 =	sshll.u32 s1, $0x6;
	s5 =	sor.u32 s8, s25;
	s15 =	smul.u32 $0x68000, s8  }
0xa: {  	_ =	strace $0x8000004A;
	s10 =	ssub.s32 $0x2, s8;
	s16 =	smul.u32 $0xD000, s8  }
0xb: {  	s7 =	sshll.u32 s5, $0x9;
	s6 =	sadd.s32 s6, s4;
	s11 =	smul.u32 $0xD000, s5  }
0xc: {  	s12 =	sshrl.u32 s10, $0x1;
	s9 =	sshrl.u32 s9, $0x2;
	s13 =	smul.u32 $0x68000, s5  }
0xd: {  	s7 =	sadd.s32 s7, s4;
	s4 =	sadd.s32 $0x251400, s4;
	s10 =	ssub.s32 s10, s12  }
0xe: {  	s14 =	sadd.s32 s9, s2;
	s5 =	sadd.s32 $0x5400, s6;
	s6 =	sor.u32 $0x1C05, s28  }
0xf: {  	s12 =	sadd.s32 s15, s26;
	s15 =	simm.s32 $0x80;
	s29 =	sshrl.u32 s13, $0x3  }
0x10: {  	s7 =	sadd.s32 $0x24D400, s7;
	s8 =	sadd.s32 s4, s11;
	s31 =	sadd.s32 s30, s4  }
0x11: {  	s10 =	smax.u32 s10, $0x1;
	s11 =	sadd.s32 $0x8000, s12;
	s9 =	sadd.s32 s4, s29  }
0x12: {  	s13 =	sadd.s32 s16, s31;
	s16 =	simm.s32 $0x1000;
	s9 =	sadd.s32 $0xC800, s9  }
0x13: {  	s12 =	sadd.s32 $0x800, s13;
	s13 =	sshrl.u32 s14, $0x3;
	s14 =	simm.s32 $0x5  }
.LBB2_1:
0x14: {  	[spmem:s13], [sflag:s6] =	dma.local [hbm:s5], $0x2800  }
0x15: {  	_ =	swait.ge [sflag:s14], $0x2800  }
0x16: {  	[sflag:s14] =	ssyncset.done $0x0  }
0x17: {  	[sflag:s14] =	ssyncadd.s32 $0xFFFFD800  }
0x18: {  	[tilespmem:s3], [sflag:$0x5] =	stream.linear.gather [hbm4b:s7+s3], $0xD00, $0x38;
	[tilespmem:$0x1D000] =	vst v63  }
0x19: {  	_ =	swait.ge [sflag:s14], $0xD00  }
0x1a: {  	[sflag:s14] =	ssyncset.done $0x0  }
0x1b: {  	[sflag:s14] =	ssyncadd.s32 $0xFFFFF300  }
0x1c: {  	[bflag:$0x0] =	sbarrier.arrive $0xFFFF  }
0x1d: {  	[tilespmem:s16], [sflag:$0x1] =	stream.indirect.gather [spmem:s2], $0x80, s3, s15, $0xb8;
	[tilespmem:$0x1D000] =	vst v63  }
0x1e: {  	_ = 	snop  }
0x1f: {  	[tilespmem:s17], [sflag:$0x2] =	stream.indirect.gather [spmem:s2], $0x80, s15, s15, $0xb8;
	[tilespmem:$0x1D000] =	vst v63  }
0x20: {  	_ =	swait.ge [sflag:s18], $0x4000  }
0x21: {  	[sflag:s18] =	ssyncset.done $0x0  }
0x22: {  	[sflag:s18] =	ssyncadd.s32 $0xFFFFC000  }
0x23: {  	[hbm4b:s8+s3] =	stream.linear.scatter [tilespmem:s16], [sflag:$0x3], $0x4000, $0x38;
	[tilespmem:$0x1D000] =	vst v63  }
0x24: {  	_ =	swait.ge [sflag:s19], $0x4000  }
0x25: {  	[sflag:s19] =	ssyncset.done $0x0  }
0x26: {  	s23 =	simm.s32 $0x100;
	[sflag:s19] =	ssyncadd.s32 $0xFFFFC000  }
0x27: {  	[tilespmem:s16], [sflag:$0x1] =	stream.indirect.gather [spmem:s2], $0x80, s23, s15, $0xb8;
	[tilespmem:$0x1D000] =	vst v63  }
0x28: {  	_ =	swait.ge [sflag:s20], $0x4000  }
0x29: {  	[sflag:s20] =	ssyncset.done $0x0  }
0x2a: {  	s30 =	sadd.s32 $0x0, s12;
	[sflag:s20] =	ssyncadd.s32 $0xFFFFC000  }
0x2b: {  	[hbm4b:s30+s3] =	stream.linear.scatter [tilespmem:s17], [sflag:$0x4], $0x4000, $0x38;
	[tilespmem:$0x1D000] =	vst v63  }
0x2c: {  	_ =	swait.ge [sflag:s21], $0x4000  }
0x2d: {  	[sflag:s21] =	ssyncset.done $0x0  }
0x2e: {  	s31 =	simm.s32 $0x180;
	[sflag:s21] =	ssyncadd.s32 $0xFFFFC000  }
0x2f: {  	[tilespmem:s17], [sflag:$0x2] =	stream.indirect.gather [spmem:s2], $0x80, s31, s15, $0xb8;
	[tilespmem:$0x1D000] =	vst v63  }
0x30: {  	s25 =	sshrl.u32 s11, $0x3;
	_ =	swait.ge [sflag:s18], $0x4000  }
0x31: {  	s24 =	simm.s32 $0x280;
	s26 =	sadd.s32 s4, s25;
	[sflag:s18] =	ssyncset.done $0x0  }
0x32: {  	s25 =	sadd.s32 $0x8000, s11;
	s23 =	simm.s32 $0x1000;
	[sflag:s18] =	ssyncadd.s32 $0xFFFFC000  }
.LBB2_2:
0x33: {  	[hbm4b:s26+s3] =	stream.linear.scatter [tilespmem:s16], [sflag:$0x3], $0x4000, $0x38;
	[tilespmem:$0x1D000] =	vst v63  }
0x34: {  	s26 =	smov.u32 s23  }
0x35: {  	p0 =	sne.s32 s23, $0xB000;
	s23 =	sadd.s32 $0x1000, s23;
	_ =	swait.ge [sflag:s19], $0x4000  }
0x36: {  	[sflag:s19] =	ssyncset.done $0x0  }
0x37: {  	s28 =	sadd.s32 $0xFFFFFF80, s24;
	[sflag:s19] =	ssyncadd.s32 $0xFFFFC000  }
0x38: {  	[tilespmem:s16], [sflag:$0x1] =	stream.indirect.gather [spmem:s2], $0x80, s28, s15, $0xb8;
	[tilespmem:$0x1D000] =	vst v63  }
0x39: {  	_ =	swait.ge [sflag:s20], $0x4000  }
0x3a: {  	[sflag:s20] =	ssyncset.done $0x0  }
0x3b: {  	s26 =	sadd.s32 s26, s12;
	[sflag:s20] =	ssyncadd.s32 $0xFFFFC000  }
0x3c: {  	[hbm4b:s26+s3] =	stream.linear.scatter [tilespmem:s17], [sflag:$0x4], $0x4000, $0x38;
	[tilespmem:$0x1D000] =	vst v63  }
0x3d: {  	_ =	swait.ge [sflag:s21], $0x4000  }
0x3e: {  	[sflag:s21] =	ssyncset.done $0x0  }
.Ltmp0:
0x3f: {  	[sflag:s21] =	ssyncadd.s32 $0xFFFFC000;
	(pc) =	sbr.rel @p0 .LBB2_2-.Ltmp0, $4  }
0x40: {  	[tilespmem:s17], [sflag:$0x2] =	stream.indirect.gather [spmem:s2], $0x80, s24, s15, $0xb8;
	[tilespmem:$0x1D000] =	vst v63  }
0x41: {  	_ =	swait.ge [sflag:s18], $0x4000  }
0x42: {  	s26 =	sshrl.u32 s25, $0x3;
	s24 =	sadd.s32 $0x100, s24;
	[sflag:s18] =	ssyncset.done $0x0  }
0x43: {  	s25 =	sadd.s32 $0x8000, s25;
	s26 =	sadd.s32 s4, s26;
	[sflag:s18] =	ssyncadd.s32 $0xFFFFC000  }
0x44: {  	[hbm4b:s26+s3] =	stream.linear.scatter [tilespmem:s16], [sflag:$0x3], $0x4000, $0x38;
	[tilespmem:$0x1D000] =	vst v63  }
0x45: {  	_ =	swait.ge [sflag:s20], $0x4000  }
0x46: {  	[sflag:s20] =	ssyncset.done $0x0  }
0x47: {  	s22 =	sadd.s32 $0x1, s22;
	[sflag:s20] =	ssyncadd.s32 $0xFFFFC000  }
0x48: {  	[hbm4b:s9+s3] =	stream.linear.scatter [tilespmem:s17], [sflag:$0x4], $0x4000, $0x38;
	[tilespmem:$0x1D000] =	vst v63  }
0x49: {  	p0 =	sne.s32 s22, s10;
	_ =	swait.ge [sflag:s19], $0x4000  }
.Ltmp1:
0x4a: {  	[sflag:s19] =	ssyncset.done $0x0;
	(pc) =	sbr.rel @p0 .LBB2_1-.Ltmp1, $4  }
0x4b: {  	[sflag:s19] =	ssyncadd.s32 $0xFFFFC000  }
0x4c: {  	_ =	swait.ge [sflag:s21], $0x4000  }
0x4d: {  	[sflag:s21] =	ssyncset.done $0x0  }
0x4e: {  	[sflag:s21] =	ssyncadd.s32 $0xFFFFC000  }
0x4f: {  	_ =	sfence.sel $0x180000  }
0x50: {  	[bflag:$0x0] =	sbarrier.arrive $0xFFFF  }
0x51: {  	p0 =	sne.s32 s1, $0x0;
	_ =	strace $0x9000004A  }
0x52: {  	s0 =	sadd.s32 @!p0 $0x100000, s0;
	[bflag:$0x2] =	sbarrier.arrive $0xFFFF  }
0x53: {  	[sflag:s0] =	ssyncadd.tile.s32 @!p0 $0x1;
	_ =	shalt  }
.Lfunc_end2:
_tile_overlayer_lowered:
.L_overlay_start_2:
0x54: {  	(tag) =	ssettag $0x2  }
0x55: {  	s0 =	rddreg [dreg:$0x0];
	s2 =	stileid.u32  }
0x56: {  	s1 =	rddreg [dreg:$0x1];
	p0 =	sne.s32 s2, $0x0  }
0x57: {  	s3 =	rddreg [dreg:$0x2];
	[bflag:$0x3] =	sbarrier.arrive $0xFFFF;
	s2 =	simm.s32 @!p0 $0x1C05  }
0x58: {  	[timem:s3], [sflag:s2] =	dma.local @!p0 [hbm:s0], s1  }
0x59: {  	s0 =	simm.s32 @!p0 $0x5  }
0x5a: {  	_ =	swait.ge @!p0 [sflag:s0], s1  }
0x5b: {  	s1 =	ssub.s32 @!p0 $0x0, s1;
	[sflag:s0] =	ssyncset.done @!p0 $0x0  }
0x5c: {  	[sflag:s0] =	ssyncadd.s32 @!p0 s1  }
0x5d: {  	[bflag:$0x3] =	sbarrier.arrive $0xFFFF  }
0x5e: {  	_ =	shalt  }

// kernel: kernel.28.cloned.1.call-start
scs
__scs_entry_jumppad:
0x0: {  	(pc) =	sbr.rel $0x88, $3  }
0x1: {  	(tag) =	ssettag $0x0;
	lr =	simm.s32 $0x1  }
0x2: {  	[smem:$0x3F98] =	sst lr;
	_ =	strace $0xD0000000  }
0x3: {  	_ = 	snop  }
0x4: {  	_ = 	snop  }
0x5: {  	_ = 	snop  }
0x6: {  	_ = 	snop  }
0x7: {  	_ = 	snop  }
__scs_overlays_trampoline_lowered:
0x8: {  	[smem:$0x3FA7] =	sst s0  }
0x9: {  	[smem:$0x3FA8] =	sst s1  }
0xa: {  	[smem:$0x3FA9] =	sst s2  }
0xb: {  	[smem:$0x3FAA] =	sst s3  }
0xc: {  	[smem:$0x3FAB] =	sst s4  }
0xd: {  	[smem:$0x3FAC] =	sst s5  }
0xe: {  	[smem:$0x3FAD] =	sst s6  }
0xf: {  	[smem:$0x3FAE] =	sst s7  }
0x10: {  	[smem:$0x3FAF] =	sst s8  }
0x11: {  	[smem:$0x3FB0] =	sst s9;
	s0 =	simm.s32 @!p0 $0x0  }
0x12: {  	s1 =	sld [smem:$0x3F96];
	s0 =	simm.s32 @p0 $0x1  }
0x13: {  	[smem:$0x3FB1] =	sst s0;
	s0 =	simm.s32 @!p1 $0x0  }
0x14: {  	s2 =	sld [smem:$0x3F95];
	s0 =	simm.s32 @p1 $0x1  }
0x15: {  	[smem:$0x3FB2] =	sst s0;
	s0 =	simm.s32 @!p2 $0x0  }
0x16: {  	s3 =	sld [smem:$0x3FDB];
	s0 =	simm.s32 @p2 $0x1  }
0x17: {  	s4 =	simm.s32 $0x1BF5;
	[smem:$0x3FB4] =	sst s0  }
0x18: {  	s0 =	sld [smem:$0x3F97];
	_ =	swait.ge [sflag:s4], $0x0  }
0x19: {  	s7 =	sld [smem:$0x3F98]  }
0x1a: {  	s8 =	sadd.s32 $0xFFFFE003, lr  }
0x1b: {  	s9 =	sadd.s32 $0xFFFFFEF7, lr;
	s5 =	simm.s32 $0xFFFFFFFF;
	p2 =	slt.u32 s8, $0xFFFFF086  }
0x1c: {  	p1 =	slt.u32 s9, $0xF7A;
	s5 =	simm.s32 @!p2 $0x0  }
0x1d: {  	s5 =	simm.s32 @p1 $0x1;
	p0 =	seq.s32 s7, s2  }
0x1e: {  	s7 =	smul.u32 @!p0 $0xF7A, s2;
	p2 =	seq.s32 @!p0 s5, $0x0  }
0x1f: {  	s9 =	smul.u32 $0xF7A, s1;
	s8 =	simm.s32 @!p0 $0x1BF5;
	p2 =	por !p2, p0  }
0x20: {  	[sflag:s8] =	ssyncset.s32 @!p0 $0xFFFFF086;
	s6 =	sadd.s32 @!p0 s3, s7;
	s7 =	simm.s32 @!p0 $0x108  }
0x21: {  	s3 =	sadd.s32 s3, s9;
	s6 =	sadd.s32 @!p0 $0x88, s6;
	s7 =	simm.s32 @p2 $0x1082  }
0x22: {  	[simem:s7], [sflag:s8] =	dma.local @!p0 [hbm:s6], $0xF7A  }
0x23: {  	s9 =	sor.u32 $0xD0000000, s2;
	s6 =	simm.s32 $0x108;
	_ =	swait.ge @!p0 [sflag:s8], $0x0  }
0x24: {  	s3 =	sadd.s32 $0x88, s3;
	s6 =	simm.s32 @!p1 $0x1082;
	[sflag:s4] =	ssyncset.s32 $0xFFFFF086  }
0x25: {  	[simem:s6], [sflag:s4] =	dma.local [hbm:s3], $0xF7A  }
0x26: {  	[smem:$0x3F98] =	sst s1;
	(tag) =	ssettag s2;
	_ =	strace s9  }
0x27: {  	s1 =	sld [smem:$0x3FA8]  }
0x28: {  	s2 =	sld [smem:$0x3FA9]  }
0x29: {  	s4 =	sld [smem:$0x3FAB]  }
0x2a: {  	p0 =	seq.s32 s5, $0x0;
	s5 =	sld [smem:$0x3FAC]  }
0x2b: {  	s6 =	sld [smem:$0x3FAD]  }
0x2c: {  	s7 =	sld [smem:$0x3FAE]  }
0x2d: {  	s3 =	simm.s32 $0x108;
	s8 =	sld [smem:$0x3FAF]  }
0x2e: {  	s3 =	simm.s32 @!p0 $0x1082;
	s9 =	sld [smem:$0x3FB0]  }
0x2f: {  	lr =	sadd.s32 s0, s3;
	s0 =	sld [smem:$0x3FA7]  }
0x30: {  	s3 =	sld [smem:$0x3FAA]  }
0x31: {  	[smem:$0x3FB3] =	sst s10  }
0x32: {  	s10 =	sld [smem:$0x3FB1];
	_ =	sdelay $0x3  }
0x33: {  	p0 =	seq.s32 s10, $0x1;
	s10 =	sld [smem:$0x3FB3];
	_ =	sdelay $0x3  }
0x34: {  	[smem:$0x3FB3] =	sst s10  }
0x35: {  	s10 =	sld [smem:$0x3FB2];
	_ =	sdelay $0x3  }
0x36: {  	p1 =	seq.s32 s10, $0x1;
	s10 =	sld [smem:$0x3FB3];
	_ =	sdelay $0x3  }
0x37: {  	[smem:$0x3FB3] =	sst s10  }
0x38: {  	s10 =	sld [smem:$0x3FB4]  }
0x39: {  	_ = 	snop;
	(pc) =	sbr.ind lr, $3  }
0x3a: {  	_ = 	snop  }
0x3b: {  	_ = 	snop  }
0x3c: {  	p2 =	seq.s32 s10, $0x1;
	s10 =	sld [smem:$0x3FB3]  }
0x3d: {  	_ =	shalt  }
0x3e: {  	_ =	shalt  }
0x3f: {  	_ =	shalt  }
0x40: {  	_ =	shalt  }
0x41: {  	_ =	shalt  }
0x42: {  	_ =	shalt  }
0x43: {  	_ =	shalt  }
0x44: {  	_ =	shalt  }
0x45: {  	_ =	shalt  }
0x46: {  	_ =	shalt  }
0x47: {  	_ =	shalt  }
0x48: {  	_ =	shalt  }
0x49: {  	_ =	shalt  }
0x4a: {  	_ =	shalt  }
0x4b: {  	_ =	shalt  }
0x4c: {  	_ =	shalt  }
0x4d: {  	_ =	shalt  }
0x4e: {  	_ =	shalt  }
0x4f: {  	_ =	shalt  }
0x50: {  	_ =	shalt  }
0x51: {  	_ =	shalt  }
0x52: {  	_ =	shalt  }
0x53: {  	_ =	shalt  }
0x54: {  	_ =	shalt  }
0x55: {  	_ =	shalt  }
0x56: {  	_ =	shalt  }
0x57: {  	_ =	shalt  }
0x58: {  	_ =	shalt  }
0x59: {  	_ =	shalt  }
0x5a: {  	_ =	shalt  }
0x5b: {  	_ =	shalt  }
0x5c: {  	_ =	shalt  }
0x5d: {  	_ =	shalt  }
0x5e: {  	_ =	shalt  }
0x5f: {  	_ =	shalt  }
0x60: {  	_ =	shalt  }
0x61: {  	_ =	shalt  }
0x62: {  	_ =	shalt  }
0x63: {  	_ =	shalt  }
0x64: {  	_ =	shalt  }
0x65: {  	_ =	shalt  }
0x66: {  	_ =	shalt  }
0x67: {  	_ =	shalt  }
0x68: {  	_ =	shalt  }
0x69: {  	_ =	shalt  }
0x6a: {  	_ =	shalt  }
0x6b: {  	_ =	shalt  }
0x6c: {  	_ =	shalt  }
0x6d: {  	_ =	shalt  }
0x6e: {  	_ =	shalt  }
0x6f: {  	_ =	shalt  }
0x70: {  	_ =	shalt  }
0x71: {  	_ =	shalt  }
0x72: {  	_ =	shalt  }
0x73: {  	_ =	shalt  }
0x74: {  	_ =	shalt  }
0x75: {  	_ =	shalt  }
0x76: {  	_ =	shalt  }
0x77: {  	_ =	shalt  }
0x78: {  	_ =	shalt  }
0x79: {  	_ =	shalt  }
0x7a: {  	_ =	shalt  }
0x7b: {  	_ =	shalt  }
0x7c: {  	_ =	shalt  }
0x7d: {  	_ =	shalt  }
0x7e: {  	_ =	shalt  }
0x7f: {  	_ =	shalt  }
0x80: {  	_ =	shalt  }
0x81: {  	_ =	shalt  }
0x82: {  	_ =	shalt  }
0x83: {  	_ =	shalt  }
0x84: {  	_ =	shalt  }
0x85: {  	_ =	shalt  }
0x86: {  	_ =	shalt  }
0x87: {  	_ =	shalt  }
.Lfunc_end0:
.L_simem_size_0:
called_computation.5_lowered:
.L_overlay_start_0:
0x88: {  	s2 =	sld [smem:$0x3FD9]  }
0x89: {  	s3 =	sld [smem:$0x3FFE];
	_ =	sdelay $0x1  }
0x8a: {  	s1 =	srdreg.scid  }
0x8b: {  	s0 =	sand.u32 $0x1, s1  }
0x8c: {  	s17 =	sshll.u32 s0, $0xA;
	s2 =	sadd.s32 s3, s2  }
0x8d: {  	s2 =	sadd.s32 s2, s17  }
0x8e: {  	[smem:$0x3FBF] =	sst s2  }
0x8f: {  	_ = 	snop  }
0x90: {  	s18 =	sld [smem:$0x3FD0];
	(tm) =	ssettm $0x1  }
0x91: {  	s19 =	sld [smem:$0x3FFB];
	_ =	sdelay $0x3  }
0x92: {  	_ =	strace s19  }
0x93: {  	s2 =	sld [smem:$0x3FFC];
	_ =	sdelay $0x3  }
0x94: {  	_ =	strace s2  }
0x95: {  	s2 =	sld [smem:$0x3FFD];
	_ =	sdelay $0x3  }
0x96: {  	_ =	strace s2  }
0x97: {  	_ =	strace $0x8FFFFFFF  }
0x98: {  	s20 =	sld [smem:$0x3FDB];
	_ =	sdelay $0x1  }
0x99: {  	s4 =	simm.s32 $_scs_section_size  }
0x9a: {  	s5 =	simm.s32 $_size__tile_overlayer_lowered;
	s6 =	simm.s32 $_tile_overlayer_lowered  }
0x9b: {  	s7 =	simm.s32 $0x1BFF;
	s21 =	sshll.u32 s6, $0x1;
	s4 =	sadd.s32 s4, s20  }
0x9c: {  	s22 =	simm.s32 $0x0;
	s5 =	sshll.u32 s5, $0x1;
	s6 =	sadd.s32 s21, s4  }
0x9d: {  	[timem:s22], [sflag:s7] =	dma.local [hbm:s6], s5  }
0x9e: {  	_ =	swait.ge [sflag:s7], s5  }
0x9f: {  	s5 =	ssub.s32 $0x0, s5;
	[sflag:s7] =	ssyncset.done $0x0  }
0xa0: {  	[sflag:s7] =	ssyncadd.s32 s5;
	_ =	sdelay $0x1  }
0xa1: {  	s23 =	simm.s32 $0x1B8B  }
0xa2: {  	_ =	swait.ge [sflag:s23], $0x1  }
0xa3: {  	[sflag:s23] =	ssyncset.done $0x0  }
0xa4: {  	[sflag:s23] =	ssyncadd.s32 $0xFFFFFFFF  }
0xa5: {  	s5 =	sld [smem:$0x0]  }
0xa6: {  	s6 =	sand.u32 $0xFFFFFFFE, s1  }
0xa7: {  	p0 =	sne.s32 s1, s6  }
0xa8: {  	s6 =	sshll.u32 @p0 s6, $0xE  }
0xa9: {  	s6 =	sadd.s32 @p0 $0x11B8D, s6;
	s7 =	sshll.u32 @p0 s5, $0x11  }
0xaa: {  	s6 =	sor.u32 @p0 s7, s6  }
0xab: {  	[sflag:s6] =	ssyncadd.remote.s32 @p0 $0x1;
	_ =	sdelay $0x1  }
0xac: {  	s6 =	simm.s32 @p0 $0x1B8D  }
0xad: {  	_ =	swait.eq @p0 [sflag:s6], $0x1  }
0xae: {  	[sflag:s6] =	ssyncadd.s32 @p0 $0xFFFFFFFF  }
0xaf: {  	s7 =	sshll.u32 @!p0 s1, $0xE  }
0xb0: {  	s7 =	sor.u32 @!p0 $0x4000, s7;
	s6 =	simm.s32 @!p0 $0x1B8D  }
0xb1: {  	s5 =	sshll.u32 @!p0 s5, $0x11;
	s7 =	sadd.s32 @!p0 $0x11B8D, s7;
	_ =	swait.eq @!p0 [sflag:s6], $0x1  }
0xb2: {  	s5 =	sor.u32 @!p0 s5, s7;
	[sflag:s6] =	ssyncadd.s32 @!p0 $0xFFFFFFFF  }
0xb3: {  	s25 =	simm.s32 $0x1B8E;
	s24 =	sld [smem:$0x3FFE];
	[sflag:s5] =	ssyncadd.remote.s32 @!p0 $0x1  }
0xb4: {  	s26 =	simm.s32 $execute0_lowered;
	[smem:$0x3FD2] =	sst s25  }
0xb5: {  	s6 =	sshll.u32 s26, $0x1;
	_ =	strace $0x80000052;
	[dreg:$0x1] =	wrdreg $0xFFFFFFFF  }
0xb6: {  	s28 =	simm.s32 $_size_execute0_lowered;
	s4 =	sadd.s32 s4, s6;
	[dreg:$0x0] =	wrdreg $0x0  }
0xb7: {  	s6 =	sshll.u32 s28, $0x1;
	[dreg:$0x2] =	wrdreg s4  }
0xb8: {  	[dreg:$0x3] =	wrdreg s6  }
0xb9: {  	[dreg:$0x4] =	wrdreg $0xC0  }
0xba: {  	_ =	task [dreg:s22], $0x5FFFF  }
0xbb: {  	[dreg:$0x1] =	wrdreg $0xFFFFFFFF  }
0xbc: {  	[dreg:$0x0] =	wrdreg $0x60  }
0xbd: {  	[dreg:$0x2] =	wrdreg s24  }
0xbe: {  	[dreg:$0x3] =	wrdreg s18  }
0xbf: {  	[dreg:$0x4] =	wrdreg $0x90000  }
0xc0: {  	[dreg:$0x5] =	wrdreg $0xB  }
0xc1: {  	_ =	task.clear_ibuf [dreg:s22], $0x6FFFF;
	_ =	strace $0x90000052  }
0xc2: {  	s29 =	simm.s32 $0xB;
	_ =	strace $0x80000054  }
0xc3: {  	_ =	swait.ge [sflag:s29], $0x1  }
0xc4: {  	[sflag:s29] =	ssyncadd.s32 $0xFFFFFFFF  }
0xc5: {  	_ =	strace $0x90000054  }
0xc6: {  	_ =	sfence  }
0xc7: {  	s30 =	sld [smem:$0x0];
	_ =	sdelay $0x2  }
0xc8: {  	s31 =	sshll.u32 s1, $0xD;
	s1 =	sshrl.u32 s1, $0x2  }
0xc9: {  	s4 =	sand.u32 $0x4000, s31;
	s1 =	sadd.s32 s1, s30  }
0xca: {  	s0 =	sor.u32 s4, s0;
	s1 =	sshll.u32 s1, $0x11  }
0xcb: {  	s0 =	sor.u32 s1, s0  }
0xcc: {  	s0 =	sadd.s32 $0x8F2B, s0  }
0xcd: {  	[sflag:s0] =	ssyncadd.remote.s32 $0x1  }
0xce: {  	_ =	sfence.sel $0xFFFF  }
0xcf: {  	[dreg:$0x0] =	wrdreg $0xFFFFFFFF;
	(pc) =	sbr.abs _section_cstart, $3  }
0xd0: {  	[dreg:$0x1] =	wrdreg $0xFFFFFFFF  }
0xd1: {  	_ =	task.clear_ibuf [dreg:s22], $0x2FFFF;
	_ =	strace $0x9FFFFFFF  }
0xd2: {  	(tm) =	ssettm $0x7FFFFFFF  }
0xd3: {  	_ =	shalt  }
tec
execute0_lowered:
.L_overlay_start_1:
0x0: {  	(tag) =	ssettag $0x1  }
0x1: {  	s14 =	rddreg [dreg:$0x0]  }
0x2: {  	s10 =	rddreg [dreg:$0x1]  }
0x3: {  	s2 =	rddreg [dreg:$0x2];
	s3 =	simm.s32 $0x0;
	s0 =	stileid.u32  }
0x4: {  	s5 =	srdreg.scid;
	s19 =	simm.s32 $0x245400;
	s22 =	simm.s32 $0x3  }
0x5: {  	s23 =	simm.s32 $0x2;
	s24 =	simm.s32 $0x4;
	s6 =	smul.u32 $0x50000, s0  }
0x6: {  	s25 =	simm.s32 $0xC80;
	s26 =	simm.s32 $0x0;
	s16 =	smul.u32 $0x2800, s0  }
0x7: {  	[smem:$0x7FF] =	sst s3;
	s4 =	sadd.s32 $0x7D400, s14;
	s17 =	smul.u32 $0x1A000, s0  }
0x8: {  	s13 =	sand.u32 $0x1, s5;
	s29 =	sshll.u32 s0, $0x1;
	s20 =	smul.u32 $0xD0000, s0  }
0x9: {  	_ =	strace $0x80000053;
	s7 =	ssub.s32 $0x2, s13;
	s18 =	smul.u32 $0xD000, s13  }
0xa: {  	s11 =	sor.u32 s13, s29;
	p0 =	seq.s32 s13, $0x1;
	s21 =	smul.u32 $0x68000, s13  }
0xb: {  	s6 =	sshrl.u32 s6, $0x2;
	s8 =	sshrl.u32 s7, $0x1;
	s12 =	smul.u32 $0xD000, s11  }
0xc: {  	s11 =	sshll.u32 s11, $0x9;
	s19 =	simm.s32 @!p0 $0x21D400;
	s30 =	sadd.s32 s17, s4  }
0xd: {  	s17 =	simm.s32 $0x1000;
	s5 =	sadd.s32 s6, s2;
	s15 =	ssub.s32 s7, s8  }
0xe: {  	s10 =	sadd.s32 s10, s11;
	s14 =	sadd.s32 s19, s14;
	s31 =	sadd.s32 s21, s20  }
0xf: {  	s19 =	simm.s32 $0x5000;
	s20 =	simm.s32 $0x1;
	s21 =	simm.s32 $0x80  }
0x10: {  	s6 =	sadd.s32 $0x4000, s5;
	s7 =	sadd.s32 $0x8000, s5;
	s8 =	sadd.s32 $0xC000, s5  }
0x11: {  	s9 =	sadd.s32 $0x10000, s5;
	s11 =	sadd.s32 s4, s12;
	s13 =	smax.u32 s15, $0x1  }
0x12: {  	s14 =	sadd.s32 s14, s16;
	s15 =	sadd.s32 s18, s30;
	s16 =	sadd.s32 $0x8000, s31  }
0x13: {  	v0 =	vimm.f32 $0.0e+00;
	s18 =	simm.s32 $0x5;
	s12 =	sadd.s32 $0x800, s11;
	s15 =	sadd.s32 $0x1800, s15  }
.LBB2_1:
0x14: {  	s28 =	simm.s32 $0x0;
	s29 =	simm.s32 $0x200  }
.LBB2_2:
0x15: {  	p0 =	sne.s32 s29, $0xFE00;
	[tilespmem:s28+$0x1070] =	vst v0  }
0x16: {  	[tilespmem:s28+$0x1000] =	vst v0  }
0x17: {  	[tilespmem:s28+$0x1010] =	vst v0  }
.Ltmp0:
0x18: {  	[tilespmem:s28+$0x1020] =	vst v0;
	(pc) =	sbr.rel @p0 .LBB2_2-.Ltmp0, $4  }
0x19: {  	[tilespmem:s28+$0x1030] =	vst v0  }
0x1a: {  	[tilespmem:s28+$0x1040] =	vst v0  }
0x1b: {  	[tilespmem:s28+$0x1050] =	vst v0  }
0x1c: {  	[tilespmem:s28+$0x1060] =	vst v0;
	s28 =	sshra.s32 s29, $0x2;
	s29 =	sadd.s32 $0x200, s29  }
0x1d: {  	[tilespmem:s28+$0x1070] =	vst v0  }
0x1e: {  	[tilespmem:s28+$0x1000] =	vst v0  }
0x1f: {  	[tilespmem:s28+$0x1010] =	vst v0  }
0x20: {  	[tilespmem:s28+$0x1020] =	vst v0  }
0x21: {  	[tilespmem:s28+$0x1030] =	vst v0  }
0x22: {  	[tilespmem:s28+$0x1040] =	vst v0  }
0x23: {  	[tilespmem:s28+$0x1050] =	vst v0  }
0x24: {  	[tilespmem:s28+$0x1060] =	vst v0  }
0x25: {  	[spmem:s5] =	stream.linear.scatter [tilespmem:s17], [sflag:$0x5], $0x4000, $0x38;
	[tilespmem:$0x1D000] =	vst v63  }
0x26: {  	_ =	swait.ge [sflag:s18], $0x4000  }
0x27: {  	[sflag:s18] =	ssyncset.done $0x0  }
0x28: {  	[sflag:s18] =	ssyncadd.s32 $0xFFFFC000  }
0x29: {  	[spmem:s6] =	stream.linear.scatter [tilespmem:s17], [sflag:$0x5], $0x4000, $0x38;
	[tilespmem:$0x1D000] =	vst v63  }
0x2a: {  	_ =	swait.ge [sflag:s18], $0x4000  }
0x2b: {  	[sflag:s18] =	ssyncset.done $0x0  }
0x2c: {  	[sflag:s18] =	ssyncadd.s32 $0xFFFFC000  }
0x2d: {  	[spmem:s7] =	stream.linear.scatter [tilespmem:s17], [sflag:$0x5], $0x4000, $0x38;
	[tilespmem:$0x1D000] =	vst v63  }
0x2e: {  	_ =	swait.ge [sflag:s18], $0x4000  }
0x2f: {  	[sflag:s18] =	ssyncset.done $0x0  }
0x30: {  	[sflag:s18] =	ssyncadd.s32 $0xFFFFC000  }
0x31: {  	[spmem:s8] =	stream.linear.scatter [tilespmem:s17], [sflag:$0x5], $0x4000, $0x38;
	[tilespmem:$0x1D000] =	vst v63  }
0x32: {  	_ =	swait.ge [sflag:s18], $0x4000  }
0x33: {  	[sflag:s18] =	ssyncset.done $0x0  }
0x34: {  	[sflag:s18] =	ssyncadd.s32 $0xFFFFC000  }
0x35: {  	[spmem:s9] =	stream.linear.scatter [tilespmem:s17], [sflag:$0x5], $0x4000, $0x38;
	[tilespmem:$0x1D000] =	vst v63  }
0x36: {  	_ =	swait.ge [sflag:s18], $0x4000  }
0x37: {  	[sflag:s18] =	ssyncset.done $0x0  }
0x38: {  	[sflag:s18] =	ssyncadd.s32 $0xFFFFC000  }
0x39: {  	s28 =	simm.s32 $0x0;
	[bflag:$0x0] =	sbarrier.arrive $0xFFFF  }
0x3a: {  	[tilespmem:s28], [sflag:$0x5] =	stream.linear.gather [hbm4b:s10+s28], $0xD00, $0x38;
	[tilespmem:$0x1D000] =	vst v63  }
0x3b: {  	_ =	swait.ge [sflag:s18], $0xD00  }
0x3c: {  	[sflag:s18] =	ssyncset.done $0x0  }
0x3d: {  	[sflag:s18] =	ssyncadd.s32 $0xFFFFF300  }
0x3e: {  	[tilespmem:s17], [sflag:$0x1] =	stream.linear.gather [hbm4b:s11+s28], $0x4000, $0x38;
	[tilespmem:$0x1D000] =	vst v63  }
0x3f: {  	_ = 	snop  }
0x40: {  	[tilespmem:s19], [sflag:$0x2] =	stream.linear.gather [hbm4b:s12+s28], $0x4000, $0x38;
	[tilespmem:$0x1D000] =	vst v63  }
0x41: {  	_ =	swait.ge [sflag:s20], $0x4000  }
0x42: {  	[sflag:s20] =	ssyncset.done $0x0  }
0x43: {  	[sflag:s20] =	ssyncadd.s32 $0xFFFFC000  }
0x44: {  	[spmem:s2] =	stream.indirect.scatter.add.f32 [tilespmem:s17], [sflag:$0x3], $0x80, s28, s21, $0xb8;
	[tilespmem:$0x1D000] =	vst v63  }
0x45: {  	_ =	swait.ge [sflag:s22], $0x4000  }
0x46: {  	s28 =	sshrl.u32 s16, $0x3;
	[sflag:s22] =	ssyncset.done $0x0  }
0x47: {  	s28 =	sadd.s32 s4, s28;
	[sflag:s22] =	ssyncadd.s32 $0xFFFFC000  }
0x48: {  	[tilespmem:s17], [sflag:$0x1] =	stream.linear.gather [hbm4b:s28+s3], $0x4000, $0x38;
	[tilespmem:$0x1D000] =	vst v63  }
0x49: {  	_ =	swait.ge [sflag:s23], $0x4000  }
0x4a: {  	[sflag:s23] =	ssyncset.done $0x0  }
0x4b: {  	s28 =	simm.s32 $0x80;
	[sflag:s23] =	ssyncadd.s32 $0xFFFFC000  }
0x4c: {  	[spmem:s2] =	stream.indirect.scatter.add.f32 [tilespmem:s19], [sflag:$0x4], $0x80, s28, s21, $0xb8;
	[tilespmem:$0x1D000] =	vst v63  }
0x4d: {  	_ =	swait.ge [sflag:s24], $0x4000  }
0x4e: {  	[sflag:s24] =	ssyncset.done $0x0  }
0x4f: {  	s28 =	sadd.s32 $0x0, s15;
	[sflag:s24] =	ssyncadd.s32 $0xFFFFC000  }
0x50: {  	[tilespmem:s19], [sflag:$0x2] =	stream.linear.gather [hbm4b:s28+s3], $0x4000, $0x38;
	[tilespmem:$0x1D000] =	vst v63  }
0x51: {  	_ =	swait.ge [sflag:s20], $0x4000  }
0x52: {  	s29 =	simm.s32 $0x1000;
	s30 =	sadd.s32 $0x8000, s16;
	[sflag:s20] =	ssyncset.done $0x0  }
0x53: {  	s31 =	simm.s32 $0x200;
	s28 =	simm.s32 $0x100;
	[sflag:s20] =	ssyncadd.s32 $0xFFFFC000  }
.LBB2_4:
0x54: {  	[spmem:s2] =	stream.indirect.scatter.add.f32 [tilespmem:s17], [sflag:$0x3], $0x80, s28, s21, $0xb8;
	[tilespmem:$0x1D000] =	vst v63  }
0x55: {  	s0 =	smov.u32 s29;
	s28 =	smov.u32 s31  }
0x56: {  	p0 =	sne.s32 s29, $0xB000;
	s29 =	sadd.s32 $0x1000, s29;
	_ =	swait.ge [sflag:s22], $0x4000  }
0x57: {  	s1 =	sshrl.u32 s30, $0x3;
	[sflag:s22] =	ssyncset.done $0x0  }
0x58: {  	s1 =	sadd.s32 s4, s1;
	[sflag:s22] =	ssyncadd.s32 $0xFFFFC000  }
0x59: {  	[tilespmem:s17], [sflag:$0x1] =	stream.linear.gather [hbm4b:s1+s3], $0x4000, $0x38;
	[tilespmem:$0x1D000] =	vst v63  }
0x5a: {  	_ =	swait.ge [sflag:s23], $0x4000  }
0x5b: {  	[sflag:s23] =	ssyncset.done $0x0  }
0x5c: {  	s1 =	sadd.s32 $0xFFFFFF80, s31;
	[sflag:s23] =	ssyncadd.s32 $0xFFFFC000  }
0x5d: {  	[spmem:s2] =	stream.indirect.scatter.add.f32 [tilespmem:s19], [sflag:$0x4], $0x80, s1, s21, $0xb8;
	[tilespmem:$0x1D000] =	vst v63  }
0x5e: {  	_ =	swait.ge [sflag:s24], $0x4000  }
0x5f: {  	[sflag:s24] =	ssyncset.done $0x0  }
.Ltmp1:
0x60: {  	s0 =	sadd.s32 s0, s15;
	[sflag:s24] =	ssyncadd.s32 $0xFFFFC000;
	(pc) =	sbr.rel @p0 .LBB2_4-.Ltmp1, $4  }
0x61: {  	[tilespmem:s19], [sflag:$0x2] =	stream.linear.gather [hbm4b:s0+s3], $0x4000, $0x38;
	[tilespmem:$0x1D000] =	vst v63  }
0x62: {  	_ =	swait.ge [sflag:s20], $0x4000  }
0x63: {  	[sflag:s20] =	ssyncset.done $0x0  }
0x64: {  	s30 =	sadd.s32 $0x8000, s30;
	s31 =	sadd.s32 $0x100, s31;
	[sflag:s20] =	ssyncadd.s32 $0xFFFFC000  }
0x65: {  	[spmem:s2] =	stream.indirect.scatter.add.f32 [tilespmem:s17], [sflag:$0x3], $0x80, s28, s21, $0xb8;
	[tilespmem:$0x1D000] =	vst v63  }
0x66: {  	_ =	swait.ge [sflag:s23], $0x4000  }
0x67: {  	[sflag:s23] =	ssyncset.done $0x0  }
0x68: {  	[sflag:s23] =	ssyncadd.s32 $0xFFFFC000  }
0x69: {  	[spmem:s2] =	stream.indirect.scatter.add.f32 [tilespmem:s19], [sflag:$0x4], $0x80, s25, s21, $0xb8;
	[tilespmem:$0x1D000] =	vst v63  }
0x6a: {  	_ =	swait.ge [sflag:s22], $0x4000  }
0x6b: {  	[sflag:s22] =	ssyncset.done $0x0  }
0x6c: {  	[sflag:s22] =	ssyncadd.s32 $0xFFFFC000  }
0x6d: {  	s0 =	stileid.u32;
	_ =	swait.ge [sflag:s24], $0x4000  }
0x6e: {  	s1 =	sshrl.u32 s5, $0x3;
	s26 =	sadd.s32 $0x1, s26;
	[sflag:s24] =	ssyncset.done $0x0  }
0x6f: {  	s0 =	sshll.u32 s0, $0x6;
	p0 =	sne.s32 s26, s13;
	[sflag:s24] =	ssyncadd.s32 $0xFFFFC000  }
.Ltmp2:
0x70: {  	s0 =	sor.u32 $0x1C05, s0;
	[bflag:$0x0] =	sbarrier.arrive $0xFFFF;
	(pc) =	sbr.rel @p0 .LBB2_1-.Ltmp2, $4  }
0x71: {  	[hbm:s14], [sflag:s0] =	dma.local [spmem:s1], $0x2800  }
0x72: {  	_ =	swait.ge [sflag:s18], $0x2800  }
0x73: {  	[sflag:s18] =	ssyncset.done $0x0  }
0x74: {  	[sflag:s18] =	ssyncadd.s32 $0xFFFFD800  }
0x75: {  	_ =	sfence.sel $0x180000  }
0x76: {  	[bflag:$0x0] =	sbarrier.arrive $0xFFFF  }
0x77: {  	_ =	strace $0x90000053  }
0x78: {  	s0 =	stileid.u32;
	[bflag:$0x2] =	sbarrier.arrive $0xFFFF  }
0x79: {  	p0 =	sne.s32 s0, $0x0;
	s0 =	rddreg [dreg:$0x3]  }
0x7a: {  	s0 =	sadd.s32 @!p0 $0x100000, s0  }
0x7b: {  	[sflag:s0] =	ssyncadd.tile.s32 @!p0 $0x1;
	_ =	shalt  }
.Lfunc_end2:
_tile_overlayer_lowered:
.L_overlay_start_2:
0x7c: {  	(tag) =	ssettag $0x2  }
0x7d: {  	s0 =	rddreg [dreg:$0x0];
	s2 =	stileid.u32  }
0x7e: {  	s1 =	rddreg [dreg:$0x1];
	p0 =	sne.s32 s2, $0x0  }
0x7f: {  	s3 =	rddreg [dreg:$0x2];
	[bflag:$0x3] =	sbarrier.arrive $0xFFFF;
	s2 =	simm.s32 @!p0 $0x1C05  }
0x80: {  	[timem:s3], [sflag:s2] =	dma.local @!p0 [hbm:s0], s1  }
0x81: {  	s0 =	simm.s32 @!p0 $0x5  }
0x82: {  	_ =	swait.ge @!p0 [sflag:s0], s1  }
0x83: {  	s1 =	ssub.s32 @!p0 $0x0, s1;
	[sflag:s0] =	ssyncset.done @!p0 $0x0  }
0x84: {  	[sflag:s0] =	ssyncadd.s32 @!p0 s1  }
0x85: {  	[bflag:$0x3] =	sbarrier.arrive $0xFFFF  }
0x86: {  	_ =	shalt  }

</sc_bundles>
